<compile_context>
chip_gen: v7x
topology: tpu7x:2x2x1
jax: 0.10.2.dev20260603
libtpu: 0.0.44.dev20260713+nightly
codegen_flags: <defaults>
</compile_context>

<pallas_src>
import jax
import jax.numpy as jnp
from jax import lax
from jax.experimental import pallas as pl
from jax.experimental.pallas import tpu as pltpu
from jax.experimental.pallas import tpu_sc as plsc

LANES = 16
NUM_WORKERS = 32
PANEL_W = 16384
MASK14 = PANEL_W - 1


def kernel(x, weight):
    batch = x.shape[0]
    num_rows, embed_dim = weight.shape
    n_buckets = (num_rows + PANEL_W - 1) // PANEL_W
    n_groups = batch // LANES

    wt = weight.T

    xu = x.astype(jnp.uint32)
    pos = jnp.arange(batch, dtype=jnp.uint32)
    key = (
        lax.shift_left(lax.shift_right_logical(xu, jnp.uint32(14)), jnp.uint32(28))
        | lax.shift_left(pos, jnp.uint32(14))
        | (xu & jnp.uint32(MASK14))
    )
    key = jnp.sort(key)
    enc = lax.bitcast_convert_type(key, jnp.int32)
    b = lax.shift_right_logical(x, 14)
    cnt = jnp.sum(
        (b[:, None] == jnp.arange(n_buckets, dtype=jnp.int32)).astype(
            jnp.int32
        ),
        axis=0,
    )
    ends = jnp.cumsum(cnt)
    starts = ends - cnt
    group_bounds = jnp.concatenate([starts, ends])

    mesh = plsc.VectorSubcoreMesh(
        core_axis_name="core", subcore_axis_name="subcore"
    )
    last_start = (n_buckets - 1) * PANEL_W
    last_full = ((num_rows - last_start) // 128) * 128
    tail_w = num_rows - last_start - last_full
    wtail = jnp.pad(
        weight[num_rows - tail_w :].T, ((0, 0), (0, 128 - tail_w))
    )

    @pl.kernel(
        out_type=jax.ShapeDtypeStruct((embed_dim, batch), weight.dtype),
        mesh=mesh,
        compiler_params=pltpu.CompilerParams(needs_layout_passes=False),
        scratch_types=[
            pltpu.VMEM((2, PANEL_W), jnp.float32),
            pltpu.VMEM((2, PANEL_W), jnp.float32),
            pltpu.VMEM((2, batch), jnp.float32),
            pltpu.VMEM((batch,), jnp.int32),
            pltpu.VMEM((2 * n_buckets,), jnp.int32),
            pltpu.SemaphoreType.DMA,
            pltpu.SemaphoreType.DMA,
            pltpu.SemaphoreType.DMA,
            pltpu.SemaphoreType.DMA,
        ],
    )
    def gather_kernel(
        wt_hbm, wtail_hbm, enc_hbm, bounds_hbm, ot_hbm,
        panel_a, panel_b, out_v, enc_v, bounds_v,
        sem_e, sem_s, sem_a, sem_b,
    ):
        w = lax.axis_index("subcore") * 2 + lax.axis_index("core")
        j0 = 2 * w

        h_enc = pltpu.async_copy(enc_hbm, enc_v, sem_e)
        pltpu.sync_copy(bounds_hbm, bounds_v)
        lane = lax.iota(jnp.int32, LANES)
        starts_v = bounds_v[pl.ds(0, LANES)]
        ends_v = bounds_v[pl.ds(n_buckets, LANES)]

        bufs = (panel_a, panel_b)
        sems = (sem_a, sem_b)

        def issue_panel(bk, buf, sem):
            start = bk * PANEL_W
            half = PANEL_W // 2
            if bk < n_buckets - 1:
                return [
                    pltpu.async_copy(
                        wt_hbm.at[pl.ds(j0, 2), pl.ds(start, half)],
                        buf.at[:, pl.ds(0, half)],
                        sem,
                    ),
                    pltpu.async_copy(
                        wt_hbm.at[pl.ds(j0, 2), pl.ds(start + half, half)],
                        buf.at[:, pl.ds(half, half)],
                        sem,
                    ),
                ]
            hs = [
                pltpu.async_copy(
                    wt_hbm.at[pl.ds(j0, 2), pl.ds(start, last_full)],
                    buf.at[:, pl.ds(0, last_full)],
                    sem,
                )
            ]
            if tail_w:
                hs.append(
                    pltpu.async_copy(
                        wtail_hbm.at[pl.ds(j0, 2), :],
                        buf.at[:, pl.ds(last_full, 128)],
                        sem,
                    )
                )
            return hs

        handles = [issue_panel(0, bufs[0], sems[0]), None]
        h_enc.wait()

        row0 = jnp.zeros((LANES,), jnp.int32)
        row1 = jnp.ones((LANES,), jnp.int32)

        for bk in range(n_buckets):
            cur = bufs[bk & 1]
            for h in handles[bk & 1]:
                h.wait()
            if bk < n_buckets - 1:
                handles[(bk + 1) & 1] = issue_panel(
                    bk + 1, bufs[(bk + 1) & 1], sems[(bk + 1) & 1]
                )
            sel = (lane == bk).astype(jnp.int32)
            s_slot = jnp.sum(sel * starts_v, axis=0)
            e_slot = jnp.sum(sel * ends_v, axis=0)
            gs = lax.shift_right_logical(s_slot, 4)
            ge = lax.shift_right_logical(e_slot + LANES - 1, 4)

            def do_group(g, masked):
                e = enc_v[pl.ds(g * LANES, LANES)]
                loc = jnp.bitwise_and(e, MASK14)
                p = jnp.bitwise_and(
                    lax.shift_right_logical(e, 14), MASK14
                )
                v0 = plsc.load_gather(cur, [row0, loc])
                v1 = plsc.load_gather(cur, [row1, loc])
                if masked:
                    k = g * LANES + lane
                    m = jnp.logical_and(k >= s_slot, k < e_slot)
                    plsc.store_scatter(out_v, [row0, p], v0, mask=m)
                    plsc.store_scatter(out_v, [row1, p], v1, mask=m)
                else:
                    plsc.store_scatter(out_v, [row0, p], v0)
                    plsc.store_scatter(out_v, [row1, p], v1)

            @pl.when(gs < ge)
            def _():
                do_group(gs, True)

            @pl.when(ge > gs + 1)
            def _():
                do_group(ge - 1, True)

            @pl.loop(gs + 1, ge - 1)
            def _(g):
                do_group(g, False)

        h0 = pltpu.async_copy(out_v.at[0], ot_hbm.at[j0], sem_a)
        h1 = pltpu.async_copy(out_v.at[1], ot_hbm.at[j0 + 1], sem_b)
        h0.wait()
        h1.wait()

    ot = gather_kernel(wt, wtail, enc, group_bounds)
    return ot.T

# --- scband reference (transcript-rebuilt; emitter-appended) ---
"""Pipeline reference for scband-tensor-parallel-embedding-43525198577843 (READ-ONLY COPY).

The authoritative reference and input builder live on the scoring server;
editing this copy changes nothing except your own understanding.
"""

import jax, jax.numpy as jnp
import numpy as np

NUM_EMBEDDINGS = 1000000
TP_SIZE = 4
ROWS_PER_RANK = NUM_EMBEDDINGS // TP_SIZE  # 250000 (rank 0 shard)
EMBED_DIM = 64
BATCH = 16384


def setup_inputs(seed: int = 0) -> dict:
    key = jax.random.key(seed)
    k1, k2 = jax.random.split(key)
    # indices into the local (rank-0) shard of the embedding table
    x = jax.random.randint(k1, (BATCH,), 0, ROWS_PER_RANK, dtype=jnp.int32)
    # local shard of the embedding weight (base_embedding.weight[0:ROWS_PER_RANK])
    weight = jax.random.normal(k2, (ROWS_PER_RANK, EMBED_DIM), dtype=jnp.float32) * 0.02
    return {"x": x, "weight": weight}


def reference(x, weight):
    # F.embedding(x, self.weight) -> row gather
    return jnp.take(weight, x, axis=0)

if __name__ == "__main__":
    import jax
    _d = setup_inputs()
    print(jax.jit(kernel)(*tuple(_d.values())))

</pallas_src>

<mosaic_0001>
#map = affine_map<(d0, d1) -> (0, 0)>
#map1 = affine_map<(d0, d1) -> (0)>
module attributes {stable_mosaic.version = 14 : i64} {
  func.func @gather_kernel(%arg0: i32, %arg1: i32, %arg2: memref<64x250000xf32, #tpu.memory_space<hbm>>, %arg3: memref<64x128xf32, #tpu.memory_space<hbm>>, %arg4: memref<16384xi32, #tpu.memory_space<hbm>>, %arg5: memref<32xi32, #tpu.memory_space<hbm>>, %arg6: memref<64x16384xf32, #tpu.memory_space<hbm>>, %arg7: memref<2x16384xf32, #tpu.memory_space<vmem>>, %arg8: memref<2x16384xf32, #tpu.memory_space<vmem>>, %arg9: memref<2x16384xf32, #tpu.memory_space<vmem>>, %arg10: memref<16384xi32, #tpu.memory_space<vmem>>, %arg11: memref<32xi32, #tpu.memory_space<vmem>>, %arg12: memref<!tpu.dma_semaphore, #tpu.memory_space<semaphore_mem>>, %arg13: memref<!tpu.dma_semaphore, #tpu.memory_space<semaphore_mem>>, %arg14: memref<!tpu.dma_semaphore, #tpu.memory_space<semaphore_mem>>, %arg15: memref<!tpu.dma_semaphore, #tpu.memory_space<semaphore_mem>>) attributes {dimension_semantics = [#tpu.dimension_semantics<core_parallel>, #tpu.dimension_semantics<subcore_parallel>], iteration_bounds = array<i64: 2, 16>, scalar_prefetch = 0 : i64, scratch_operands = 9 : i64, tpu.core_type = #tpu.core_type<sc_vector_subcore>, window_params = [{transform_indices = #map}, {transform_indices = #map}, {transform_indices = #map1}, {transform_indices = #map1}, {transform_indices = #map}]} {
    %mul3A = arith.constant 2 : i32
    %mul3A_0 = arith.muli %arg1, %mul3A : i32
    %add3A = arith.addi %mul3A_0, %arg0 : i32
    %mul3A_1 = arith.constant 2 : i32
    %mul3A_2 = arith.muli %mul3A_1, %add3A : i32
    tpu.enqueue_dma source(%arg4 : memref<16384xi32, #tpu.memory_space<hbm>>) target(%arg10 : memref<16384xi32, #tpu.memory_space<vmem>>) target_semaphore(%arg12 : memref<!tpu.dma_semaphore, #tpu.memory_space<semaphore_mem>>)
    "tpu.region"() ({
      %run_scoped3A = tpu.sem_alloc : memref<!tpu.dma_semaphore, #tpu.memory_space<semaphore_mem>>
      tpu.enqueue_dma source(%arg5 : memref<32xi32, #tpu.memory_space<hbm>>) target(%arg11 : memref<32xi32, #tpu.memory_space<vmem>>) target_semaphore(%run_scoped3A : memref<!tpu.dma_semaphore, #tpu.memory_space<semaphore_mem>>)
      tpu.wait_dma2 semaphore(%run_scoped3A : memref<!tpu.dma_semaphore, #tpu.memory_space<semaphore_mem>>) src(%arg5 : memref<32xi32, #tpu.memory_space<hbm>>) dst(%arg11 : memref<32xi32, #tpu.memory_space<vmem>>)
      tpu.yield
    }) : () -> ()
    %iota3A = tpu.iota {dimensions = array<i32: 0>} : vector<16xi32>
    %get3A = arith.constant 0 : index
    %get3A_3 = tpu.vector_load %arg11[%get3A] {strides = array<i32>} : memref<32xi32, #tpu.memory_space<vmem>>, vector<16xi32>,
    %get3A_4 = arith.constant 16 : index
    %get3A_5 = tpu.vector_load %arg11[%get3A_4] {strides = array<i32>} : memref<32xi32, #tpu.memory_space<vmem>>, vector<16xi32>,
    %dma_start3A = arith.constant 0 : i32
    %dma_start3A_6 = arith.constant 0 : i32
    %dma_start3A_7 = tpu.memref_slice %arg7[%dma_start3A, %dma_start3A_6] : memref<2x16384xf32, #tpu.memory_space<vmem>> -> memref<2x8192xf32, #tpu.memory_space<vmem>>
    %dma_start3A_8 = arith.constant 0 : i32
    %dma_start3A_9 = tpu.memref_slice %arg2[%mul3A_2, %dma_start3A_8] : memref<64x250000xf32, #tpu.memory_space<hbm>> -> memref<2x8192xf32, #tpu.memory_space<hbm>>
    %dma_start3A_10 = arith.constant 0 : i32
    %dma_start3A_11 = arith.constant 0 : i32
    %dma_start3A_12 = tpu.memref_slice %arg7[%dma_start3A_10, %dma_start3A_11] : memref<2x16384xf32, #tpu.memory_space<vmem>> -> memref<2x8192xf32, #tpu.memory_space<vmem>>
    %dma_start3A_13 = arith.constant 0 : i32
    %dma_start3A_14 = tpu.memref_slice %arg2[%mul3A_2, %dma_start3A_13] : memref<64x250000xf32, #tpu.memory_space<hbm>> -> memref<2x8192xf32, #tpu.memory_space<hbm>>
    tpu.enqueue_dma source(%dma_start3A_14 : memref<2x8192xf32, #tpu.memory_space<hbm>>) target(%dma_start3A_12 : memref<2x8192xf32, #tpu.memory_space<vmem>>) target_semaphore(%arg14 : memref<!tpu.dma_semaphore, #tpu.memory_space<semaphore_mem>>)
    %dma_start3A_15 = arith.constant 0 : i32
    %dma_start3A_16 = arith.constant 8192 : i32
    %dma_start3A_17 = tpu.memref_slice %arg7[%dma_start3A_15, %dma_start3A_16] : memref<2x16384xf32, #tpu.memory_space<vmem>> -> memref<2x8192xf32, #tpu.memory_space<vmem>>
    %dma_start3A_18 = arith.constant 8192 : i32
    %dma_start3A_19 = tpu.memref_slice %arg2[%mul3A_2, %dma_start3A_18] : memref<64x250000xf32, #tpu.memory_space<hbm>> -> memref<2x8192xf32, #tpu.memory_space<hbm>>
    %dma_start3A_20 = arith.constant 0 : i32
    %dma_start3A_21 = arith.constant 8192 : i32
    %dma_start3A_22 = tpu.memref_slice %arg7[%dma_start3A_20, %dma_start3A_21] : memref<2x16384xf32, #tpu.memory_space<vmem>> -> memref<2x8192xf32, #tpu.memory_space<vmem>>
    %dma_start3A_23 = arith.constant 8192 : i32
    %dma_start3A_24 = tpu.memref_slice %arg2[%mul3A_2, %dma_start3A_23] : memref<64x250000xf32, #tpu.memory_space<hbm>> -> memref<2x8192xf32, #tpu.memory_space<hbm>>
    tpu.enqueue_dma source(%dma_start3A_24 : memref<2x8192xf32, #tpu.memory_space<hbm>>) target(%dma_start3A_22 : memref<2x8192xf32, #tpu.memory_space<vmem>>) target_semaphore(%arg14 : memref<!tpu.dma_semaphore, #tpu.memory_space<semaphore_mem>>)
    tpu.wait_dma2 semaphore(%arg12 : memref<!tpu.dma_semaphore, #tpu.memory_space<semaphore_mem>>) src(%arg4 : memref<16384xi32, #tpu.memory_space<hbm>>) dst(%arg10 : memref<16384xi32, #tpu.memory_space<vmem>>)
    %broadcast_in_dim3A = arith.constant 0 : i32
    %broadcast_in_dim3A_25 = vector.broadcast %broadcast_in_dim3A : i32 to vector<16xi32>
    %broadcast_in_dim3A_26 = arith.constant 1 : i32
    %broadcast_in_dim3A_27 = vector.broadcast %broadcast_in_dim3A_26 : i32 to vector<16xi32>
    %dma_wait3A = arith.constant 0 : i32
    %dma_wait3A_28 = arith.constant 0 : i32
    %dma_wait3A_29 = tpu.memref_slice %arg7[%dma_wait3A, %dma_wait3A_28] : memref<2x16384xf32, #tpu.memory_space<vmem>> -> memref<2x8192xf32, #tpu.memory_space<vmem>>
    %dma_wait3A_30 = arith.constant 0 : i32
    %dma_wait3A_31 = tpu.memref_slice %arg2[%mul3A_2, %dma_wait3A_30] : memref<64x250000xf32, #tpu.memory_space<hbm>> -> memref<2x8192xf32, #tpu.memory_space<hbm>>
    %dma_wait3A_32 = arith.constant 0 : i32
    %dma_wait3A_33 = arith.constant 0 : i32
    %dma_wait3A_34 = tpu.memref_slice %arg7[%dma_wait3A_32, %dma_wait3A_33] : memref<2x16384xf32, #tpu.memory_space<vmem>> -> memref<2x8192xf32, #tpu.memory_space<vmem>>
    %dma_wait3A_35 = arith.constant 0 : i32
    %dma_wait3A_36 = tpu.memref_slice %arg2[%mul3A_2, %dma_wait3A_35] : memref<64x250000xf32, #tpu.memory_space<hbm>> -> memref<2x8192xf32, #tpu.memory_space<hbm>>
    tpu.wait_dma2 semaphore(%arg14 : memref<!tpu.dma_semaphore, #tpu.memory_space<semaphore_mem>>) src(%dma_wait3A_36 : memref<2x8192xf32, #tpu.memory_space<hbm>>) dst(%dma_wait3A_34 : memref<2x8192xf32, #tpu.memory_space<vmem>>)
    %dma_wait3A_37 = arith.constant 0 : i32
    %dma_wait3A_38 = arith.constant 8192 : i32
    %dma_wait3A_39 = tpu.memref_slice %arg7[%dma_wait3A_37, %dma_wait3A_38] : memref<2x16384xf32, #tpu.memory_space<vmem>> -> memref<2x8192xf32, #tpu.memory_space<vmem>>
    %dma_wait3A_40 = arith.constant 8192 : i32
    %dma_wait3A_41 = tpu.memref_slice %arg2[%mul3A_2, %dma_wait3A_40] : memref<64x250000xf32, #tpu.memory_space<hbm>> -> memref<2x8192xf32, #tpu.memory_space<hbm>>
    %dma_wait3A_42 = arith.constant 0 : i32
    %dma_wait3A_43 = arith.constant 8192 : i32
    %dma_wait3A_44 = tpu.memref_slice %arg7[%dma_wait3A_42, %dma_wait3A_43] : memref<2x16384xf32, #tpu.memory_space<vmem>> -> memref<2x8192xf32, #tpu.memory_space<vmem>>
    %dma_wait3A_45 = arith.constant 8192 : i32
    %dma_wait3A_46 = tpu.memref_slice %arg2[%mul3A_2, %dma_wait3A_45] : memref<64x250000xf32, #tpu.memory_space<hbm>> -> memref<2x8192xf32, #tpu.memory_space<hbm>>
    tpu.wait_dma2 semaphore(%arg14 : memref<!tpu.dma_semaphore, #tpu.memory_space<semaphore_mem>>) src(%dma_wait3A_46 : memref<2x8192xf32, #tpu.memory_space<hbm>>) dst(%dma_wait3A_44 : memref<2x8192xf32, #tpu.memory_space<vmem>>)
    %dma_start3A_47 = arith.constant 0 : i32
    %dma_start3A_48 = arith.constant 0 : i32
    %dma_start3A_49 = tpu.memref_slice %arg8[%dma_start3A_47, %dma_start3A_48] : memref<2x16384xf32, #tpu.memory_space<vmem>> -> memref<2x8192xf32, #tpu.memory_space<vmem>>
    %dma_start3A_50 = arith.constant 16384 : i32
    %dma_start3A_51 = tpu.memref_slice %arg2[%mul3A_2, %dma_start3A_50] : memref<64x250000xf32, #tpu.memory_space<hbm>> -> memref<2x8192xf32, #tpu.memory_space<hbm>>
    %dma_start3A_52 = arith.constant 0 : i32
    %dma_start3A_53 = arith.constant 0 : i32
    %dma_start3A_54 = tpu.memref_slice %arg8[%dma_start3A_52, %dma_start3A_53] : memref<2x16384xf32, #tpu.memory_space<vmem>> -> memref<2x8192xf32, #tpu.memory_space<vmem>>
    %dma_start3A_55 = arith.constant 16384 : i32
    %dma_start3A_56 = tpu.memref_slice %arg2[%mul3A_2, %dma_start3A_55] : memref<64x250000xf32, #tpu.memory_space<hbm>> -> memref<2x8192xf32, #tpu.memory_space<hbm>>
    tpu.enqueue_dma source(%dma_start3A_56 : memref<2x8192xf32, #tpu.memory_space<hbm>>) target(%dma_start3A_54 : memref<2x8192xf32, #tpu.memory_space<vmem>>) target_semaphore(%arg15 : memref<!tpu.dma_semaphore, #tpu.memory_space<semaphore_mem>>)
    %dma_start3A_57 = arith.constant 0 : i32
    %dma_start3A_58 = arith.constant 8192 : i32
    %dma_start3A_59 = tpu.memref_slice %arg8[%dma_start3A_57, %dma_start3A_58] : memref<2x16384xf32, #tpu.memory_space<vmem>> -> memref<2x8192xf32, #tpu.memory_space<vmem>>
    %dma_start3A_60 = arith.constant 24576 : i32
    %dma_start3A_61 = tpu.memref_slice %arg2[%mul3A_2, %dma_start3A_60] : memref<64x250000xf32, #tpu.memory_space<hbm>> -> memref<2x8192xf32, #tpu.memory_space<hbm>>
    %dma_start3A_62 = arith.constant 0 : i32
    %dma_start3A_63 = arith.constant 8192 : i32
    %dma_start3A_64 = tpu.memref_slice %arg8[%dma_start3A_62, %dma_start3A_63] : memref<2x16384xf32, #tpu.memory_space<vmem>> -> memref<2x8192xf32, #tpu.memory_space<vmem>>
    %dma_start3A_65 = arith.constant 24576 : i32
    %dma_start3A_66 = tpu.memref_slice %arg2[%mul3A_2, %dma_start3A_65] : memref<64x250000xf32, #tpu.memory_space<hbm>> -> memref<2x8192xf32, #tpu.memory_space<hbm>>
    tpu.enqueue_dma source(%dma_start3A_66 : memref<2x8192xf32, #tpu.memory_space<hbm>>) target(%dma_start3A_64 : memref<2x8192xf32, #tpu.memory_space<vmem>>) target_semaphore(%arg15 : memref<!tpu.dma_semaphore, #tpu.memory_space<semaphore_mem>>)
    %eq3A = arith.constant 0 : i32
    %eq3A_67 = vector.broadcast %eq3A : i32 to vector<16xi32>
    %eq3A_68 = arith.cmpi eq, %iota3A, %eq3A_67 : vector<16xi32>
    %convert_element_type3A = arith.extui %eq3A_68 : vector<16xi1> to vector<16xi32>
    %mul3A_69 = arith.muli %convert_element_type3A, %get3A_3 : vector<16xi32>
    %reduce_sum3A = arith.constant true
    %reduce_sum3A_70 = vector.broadcast %reduce_sum3A : i1 to vector<16xi1>
    %reduce_sum3A_71 = tpu.scan <sum>, %mul3A_69 masked %reduce_sum3A_70 : vector<16xi32>, vector<16xi1> -> vector<16xi32>
    %reduce_sum3A_72 = vector.extract %reduce_sum3A_71[15] : i32 from vector<16xi32>
    %mul3A_73 = arith.muli %convert_element_type3A, %get3A_5 : vector<16xi32>
    %reduce_sum3A_74 = arith.constant true
    %reduce_sum3A_75 = vector.broadcast %reduce_sum3A_74 : i1 to vector<16xi1>
    %reduce_sum3A_76 = tpu.scan <sum>, %mul3A_73 masked %reduce_sum3A_75 : vector<16xi32>, vector<16xi1> -> vector<16xi32>
    %reduce_sum3A_77 = vector.extract %reduce_sum3A_76[15] : i32 from vector<16xi32>
    %shift_right_logical3A = arith.constant 4 : i32
    %shift_right_logical3A_78 = arith.shrui %reduce_sum3A_72, %shift_right_logical3A : i32
    %add3A_79 = arith.constant 16 : i32
    %add3A_80 = arith.addi %reduce_sum3A_77, %add3A_79 : i32
    %sub3A = arith.constant 1 : i32
    %sub3A_81 = arith.subi %add3A_80, %sub3A : i32
    %shift_right_logical3A_82 = arith.constant 4 : i32
    %shift_right_logical3A_83 = arith.shrui %sub3A_81, %shift_right_logical3A_82 : i32
    %lt3A = arith.cmpi slt, %shift_right_logical3A_78, %shift_right_logical3A_83 : i32
    %convert_element_type3A_84 = arith.extui %lt3A : i1 to i32
    %cond3A = arith.constant 0 : i32
    %cond3A_85 = arith.cmpi ne, %convert_element_type3A_84, %cond3A : i32
    scf.if %cond3A_85 {
      %mul3A_1539 = arith.constant 16 : i32
      %mul3A_1540 = arith.muli %shift_right_logical3A_78, %mul3A_1539 : i32
      %get3A_1541 = arith.index_cast %mul3A_1540 : i32 to index
      %get3A_1542 = tpu.vector_load %arg10[%get3A_1541] {strides = array<i32>} : memref<16384xi32, #tpu.memory_space<vmem>>, vector<16xi32>,
      %and3A = arith.constant 16383 : i32
      %and3A_1543 = vector.broadcast %and3A : i32 to vector<16xi32>
      %and3A_1544 = arith.andi %get3A_1542, %and3A_1543 : vector<16xi32>
      %shift_right_logical3A_1545 = arith.constant 14 : i32
      %shift_right_logical3A_1546 = vector.broadcast %shift_right_logical3A_1545 : i32 to vector<16xi32>
      %shift_right_logical3A_1547 = arith.shrui %get3A_1542, %shift_right_logical3A_1546 : vector<16xi32>
      %and3A_1548 = arith.constant 16383 : i32
      %and3A_1549 = vector.broadcast %and3A_1548 : i32 to vector<16xi32>
      %and3A_1550 = arith.andi %shift_right_logical3A_1547, %and3A_1549 : vector<16xi32>
      %gather3A = tpu.vector_load_idx %arg7[%broadcast_in_dim3A_25, %and3A_1544] : memref<2x16384xf32, #tpu.memory_space<vmem>>[vector<16xi32>, vector<16xi32>], vector<16xf32>,
      %gather3A_1551 = tpu.vector_load_idx %arg7[%broadcast_in_dim3A_27, %and3A_1544] : memref<2x16384xf32, #tpu.memory_space<vmem>>[vector<16xi32>, vector<16xi32>], vector<16xf32>,
      %mul3A_1552 = arith.constant 16 : i32
      %mul3A_1553 = arith.muli %shift_right_logical3A_78, %mul3A_1552 : i32
      %add3A_1554 = vector.broadcast %mul3A_1553 : i32 to vector<16xi32>
      %add3A_1555 = arith.addi %add3A_1554, %iota3A : vector<16xi32>
      %ge3A = vector.broadcast %reduce_sum3A_72 : i32 to vector<16xi32>
      %ge3A_1556 = arith.cmpi sge, %add3A_1555, %ge3A : vector<16xi32>
      %lt3A_1557 = vector.broadcast %reduce_sum3A_77 : i32 to vector<16xi32>
      %lt3A_1558 = arith.cmpi slt, %add3A_1555, %lt3A_1557 : vector<16xi32>
      %and3A_1559 = arith.andi %ge3A_1556, %lt3A_1558 : vector<16xi1>
      tpu.vector_store_idx %arg9[%broadcast_in_dim3A_25, %and3A_1550], %gather3A masked %and3A_1559 : memref<2x16384xf32, #tpu.memory_space<vmem>>[vector<16xi32>, vector<16xi32>], vector<16xf32>, vector<16xi1>
      tpu.vector_store_idx %arg9[%broadcast_in_dim3A_27, %and3A_1550], %gather3A_1551 masked %and3A_1559 : memref<2x16384xf32, #tpu.memory_space<vmem>>[vector<16xi32>, vector<16xi32>], vector<16xf32>, vector<16xi1>
    } else {
    }
    %add3A_86 = arith.constant 1 : i32
    %add3A_87 = arith.addi %shift_right_logical3A_78, %add3A_86 : i32
    %gt3A = arith.cmpi sgt, %shift_right_logical3A_83, %add3A_87 : i32
    %convert_element_type3A_88 = arith.extui %gt3A : i1 to i32
    %cond3A_89 = arith.constant 0 : i32
    %cond3A_90 = arith.cmpi ne, %convert_element_type3A_88, %cond3A_89 : i32
    scf.if %cond3A_90 {
      %sub3A_1539 = arith.constant 1 : i32
      %sub3A_1540 = arith.subi %shift_right_logical3A_83, %sub3A_1539 : i32
      %mul3A_1541 = arith.constant 16 : i32
      %mul3A_1542 = arith.muli %sub3A_1540, %mul3A_1541 : i32
      %get3A_1543 = arith.index_cast %mul3A_1542 : i32 to index
      %get3A_1544 = tpu.vector_load %arg10[%get3A_1543] {strides = array<i32>} : memref<16384xi32, #tpu.memory_space<vmem>>, vector<16xi32>,
      %and3A = arith.constant 16383 : i32
      %and3A_1545 = vector.broadcast %and3A : i32 to vector<16xi32>
      %and3A_1546 = arith.andi %get3A_1544, %and3A_1545 : vector<16xi32>
      %shift_right_logical3A_1547 = arith.constant 14 : i32
      %shift_right_logical3A_1548 = vector.broadcast %shift_right_logical3A_1547 : i32 to vector<16xi32>
      %shift_right_logical3A_1549 = arith.shrui %get3A_1544, %shift_right_logical3A_1548 : vector<16xi32>
      %and3A_1550 = arith.constant 16383 : i32
      %and3A_1551 = vector.broadcast %and3A_1550 : i32 to vector<16xi32>
      %and3A_1552 = arith.andi %shift_right_logical3A_1549, %and3A_1551 : vector<16xi32>
      %gather3A = tpu.vector_load_idx %arg7[%broadcast_in_dim3A_25, %and3A_1546] : memref<2x16384xf32, #tpu.memory_space<vmem>>[vector<16xi32>, vector<16xi32>], vector<16xf32>,
      %gather3A_1553 = tpu.vector_load_idx %arg7[%broadcast_in_dim3A_27, %and3A_1546] : memref<2x16384xf32, #tpu.memory_space<vmem>>[vector<16xi32>, vector<16xi32>], vector<16xf32>,
      %mul3A_1554 = arith.constant 16 : i32
      %mul3A_1555 = arith.muli %sub3A_1540, %mul3A_1554 : i32
      %add3A_1556 = vector.broadcast %mul3A_1555 : i32 to vector<16xi32>
      %add3A_1557 = arith.addi %add3A_1556, %iota3A : vector<16xi32>
      %ge3A = vector.broadcast %reduce_sum3A_72 : i32 to vector<16xi32>
      %ge3A_1558 = arith.cmpi sge, %add3A_1557, %ge3A : vector<16xi32>
      %lt3A_1559 = vector.broadcast %reduce_sum3A_77 : i32 to vector<16xi32>
      %lt3A_1560 = arith.cmpi slt, %add3A_1557, %lt3A_1559 : vector<16xi32>
      %and3A_1561 = arith.andi %ge3A_1558, %lt3A_1560 : vector<16xi1>
      tpu.vector_store_idx %arg9[%broadcast_in_dim3A_25, %and3A_1552], %gather3A masked %and3A_1561 : memref<2x16384xf32, #tpu.memory_space<vmem>>[vector<16xi32>, vector<16xi32>], vector<16xf32>, vector<16xi1>
      tpu.vector_store_idx %arg9[%broadcast_in_dim3A_27, %and3A_1552], %gather3A_1553 masked %and3A_1561 : memref<2x16384xf32, #tpu.memory_space<vmem>>[vector<16xi32>, vector<16xi32>], vector<16xf32>, vector<16xi1>
    } else {
    }
    %add3A_91 = arith.constant 1 : i32
    %add3A_92 = arith.addi %shift_right_logical3A_78, %add3A_91 : i32
    %sub3A_93 = arith.constant 1 : i32
    %sub3A_94 = arith.subi %shift_right_logical3A_83, %sub3A_93 : i32
    %sub3A_95 = arith.subi %sub3A_94, %add3A_92 : i32
    %sub3A_96 = arith.constant 1 : i32
    %sub3A_97 = arith.constant 1 : i32
    %sub3A_98 = arith.subi %sub3A_96, %sub3A_97 : i32
    %add3A_99 = arith.addi %sub3A_95, %sub3A_98 : i32
    %div3A = arith.constant 1 : i32
    %div3A_100 = arith.divsi %add3A_99, %div3A : i32
    %while3A = arith.constant 1 : i32
    %while3A_101 = arith.constant 0 : i32
    %while3A_102 = arith.subi %div3A_100, %while3A_101 : i32
    %while3A_103 = arith.addi %while3A_101, %while3A_102 : i32
    %while3A_104 = arith.constant 1 : i32
    %while3A_105 = arith.divsi %while3A_102, %while3A_104 : i32
    %while3A_106 = arith.muli %while3A_105, %while3A_104 : i32
    %while3A_107 = arith.addi %while3A_101, %while3A_106 : i32
    %while3A_108 = arith.constant 1 : i32
    scf.for %while3A_1539 = %while3A_101 to %while3A_107 step %while3A_108  : i32 {
      %mul3A_1540 = arith.muli %while3A_1539, %while3A : i32
      %add3A_1541 = arith.addi %add3A_92, %mul3A_1540 : i32
      %mul3A_1542 = arith.constant 16 : i32
      %mul3A_1543 = arith.muli %add3A_1541, %mul3A_1542 : i32
      %get3A_1544 = arith.index_cast %mul3A_1543 : i32 to index
      %get3A_1545 = tpu.vector_load %arg10[%get3A_1544] {strides = array<i32>} : memref<16384xi32, #tpu.memory_space<vmem>>, vector<16xi32>,
      %and3A = arith.constant 16383 : i32
      %and3A_1546 = vector.broadcast %and3A : i32 to vector<16xi32>
      %and3A_1547 = arith.andi %get3A_1545, %and3A_1546 : vector<16xi32>
      %shift_right_logical3A_1548 = arith.constant 14 : i32
      %shift_right_logical3A_1549 = vector.broadcast %shift_right_logical3A_1548 : i32 to vector<16xi32>
      %shift_right_logical3A_1550 = arith.shrui %get3A_1545, %shift_right_logical3A_1549 : vector<16xi32>
      %and3A_1551 = arith.constant 16383 : i32
      %and3A_1552 = vector.broadcast %and3A_1551 : i32 to vector<16xi32>
      %and3A_1553 = arith.andi %shift_right_logical3A_1550, %and3A_1552 : vector<16xi32>
      %gather3A = tpu.vector_load_idx %arg7[%broadcast_in_dim3A_25, %and3A_1547] : memref<2x16384xf32, #tpu.memory_space<vmem>>[vector<16xi32>, vector<16xi32>], vector<16xf32>,
      %gather3A_1554 = tpu.vector_load_idx %arg7[%broadcast_in_dim3A_27, %and3A_1547] : memref<2x16384xf32, #tpu.memory_space<vmem>>[vector<16xi32>, vector<16xi32>], vector<16xf32>,
      tpu.vector_store_idx %arg9[%broadcast_in_dim3A_25, %and3A_1553], %gather3A : memref<2x16384xf32, #tpu.memory_space<vmem>>[vector<16xi32>, vector<16xi32>], vector<16xf32>,
      tpu.vector_store_idx %arg9[%broadcast_in_dim3A_27, %and3A_1553], %gather3A_1554 : memref<2x16384xf32, #tpu.memory_space<vmem>>[vector<16xi32>, vector<16xi32>], vector<16xf32>,
    }
    %while3A_109 = arith.constant 1 : i32
    scf.for %while3A_1539 = %while3A_107 to %while3A_103 step %while3A_109  : i32 {
      %mul3A_1540 = arith.muli %while3A_1539, %while3A : i32
      %add3A_1541 = arith.addi %add3A_92, %mul3A_1540 : i32
      %mul3A_1542 = arith.constant 16 : i32
      %mul3A_1543 = arith.muli %add3A_1541, %mul3A_1542 : i32
      %get3A_1544 = arith.index_cast %mul3A_1543 : i32 to index
      %get3A_1545 = tpu.vector_load %arg10[%get3A_1544] {strides = array<i32>} : memref<16384xi32, #tpu.memory_space<vmem>>, vector<16xi32>,
      %and3A = arith.constant 16383 : i32
      %and3A_1546 = vector.broadcast %and3A : i32 to vector<16xi32>
      %and3A_1547 = arith.andi %get3A_1545, %and3A_1546 : vector<16xi32>
      %shift_right_logical3A_1548 = arith.constant 14 : i32
      %shift_right_logical3A_1549 = vector.broadcast %shift_right_logical3A_1548 : i32 to vector<16xi32>
      %shift_right_logical3A_1550 = arith.shrui %get3A_1545, %shift_right_logical3A_1549 : vector<16xi32>
      %and3A_1551 = arith.constant 16383 : i32
      %and3A_1552 = vector.broadcast %and3A_1551 : i32 to vector<16xi32>
      %and3A_1553 = arith.andi %shift_right_logical3A_1550, %and3A_1552 : vector<16xi32>
      %gather3A = tpu.vector_load_idx %arg7[%broadcast_in_dim3A_25, %and3A_1547] : memref<2x16384xf32, #tpu.memory_space<vmem>>[vector<16xi32>, vector<16xi32>], vector<16xf32>,
      %gather3A_1554 = tpu.vector_load_idx %arg7[%broadcast_in_dim3A_27, %and3A_1547] : memref<2x16384xf32, #tpu.memory_space<vmem>>[vector<16xi32>, vector<16xi32>], vector<16xf32>,
      tpu.vector_store_idx %arg9[%broadcast_in_dim3A_25, %and3A_1553], %gather3A : memref<2x16384xf32, #tpu.memory_space<vmem>>[vector<16xi32>, vector<16xi32>], vector<16xf32>,
      tpu.vector_store_idx %arg9[%broadcast_in_dim3A_27, %and3A_1553], %gather3A_1554 : memref<2x16384xf32, #tpu.memory_space<vmem>>[vector<16xi32>, vector<16xi32>], vector<16xf32>,
    }
    %dma_wait3A_110 = arith.constant 0 : i32
    %dma_wait3A_111 = arith.constant 0 : i32
    %dma_wait3A_112 = tpu.memref_slice %arg8[%dma_wait3A_110, %dma_wait3A_111] : memref<2x16384xf32, #tpu.memory_space<vmem>> -> memref<2x8192xf32, #tpu.memory_space<vmem>>
    %dma_wait3A_113 = arith.constant 16384 : i32
    %dma_wait3A_114 = tpu.memref_slice %arg2[%mul3A_2, %dma_wait3A_113] : memref<64x250000xf32, #tpu.memory_space<hbm>> -> memref<2x8192xf32, #tpu.memory_space<hbm>>
    %dma_wait3A_115 = arith.constant 0 : i32
    %dma_wait3A_116 = arith.constant 0 : i32
    %dma_wait3A_117 = tpu.memref_slice %arg8[%dma_wait3A_115, %dma_wait3A_116] : memref<2x16384xf32, #tpu.memory_space<vmem>> -> memref<2x8192xf32, #tpu.memory_space<vmem>>
    %dma_wait3A_118 = arith.constant 16384 : i32
    %dma_wait3A_119 = tpu.memref_slice %arg2[%mul3A_2, %dma_wait3A_118] : memref<64x250000xf32, #tpu.memory_space<hbm>> -> memref<2x8192xf32, #tpu.memory_space<hbm>>
    tpu.wait_dma2 semaphore(%arg15 : memref<!tpu.dma_semaphore, #tpu.memory_space<semaphore_mem>>) src(%dma_wait3A_119 : memref<2x8192xf32, #tpu.memory_space<hbm>>) dst(%dma_wait3A_117 : memref<2x8192xf32, #tpu.memory_space<vmem>>)
    %dma_wait3A_120 = arith.constant 0 : i32
    %dma_wait3A_121 = arith.constant 8192 : i32
    %dma_wait3A_122 = tpu.memref_slice %arg8[%dma_wait3A_120, %dma_wait3A_121] : memref<2x16384xf32, #tpu.memory_space<vmem>> -> memref<2x8192xf32, #tpu.memory_space<vmem>>
    %dma_wait3A_123 = arith.constant 24576 : i32
    %dma_wait3A_124 = tpu.memref_slice %arg2[%mul3A_2, %dma_wait3A_123] : memref<64x250000xf32, #tpu.memory_space<hbm>> -> memref<2x8192xf32, #tpu.memory_space<hbm>>
    %dma_wait3A_125 = arith.constant 0 : i32
    %dma_wait3A_126 = arith.constant 8192 : i32
    %dma_wait3A_127 = tpu.memref_slice %arg8[%dma_wait3A_125, %dma_wait3A_126] : memref<2x16384xf32, #tpu.memory_space<vmem>> -> memref<2x8192xf32, #tpu.memory_space<vmem>>
    %dma_wait3A_128 = arith.constant 24576 : i32
    %dma_wait3A_129 = tpu.memref_slice %arg2[%mul3A_2, %dma_wait3A_128] : memref<64x250000xf32, #tpu.memory_space<hbm>> -> memref<2x8192xf32, #tpu.memory_space<hbm>>
    tpu.wait_dma2 semaphore(%arg15 : memref<!tpu.dma_semaphore, #tpu.memory_space<semaphore_mem>>) src(%dma_wait3A_129 : memref<2x8192xf32, #tpu.memory_space<hbm>>) dst(%dma_wait3A_127 : memref<2x8192xf32, #tpu.memory_space<vmem>>)
    %dma_start3A_130 = arith.constant 0 : i32
    %dma_start3A_131 = arith.constant 0 : i32
    %dma_start3A_132 = tpu.memref_slice %arg7[%dma_start3A_130, %dma_start3A_131] : memref<2x16384xf32, #tpu.memory_space<vmem>> -> memref<2x8192xf32, #tpu.memory_space<vmem>>
    %dma_start3A_133 = arith.constant 32768 : i32
    %dma_start3A_134 = tpu.memref_slice %arg2[%mul3A_2, %dma_start3A_133] : memref<64x250000xf32, #tpu.memory_space<hbm>> -> memref<2x8192xf32, #tpu.memory_space<hbm>>
    %dma_start3A_135 = arith.constant 0 : i32
    %dma_start3A_136 = arith.constant 0 : i32
    %dma_start3A_137 = tpu.memref_slice %arg7[%dma_start3A_135, %dma_start3A_136] : memref<2x16384xf32, #tpu.memory_space<vmem>> -> memref<2x8192xf32, #tpu.memory_space<vmem>>
    %dma_start3A_138 = arith.constant 32768 : i32
    %dma_start3A_139 = tpu.memref_slice %arg2[%mul3A_2, %dma_start3A_138] : memref<64x250000xf32, #tpu.memory_space<hbm>> -> memref<2x8192xf32, #tpu.memory_space<hbm>>
    tpu.enqueue_dma source(%dma_start3A_139 : memref<2x8192xf32, #tpu.memory_space<hbm>>) target(%dma_start3A_137 : memref<2x8192xf32, #tpu.memory_space<vmem>>) target_semaphore(%arg14 : memref<!tpu.dma_semaphore, #tpu.memory_space<semaphore_mem>>)
    %dma_start3A_140 = arith.constant 0 : i32
    %dma_start3A_141 = arith.constant 8192 : i32
    %dma_start3A_142 = tpu.memref_slice %arg7[%dma_start3A_140, %dma_start3A_141] : memref<2x16384xf32, #tpu.memory_space<vmem>> -> memref<2x8192xf32, #tpu.memory_space<vmem>>
    %dma_start3A_143 = arith.constant 40960 : i32
    %dma_start3A_144 = tpu.memref_slice %arg2[%mul3A_2, %dma_start3A_143] : memref<64x250000xf32, #tpu.memory_space<hbm>> -> memref<2x8192xf32, #tpu.memory_space<hbm>>
    %dma_start3A_145 = arith.constant 0 : i32
    %dma_start3A_146 = arith.constant 8192 : i32
    %dma_start3A_147 = tpu.memref_slice %arg7[%dma_start3A_145, %dma_start3A_146] : memref<2x16384xf32, #tpu.memory_space<vmem>> -> memref<2x8192xf32, #tpu.memory_space<vmem>>
    %dma_start3A_148 = arith.constant 40960 : i32
    %dma_start3A_149 = tpu.memref_slice %arg2[%mul3A_2, %dma_start3A_148] : memref<64x250000xf32, #tpu.memory_space<hbm>> -> memref<2x8192xf32, #tpu.memory_space<hbm>>
    tpu.enqueue_dma source(%dma_start3A_149 : memref<2x8192xf32, #tpu.memory_space<hbm>>) target(%dma_start3A_147 : memref<2x8192xf32, #tpu.memory_space<vmem>>) target_semaphore(%arg14 : memref<!tpu.dma_semaphore, #tpu.memory_space<semaphore_mem>>)
    %eq3A_150 = arith.constant 1 : i32
    %eq3A_151 = vector.broadcast %eq3A_150 : i32 to vector<16xi32>
    %eq3A_152 = arith.cmpi eq, %iota3A, %eq3A_151 : vector<16xi32>
    %convert_element_type3A_153 = arith.extui %eq3A_152 : vector<16xi1> to vector<16xi32>
    %mul3A_154 = arith.muli %convert_element_type3A_153, %get3A_3 : vector<16xi32>
    %reduce_sum3A_155 = arith.constant true
    %reduce_sum3A_156 = vector.broadcast %reduce_sum3A_155 : i1 to vector<16xi1>
    %reduce_sum3A_157 = tpu.scan <sum>, %mul3A_154 masked %reduce_sum3A_156 : vector<16xi32>, vector<16xi1> -> vector<16xi32>
    %reduce_sum3A_158 = vector.extract %reduce_sum3A_157[15] : i32 from vector<16xi32>
    %mul3A_159 = arith.muli %convert_element_type3A_153, %get3A_5 : vector<16xi32>
    %reduce_sum3A_160 = arith.constant true
    %reduce_sum3A_161 = vector.broadcast %reduce_sum3A_160 : i1 to vector<16xi1>
    %reduce_sum3A_162 = tpu.scan <sum>, %mul3A_159 masked %reduce_sum3A_161 : vector<16xi32>, vector<16xi1> -> vector<16xi32>
    %reduce_sum3A_163 = vector.extract %reduce_sum3A_162[15] : i32 from vector<16xi32>
    %shift_right_logical3A_164 = arith.constant 4 : i32
    %shift_right_logical3A_165 = arith.shrui %reduce_sum3A_158, %shift_right_logical3A_164 : i32
    %add3A_166 = arith.constant 16 : i32
    %add3A_167 = arith.addi %reduce_sum3A_163, %add3A_166 : i32
    %sub3A_168 = arith.constant 1 : i32
    %sub3A_169 = arith.subi %add3A_167, %sub3A_168 : i32
    %shift_right_logical3A_170 = arith.constant 4 : i32
    %shift_right_logical3A_171 = arith.shrui %sub3A_169, %shift_right_logical3A_170 : i32
    %lt3A_172 = arith.cmpi slt, %shift_right_logical3A_165, %shift_right_logical3A_171 : i32
    %convert_element_type3A_173 = arith.extui %lt3A_172 : i1 to i32
    %cond3A_174 = arith.constant 0 : i32
    %cond3A_175 = arith.cmpi ne, %convert_element_type3A_173, %cond3A_174 : i32
    scf.if %cond3A_175 {
      %mul3A_1539 = arith.constant 16 : i32
      %mul3A_1540 = arith.muli %shift_right_logical3A_165, %mul3A_1539 : i32
      %get3A_1541 = arith.index_cast %mul3A_1540 : i32 to index
      %get3A_1542 = tpu.vector_load %arg10[%get3A_1541] {strides = array<i32>} : memref<16384xi32, #tpu.memory_space<vmem>>, vector<16xi32>,
      %and3A = arith.constant 16383 : i32
      %and3A_1543 = vector.broadcast %and3A : i32 to vector<16xi32>
      %and3A_1544 = arith.andi %get3A_1542, %and3A_1543 : vector<16xi32>
      %shift_right_logical3A_1545 = arith.constant 14 : i32
      %shift_right_logical3A_1546 = vector.broadcast %shift_right_logical3A_1545 : i32 to vector<16xi32>
      %shift_right_logical3A_1547 = arith.shrui %get3A_1542, %shift_right_logical3A_1546 : vector<16xi32>
      %and3A_1548 = arith.constant 16383 : i32
      %and3A_1549 = vector.broadcast %and3A_1548 : i32 to vector<16xi32>
      %and3A_1550 = arith.andi %shift_right_logical3A_1547, %and3A_1549 : vector<16xi32>
      %gather3A = tpu.vector_load_idx %arg8[%broadcast_in_dim3A_25, %and3A_1544] : memref<2x16384xf32, #tpu.memory_space<vmem>>[vector<16xi32>, vector<16xi32>], vector<16xf32>,
      %gather3A_1551 = tpu.vector_load_idx %arg8[%broadcast_in_dim3A_27, %and3A_1544] : memref<2x16384xf32, #tpu.memory_space<vmem>>[vector<16xi32>, vector<16xi32>], vector<16xf32>,
      %mul3A_1552 = arith.constant 16 : i32
      %mul3A_1553 = arith.muli %shift_right_logical3A_165, %mul3A_1552 : i32
      %add3A_1554 = vector.broadcast %mul3A_1553 : i32 to vector<16xi32>
      %add3A_1555 = arith.addi %add3A_1554, %iota3A : vector<16xi32>
      %ge3A = vector.broadcast %reduce_sum3A_158 : i32 to vector<16xi32>
      %ge3A_1556 = arith.cmpi sge, %add3A_1555, %ge3A : vector<16xi32>
      %lt3A_1557 = vector.broadcast %reduce_sum3A_163 : i32 to vector<16xi32>
      %lt3A_1558 = arith.cmpi slt, %add3A_1555, %lt3A_1557 : vector<16xi32>
      %and3A_1559 = arith.andi %ge3A_1556, %lt3A_1558 : vector<16xi1>
      tpu.vector_store_idx %arg9[%broadcast_in_dim3A_25, %and3A_1550], %gather3A masked %and3A_1559 : memref<2x16384xf32, #tpu.memory_space<vmem>>[vector<16xi32>, vector<16xi32>], vector<16xf32>, vector<16xi1>
      tpu.vector_store_idx %arg9[%broadcast_in_dim3A_27, %and3A_1550], %gather3A_1551 masked %and3A_1559 : memref<2x16384xf32, #tpu.memory_space<vmem>>[vector<16xi32>, vector<16xi32>], vector<16xf32>, vector<16xi1>
    } else {
    }
    %add3A_176 = arith.constant 1 : i32
    %add3A_177 = arith.addi %shift_right_logical3A_165, %add3A_176 : i32
    %gt3A_178 = arith.cmpi sgt, %shift_right_logical3A_171, %add3A_177 : i32
    %convert_element_type3A_179 = arith.extui %gt3A_178 : i1 to i32
    %cond3A_180 = arith.constant 0 : i32
    %cond3A_181 = arith.cmpi ne, %convert_element_type3A_179, %cond3A_180 : i32
    scf.if %cond3A_181 {
      %sub3A_1539 = arith.constant 1 : i32
      %sub3A_1540 = arith.subi %shift_right_logical3A_171, %sub3A_1539 : i32
      %mul3A_1541 = arith.constant 16 : i32
      %mul3A_1542 = arith.muli %sub3A_1540, %mul3A_1541 : i32
      %get3A_1543 = arith.index_cast %mul3A_1542 : i32 to index
      %get3A_1544 = tpu.vector_load %arg10[%get3A_1543] {strides = array<i32>} : memref<16384xi32, #tpu.memory_space<vmem>>, vector<16xi32>,
      %and3A = arith.constant 16383 : i32
      %and3A_1545 = vector.broadcast %and3A : i32 to vector<16xi32>
      %and3A_1546 = arith.andi %get3A_1544, %and3A_1545 : vector<16xi32>
      %shift_right_logical3A_1547 = arith.constant 14 : i32
      %shift_right_logical3A_1548 = vector.broadcast %shift_right_logical3A_1547 : i32 to vector<16xi32>
      %shift_right_logical3A_1549 = arith.shrui %get3A_1544, %shift_right_logical3A_1548 : vector<16xi32>
      %and3A_1550 = arith.constant 16383 : i32
      %and3A_1551 = vector.broadcast %and3A_1550 : i32 to vector<16xi32>
      %and3A_1552 = arith.andi %shift_right_logical3A_1549, %and3A_1551 : vector<16xi32>
      %gather3A = tpu.vector_load_idx %arg8[%broadcast_in_dim3A_25, %and3A_1546] : memref<2x16384xf32, #tpu.memory_space<vmem>>[vector<16xi32>, vector<16xi32>], vector<16xf32>,
      %gather3A_1553 = tpu.vector_load_idx %arg8[%broadcast_in_dim3A_27, %and3A_1546] : memref<2x16384xf32, #tpu.memory_space<vmem>>[vector<16xi32>, vector<16xi32>], vector<16xf32>,
      %mul3A_1554 = arith.constant 16 : i32
      %mul3A_1555 = arith.muli %sub3A_1540, %mul3A_1554 : i32
      %add3A_1556 = vector.broadcast %mul3A_1555 : i32 to vector<16xi32>
      %add3A_1557 = arith.addi %add3A_1556, %iota3A : vector<16xi32>
      %ge3A = vector.broadcast %reduce_sum3A_158 : i32 to vector<16xi32>
      %ge3A_1558 = arith.cmpi sge, %add3A_1557, %ge3A : vector<16xi32>
      %lt3A_1559 = vector.broadcast %reduce_sum3A_163 : i32 to vector<16xi32>
      %lt3A_1560 = arith.cmpi slt, %add3A_1557, %lt3A_1559 : vector<16xi32>
      %and3A_1561 = arith.andi %ge3A_1558, %lt3A_1560 : vector<16xi1>
      tpu.vector_store_idx %arg9[%broadcast_in_dim3A_25, %and3A_1552], %gather3A masked %and3A_1561 : memref<2x16384xf32, #tpu.memory_space<vmem>>[vector<16xi32>, vector<16xi32>], vector<16xf32>, vector<16xi1>
      tpu.vector_store_idx %arg9[%broadcast_in_dim3A_27, %and3A_1552], %gather3A_1553 masked %and3A_1561 : memref<2x16384xf32, #tpu.memory_space<vmem>>[vector<16xi32>, vector<16xi32>], vector<16xf32>, vector<16xi1>
    } else {
    }
    %add3A_182 = arith.constant 1 : i32
    %add3A_183 = arith.addi %shift_right_logical3A_165, %add3A_182 : i32
    %sub3A_184 = arith.constant 1 : i32
    %sub3A_185 = arith.subi %shift_right_logical3A_171, %sub3A_184 : i32
    %sub3A_186 = arith.subi %sub3A_185, %add3A_183 : i32
    %sub3A_187 = arith.constant 1 : i32
    %sub3A_188 = arith.constant 1 : i32
    %sub3A_189 = arith.subi %sub3A_187, %sub3A_188 : i32
    %add3A_190 = arith.addi %sub3A_186, %sub3A_189 : i32
    %div3A_191 = arith.constant 1 : i32
    %div3A_192 = arith.divsi %add3A_190, %div3A_191 : i32
    %while3A_193 = arith.constant 1 : i32
    %while3A_194 = arith.constant 0 : i32
    %while3A_195 = arith.subi %div3A_192, %while3A_194 : i32
    %while3A_196 = arith.addi %while3A_194, %while3A_195 : i32
    %while3A_197 = arith.constant 1 : i32
    %while3A_198 = arith.divsi %while3A_195, %while3A_197 : i32
    %while3A_199 = arith.muli %while3A_198, %while3A_197 : i32
    %while3A_200 = arith.addi %while3A_194, %while3A_199 : i32
    %while3A_201 = arith.constant 1 : i32
    scf.for %while3A_1539 = %while3A_194 to %while3A_200 step %while3A_201  : i32 {
      %mul3A_1540 = arith.muli %while3A_1539, %while3A_193 : i32
      %add3A_1541 = arith.addi %add3A_183, %mul3A_1540 : i32
      %mul3A_1542 = arith.constant 16 : i32
      %mul3A_1543 = arith.muli %add3A_1541, %mul3A_1542 : i32
      %get3A_1544 = arith.index_cast %mul3A_1543 : i32 to index
      %get3A_1545 = tpu.vector_load %arg10[%get3A_1544] {strides = array<i32>} : memref<16384xi32, #tpu.memory_space<vmem>>, vector<16xi32>,
      %and3A = arith.constant 16383 : i32
      %and3A_1546 = vector.broadcast %and3A : i32 to vector<16xi32>
      %and3A_1547 = arith.andi %get3A_1545, %and3A_1546 : vector<16xi32>
      %shift_right_logical3A_1548 = arith.constant 14 : i32
      %shift_right_logical3A_1549 = vector.broadcast %shift_right_logical3A_1548 : i32 to vector<16xi32>
      %shift_right_logical3A_1550 = arith.shrui %get3A_1545, %shift_right_logical3A_1549 : vector<16xi32>
      %and3A_1551 = arith.constant 16383 : i32
      %and3A_1552 = vector.broadcast %and3A_1551 : i32 to vector<16xi32>
      %and3A_1553 = arith.andi %shift_right_logical3A_1550, %and3A_1552 : vector<16xi32>
      %gather3A = tpu.vector_load_idx %arg8[%broadcast_in_dim3A_25, %and3A_1547] : memref<2x16384xf32, #tpu.memory_space<vmem>>[vector<16xi32>, vector<16xi32>], vector<16xf32>,
      %gather3A_1554 = tpu.vector_load_idx %arg8[%broadcast_in_dim3A_27, %and3A_1547] : memref<2x16384xf32, #tpu.memory_space<vmem>>[vector<16xi32>, vector<16xi32>], vector<16xf32>,
      tpu.vector_store_idx %arg9[%broadcast_in_dim3A_25, %and3A_1553], %gather3A : memref<2x16384xf32, #tpu.memory_space<vmem>>[vector<16xi32>, vector<16xi32>], vector<16xf32>,
      tpu.vector_store_idx %arg9[%broadcast_in_dim3A_27, %and3A_1553], %gather3A_1554 : memref<2x16384xf32, #tpu.memory_space<vmem>>[vector<16xi32>, vector<16xi32>], vector<16xf32>,
    }
    %while3A_202 = arith.constant 1 : i32
    scf.for %while3A_1539 = %while3A_200 to %while3A_196 step %while3A_202  : i32 {
      %mul3A_1540 = arith.muli %while3A_1539, %while3A_193 : i32
      %add3A_1541 = arith.addi %add3A_183, %mul3A_1540 : i32
      %mul3A_1542 = arith.constant 16 : i32
      %mul3A_1543 = arith.muli %add3A_1541, %mul3A_1542 : i32
      %get3A_1544 = arith.index_cast %mul3A_1543 : i32 to index
      %get3A_1545 = tpu.vector_load %arg10[%get3A_1544] {strides = array<i32>} : memref<16384xi32, #tpu.memory_space<vmem>>, vector<16xi32>,
      %and3A = arith.constant 16383 : i32
      %and3A_1546 = vector.broadcast %and3A : i32 to vector<16xi32>
      %and3A_1547 = arith.andi %get3A_1545, %and3A_1546 : vector<16xi32>
      %shift_right_logical3A_1548 = arith.constant 14 : i32
      %shift_right_logical3A_1549 = vector.broadcast %shift_right_logical3A_1548 : i32 to vector<16xi32>
      %shift_right_logical3A_1550 = arith.shrui %get3A_1545, %shift_right_logical3A_1549 : vector<16xi32>
      %and3A_1551 = arith.constant 16383 : i32
      %and3A_1552 = vector.broadcast %and3A_1551 : i32 to vector<16xi32>
      %and3A_1553 = arith.andi %shift_right_logical3A_1550, %and3A_1552 : vector<16xi32>
      %gather3A = tpu.vector_load_idx %arg8[%broadcast_in_dim3A_25, %and3A_1547] : memref<2x16384xf32, #tpu.memory_space<vmem>>[vector<16xi32>, vector<16xi32>], vector<16xf32>,
      %gather3A_1554 = tpu.vector_load_idx %arg8[%broadcast_in_dim3A_27, %and3A_1547] : memref<2x16384xf32, #tpu.memory_space<vmem>>[vector<16xi32>, vector<16xi32>], vector<16xf32>,
      tpu.vector_store_idx %arg9[%broadcast_in_dim3A_25, %and3A_1553], %gather3A : memref<2x16384xf32, #tpu.memory_space<vmem>>[vector<16xi32>, vector<16xi32>], vector<16xf32>,
      tpu.vector_store_idx %arg9[%broadcast_in_dim3A_27, %and3A_1553], %gather3A_1554 : memref<2x16384xf32, #tpu.memory_space<vmem>>[vector<16xi32>, vector<16xi32>], vector<16xf32>,
    }
    %dma_wait3A_203 = arith.constant 0 : i32
    %dma_wait3A_204 = arith.constant 0 : i32
    %dma_wait3A_205 = tpu.memref_slice %arg7[%dma_wait3A_203, %dma_wait3A_204] : memref<2x16384xf32, #tpu.memory_space<vmem>> -> memref<2x8192xf32, #tpu.memory_space<vmem>>
    %dma_wait3A_206 = arith.constant 32768 : i32
    %dma_wait3A_207 = tpu.memref_slice %arg2[%mul3A_2, %dma_wait3A_206] : memref<64x250000xf32, #tpu.memory_space<hbm>> -> memref<2x8192xf32, #tpu.memory_space<hbm>>
    %dma_wait3A_208 = arith.constant 0 : i32
    %dma_wait3A_209 = arith.constant 0 : i32
    %dma_wait3A_210 = tpu.memref_slice %arg7[%dma_wait3A_208, %dma_wait3A_209] : memref<2x16384xf32, #tpu.memory_space<vmem>> -> memref<2x8192xf32, #tpu.memory_space<vmem>>
    %dma_wait3A_211 = arith.constant 32768 : i32
    %dma_wait3A_212 = tpu.memref_slice %arg2[%mul3A_2, %dma_wait3A_211] : memref<64x250000xf32, #tpu.memory_space<hbm>> -> memref<2x8192xf32, #tpu.memory_space<hbm>>
    tpu.wait_dma2 semaphore(%arg14 : memref<!tpu.dma_semaphore, #tpu.memory_space<semaphore_mem>>) src(%dma_wait3A_212 : memref<2x8192xf32, #tpu.memory_space<hbm>>) dst(%dma_wait3A_210 : memref<2x8192xf32, #tpu.memory_space<vmem>>)
    %dma_wait3A_213 = arith.constant 0 : i32
    %dma_wait3A_214 = arith.constant 8192 : i32
    %dma_wait3A_215 = tpu.memref_slice %arg7[%dma_wait3A_213, %dma_wait3A_214] : memref<2x16384xf32, #tpu.memory_space<vmem>> -> memref<2x8192xf32, #tpu.memory_space<vmem>>
    %dma_wait3A_216 = arith.constant 40960 : i32
    %dma_wait3A_217 = tpu.memref_slice %arg2[%mul3A_2, %dma_wait3A_216] : memref<64x250000xf32, #tpu.memory_space<hbm>> -> memref<2x8192xf32, #tpu.memory_space<hbm>>
    %dma_wait3A_218 = arith.constant 0 : i32
    %dma_wait3A_219 = arith.constant 8192 : i32
    %dma_wait3A_220 = tpu.memref_slice %arg7[%dma_wait3A_218, %dma_wait3A_219] : memref<2x16384xf32, #tpu.memory_space<vmem>> -> memref<2x8192xf32, #tpu.memory_space<vmem>>
    %dma_wait3A_221 = arith.constant 40960 : i32
    %dma_wait3A_222 = tpu.memref_slice %arg2[%mul3A_2, %dma_wait3A_221] : memref<64x250000xf32, #tpu.memory_space<hbm>> -> memref<2x8192xf32, #tpu.memory_space<hbm>>
    tpu.wait_dma2 semaphore(%arg14 : memref<!tpu.dma_semaphore, #tpu.memory_space<semaphore_mem>>) src(%dma_wait3A_222 : memref<2x8192xf32, #tpu.memory_space<hbm>>) dst(%dma_wait3A_220 : memref<2x8192xf32, #tpu.memory_space<vmem>>)
    %dma_start3A_223 = arith.constant 0 : i32
    %dma_start3A_224 = arith.constant 0 : i32
    %dma_start3A_225 = tpu.memref_slice %arg8[%dma_start3A_223, %dma_start3A_224] : memref<2x16384xf32, #tpu.memory_space<vmem>> -> memref<2x8192xf32, #tpu.memory_space<vmem>>
    %dma_start3A_226 = arith.constant 49152 : i32
    %dma_start3A_227 = tpu.memref_slice %arg2[%mul3A_2, %dma_start3A_226] : memref<64x250000xf32, #tpu.memory_space<hbm>> -> memref<2x8192xf32, #tpu.memory_space<hbm>>
    %dma_start3A_228 = arith.constant 0 : i32
    %dma_start3A_229 = arith.constant 0 : i32
    %dma_start3A_230 = tpu.memref_slice %arg8[%dma_start3A_228, %dma_start3A_229] : memref<2x16384xf32, #tpu.memory_space<vmem>> -> memref<2x8192xf32, #tpu.memory_space<vmem>>
    %dma_start3A_231 = arith.constant 49152 : i32
    %dma_start3A_232 = tpu.memref_slice %arg2[%mul3A_2, %dma_start3A_231] : memref<64x250000xf32, #tpu.memory_space<hbm>> -> memref<2x8192xf32, #tpu.memory_space<hbm>>
    tpu.enqueue_dma source(%dma_start3A_232 : memref<2x8192xf32, #tpu.memory_space<hbm>>) target(%dma_start3A_230 : memref<2x8192xf32, #tpu.memory_space<vmem>>) target_semaphore(%arg15 : memref<!tpu.dma_semaphore, #tpu.memory_space<semaphore_mem>>)
    %dma_start3A_233 = arith.constant 0 : i32
    %dma_start3A_234 = arith.constant 8192 : i32
    %dma_start3A_235 = tpu.memref_slice %arg8[%dma_start3A_233, %dma_start3A_234] : memref<2x16384xf32, #tpu.memory_space<vmem>> -> memref<2x8192xf32, #tpu.memory_space<vmem>>
    %dma_start3A_236 = arith.constant 57344 : i32
    %dma_start3A_237 = tpu.memref_slice %arg2[%mul3A_2, %dma_start3A_236] : memref<64x250000xf32, #tpu.memory_space<hbm>> -> memref<2x8192xf32, #tpu.memory_space<hbm>>
    %dma_start3A_238 = arith.constant 0 : i32
    %dma_start3A_239 = arith.constant 8192 : i32
    %dma_start3A_240 = tpu.memref_slice %arg8[%dma_start3A_238, %dma_start3A_239] : memref<2x16384xf32, #tpu.memory_space<vmem>> -> memref<2x8192xf32, #tpu.memory_space<vmem>>
    %dma_start3A_241 = arith.constant 57344 : i32
    %dma_start3A_242 = tpu.memref_slice %arg2[%mul3A_2, %dma_start3A_241] : memref<64x250000xf32, #tpu.memory_space<hbm>> -> memref<2x8192xf32, #tpu.memory_space<hbm>>
    tpu.enqueue_dma source(%dma_start3A_242 : memref<2x8192xf32, #tpu.memory_space<hbm>>) target(%dma_start3A_240 : memref<2x8192xf32, #tpu.memory_space<vmem>>) target_semaphore(%arg15 : memref<!tpu.dma_semaphore, #tpu.memory_space<semaphore_mem>>)
    %eq3A_243 = arith.constant 2 : i32
    %eq3A_244 = vector.broadcast %eq3A_243 : i32 to vector<16xi32>
    %eq3A_245 = arith.cmpi eq, %iota3A, %eq3A_244 : vector<16xi32>
    %convert_element_type3A_246 = arith.extui %eq3A_245 : vector<16xi1> to vector<16xi32>
    %mul3A_247 = arith.muli %convert_element_type3A_246, %get3A_3 : vector<16xi32>
    %reduce_sum3A_248 = arith.constant true
    %reduce_sum3A_249 = vector.broadcast %reduce_sum3A_248 : i1 to vector<16xi1>
    %reduce_sum3A_250 = tpu.scan <sum>, %mul3A_247 masked %reduce_sum3A_249 : vector<16xi32>, vector<16xi1> -> vector<16xi32>
    %reduce_sum3A_251 = vector.extract %reduce_sum3A_250[15] : i32 from vector<16xi32>
    %mul3A_252 = arith.muli %convert_element_type3A_246, %get3A_5 : vector<16xi32>
    %reduce_sum3A_253 = arith.constant true
    %reduce_sum3A_254 = vector.broadcast %reduce_sum3A_253 : i1 to vector<16xi1>
    %reduce_sum3A_255 = tpu.scan <sum>, %mul3A_252 masked %reduce_sum3A_254 : vector<16xi32>, vector<16xi1> -> vector<16xi32>
    %reduce_sum3A_256 = vector.extract %reduce_sum3A_255[15] : i32 from vector<16xi32>
    %shift_right_logical3A_257 = arith.constant 4 : i32
    %shift_right_logical3A_258 = arith.shrui %reduce_sum3A_251, %shift_right_logical3A_257 : i32
    %add3A_259 = arith.constant 16 : i32
    %add3A_260 = arith.addi %reduce_sum3A_256, %add3A_259 : i32
    %sub3A_261 = arith.constant 1 : i32
    %sub3A_262 = arith.subi %add3A_260, %sub3A_261 : i32
    %shift_right_logical3A_263 = arith.constant 4 : i32
    %shift_right_logical3A_264 = arith.shrui %sub3A_262, %shift_right_logical3A_263 : i32
    %lt3A_265 = arith.cmpi slt, %shift_right_logical3A_258, %shift_right_logical3A_264 : i32
    %convert_element_type3A_266 = arith.extui %lt3A_265 : i1 to i32
    %cond3A_267 = arith.constant 0 : i32
    %cond3A_268 = arith.cmpi ne, %convert_element_type3A_266, %cond3A_267 : i32
    scf.if %cond3A_268 {
      %mul3A_1539 = arith.constant 16 : i32
      %mul3A_1540 = arith.muli %shift_right_logical3A_258, %mul3A_1539 : i32
      %get3A_1541 = arith.index_cast %mul3A_1540 : i32 to index
      %get3A_1542 = tpu.vector_load %arg10[%get3A_1541] {strides = array<i32>} : memref<16384xi32, #tpu.memory_space<vmem>>, vector<16xi32>,
      %and3A = arith.constant 16383 : i32
      %and3A_1543 = vector.broadcast %and3A : i32 to vector<16xi32>
      %and3A_1544 = arith.andi %get3A_1542, %and3A_1543 : vector<16xi32>
      %shift_right_logical3A_1545 = arith.constant 14 : i32
      %shift_right_logical3A_1546 = vector.broadcast %shift_right_logical3A_1545 : i32 to vector<16xi32>
      %shift_right_logical3A_1547 = arith.shrui %get3A_1542, %shift_right_logical3A_1546 : vector<16xi32>
      %and3A_1548 = arith.constant 16383 : i32
      %and3A_1549 = vector.broadcast %and3A_1548 : i32 to vector<16xi32>
      %and3A_1550 = arith.andi %shift_right_logical3A_1547, %and3A_1549 : vector<16xi32>
      %gather3A = tpu.vector_load_idx %arg7[%broadcast_in_dim3A_25, %and3A_1544] : memref<2x16384xf32, #tpu.memory_space<vmem>>[vector<16xi32>, vector<16xi32>], vector<16xf32>,
      %gather3A_1551 = tpu.vector_load_idx %arg7[%broadcast_in_dim3A_27, %and3A_1544] : memref<2x16384xf32, #tpu.memory_space<vmem>>[vector<16xi32>, vector<16xi32>], vector<16xf32>,
      %mul3A_1552 = arith.constant 16 : i32
      %mul3A_1553 = arith.muli %shift_right_logical3A_258, %mul3A_1552 : i32
      %add3A_1554 = vector.broadcast %mul3A_1553 : i32 to vector<16xi32>
      %add3A_1555 = arith.addi %add3A_1554, %iota3A : vector<16xi32>
      %ge3A = vector.broadcast %reduce_sum3A_251 : i32 to vector<16xi32>
      %ge3A_1556 = arith.cmpi sge, %add3A_1555, %ge3A : vector<16xi32>
      %lt3A_1557 = vector.broadcast %reduce_sum3A_256 : i32 to vector<16xi32>
      %lt3A_1558 = arith.cmpi slt, %add3A_1555, %lt3A_1557 : vector<16xi32>
      %and3A_1559 = arith.andi %ge3A_1556, %lt3A_1558 : vector<16xi1>
      tpu.vector_store_idx %arg9[%broadcast_in_dim3A_25, %and3A_1550], %gather3A masked %and3A_1559 : memref<2x16384xf32, #tpu.memory_space<vmem>>[vector<16xi32>, vector<16xi32>], vector<16xf32>, vector<16xi1>
      tpu.vector_store_idx %arg9[%broadcast_in_dim3A_27, %and3A_1550], %gather3A_1551 masked %and3A_1559 : memref<2x16384xf32, #tpu.memory_space<vmem>>[vector<16xi32>, vector<16xi32>], vector<16xf32>, vector<16xi1>
    } else {
    }
    %add3A_269 = arith.constant 1 : i32
    %add3A_270 = arith.addi %shift_right_logical3A_258, %add3A_269 : i32
    %gt3A_271 = arith.cmpi sgt, %shift_right_logical3A_264, %add3A_270 : i32
    %convert_element_type3A_272 = arith.extui %gt3A_271 : i1 to i32
    %cond3A_273 = arith.constant 0 : i32
    %cond3A_274 = arith.cmpi ne, %convert_element_type3A_272, %cond3A_273 : i32
    scf.if %cond3A_274 {
      %sub3A_1539 = arith.constant 1 : i32
      %sub3A_1540 = arith.subi %shift_right_logical3A_264, %sub3A_1539 : i32
      %mul3A_1541 = arith.constant 16 : i32
      %mul3A_1542 = arith.muli %sub3A_1540, %mul3A_1541 : i32
      %get3A_1543 = arith.index_cast %mul3A_1542 : i32 to index
      %get3A_1544 = tpu.vector_load %arg10[%get3A_1543] {strides = array<i32>} : memref<16384xi32, #tpu.memory_space<vmem>>, vector<16xi32>,
      %and3A = arith.constant 16383 : i32
      %and3A_1545 = vector.broadcast %and3A : i32 to vector<16xi32>
      %and3A_1546 = arith.andi %get3A_1544, %and3A_1545 : vector<16xi32>
      %shift_right_logical3A_1547 = arith.constant 14 : i32
      %shift_right_logical3A_1548 = vector.broadcast %shift_right_logical3A_1547 : i32 to vector<16xi32>
      %shift_right_logical3A_1549 = arith.shrui %get3A_1544, %shift_right_logical3A_1548 : vector<16xi32>
      %and3A_1550 = arith.constant 16383 : i32
      %and3A_1551 = vector.broadcast %and3A_1550 : i32 to vector<16xi32>
      %and3A_1552 = arith.andi %shift_right_logical3A_1549, %and3A_1551 : vector<16xi32>
      %gather3A = tpu.vector_load_idx %arg7[%broadcast_in_dim3A_25, %and3A_1546] : memref<2x16384xf32, #tpu.memory_space<vmem>>[vector<16xi32>, vector<16xi32>], vector<16xf32>,
      %gather3A_1553 = tpu.vector_load_idx %arg7[%broadcast_in_dim3A_27, %and3A_1546] : memref<2x16384xf32, #tpu.memory_space<vmem>>[vector<16xi32>, vector<16xi32>], vector<16xf32>,
      %mul3A_1554 = arith.constant 16 : i32
      %mul3A_1555 = arith.muli %sub3A_1540, %mul3A_1554 : i32
      %add3A_1556 = vector.broadcast %mul3A_1555 : i32 to vector<16xi32>
      %add3A_1557 = arith.addi %add3A_1556, %iota3A : vector<16xi32>
      %ge3A = vector.broadcast %reduce_sum3A_251 : i32 to vector<16xi32>
      %ge3A_1558 = arith.cmpi sge, %add3A_1557, %ge3A : vector<16xi32>
      %lt3A_1559 = vector.broadcast %reduce_sum3A_256 : i32 to vector<16xi32>
      %lt3A_1560 = arith.cmpi slt, %add3A_1557, %lt3A_1559 : vector<16xi32>
      %and3A_1561 = arith.andi %ge3A_1558, %lt3A_1560 : vector<16xi1>
      tpu.vector_store_idx %arg9[%broadcast_in_dim3A_25, %and3A_1552], %gather3A masked %and3A_1561 : memref<2x16384xf32, #tpu.memory_space<vmem>>[vector<16xi32>, vector<16xi32>], vector<16xf32>, vector<16xi1>
      tpu.vector_store_idx %arg9[%broadcast_in_dim3A_27, %and3A_1552], %gather3A_1553 masked %and3A_1561 : memref<2x16384xf32, #tpu.memory_space<vmem>>[vector<16xi32>, vector<16xi32>], vector<16xf32>, vector<16xi1>
    } else {
    }
    %add3A_275 = arith.constant 1 : i32
    %add3A_276 = arith.addi %shift_right_logical3A_258, %add3A_275 : i32
    %sub3A_277 = arith.constant 1 : i32
    %sub3A_278 = arith.subi %shift_right_logical3A_264, %sub3A_277 : i32
    %sub3A_279 = arith.subi %sub3A_278, %add3A_276 : i32
    %sub3A_280 = arith.constant 1 : i32
    %sub3A_281 = arith.constant 1 : i32
    %sub3A_282 = arith.subi %sub3A_280, %sub3A_281 : i32
    %add3A_283 = arith.addi %sub3A_279, %sub3A_282 : i32
    %div3A_284 = arith.constant 1 : i32
    %div3A_285 = arith.divsi %add3A_283, %div3A_284 : i32
    %while3A_286 = arith.constant 1 : i32
    %while3A_287 = arith.constant 0 : i32
    %while3A_288 = arith.subi %div3A_285, %while3A_287 : i32
    %while3A_289 = arith.addi %while3A_287, %while3A_288 : i32
    %while3A_290 = arith.constant 1 : i32
    %while3A_291 = arith.divsi %while3A_288, %while3A_290 : i32
    %while3A_292 = arith.muli %while3A_291, %while3A_290 : i32
    %while3A_293 = arith.addi %while3A_287, %while3A_292 : i32
    %while3A_294 = arith.constant 1 : i32
    scf.for %while3A_1539 = %while3A_287 to %while3A_293 step %while3A_294  : i32 {
      %mul3A_1540 = arith.muli %while3A_1539, %while3A_286 : i32
      %add3A_1541 = arith.addi %add3A_276, %mul3A_1540 : i32
      %mul3A_1542 = arith.constant 16 : i32
      %mul3A_1543 = arith.muli %add3A_1541, %mul3A_1542 : i32
      %get3A_1544 = arith.index_cast %mul3A_1543 : i32 to index
      %get3A_1545 = tpu.vector_load %arg10[%get3A_1544] {strides = array<i32>} : memref<16384xi32, #tpu.memory_space<vmem>>, vector<16xi32>,
      %and3A = arith.constant 16383 : i32
      %and3A_1546 = vector.broadcast %and3A : i32 to vector<16xi32>
      %and3A_1547 = arith.andi %get3A_1545, %and3A_1546 : vector<16xi32>
      %shift_right_logical3A_1548 = arith.constant 14 : i32
      %shift_right_logical3A_1549 = vector.broadcast %shift_right_logical3A_1548 : i32 to vector<16xi32>
      %shift_right_logical3A_1550 = arith.shrui %get3A_1545, %shift_right_logical3A_1549 : vector<16xi32>
      %and3A_1551 = arith.constant 16383 : i32
      %and3A_1552 = vector.broadcast %and3A_1551 : i32 to vector<16xi32>
      %and3A_1553 = arith.andi %shift_right_logical3A_1550, %and3A_1552 : vector<16xi32>
      %gather3A = tpu.vector_load_idx %arg7[%broadcast_in_dim3A_25, %and3A_1547] : memref<2x16384xf32, #tpu.memory_space<vmem>>[vector<16xi32>, vector<16xi32>], vector<16xf32>,
      %gather3A_1554 = tpu.vector_load_idx %arg7[%broadcast_in_dim3A_27, %and3A_1547] : memref<2x16384xf32, #tpu.memory_space<vmem>>[vector<16xi32>, vector<16xi32>], vector<16xf32>,
      tpu.vector_store_idx %arg9[%broadcast_in_dim3A_25, %and3A_1553], %gather3A : memref<2x16384xf32, #tpu.memory_space<vmem>>[vector<16xi32>, vector<16xi32>], vector<16xf32>,
      tpu.vector_store_idx %arg9[%broadcast_in_dim3A_27, %and3A_1553], %gather3A_1554 : memref<2x16384xf32, #tpu.memory_space<vmem>>[vector<16xi32>, vector<16xi32>], vector<16xf32>,
    }
    %while3A_295 = arith.constant 1 : i32
    scf.for %while3A_1539 = %while3A_293 to %while3A_289 step %while3A_295  : i32 {
      %mul3A_1540 = arith.muli %while3A_1539, %while3A_286 : i32
      %add3A_1541 = arith.addi %add3A_276, %mul3A_1540 : i32
      %mul3A_1542 = arith.constant 16 : i32
      %mul3A_1543 = arith.muli %add3A_1541, %mul3A_1542 : i32
      %get3A_1544 = arith.index_cast %mul3A_1543 : i32 to index
      %get3A_1545 = tpu.vector_load %arg10[%get3A_1544] {strides = array<i32>} : memref<16384xi32, #tpu.memory_space<vmem>>, vector<16xi32>,
      %and3A = arith.constant 16383 : i32
      %and3A_1546 = vector.broadcast %and3A : i32 to vector<16xi32>
      %and3A_1547 = arith.andi %get3A_1545, %and3A_1546 : vector<16xi32>
      %shift_right_logical3A_1548 = arith.constant 14 : i32
      %shift_right_logical3A_1549 = vector.broadcast %shift_right_logical3A_1548 : i32 to vector<16xi32>
      %shift_right_logical3A_1550 = arith.shrui %get3A_1545, %shift_right_logical3A_1549 : vector<16xi32>
      %and3A_1551 = arith.constant 16383 : i32
      %and3A_1552 = vector.broadcast %and3A_1551 : i32 to vector<16xi32>
      %and3A_1553 = arith.andi %shift_right_logical3A_1550, %and3A_1552 : vector<16xi32>
      %gather3A = tpu.vector_load_idx %arg7[%broadcast_in_dim3A_25, %and3A_1547] : memref<2x16384xf32, #tpu.memory_space<vmem>>[vector<16xi32>, vector<16xi32>], vector<16xf32>,
      %gather3A_1554 = tpu.vector_load_idx %arg7[%broadcast_in_dim3A_27, %and3A_1547] : memref<2x16384xf32, #tpu.memory_space<vmem>>[vector<16xi32>, vector<16xi32>], vector<16xf32>,
      tpu.vector_store_idx %arg9[%broadcast_in_dim3A_25, %and3A_1553], %gather3A : memref<2x16384xf32, #tpu.memory_space<vmem>>[vector<16xi32>, vector<16xi32>], vector<16xf32>,
      tpu.vector_store_idx %arg9[%broadcast_in_dim3A_27, %and3A_1553], %gather3A_1554 : memref<2x16384xf32, #tpu.memory_space<vmem>>[vector<16xi32>, vector<16xi32>], vector<16xf32>,
    }
    %dma_wait3A_296 = arith.constant 0 : i32
    %dma_wait3A_297 = arith.constant 0 : i32
    %dma_wait3A_298 = tpu.memref_slice %arg8[%dma_wait3A_296, %dma_wait3A_297] : memref<2x16384xf32, #tpu.memory_space<vmem>> -> memref<2x8192xf32, #tpu.memory_space<vmem>>
    %dma_wait3A_299 = arith.constant 49152 : i32
    %dma_wait3A_300 = tpu.memref_slice %arg2[%mul3A_2, %dma_wait3A_299] : memref<64x250000xf32, #tpu.memory_space<hbm>> -> memref<2x8192xf32, #tpu.memory_space<hbm>>
    %dma_wait3A_301 = arith.constant 0 : i32
    %dma_wait3A_302 = arith.constant 0 : i32
    %dma_wait3A_303 = tpu.memref_slice %arg8[%dma_wait3A_301, %dma_wait3A_302] : memref<2x16384xf32, #tpu.memory_space<vmem>> -> memref<2x8192xf32, #tpu.memory_space<vmem>>
    %dma_wait3A_304 = arith.constant 49152 : i32
    %dma_wait3A_305 = tpu.memref_slice %arg2[%mul3A_2, %dma_wait3A_304] : memref<64x250000xf32, #tpu.memory_space<hbm>> -> memref<2x8192xf32, #tpu.memory_space<hbm>>
    tpu.wait_dma2 semaphore(%arg15 : memref<!tpu.dma_semaphore, #tpu.memory_space<semaphore_mem>>) src(%dma_wait3A_305 : memref<2x8192xf32, #tpu.memory_space<hbm>>) dst(%dma_wait3A_303 : memref<2x8192xf32, #tpu.memory_space<vmem>>)
    %dma_wait3A_306 = arith.constant 0 : i32
    %dma_wait3A_307 = arith.constant 8192 : i32
    %dma_wait3A_308 = tpu.memref_slice %arg8[%dma_wait3A_306, %dma_wait3A_307] : memref<2x16384xf32, #tpu.memory_space<vmem>> -> memref<2x8192xf32, #tpu.memory_space<vmem>>
    %dma_wait3A_309 = arith.constant 57344 : i32
    %dma_wait3A_310 = tpu.memref_slice %arg2[%mul3A_2, %dma_wait3A_309] : memref<64x250000xf32, #tpu.memory_space<hbm>> -> memref<2x8192xf32, #tpu.memory_space<hbm>>
    %dma_wait3A_311 = arith.constant 0 : i32
    %dma_wait3A_312 = arith.constant 8192 : i32
    %dma_wait3A_313 = tpu.memref_slice %arg8[%dma_wait3A_311, %dma_wait3A_312] : memref<2x16384xf32, #tpu.memory_space<vmem>> -> memref<2x8192xf32, #tpu.memory_space<vmem>>
    %dma_wait3A_314 = arith.constant 57344 : i32
    %dma_wait3A_315 = tpu.memref_slice %arg2[%mul3A_2, %dma_wait3A_314] : memref<64x250000xf32, #tpu.memory_space<hbm>> -> memref<2x8192xf32, #tpu.memory_space<hbm>>
    tpu.wait_dma2 semaphore(%arg15 : memref<!tpu.dma_semaphore, #tpu.memory_space<semaphore_mem>>) src(%dma_wait3A_315 : memref<2x8192xf32, #tpu.memory_space<hbm>>) dst(%dma_wait3A_313 : memref<2x8192xf32, #tpu.memory_space<vmem>>)
    %dma_start3A_316 = arith.constant 0 : i32
    %dma_start3A_317 = arith.constant 0 : i32
    %dma_start3A_318 = tpu.memref_slice %arg7[%dma_start3A_316, %dma_start3A_317] : memref<2x16384xf32, #tpu.memory_space<vmem>> -> memref<2x8192xf32, #tpu.memory_space<vmem>>
    %dma_start3A_319 = arith.constant 65536 : i32
    %dma_start3A_320 = tpu.memref_slice %arg2[%mul3A_2, %dma_start3A_319] : memref<64x250000xf32, #tpu.memory_space<hbm>> -> memref<2x8192xf32, #tpu.memory_space<hbm>>
    %dma_start3A_321 = arith.constant 0 : i32
    %dma_start3A_322 = arith.constant 0 : i32
    %dma_start3A_323 = tpu.memref_slice %arg7[%dma_start3A_321, %dma_start3A_322] : memref<2x16384xf32, #tpu.memory_space<vmem>> -> memref<2x8192xf32, #tpu.memory_space<vmem>>
    %dma_start3A_324 = arith.constant 65536 : i32
    %dma_start3A_325 = tpu.memref_slice %arg2[%mul3A_2, %dma_start3A_324] : memref<64x250000xf32, #tpu.memory_space<hbm>> -> memref<2x8192xf32, #tpu.memory_space<hbm>>
    tpu.enqueue_dma source(%dma_start3A_325 : memref<2x8192xf32, #tpu.memory_space<hbm>>) target(%dma_start3A_323 : memref<2x8192xf32, #tpu.memory_space<vmem>>) target_semaphore(%arg14 : memref<!tpu.dma_semaphore, #tpu.memory_space<semaphore_mem>>)
    %dma_start3A_326 = arith.constant 0 : i32
    %dma_start3A_327 = arith.constant 8192 : i32
    %dma_start3A_328 = tpu.memref_slice %arg7[%dma_start3A_326, %dma_start3A_327] : memref<2x16384xf32, #tpu.memory_space<vmem>> -> memref<2x8192xf32, #tpu.memory_space<vmem>>
    %dma_start3A_329 = arith.constant 73728 : i32
    %dma_start3A_330 = tpu.memref_slice %arg2[%mul3A_2, %dma_start3A_329] : memref<64x250000xf32, #tpu.memory_space<hbm>> -> memref<2x8192xf32, #tpu.memory_space<hbm>>
    %dma_start3A_331 = arith.constant 0 : i32
    %dma_start3A_332 = arith.constant 8192 : i32
    %dma_start3A_333 = tpu.memref_slice %arg7[%dma_start3A_331, %dma_start3A_332] : memref<2x16384xf32, #tpu.memory_space<vmem>> -> memref<2x8192xf32, #tpu.memory_space<vmem>>
    %dma_start3A_334 = arith.constant 73728 : i32
    %dma_start3A_335 = tpu.memref_slice %arg2[%mul3A_2, %dma_start3A_334] : memref<64x250000xf32, #tpu.memory_space<hbm>> -> memref<2x8192xf32, #tpu.memory_space<hbm>>
    tpu.enqueue_dma source(%dma_start3A_335 : memref<2x8192xf32, #tpu.memory_space<hbm>>) target(%dma_start3A_333 : memref<2x8192xf32, #tpu.memory_space<vmem>>) target_semaphore(%arg14 : memref<!tpu.dma_semaphore, #tpu.memory_space<semaphore_mem>>)
    %eq3A_336 = arith.constant 3 : i32
    %eq3A_337 = vector.broadcast %eq3A_336 : i32 to vector<16xi32>
    %eq3A_338 = arith.cmpi eq, %iota3A, %eq3A_337 : vector<16xi32>
    %convert_element_type3A_339 = arith.extui %eq3A_338 : vector<16xi1> to vector<16xi32>
    %mul3A_340 = arith.muli %convert_element_type3A_339, %get3A_3 : vector<16xi32>
    %reduce_sum3A_341 = arith.constant true
    %reduce_sum3A_342 = vector.broadcast %reduce_sum3A_341 : i1 to vector<16xi1>
    %reduce_sum3A_343 = tpu.scan <sum>, %mul3A_340 masked %reduce_sum3A_342 : vector<16xi32>, vector<16xi1> -> vector<16xi32>
    %reduce_sum3A_344 = vector.extract %reduce_sum3A_343[15] : i32 from vector<16xi32>
    %mul3A_345 = arith.muli %convert_element_type3A_339, %get3A_5 : vector<16xi32>
    %reduce_sum3A_346 = arith.constant true
    %reduce_sum3A_347 = vector.broadcast %reduce_sum3A_346 : i1 to vector<16xi1>
    %reduce_sum3A_348 = tpu.scan <sum>, %mul3A_345 masked %reduce_sum3A_347 : vector<16xi32>, vector<16xi1> -> vector<16xi32>
    %reduce_sum3A_349 = vector.extract %reduce_sum3A_348[15] : i32 from vector<16xi32>
    %shift_right_logical3A_350 = arith.constant 4 : i32
    %shift_right_logical3A_351 = arith.shrui %reduce_sum3A_344, %shift_right_logical3A_350 : i32
    %add3A_352 = arith.constant 16 : i32
    %add3A_353 = arith.addi %reduce_sum3A_349, %add3A_352 : i32
    %sub3A_354 = arith.constant 1 : i32
    %sub3A_355 = arith.subi %add3A_353, %sub3A_354 : i32
    %shift_right_logical3A_356 = arith.constant 4 : i32
    %shift_right_logical3A_357 = arith.shrui %sub3A_355, %shift_right_logical3A_356 : i32
    %lt3A_358 = arith.cmpi slt, %shift_right_logical3A_351, %shift_right_logical3A_357 : i32
    %convert_element_type3A_359 = arith.extui %lt3A_358 : i1 to i32
    %cond3A_360 = arith.constant 0 : i32
    %cond3A_361 = arith.cmpi ne, %convert_element_type3A_359, %cond3A_360 : i32
    scf.if %cond3A_361 {
      %mul3A_1539 = arith.constant 16 : i32
      %mul3A_1540 = arith.muli %shift_right_logical3A_351, %mul3A_1539 : i32
      %get3A_1541 = arith.index_cast %mul3A_1540 : i32 to index
      %get3A_1542 = tpu.vector_load %arg10[%get3A_1541] {strides = array<i32>} : memref<16384xi32, #tpu.memory_space<vmem>>, vector<16xi32>,
      %and3A = arith.constant 16383 : i32
      %and3A_1543 = vector.broadcast %and3A : i32 to vector<16xi32>
      %and3A_1544 = arith.andi %get3A_1542, %and3A_1543 : vector<16xi32>
      %shift_right_logical3A_1545 = arith.constant 14 : i32
      %shift_right_logical3A_1546 = vector.broadcast %shift_right_logical3A_1545 : i32 to vector<16xi32>
      %shift_right_logical3A_1547 = arith.shrui %get3A_1542, %shift_right_logical3A_1546 : vector<16xi32>
      %and3A_1548 = arith.constant 16383 : i32
      %and3A_1549 = vector.broadcast %and3A_1548 : i32 to vector<16xi32>
      %and3A_1550 = arith.andi %shift_right_logical3A_1547, %and3A_1549 : vector<16xi32>
      %gather3A = tpu.vector_load_idx %arg8[%broadcast_in_dim3A_25, %and3A_1544] : memref<2x16384xf32, #tpu.memory_space<vmem>>[vector<16xi32>, vector<16xi32>], vector<16xf32>,
      %gather3A_1551 = tpu.vector_load_idx %arg8[%broadcast_in_dim3A_27, %and3A_1544] : memref<2x16384xf32, #tpu.memory_space<vmem>>[vector<16xi32>, vector<16xi32>], vector<16xf32>,
      %mul3A_1552 = arith.constant 16 : i32
      %mul3A_1553 = arith.muli %shift_right_logical3A_351, %mul3A_1552 : i32
      %add3A_1554 = vector.broadcast %mul3A_1553 : i32 to vector<16xi32>
      %add3A_1555 = arith.addi %add3A_1554, %iota3A : vector<16xi32>
      %ge3A = vector.broadcast %reduce_sum3A_344 : i32 to vector<16xi32>
      %ge3A_1556 = arith.cmpi sge, %add3A_1555, %ge3A : vector<16xi32>
      %lt3A_1557 = vector.broadcast %reduce_sum3A_349 : i32 to vector<16xi32>
      %lt3A_1558 = arith.cmpi slt, %add3A_1555, %lt3A_1557 : vector<16xi32>
      %and3A_1559 = arith.andi %ge3A_1556, %lt3A_1558 : vector<16xi1>
      tpu.vector_store_idx %arg9[%broadcast_in_dim3A_25, %and3A_1550], %gather3A masked %and3A_1559 : memref<2x16384xf32, #tpu.memory_space<vmem>>[vector<16xi32>, vector<16xi32>], vector<16xf32>, vector<16xi1>
      tpu.vector_store_idx %arg9[%broadcast_in_dim3A_27, %and3A_1550], %gather3A_1551 masked %and3A_1559 : memref<2x16384xf32, #tpu.memory_space<vmem>>[vector<16xi32>, vector<16xi32>], vector<16xf32>, vector<16xi1>
    } else {
    }
    %add3A_362 = arith.constant 1 : i32
    %add3A_363 = arith.addi %shift_right_logical3A_351, %add3A_362 : i32
    %gt3A_364 = arith.cmpi sgt, %shift_right_logical3A_357, %add3A_363 : i32
    %convert_element_type3A_365 = arith.extui %gt3A_364 : i1 to i32
    %cond3A_366 = arith.constant 0 : i32
    %cond3A_367 = arith.cmpi ne, %convert_element_type3A_365, %cond3A_366 : i32
    scf.if %cond3A_367 {
      %sub3A_1539 = arith.constant 1 : i32
      %sub3A_1540 = arith.subi %shift_right_logical3A_357, %sub3A_1539 : i32
      %mul3A_1541 = arith.constant 16 : i32
      %mul3A_1542 = arith.muli %sub3A_1540, %mul3A_1541 : i32
      %get3A_1543 = arith.index_cast %mul3A_1542 : i32 to index
      %get3A_1544 = tpu.vector_load %arg10[%get3A_1543] {strides = array<i32>} : memref<16384xi32, #tpu.memory_space<vmem>>, vector<16xi32>,
      %and3A = arith.constant 16383 : i32
      %and3A_1545 = vector.broadcast %and3A : i32 to vector<16xi32>
      %and3A_1546 = arith.andi %get3A_1544, %and3A_1545 : vector<16xi32>
      %shift_right_logical3A_1547 = arith.constant 14 : i32
      %shift_right_logical3A_1548 = vector.broadcast %shift_right_logical3A_1547 : i32 to vector<16xi32>
      %shift_right_logical3A_1549 = arith.shrui %get3A_1544, %shift_right_logical3A_1548 : vector<16xi32>
      %and3A_1550 = arith.constant 16383 : i32
      %and3A_1551 = vector.broadcast %and3A_1550 : i32 to vector<16xi32>
      %and3A_1552 = arith.andi %shift_right_logical3A_1549, %and3A_1551 : vector<16xi32>
      %gather3A = tpu.vector_load_idx %arg8[%broadcast_in_dim3A_25, %and3A_1546] : memref<2x16384xf32, #tpu.memory_space<vmem>>[vector<16xi32>, vector<16xi32>], vector<16xf32>,
      %gather3A_1553 = tpu.vector_load_idx %arg8[%broadcast_in_dim3A_27, %and3A_1546] : memref<2x16384xf32, #tpu.memory_space<vmem>>[vector<16xi32>, vector<16xi32>], vector<16xf32>,
      %mul3A_1554 = arith.constant 16 : i32
      %mul3A_1555 = arith.muli %sub3A_1540, %mul3A_1554 : i32
      %add3A_1556 = vector.broadcast %mul3A_1555 : i32 to vector<16xi32>
      %add3A_1557 = arith.addi %add3A_1556, %iota3A : vector<16xi32>
      %ge3A = vector.broadcast %reduce_sum3A_344 : i32 to vector<16xi32>
      %ge3A_1558 = arith.cmpi sge, %add3A_1557, %ge3A : vector<16xi32>
      %lt3A_1559 = vector.broadcast %reduce_sum3A_349 : i32 to vector<16xi32>
      %lt3A_1560 = arith.cmpi slt, %add3A_1557, %lt3A_1559 : vector<16xi32>
      %and3A_1561 = arith.andi %ge3A_1558, %lt3A_1560 : vector<16xi1>
      tpu.vector_store_idx %arg9[%broadcast_in_dim3A_25, %and3A_1552], %gather3A masked %and3A_1561 : memref<2x16384xf32, #tpu.memory_space<vmem>>[vector<16xi32>, vector<16xi32>], vector<16xf32>, vector<16xi1>
      tpu.vector_store_idx %arg9[%broadcast_in_dim3A_27, %and3A_1552], %gather3A_1553 masked %and3A_1561 : memref<2x16384xf32, #tpu.memory_space<vmem>>[vector<16xi32>, vector<16xi32>], vector<16xf32>, vector<16xi1>
    } else {
    }
    %add3A_368 = arith.constant 1 : i32
    %add3A_369 = arith.addi %shift_right_logical3A_351, %add3A_368 : i32
    %sub3A_370 = arith.constant 1 : i32
    %sub3A_371 = arith.subi %shift_right_logical3A_357, %sub3A_370 : i32
    %sub3A_372 = arith.subi %sub3A_371, %add3A_369 : i32
    %sub3A_373 = arith.constant 1 : i32
    %sub3A_374 = arith.constant 1 : i32
    %sub3A_375 = arith.subi %sub3A_373, %sub3A_374 : i32
    %add3A_376 = arith.addi %sub3A_372, %sub3A_375 : i32
    %div3A_377 = arith.constant 1 : i32
    %div3A_378 = arith.divsi %add3A_376, %div3A_377 : i32
    %while3A_379 = arith.constant 1 : i32
    %while3A_380 = arith.constant 0 : i32
    %while3A_381 = arith.subi %div3A_378, %while3A_380 : i32
    %while3A_382 = arith.addi %while3A_380, %while3A_381 : i32
    %while3A_383 = arith.constant 1 : i32
    %while3A_384 = arith.divsi %while3A_381, %while3A_383 : i32
    %while3A_385 = arith.muli %while3A_384, %while3A_383 : i32
    %while3A_386 = arith.addi %while3A_380, %while3A_385 : i32
    %while3A_387 = arith.constant 1 : i32
    scf.for %while3A_1539 = %while3A_380 to %while3A_386 step %while3A_387  : i32 {
      %mul3A_1540 = arith.muli %while3A_1539, %while3A_379 : i32
      %add3A_1541 = arith.addi %add3A_369, %mul3A_1540 : i32
      %mul3A_1542 = arith.constant 16 : i32
      %mul3A_1543 = arith.muli %add3A_1541, %mul3A_1542 : i32
      %get3A_1544 = arith.index_cast %mul3A_1543 : i32 to index
      %get3A_1545 = tpu.vector_load %arg10[%get3A_1544] {strides = array<i32>} : memref<16384xi32, #tpu.memory_space<vmem>>, vector<16xi32>,
      %and3A = arith.constant 16383 : i32
      %and3A_1546 = vector.broadcast %and3A : i32 to vector<16xi32>
      %and3A_1547 = arith.andi %get3A_1545, %and3A_1546 : vector<16xi32>
      %shift_right_logical3A_1548 = arith.constant 14 : i32
      %shift_right_logical3A_1549 = vector.broadcast %shift_right_logical3A_1548 : i32 to vector<16xi32>
      %shift_right_logical3A_1550 = arith.shrui %get3A_1545, %shift_right_logical3A_1549 : vector<16xi32>
      %and3A_1551 = arith.constant 16383 : i32
      %and3A_1552 = vector.broadcast %and3A_1551 : i32 to vector<16xi32>
      %and3A_1553 = arith.andi %shift_right_logical3A_1550, %and3A_1552 : vector<16xi32>
      %gather3A = tpu.vector_load_idx %arg8[%broadcast_in_dim3A_25, %and3A_1547] : memref<2x16384xf32, #tpu.memory_space<vmem>>[vector<16xi32>, vector<16xi32>], vector<16xf32>,
      %gather3A_1554 = tpu.vector_load_idx %arg8[%broadcast_in_dim3A_27, %and3A_1547] : memref<2x16384xf32, #tpu.memory_space<vmem>>[vector<16xi32>, vector<16xi32>], vector<16xf32>,
      tpu.vector_store_idx %arg9[%broadcast_in_dim3A_25, %and3A_1553], %gather3A : memref<2x16384xf32, #tpu.memory_space<vmem>>[vector<16xi32>, vector<16xi32>], vector<16xf32>,
      tpu.vector_store_idx %arg9[%broadcast_in_dim3A_27, %and3A_1553], %gather3A_1554 : memref<2x16384xf32, #tpu.memory_space<vmem>>[vector<16xi32>, vector<16xi32>], vector<16xf32>,
    }
    %while3A_388 = arith.constant 1 : i32
    scf.for %while3A_1539 = %while3A_386 to %while3A_382 step %while3A_388  : i32 {
      %mul3A_1540 = arith.muli %while3A_1539, %while3A_379 : i32
      %add3A_1541 = arith.addi %add3A_369, %mul3A_1540 : i32
      %mul3A_1542 = arith.constant 16 : i32
      %mul3A_1543 = arith.muli %add3A_1541, %mul3A_1542 : i32
      %get3A_1544 = arith.index_cast %mul3A_1543 : i32 to index
      %get3A_1545 = tpu.vector_load %arg10[%get3A_1544] {strides = array<i32>} : memref<16384xi32, #tpu.memory_space<vmem>>, vector<16xi32>,
      %and3A = arith.constant 16383 : i32
      %and3A_1546 = vector.broadcast %and3A : i32 to vector<16xi32>
      %and3A_1547 = arith.andi %get3A_1545, %and3A_1546 : vector<16xi32>
      %shift_right_logical3A_1548 = arith.constant 14 : i32
      %shift_right_logical3A_1549 = vector.broadcast %shift_right_logical3A_1548 : i32 to vector<16xi32>
      %shift_right_logical3A_1550 = arith.shrui %get3A_1545, %shift_right_logical3A_1549 : vector<16xi32>
      %and3A_1551 = arith.constant 16383 : i32
      %and3A_1552 = vector.broadcast %and3A_1551 : i32 to vector<16xi32>
      %and3A_1553 = arith.andi %shift_right_logical3A_1550, %and3A_1552 : vector<16xi32>
      %gather3A = tpu.vector_load_idx %arg8[%broadcast_in_dim3A_25, %and3A_1547] : memref<2x16384xf32, #tpu.memory_space<vmem>>[vector<16xi32>, vector<16xi32>], vector<16xf32>,
      %gather3A_1554 = tpu.vector_load_idx %arg8[%broadcast_in_dim3A_27, %and3A_1547] : memref<2x16384xf32, #tpu.memory_space<vmem>>[vector<16xi32>, vector<16xi32>], vector<16xf32>,
      tpu.vector_store_idx %arg9[%broadcast_in_dim3A_25, %and3A_1553], %gather3A : memref<2x16384xf32, #tpu.memory_space<vmem>>[vector<16xi32>, vector<16xi32>], vector<16xf32>,
      tpu.vector_store_idx %arg9[%broadcast_in_dim3A_27, %and3A_1553], %gather3A_1554 : memref<2x16384xf32, #tpu.memory_space<vmem>>[vector<16xi32>, vector<16xi32>], vector<16xf32>,
    }
    %dma_wait3A_389 = arith.constant 0 : i32
    %dma_wait3A_390 = arith.constant 0 : i32
    %dma_wait3A_391 = tpu.memref_slice %arg7[%dma_wait3A_389, %dma_wait3A_390] : memref<2x16384xf32, #tpu.memory_space<vmem>> -> memref<2x8192xf32, #tpu.memory_space<vmem>>
    %dma_wait3A_392 = arith.constant 65536 : i32
    %dma_wait3A_393 = tpu.memref_slice %arg2[%mul3A_2, %dma_wait3A_392] : memref<64x250000xf32, #tpu.memory_space<hbm>> -> memref<2x8192xf32, #tpu.memory_space<hbm>>
    %dma_wait3A_394 = arith.constant 0 : i32
    %dma_wait3A_395 = arith.constant 0 : i32
    %dma_wait3A_396 = tpu.memref_slice %arg7[%dma_wait3A_394, %dma_wait3A_395] : memref<2x16384xf32, #tpu.memory_space<vmem>> -> memref<2x8192xf32, #tpu.memory_space<vmem>>
    %dma_wait3A_397 = arith.constant 65536 : i32
    %dma_wait3A_398 = tpu.memref_slice %arg2[%mul3A_2, %dma_wait3A_397] : memref<64x250000xf32, #tpu.memory_space<hbm>> -> memref<2x8192xf32, #tpu.memory_space<hbm>>
    tpu.wait_dma2 semaphore(%arg14 : memref<!tpu.dma_semaphore, #tpu.memory_space<semaphore_mem>>) src(%dma_wait3A_398 : memref<2x8192xf32, #tpu.memory_space<hbm>>) dst(%dma_wait3A_396 : memref<2x8192xf32, #tpu.memory_space<vmem>>)
    %dma_wait3A_399 = arith.constant 0 : i32
    %dma_wait3A_400 = arith.constant 8192 : i32
    %dma_wait3A_401 = tpu.memref_slice %arg7[%dma_wait3A_399, %dma_wait3A_400] : memref<2x16384xf32, #tpu.memory_space<vmem>> -> memref<2x8192xf32, #tpu.memory_space<vmem>>
    %dma_wait3A_402 = arith.constant 73728 : i32
    %dma_wait3A_403 = tpu.memref_slice %arg2[%mul3A_2, %dma_wait3A_402] : memref<64x250000xf32, #tpu.memory_space<hbm>> -> memref<2x8192xf32, #tpu.memory_space<hbm>>
    %dma_wait3A_404 = arith.constant 0 : i32
    %dma_wait3A_405 = arith.constant 8192 : i32
    %dma_wait3A_406 = tpu.memref_slice %arg7[%dma_wait3A_404, %dma_wait3A_405] : memref<2x16384xf32, #tpu.memory_space<vmem>> -> memref<2x8192xf32, #tpu.memory_space<vmem>>
    %dma_wait3A_407 = arith.constant 73728 : i32
    %dma_wait3A_408 = tpu.memref_slice %arg2[%mul3A_2, %dma_wait3A_407] : memref<64x250000xf32, #tpu.memory_space<hbm>> -> memref<2x8192xf32, #tpu.memory_space<hbm>>
    tpu.wait_dma2 semaphore(%arg14 : memref<!tpu.dma_semaphore, #tpu.memory_space<semaphore_mem>>) src(%dma_wait3A_408 : memref<2x8192xf32, #tpu.memory_space<hbm>>) dst(%dma_wait3A_406 : memref<2x8192xf32, #tpu.memory_space<vmem>>)
    %dma_start3A_409 = arith.constant 0 : i32
    %dma_start3A_410 = arith.constant 0 : i32
    %dma_start3A_411 = tpu.memref_slice %arg8[%dma_start3A_409, %dma_start3A_410] : memref<2x16384xf32, #tpu.memory_space<vmem>> -> memref<2x8192xf32, #tpu.memory_space<vmem>>
    %dma_start3A_412 = arith.constant 81920 : i32
    %dma_start3A_413 = tpu.memref_slice %arg2[%mul3A_2, %dma_start3A_412] : memref<64x250000xf32, #tpu.memory_space<hbm>> -> memref<2x8192xf32, #tpu.memory_space<hbm>>
    %dma_start3A_414 = arith.constant 0 : i32
    %dma_start3A_415 = arith.constant 0 : i32
    %dma_start3A_416 = tpu.memref_slice %arg8[%dma_start3A_414, %dma_start3A_415] : memref<2x16384xf32, #tpu.memory_space<vmem>> -> memref<2x8192xf32, #tpu.memory_space<vmem>>
    %dma_start3A_417 = arith.constant 81920 : i32
    %dma_start3A_418 = tpu.memref_slice %arg2[%mul3A_2, %dma_start3A_417] : memref<64x250000xf32, #tpu.memory_space<hbm>> -> memref<2x8192xf32, #tpu.memory_space<hbm>>
    tpu.enqueue_dma source(%dma_start3A_418 : memref<2x8192xf32, #tpu.memory_space<hbm>>) target(%dma_start3A_416 : memref<2x8192xf32, #tpu.memory_space<vmem>>) target_semaphore(%arg15 : memref<!tpu.dma_semaphore, #tpu.memory_space<semaphore_mem>>)
    %dma_start3A_419 = arith.constant 0 : i32
    %dma_start3A_420 = arith.constant 8192 : i32
    %dma_start3A_421 = tpu.memref_slice %arg8[%dma_start3A_419, %dma_start3A_420] : memref<2x16384xf32, #tpu.memory_space<vmem>> -> memref<2x8192xf32, #tpu.memory_space<vmem>>
    %dma_start3A_422 = arith.constant 90112 : i32
    %dma_start3A_423 = tpu.memref_slice %arg2[%mul3A_2, %dma_start3A_422] : memref<64x250000xf32, #tpu.memory_space<hbm>> -> memref<2x8192xf32, #tpu.memory_space<hbm>>
    %dma_start3A_424 = arith.constant 0 : i32
    %dma_start3A_425 = arith.constant 8192 : i32
    %dma_start3A_426 = tpu.memref_slice %arg8[%dma_start3A_424, %dma_start3A_425] : memref<2x16384xf32, #tpu.memory_space<vmem>> -> memref<2x8192xf32, #tpu.memory_space<vmem>>
    %dma_start3A_427 = arith.constant 90112 : i32
    %dma_start3A_428 = tpu.memref_slice %arg2[%mul3A_2, %dma_start3A_427] : memref<64x250000xf32, #tpu.memory_space<hbm>> -> memref<2x8192xf32, #tpu.memory_space<hbm>>
    tpu.enqueue_dma source(%dma_start3A_428 : memref<2x8192xf32, #tpu.memory_space<hbm>>) target(%dma_start3A_426 : memref<2x8192xf32, #tpu.memory_space<vmem>>) target_semaphore(%arg15 : memref<!tpu.dma_semaphore, #tpu.memory_space<semaphore_mem>>)
    %eq3A_429 = arith.constant 4 : i32
    %eq3A_430 = vector.broadcast %eq3A_429 : i32 to vector<16xi32>
    %eq3A_431 = arith.cmpi eq, %iota3A, %eq3A_430 : vector<16xi32>
    %convert_element_type3A_432 = arith.extui %eq3A_431 : vector<16xi1> to vector<16xi32>
    %mul3A_433 = arith.muli %convert_element_type3A_432, %get3A_3 : vector<16xi32>
    %reduce_sum3A_434 = arith.constant true
    %reduce_sum3A_435 = vector.broadcast %reduce_sum3A_434 : i1 to vector<16xi1>
    %reduce_sum3A_436 = tpu.scan <sum>, %mul3A_433 masked %reduce_sum3A_435 : vector<16xi32>, vector<16xi1> -> vector<16xi32>
    %reduce_sum3A_437 = vector.extract %reduce_sum3A_436[15] : i32 from vector<16xi32>
    %mul3A_438 = arith.muli %convert_element_type3A_432, %get3A_5 : vector<16xi32>
    %reduce_sum3A_439 = arith.constant true
    %reduce_sum3A_440 = vector.broadcast %reduce_sum3A_439 : i1 to vector<16xi1>
    %reduce_sum3A_441 = tpu.scan <sum>, %mul3A_438 masked %reduce_sum3A_440 : vector<16xi32>, vector<16xi1> -> vector<16xi32>
    %reduce_sum3A_442 = vector.extract %reduce_sum3A_441[15] : i32 from vector<16xi32>
    %shift_right_logical3A_443 = arith.constant 4 : i32
    %shift_right_logical3A_444 = arith.shrui %reduce_sum3A_437, %shift_right_logical3A_443 : i32
    %add3A_445 = arith.constant 16 : i32
    %add3A_446 = arith.addi %reduce_sum3A_442, %add3A_445 : i32
    %sub3A_447 = arith.constant 1 : i32
    %sub3A_448 = arith.subi %add3A_446, %sub3A_447 : i32
    %shift_right_logical3A_449 = arith.constant 4 : i32
    %shift_right_logical3A_450 = arith.shrui %sub3A_448, %shift_right_logical3A_449 : i32
    %lt3A_451 = arith.cmpi slt, %shift_right_logical3A_444, %shift_right_logical3A_450 : i32
    %convert_element_type3A_452 = arith.extui %lt3A_451 : i1 to i32
    %cond3A_453 = arith.constant 0 : i32
    %cond3A_454 = arith.cmpi ne, %convert_element_type3A_452, %cond3A_453 : i32
    scf.if %cond3A_454 {
      %mul3A_1539 = arith.constant 16 : i32
      %mul3A_1540 = arith.muli %shift_right_logical3A_444, %mul3A_1539 : i32
      %get3A_1541 = arith.index_cast %mul3A_1540 : i32 to index
      %get3A_1542 = tpu.vector_load %arg10[%get3A_1541] {strides = array<i32>} : memref<16384xi32, #tpu.memory_space<vmem>>, vector<16xi32>,
      %and3A = arith.constant 16383 : i32
      %and3A_1543 = vector.broadcast %and3A : i32 to vector<16xi32>
      %and3A_1544 = arith.andi %get3A_1542, %and3A_1543 : vector<16xi32>
      %shift_right_logical3A_1545 = arith.constant 14 : i32
      %shift_right_logical3A_1546 = vector.broadcast %shift_right_logical3A_1545 : i32 to vector<16xi32>
      %shift_right_logical3A_1547 = arith.shrui %get3A_1542, %shift_right_logical3A_1546 : vector<16xi32>
      %and3A_1548 = arith.constant 16383 : i32
      %and3A_1549 = vector.broadcast %and3A_1548 : i32 to vector<16xi32>
      %and3A_1550 = arith.andi %shift_right_logical3A_1547, %and3A_1549 : vector<16xi32>
      %gather3A = tpu.vector_load_idx %arg7[%broadcast_in_dim3A_25, %and3A_1544] : memref<2x16384xf32, #tpu.memory_space<vmem>>[vector<16xi32>, vector<16xi32>], vector<16xf32>,
      %gather3A_1551 = tpu.vector_load_idx %arg7[%broadcast_in_dim3A_27, %and3A_1544] : memref<2x16384xf32, #tpu.memory_space<vmem>>[vector<16xi32>, vector<16xi32>], vector<16xf32>,
      %mul3A_1552 = arith.constant 16 : i32
      %mul3A_1553 = arith.muli %shift_right_logical3A_444, %mul3A_1552 : i32
      %add3A_1554 = vector.broadcast %mul3A_1553 : i32 to vector<16xi32>
      %add3A_1555 = arith.addi %add3A_1554, %iota3A : vector<16xi32>
      %ge3A = vector.broadcast %reduce_sum3A_437 : i32 to vector<16xi32>
      %ge3A_1556 = arith.cmpi sge, %add3A_1555, %ge3A : vector<16xi32>
      %lt3A_1557 = vector.broadcast %reduce_sum3A_442 : i32 to vector<16xi32>
      %lt3A_1558 = arith.cmpi slt, %add3A_1555, %lt3A_1557 : vector<16xi32>
      %and3A_1559 = arith.andi %ge3A_1556, %lt3A_1558 : vector<16xi1>
      tpu.vector_store_idx %arg9[%broadcast_in_dim3A_25, %and3A_1550], %gather3A masked %and3A_1559 : memref<2x16384xf32, #tpu.memory_space<vmem>>[vector<16xi32>, vector<16xi32>], vector<16xf32>, vector<16xi1>
      tpu.vector_store_idx %arg9[%broadcast_in_dim3A_27, %and3A_1550], %gather3A_1551 masked %and3A_1559 : memref<2x16384xf32, #tpu.memory_space<vmem>>[vector<16xi32>, vector<16xi32>], vector<16xf32>, vector<16xi1>
    } else {
    }
    %add3A_455 = arith.constant 1 : i32
    %add3A_456 = arith.addi %shift_right_logical3A_444, %add3A_455 : i32
    %gt3A_457 = arith.cmpi sgt, %shift_right_logical3A_450, %add3A_456 : i32
    %convert_element_type3A_458 = arith.extui %gt3A_457 : i1 to i32
    %cond3A_459 = arith.constant 0 : i32
    %cond3A_460 = arith.cmpi ne, %convert_element_type3A_458, %cond3A_459 : i32
    scf.if %cond3A_460 {
      %sub3A_1539 = arith.constant 1 : i32
      %sub3A_1540 = arith.subi %shift_right_logical3A_450, %sub3A_1539 : i32
      %mul3A_1541 = arith.constant 16 : i32
      %mul3A_1542 = arith.muli %sub3A_1540, %mul3A_1541 : i32
      %get3A_1543 = arith.index_cast %mul3A_1542 : i32 to index
      %get3A_1544 = tpu.vector_load %arg10[%get3A_1543] {strides = array<i32>} : memref<16384xi32, #tpu.memory_space<vmem>>, vector<16xi32>,
      %and3A = arith.constant 16383 : i32
      %and3A_1545 = vector.broadcast %and3A : i32 to vector<16xi32>
      %and3A_1546 = arith.andi %get3A_1544, %and3A_1545 : vector<16xi32>
      %shift_right_logical3A_1547 = arith.constant 14 : i32
      %shift_right_logical3A_1548 = vector.broadcast %shift_right_logical3A_1547 : i32 to vector<16xi32>
      %shift_right_logical3A_1549 = arith.shrui %get3A_1544, %shift_right_logical3A_1548 : vector<16xi32>
      %and3A_1550 = arith.constant 16383 : i32
      %and3A_1551 = vector.broadcast %and3A_1550 : i32 to vector<16xi32>
      %and3A_1552 = arith.andi %shift_right_logical3A_1549, %and3A_1551 : vector<16xi32>
      %gather3A = tpu.vector_load_idx %arg7[%broadcast_in_dim3A_25, %and3A_1546] : memref<2x16384xf32, #tpu.memory_space<vmem>>[vector<16xi32>, vector<16xi32>], vector<16xf32>,
      %gather3A_1553 = tpu.vector_load_idx %arg7[%broadcast_in_dim3A_27, %and3A_1546] : memref<2x16384xf32, #tpu.memory_space<vmem>>[vector<16xi32>, vector<16xi32>], vector<16xf32>,
      %mul3A_1554 = arith.constant 16 : i32
      %mul3A_1555 = arith.muli %sub3A_1540, %mul3A_1554 : i32
      %add3A_1556 = vector.broadcast %mul3A_1555 : i32 to vector<16xi32>
      %add3A_1557 = arith.addi %add3A_1556, %iota3A : vector<16xi32>
      %ge3A = vector.broadcast %reduce_sum3A_437 : i32 to vector<16xi32>
      %ge3A_1558 = arith.cmpi sge, %add3A_1557, %ge3A : vector<16xi32>
      %lt3A_1559 = vector.broadcast %reduce_sum3A_442 : i32 to vector<16xi32>
      %lt3A_1560 = arith.cmpi slt, %add3A_1557, %lt3A_1559 : vector<16xi32>
      %and3A_1561 = arith.andi %ge3A_1558, %lt3A_1560 : vector<16xi1>
      tpu.vector_store_idx %arg9[%broadcast_in_dim3A_25, %and3A_1552], %gather3A masked %and3A_1561 : memref<2x16384xf32, #tpu.memory_space<vmem>>[vector<16xi32>, vector<16xi32>], vector<16xf32>, vector<16xi1>
      tpu.vector_store_idx %arg9[%broadcast_in_dim3A_27, %and3A_1552], %gather3A_1553 masked %and3A_1561 : memref<2x16384xf32, #tpu.memory_space<vmem>>[vector<16xi32>, vector<16xi32>], vector<16xf32>, vector<16xi1>
    } else {
    }
    %add3A_461 = arith.constant 1 : i32
    %add3A_462 = arith.addi %shift_right_logical3A_444, %add3A_461 : i32
    %sub3A_463 = arith.constant 1 : i32
    %sub3A_464 = arith.subi %shift_right_logical3A_450, %sub3A_463 : i32
    %sub3A_465 = arith.subi %sub3A_464, %add3A_462 : i32
    %sub3A_466 = arith.constant 1 : i32
    %sub3A_467 = arith.constant 1 : i32
    %sub3A_468 = arith.subi %sub3A_466, %sub3A_467 : i32
    %add3A_469 = arith.addi %sub3A_465, %sub3A_468 : i32
    %div3A_470 = arith.constant 1 : i32
    %div3A_471 = arith.divsi %add3A_469, %div3A_470 : i32
    %while3A_472 = arith.constant 1 : i32
    %while3A_473 = arith.constant 0 : i32
    %while3A_474 = arith.subi %div3A_471, %while3A_473 : i32
    %while3A_475 = arith.addi %while3A_473, %while3A_474 : i32
    %while3A_476 = arith.constant 1 : i32
    %while3A_477 = arith.divsi %while3A_474, %while3A_476 : i32
    %while3A_478 = arith.muli %while3A_477, %while3A_476 : i32
    %while3A_479 = arith.addi %while3A_473, %while3A_478 : i32
    %while3A_480 = arith.constant 1 : i32
    scf.for %while3A_1539 = %while3A_473 to %while3A_479 step %while3A_480  : i32 {
      %mul3A_1540 = arith.muli %while3A_1539, %while3A_472 : i32
      %add3A_1541 = arith.addi %add3A_462, %mul3A_1540 : i32
      %mul3A_1542 = arith.constant 16 : i32
      %mul3A_1543 = arith.muli %add3A_1541, %mul3A_1542 : i32
      %get3A_1544 = arith.index_cast %mul3A_1543 : i32 to index
      %get3A_1545 = tpu.vector_load %arg10[%get3A_1544] {strides = array<i32>} : memref<16384xi32, #tpu.memory_space<vmem>>, vector<16xi32>,
      %and3A = arith.constant 16383 : i32
      %and3A_1546 = vector.broadcast %and3A : i32 to vector<16xi32>
      %and3A_1547 = arith.andi %get3A_1545, %and3A_1546 : vector<16xi32>
      %shift_right_logical3A_1548 = arith.constant 14 : i32
      %shift_right_logical3A_1549 = vector.broadcast %shift_right_logical3A_1548 : i32 to vector<16xi32>
      %shift_right_logical3A_1550 = arith.shrui %get3A_1545, %shift_right_logical3A_1549 : vector<16xi32>
      %and3A_1551 = arith.constant 16383 : i32
      %and3A_1552 = vector.broadcast %and3A_1551 : i32 to vector<16xi32>
      %and3A_1553 = arith.andi %shift_right_logical3A_1550, %and3A_1552 : vector<16xi32>
      %gather3A = tpu.vector_load_idx %arg7[%broadcast_in_dim3A_25, %and3A_1547] : memref<2x16384xf32, #tpu.memory_space<vmem>>[vector<16xi32>, vector<16xi32>], vector<16xf32>,
      %gather3A_1554 = tpu.vector_load_idx %arg7[%broadcast_in_dim3A_27, %and3A_1547] : memref<2x16384xf32, #tpu.memory_space<vmem>>[vector<16xi32>, vector<16xi32>], vector<16xf32>,
      tpu.vector_store_idx %arg9[%broadcast_in_dim3A_25, %and3A_1553], %gather3A : memref<2x16384xf32, #tpu.memory_space<vmem>>[vector<16xi32>, vector<16xi32>], vector<16xf32>,
      tpu.vector_store_idx %arg9[%broadcast_in_dim3A_27, %and3A_1553], %gather3A_1554 : memref<2x16384xf32, #tpu.memory_space<vmem>>[vector<16xi32>, vector<16xi32>], vector<16xf32>,
    }
    %while3A_481 = arith.constant 1 : i32
    scf.for %while3A_1539 = %while3A_479 to %while3A_475 step %while3A_481  : i32 {
      %mul3A_1540 = arith.muli %while3A_1539, %while3A_472 : i32
      %add3A_1541 = arith.addi %add3A_462, %mul3A_1540 : i32
      %mul3A_1542 = arith.constant 16 : i32
      %mul3A_1543 = arith.muli %add3A_1541, %mul3A_1542 : i32
      %get3A_1544 = arith.index_cast %mul3A_1543 : i32 to index
      %get3A_1545 = tpu.vector_load %arg10[%get3A_1544] {strides = array<i32>} : memref<16384xi32, #tpu.memory_space<vmem>>, vector<16xi32>,
      %and3A = arith.constant 16383 : i32
      %and3A_1546 = vector.broadcast %and3A : i32 to vector<16xi32>
      %and3A_1547 = arith.andi %get3A_1545, %and3A_1546 : vector<16xi32>
      %shift_right_logical3A_1548 = arith.constant 14 : i32
      %shift_right_logical3A_1549 = vector.broadcast %shift_right_logical3A_1548 : i32 to vector<16xi32>
      %shift_right_logical3A_1550 = arith.shrui %get3A_1545, %shift_right_logical3A_1549 : vector<16xi32>
      %and3A_1551 = arith.constant 16383 : i32
      %and3A_1552 = vector.broadcast %and3A_1551 : i32 to vector<16xi32>
      %and3A_1553 = arith.andi %shift_right_logical3A_1550, %and3A_1552 : vector<16xi32>
      %gather3A = tpu.vector_load_idx %arg7[%broadcast_in_dim3A_25, %and3A_1547] : memref<2x16384xf32, #tpu.memory_space<vmem>>[vector<16xi32>, vector<16xi32>], vector<16xf32>,
      %gather3A_1554 = tpu.vector_load_idx %arg7[%broadcast_in_dim3A_27, %and3A_1547] : memref<2x16384xf32, #tpu.memory_space<vmem>>[vector<16xi32>, vector<16xi32>], vector<16xf32>,
      tpu.vector_store_idx %arg9[%broadcast_in_dim3A_25, %and3A_1553], %gather3A : memref<2x16384xf32, #tpu.memory_space<vmem>>[vector<16xi32>, vector<16xi32>], vector<16xf32>,
      tpu.vector_store_idx %arg9[%broadcast_in_dim3A_27, %and3A_1553], %gather3A_1554 : memref<2x16384xf32, #tpu.memory_space<vmem>>[vector<16xi32>, vector<16xi32>], vector<16xf32>,
    }
    %dma_wait3A_482 = arith.constant 0 : i32
    %dma_wait3A_483 = arith.constant 0 : i32
    %dma_wait3A_484 = tpu.memref_slice %arg8[%dma_wait3A_482, %dma_wait3A_483] : memref<2x16384xf32, #tpu.memory_space<vmem>> -> memref<2x8192xf32, #tpu.memory_space<vmem>>
    %dma_wait3A_485 = arith.constant 81920 : i32
    %dma_wait3A_486 = tpu.memref_slice %arg2[%mul3A_2, %dma_wait3A_485] : memref<64x250000xf32, #tpu.memory_space<hbm>> -> memref<2x8192xf32, #tpu.memory_space<hbm>>
    %dma_wait3A_487 = arith.constant 0 : i32
    %dma_wait3A_488 = arith.constant 0 : i32
    %dma_wait3A_489 = tpu.memref_slice %arg8[%dma_wait3A_487, %dma_wait3A_488] : memref<2x16384xf32, #tpu.memory_space<vmem>> -> memref<2x8192xf32, #tpu.memory_space<vmem>>
    %dma_wait3A_490 = arith.constant 81920 : i32
    %dma_wait3A_491 = tpu.memref_slice %arg2[%mul3A_2, %dma_wait3A_490] : memref<64x250000xf32, #tpu.memory_space<hbm>> -> memref<2x8192xf32, #tpu.memory_space<hbm>>
    tpu.wait_dma2 semaphore(%arg15 : memref<!tpu.dma_semaphore, #tpu.memory_space<semaphore_mem>>) src(%dma_wait3A_491 : memref<2x8192xf32, #tpu.memory_space<hbm>>) dst(%dma_wait3A_489 : memref<2x8192xf32, #tpu.memory_space<vmem>>)
    %dma_wait3A_492 = arith.constant 0 : i32
    %dma_wait3A_493 = arith.constant 8192 : i32
    %dma_wait3A_494 = tpu.memref_slice %arg8[%dma_wait3A_492, %dma_wait3A_493] : memref<2x16384xf32, #tpu.memory_space<vmem>> -> memref<2x8192xf32, #tpu.memory_space<vmem>>
    %dma_wait3A_495 = arith.constant 90112 : i32
    %dma_wait3A_496 = tpu.memref_slice %arg2[%mul3A_2, %dma_wait3A_495] : memref<64x250000xf32, #tpu.memory_space<hbm>> -> memref<2x8192xf32, #tpu.memory_space<hbm>>
    %dma_wait3A_497 = arith.constant 0 : i32
    %dma_wait3A_498 = arith.constant 8192 : i32
    %dma_wait3A_499 = tpu.memref_slice %arg8[%dma_wait3A_497, %dma_wait3A_498] : memref<2x16384xf32, #tpu.memory_space<vmem>> -> memref<2x8192xf32, #tpu.memory_space<vmem>>
    %dma_wait3A_500 = arith.constant 90112 : i32
    %dma_wait3A_501 = tpu.memref_slice %arg2[%mul3A_2, %dma_wait3A_500] : memref<64x250000xf32, #tpu.memory_space<hbm>> -> memref<2x8192xf32, #tpu.memory_space<hbm>>
    tpu.wait_dma2 semaphore(%arg15 : memref<!tpu.dma_semaphore, #tpu.memory_space<semaphore_mem>>) src(%dma_wait3A_501 : memref<2x8192xf32, #tpu.memory_space<hbm>>) dst(%dma_wait3A_499 : memref<2x8192xf32, #tpu.memory_space<vmem>>)
    %dma_start3A_502 = arith.constant 0 : i32
    %dma_start3A_503 = arith.constant 0 : i32
    %dma_start3A_504 = tpu.memref_slice %arg7[%dma_start3A_502, %dma_start3A_503] : memref<2x16384xf32, #tpu.memory_space<vmem>> -> memref<2x8192xf32, #tpu.memory_space<vmem>>
    %dma_start3A_505 = arith.constant 98304 : i32
    %dma_start3A_506 = tpu.memref_slice %arg2[%mul3A_2, %dma_start3A_505] : memref<64x250000xf32, #tpu.memory_space<hbm>> -> memref<2x8192xf32, #tpu.memory_space<hbm>>
    %dma_start3A_507 = arith.constant 0 : i32
    %dma_start3A_508 = arith.constant 0 : i32
    %dma_start3A_509 = tpu.memref_slice %arg7[%dma_start3A_507, %dma_start3A_508] : memref<2x16384xf32, #tpu.memory_space<vmem>> -> memref<2x8192xf32, #tpu.memory_space<vmem>>
    %dma_start3A_510 = arith.constant 98304 : i32
    %dma_start3A_511 = tpu.memref_slice %arg2[%mul3A_2, %dma_start3A_510] : memref<64x250000xf32, #tpu.memory_space<hbm>> -> memref<2x8192xf32, #tpu.memory_space<hbm>>
    tpu.enqueue_dma source(%dma_start3A_511 : memref<2x8192xf32, #tpu.memory_space<hbm>>) target(%dma_start3A_509 : memref<2x8192xf32, #tpu.memory_space<vmem>>) target_semaphore(%arg14 : memref<!tpu.dma_semaphore, #tpu.memory_space<semaphore_mem>>)
    %dma_start3A_512 = arith.constant 0 : i32
    %dma_start3A_513 = arith.constant 8192 : i32
    %dma_start3A_514 = tpu.memref_slice %arg7[%dma_start3A_512, %dma_start3A_513] : memref<2x16384xf32, #tpu.memory_space<vmem>> -> memref<2x8192xf32, #tpu.memory_space<vmem>>
    %dma_start3A_515 = arith.constant 106496 : i32
    %dma_start3A_516 = tpu.memref_slice %arg2[%mul3A_2, %dma_start3A_515] : memref<64x250000xf32, #tpu.memory_space<hbm>> -> memref<2x8192xf32, #tpu.memory_space<hbm>>
    %dma_start3A_517 = arith.constant 0 : i32
    %dma_start3A_518 = arith.constant 8192 : i32
    %dma_start3A_519 = tpu.memref_slice %arg7[%dma_start3A_517, %dma_start3A_518] : memref<2x16384xf32, #tpu.memory_space<vmem>> -> memref<2x8192xf32, #tpu.memory_space<vmem>>
    %dma_start3A_520 = arith.constant 106496 : i32
    %dma_start3A_521 = tpu.memref_slice %arg2[%mul3A_2, %dma_start3A_520] : memref<64x250000xf32, #tpu.memory_space<hbm>> -> memref<2x8192xf32, #tpu.memory_space<hbm>>
    tpu.enqueue_dma source(%dma_start3A_521 : memref<2x8192xf32, #tpu.memory_space<hbm>>) target(%dma_start3A_519 : memref<2x8192xf32, #tpu.memory_space<vmem>>) target_semaphore(%arg14 : memref<!tpu.dma_semaphore, #tpu.memory_space<semaphore_mem>>)
    %eq3A_522 = arith.constant 5 : i32
    %eq3A_523 = vector.broadcast %eq3A_522 : i32 to vector<16xi32>
    %eq3A_524 = arith.cmpi eq, %iota3A, %eq3A_523 : vector<16xi32>
    %convert_element_type3A_525 = arith.extui %eq3A_524 : vector<16xi1> to vector<16xi32>
    %mul3A_526 = arith.muli %convert_element_type3A_525, %get3A_3 : vector<16xi32>
    %reduce_sum3A_527 = arith.constant true
    %reduce_sum3A_528 = vector.broadcast %reduce_sum3A_527 : i1 to vector<16xi1>
    %reduce_sum3A_529 = tpu.scan <sum>, %mul3A_526 masked %reduce_sum3A_528 : vector<16xi32>, vector<16xi1> -> vector<16xi32>
    %reduce_sum3A_530 = vector.extract %reduce_sum3A_529[15] : i32 from vector<16xi32>
    %mul3A_531 = arith.muli %convert_element_type3A_525, %get3A_5 : vector<16xi32>
    %reduce_sum3A_532 = arith.constant true
    %reduce_sum3A_533 = vector.broadcast %reduce_sum3A_532 : i1 to vector<16xi1>
    %reduce_sum3A_534 = tpu.scan <sum>, %mul3A_531 masked %reduce_sum3A_533 : vector<16xi32>, vector<16xi1> -> vector<16xi32>
    %reduce_sum3A_535 = vector.extract %reduce_sum3A_534[15] : i32 from vector<16xi32>
    %shift_right_logical3A_536 = arith.constant 4 : i32
    %shift_right_logical3A_537 = arith.shrui %reduce_sum3A_530, %shift_right_logical3A_536 : i32
    %add3A_538 = arith.constant 16 : i32
    %add3A_539 = arith.addi %reduce_sum3A_535, %add3A_538 : i32
    %sub3A_540 = arith.constant 1 : i32
    %sub3A_541 = arith.subi %add3A_539, %sub3A_540 : i32
    %shift_right_logical3A_542 = arith.constant 4 : i32
    %shift_right_logical3A_543 = arith.shrui %sub3A_541, %shift_right_logical3A_542 : i32
    %lt3A_544 = arith.cmpi slt, %shift_right_logical3A_537, %shift_right_logical3A_543 : i32
    %convert_element_type3A_545 = arith.extui %lt3A_544 : i1 to i32
    %cond3A_546 = arith.constant 0 : i32
    %cond3A_547 = arith.cmpi ne, %convert_element_type3A_545, %cond3A_546 : i32
    scf.if %cond3A_547 {
      %mul3A_1539 = arith.constant 16 : i32
      %mul3A_1540 = arith.muli %shift_right_logical3A_537, %mul3A_1539 : i32
      %get3A_1541 = arith.index_cast %mul3A_1540 : i32 to index
      %get3A_1542 = tpu.vector_load %arg10[%get3A_1541] {strides = array<i32>} : memref<16384xi32, #tpu.memory_space<vmem>>, vector<16xi32>,
      %and3A = arith.constant 16383 : i32
      %and3A_1543 = vector.broadcast %and3A : i32 to vector<16xi32>
      %and3A_1544 = arith.andi %get3A_1542, %and3A_1543 : vector<16xi32>
      %shift_right_logical3A_1545 = arith.constant 14 : i32
      %shift_right_logical3A_1546 = vector.broadcast %shift_right_logical3A_1545 : i32 to vector<16xi32>
      %shift_right_logical3A_1547 = arith.shrui %get3A_1542, %shift_right_logical3A_1546 : vector<16xi32>
      %and3A_1548 = arith.constant 16383 : i32
      %and3A_1549 = vector.broadcast %and3A_1548 : i32 to vector<16xi32>
      %and3A_1550 = arith.andi %shift_right_logical3A_1547, %and3A_1549 : vector<16xi32>
      %gather3A = tpu.vector_load_idx %arg8[%broadcast_in_dim3A_25, %and3A_1544] : memref<2x16384xf32, #tpu.memory_space<vmem>>[vector<16xi32>, vector<16xi32>], vector<16xf32>,
      %gather3A_1551 = tpu.vector_load_idx %arg8[%broadcast_in_dim3A_27, %and3A_1544] : memref<2x16384xf32, #tpu.memory_space<vmem>>[vector<16xi32>, vector<16xi32>], vector<16xf32>,
      %mul3A_1552 = arith.constant 16 : i32
      %mul3A_1553 = arith.muli %shift_right_logical3A_537, %mul3A_1552 : i32
      %add3A_1554 = vector.broadcast %mul3A_1553 : i32 to vector<16xi32>
      %add3A_1555 = arith.addi %add3A_1554, %iota3A : vector<16xi32>
      %ge3A = vector.broadcast %reduce_sum3A_530 : i32 to vector<16xi32>
      %ge3A_1556 = arith.cmpi sge, %add3A_1555, %ge3A : vector<16xi32>
      %lt3A_1557 = vector.broadcast %reduce_sum3A_535 : i32 to vector<16xi32>
      %lt3A_1558 = arith.cmpi slt, %add3A_1555, %lt3A_1557 : vector<16xi32>
      %and3A_1559 = arith.andi %ge3A_1556, %lt3A_1558 : vector<16xi1>
      tpu.vector_store_idx %arg9[%broadcast_in_dim3A_25, %and3A_1550], %gather3A masked %and3A_1559 : memref<2x16384xf32, #tpu.memory_space<vmem>>[vector<16xi32>, vector<16xi32>], vector<16xf32>, vector<16xi1>
      tpu.vector_store_idx %arg9[%broadcast_in_dim3A_27, %and3A_1550], %gather3A_1551 masked %and3A_1559 : memref<2x16384xf32, #tpu.memory_space<vmem>>[vector<16xi32>, vector<16xi32>], vector<16xf32>, vector<16xi1>
    } else {
    }
    %add3A_548 = arith.constant 1 : i32
    %add3A_549 = arith.addi %shift_right_logical3A_537, %add3A_548 : i32
    %gt3A_550 = arith.cmpi sgt, %shift_right_logical3A_543, %add3A_549 : i32
    %convert_element_type3A_551 = arith.extui %gt3A_550 : i1 to i32
    %cond3A_552 = arith.constant 0 : i32
    %cond3A_553 = arith.cmpi ne, %convert_element_type3A_551, %cond3A_552 : i32
    scf.if %cond3A_553 {
      %sub3A_1539 = arith.constant 1 : i32
      %sub3A_1540 = arith.subi %shift_right_logical3A_543, %sub3A_1539 : i32
      %mul3A_1541 = arith.constant 16 : i32
      %mul3A_1542 = arith.muli %sub3A_1540, %mul3A_1541 : i32
      %get3A_1543 = arith.index_cast %mul3A_1542 : i32 to index
      %get3A_1544 = tpu.vector_load %arg10[%get3A_1543] {strides = array<i32>} : memref<16384xi32, #tpu.memory_space<vmem>>, vector<16xi32>,
      %and3A = arith.constant 16383 : i32
      %and3A_1545 = vector.broadcast %and3A : i32 to vector<16xi32>
      %and3A_1546 = arith.andi %get3A_1544, %and3A_1545 : vector<16xi32>
      %shift_right_logical3A_1547 = arith.constant 14 : i32
      %shift_right_logical3A_1548 = vector.broadcast %shift_right_logical3A_1547 : i32 to vector<16xi32>
      %shift_right_logical3A_1549 = arith.shrui %get3A_1544, %shift_right_logical3A_1548 : vector<16xi32>
      %and3A_1550 = arith.constant 16383 : i32
      %and3A_1551 = vector.broadcast %and3A_1550 : i32 to vector<16xi32>
      %and3A_1552 = arith.andi %shift_right_logical3A_1549, %and3A_1551 : vector<16xi32>
      %gather3A = tpu.vector_load_idx %arg8[%broadcast_in_dim3A_25, %and3A_1546] : memref<2x16384xf32, #tpu.memory_space<vmem>>[vector<16xi32>, vector<16xi32>], vector<16xf32>,
      %gather3A_1553 = tpu.vector_load_idx %arg8[%broadcast_in_dim3A_27, %and3A_1546] : memref<2x16384xf32, #tpu.memory_space<vmem>>[vector<16xi32>, vector<16xi32>], vector<16xf32>,
      %mul3A_1554 = arith.constant 16 : i32
      %mul3A_1555 = arith.muli %sub3A_1540, %mul3A_1554 : i32
      %add3A_1556 = vector.broadcast %mul3A_1555 : i32 to vector<16xi32>
      %add3A_1557 = arith.addi %add3A_1556, %iota3A : vector<16xi32>
      %ge3A = vector.broadcast %reduce_sum3A_530 : i32 to vector<16xi32>
      %ge3A_1558 = arith.cmpi sge, %add3A_1557, %ge3A : vector<16xi32>
      %lt3A_1559 = vector.broadcast %reduce_sum3A_535 : i32 to vector<16xi32>
      %lt3A_1560 = arith.cmpi slt, %add3A_1557, %lt3A_1559 : vector<16xi32>
      %and3A_1561 = arith.andi %ge3A_1558, %lt3A_1560 : vector<16xi1>
      tpu.vector_store_idx %arg9[%broadcast_in_dim3A_25, %and3A_1552], %gather3A masked %and3A_1561 : memref<2x16384xf32, #tpu.memory_space<vmem>>[vector<16xi32>, vector<16xi32>], vector<16xf32>, vector<16xi1>
      tpu.vector_store_idx %arg9[%broadcast_in_dim3A_27, %and3A_1552], %gather3A_1553 masked %and3A_1561 : memref<2x16384xf32, #tpu.memory_space<vmem>>[vector<16xi32>, vector<16xi32>], vector<16xf32>, vector<16xi1>
    } else {
    }
    %add3A_554 = arith.constant 1 : i32
    %add3A_555 = arith.addi %shift_right_logical3A_537, %add3A_554 : i32
    %sub3A_556 = arith.constant 1 : i32
    %sub3A_557 = arith.subi %shift_right_logical3A_543, %sub3A_556 : i32
    %sub3A_558 = arith.subi %sub3A_557, %add3A_555 : i32
    %sub3A_559 = arith.constant 1 : i32
    %sub3A_560 = arith.constant 1 : i32
    %sub3A_561 = arith.subi %sub3A_559, %sub3A_560 : i32
    %add3A_562 = arith.addi %sub3A_558, %sub3A_561 : i32
    %div3A_563 = arith.constant 1 : i32
    %div3A_564 = arith.divsi %add3A_562, %div3A_563 : i32
    %while3A_565 = arith.constant 1 : i32
    %while3A_566 = arith.constant 0 : i32
    %while3A_567 = arith.subi %div3A_564, %while3A_566 : i32
    %while3A_568 = arith.addi %while3A_566, %while3A_567 : i32
    %while3A_569 = arith.constant 1 : i32
    %while3A_570 = arith.divsi %while3A_567, %while3A_569 : i32
    %while3A_571 = arith.muli %while3A_570, %while3A_569 : i32
    %while3A_572 = arith.addi %while3A_566, %while3A_571 : i32
    %while3A_573 = arith.constant 1 : i32
    scf.for %while3A_1539 = %while3A_566 to %while3A_572 step %while3A_573  : i32 {
      %mul3A_1540 = arith.muli %while3A_1539, %while3A_565 : i32
      %add3A_1541 = arith.addi %add3A_555, %mul3A_1540 : i32
      %mul3A_1542 = arith.constant 16 : i32
      %mul3A_1543 = arith.muli %add3A_1541, %mul3A_1542 : i32
      %get3A_1544 = arith.index_cast %mul3A_1543 : i32 to index
      %get3A_1545 = tpu.vector_load %arg10[%get3A_1544] {strides = array<i32>} : memref<16384xi32, #tpu.memory_space<vmem>>, vector<16xi32>,
      %and3A = arith.constant 16383 : i32
      %and3A_1546 = vector.broadcast %and3A : i32 to vector<16xi32>
      %and3A_1547 = arith.andi %get3A_1545, %and3A_1546 : vector<16xi32>
      %shift_right_logical3A_1548 = arith.constant 14 : i32
      %shift_right_logical3A_1549 = vector.broadcast %shift_right_logical3A_1548 : i32 to vector<16xi32>
      %shift_right_logical3A_1550 = arith.shrui %get3A_1545, %shift_right_logical3A_1549 : vector<16xi32>
      %and3A_1551 = arith.constant 16383 : i32
      %and3A_1552 = vector.broadcast %and3A_1551 : i32 to vector<16xi32>
      %and3A_1553 = arith.andi %shift_right_logical3A_1550, %and3A_1552 : vector<16xi32>
      %gather3A = tpu.vector_load_idx %arg8[%broadcast_in_dim3A_25, %and3A_1547] : memref<2x16384xf32, #tpu.memory_space<vmem>>[vector<16xi32>, vector<16xi32>], vector<16xf32>,
      %gather3A_1554 = tpu.vector_load_idx %arg8[%broadcast_in_dim3A_27, %and3A_1547] : memref<2x16384xf32, #tpu.memory_space<vmem>>[vector<16xi32>, vector<16xi32>], vector<16xf32>,
      tpu.vector_store_idx %arg9[%broadcast_in_dim3A_25, %and3A_1553], %gather3A : memref<2x16384xf32, #tpu.memory_space<vmem>>[vector<16xi32>, vector<16xi32>], vector<16xf32>,
      tpu.vector_store_idx %arg9[%broadcast_in_dim3A_27, %and3A_1553], %gather3A_1554 : memref<2x16384xf32, #tpu.memory_space<vmem>>[vector<16xi32>, vector<16xi32>], vector<16xf32>,
    }
    %while3A_574 = arith.constant 1 : i32
    scf.for %while3A_1539 = %while3A_572 to %while3A_568 step %while3A_574  : i32 {
      %mul3A_1540 = arith.muli %while3A_1539, %while3A_565 : i32
      %add3A_1541 = arith.addi %add3A_555, %mul3A_1540 : i32
      %mul3A_1542 = arith.constant 16 : i32
      %mul3A_1543 = arith.muli %add3A_1541, %mul3A_1542 : i32
      %get3A_1544 = arith.index_cast %mul3A_1543 : i32 to index
      %get3A_1545 = tpu.vector_load %arg10[%get3A_1544] {strides = array<i32>} : memref<16384xi32, #tpu.memory_space<vmem>>, vector<16xi32>,
      %and3A = arith.constant 16383 : i32
      %and3A_1546 = vector.broadcast %and3A : i32 to vector<16xi32>
      %and3A_1547 = arith.andi %get3A_1545, %and3A_1546 : vector<16xi32>
      %shift_right_logical3A_1548 = arith.constant 14 : i32
      %shift_right_logical3A_1549 = vector.broadcast %shift_right_logical3A_1548 : i32 to vector<16xi32>
      %shift_right_logical3A_1550 = arith.shrui %get3A_1545, %shift_right_logical3A_1549 : vector<16xi32>
      %and3A_1551 = arith.constant 16383 : i32
      %and3A_1552 = vector.broadcast %and3A_1551 : i32 to vector<16xi32>
      %and3A_1553 = arith.andi %shift_right_logical3A_1550, %and3A_1552 : vector<16xi32>
      %gather3A = tpu.vector_load_idx %arg8[%broadcast_in_dim3A_25, %and3A_1547] : memref<2x16384xf32, #tpu.memory_space<vmem>>[vector<16xi32>, vector<16xi32>], vector<16xf32>,
      %gather3A_1554 = tpu.vector_load_idx %arg8[%broadcast_in_dim3A_27, %and3A_1547] : memref<2x16384xf32, #tpu.memory_space<vmem>>[vector<16xi32>, vector<16xi32>], vector<16xf32>,
      tpu.vector_store_idx %arg9[%broadcast_in_dim3A_25, %and3A_1553], %gather3A : memref<2x16384xf32, #tpu.memory_space<vmem>>[vector<16xi32>, vector<16xi32>], vector<16xf32>,
      tpu.vector_store_idx %arg9[%broadcast_in_dim3A_27, %and3A_1553], %gather3A_1554 : memref<2x16384xf32, #tpu.memory_space<vmem>>[vector<16xi32>, vector<16xi32>], vector<16xf32>,
    }
    %dma_wait3A_575 = arith.constant 0 : i32
    %dma_wait3A_576 = arith.constant 0 : i32
    %dma_wait3A_577 = tpu.memref_slice %arg7[%dma_wait3A_575, %dma_wait3A_576] : memref<2x16384xf32, #tpu.memory_space<vmem>> -> memref<2x8192xf32, #tpu.memory_space<vmem>>
    %dma_wait3A_578 = arith.constant 98304 : i32
    %dma_wait3A_579 = tpu.memref_slice %arg2[%mul3A_2, %dma_wait3A_578] : memref<64x250000xf32, #tpu.memory_space<hbm>> -> memref<2x8192xf32, #tpu.memory_space<hbm>>
    %dma_wait3A_580 = arith.constant 0 : i32
    %dma_wait3A_581 = arith.constant 0 : i32
    %dma_wait3A_582 = tpu.memref_slice %arg7[%dma_wait3A_580, %dma_wait3A_581] : memref<2x16384xf32, #tpu.memory_space<vmem>> -> memref<2x8192xf32, #tpu.memory_space<vmem>>
    %dma_wait3A_583 = arith.constant 98304 : i32
    %dma_wait3A_584 = tpu.memref_slice %arg2[%mul3A_2, %dma_wait3A_583] : memref<64x250000xf32, #tpu.memory_space<hbm>> -> memref<2x8192xf32, #tpu.memory_space<hbm>>
    tpu.wait_dma2 semaphore(%arg14 : memref<!tpu.dma_semaphore, #tpu.memory_space<semaphore_mem>>) src(%dma_wait3A_584 : memref<2x8192xf32, #tpu.memory_space<hbm>>) dst(%dma_wait3A_582 : memref<2x8192xf32, #tpu.memory_space<vmem>>)
    %dma_wait3A_585 = arith.constant 0 : i32
    %dma_wait3A_586 = arith.constant 8192 : i32
    %dma_wait3A_587 = tpu.memref_slice %arg7[%dma_wait3A_585, %dma_wait3A_586] : memref<2x16384xf32, #tpu.memory_space<vmem>> -> memref<2x8192xf32, #tpu.memory_space<vmem>>
    %dma_wait3A_588 = arith.constant 106496 : i32
    %dma_wait3A_589 = tpu.memref_slice %arg2[%mul3A_2, %dma_wait3A_588] : memref<64x250000xf32, #tpu.memory_space<hbm>> -> memref<2x8192xf32, #tpu.memory_space<hbm>>
    %dma_wait3A_590 = arith.constant 0 : i32
    %dma_wait3A_591 = arith.constant 8192 : i32
    %dma_wait3A_592 = tpu.memref_slice %arg7[%dma_wait3A_590, %dma_wait3A_591] : memref<2x16384xf32, #tpu.memory_space<vmem>> -> memref<2x8192xf32, #tpu.memory_space<vmem>>
    %dma_wait3A_593 = arith.constant 106496 : i32
    %dma_wait3A_594 = tpu.memref_slice %arg2[%mul3A_2, %dma_wait3A_593] : memref<64x250000xf32, #tpu.memory_space<hbm>> -> memref<2x8192xf32, #tpu.memory_space<hbm>>
    tpu.wait_dma2 semaphore(%arg14 : memref<!tpu.dma_semaphore, #tpu.memory_space<semaphore_mem>>) src(%dma_wait3A_594 : memref<2x8192xf32, #tpu.memory_space<hbm>>) dst(%dma_wait3A_592 : memref<2x8192xf32, #tpu.memory_space<vmem>>)
    %dma_start3A_595 = arith.constant 0 : i32
    %dma_start3A_596 = arith.constant 0 : i32
    %dma_start3A_597 = tpu.memref_slice %arg8[%dma_start3A_595, %dma_start3A_596] : memref<2x16384xf32, #tpu.memory_space<vmem>> -> memref<2x8192xf32, #tpu.memory_space<vmem>>
    %dma_start3A_598 = arith.constant 114688 : i32
    %dma_start3A_599 = tpu.memref_slice %arg2[%mul3A_2, %dma_start3A_598] : memref<64x250000xf32, #tpu.memory_space<hbm>> -> memref<2x8192xf32, #tpu.memory_space<hbm>>
    %dma_start3A_600 = arith.constant 0 : i32
    %dma_start3A_601 = arith.constant 0 : i32
    %dma_start3A_602 = tpu.memref_slice %arg8[%dma_start3A_600, %dma_start3A_601] : memref<2x16384xf32, #tpu.memory_space<vmem>> -> memref<2x8192xf32, #tpu.memory_space<vmem>>
    %dma_start3A_603 = arith.constant 114688 : i32
    %dma_start3A_604 = tpu.memref_slice %arg2[%mul3A_2, %dma_start3A_603] : memref<64x250000xf32, #tpu.memory_space<hbm>> -> memref<2x8192xf32, #tpu.memory_space<hbm>>
    tpu.enqueue_dma source(%dma_start3A_604 : memref<2x8192xf32, #tpu.memory_space<hbm>>) target(%dma_start3A_602 : memref<2x8192xf32, #tpu.memory_space<vmem>>) target_semaphore(%arg15 : memref<!tpu.dma_semaphore, #tpu.memory_space<semaphore_mem>>)
    %dma_start3A_605 = arith.constant 0 : i32
    %dma_start3A_606 = arith.constant 8192 : i32
    %dma_start3A_607 = tpu.memref_slice %arg8[%dma_start3A_605, %dma_start3A_606] : memref<2x16384xf32, #tpu.memory_space<vmem>> -> memref<2x8192xf32, #tpu.memory_space<vmem>>
    %dma_start3A_608 = arith.constant 122880 : i32
    %dma_start3A_609 = tpu.memref_slice %arg2[%mul3A_2, %dma_start3A_608] : memref<64x250000xf32, #tpu.memory_space<hbm>> -> memref<2x8192xf32, #tpu.memory_space<hbm>>
    %dma_start3A_610 = arith.constant 0 : i32
    %dma_start3A_611 = arith.constant 8192 : i32
    %dma_start3A_612 = tpu.memref_slice %arg8[%dma_start3A_610, %dma_start3A_611] : memref<2x16384xf32, #tpu.memory_space<vmem>> -> memref<2x8192xf32, #tpu.memory_space<vmem>>
    %dma_start3A_613 = arith.constant 122880 : i32
    %dma_start3A_614 = tpu.memref_slice %arg2[%mul3A_2, %dma_start3A_613] : memref<64x250000xf32, #tpu.memory_space<hbm>> -> memref<2x8192xf32, #tpu.memory_space<hbm>>
    tpu.enqueue_dma source(%dma_start3A_614 : memref<2x8192xf32, #tpu.memory_space<hbm>>) target(%dma_start3A_612 : memref<2x8192xf32, #tpu.memory_space<vmem>>) target_semaphore(%arg15 : memref<!tpu.dma_semaphore, #tpu.memory_space<semaphore_mem>>)
    %eq3A_615 = arith.constant 6 : i32
    %eq3A_616 = vector.broadcast %eq3A_615 : i32 to vector<16xi32>
    %eq3A_617 = arith.cmpi eq, %iota3A, %eq3A_616 : vector<16xi32>
    %convert_element_type3A_618 = arith.extui %eq3A_617 : vector<16xi1> to vector<16xi32>
    %mul3A_619 = arith.muli %convert_element_type3A_618, %get3A_3 : vector<16xi32>
    %reduce_sum3A_620 = arith.constant true
    %reduce_sum3A_621 = vector.broadcast %reduce_sum3A_620 : i1 to vector<16xi1>
    %reduce_sum3A_622 = tpu.scan <sum>, %mul3A_619 masked %reduce_sum3A_621 : vector<16xi32>, vector<16xi1> -> vector<16xi32>
    %reduce_sum3A_623 = vector.extract %reduce_sum3A_622[15] : i32 from vector<16xi32>
    %mul3A_624 = arith.muli %convert_element_type3A_618, %get3A_5 : vector<16xi32>
    %reduce_sum3A_625 = arith.constant true
    %reduce_sum3A_626 = vector.broadcast %reduce_sum3A_625 : i1 to vector<16xi1>
    %reduce_sum3A_627 = tpu.scan <sum>, %mul3A_624 masked %reduce_sum3A_626 : vector<16xi32>, vector<16xi1> -> vector<16xi32>
    %reduce_sum3A_628 = vector.extract %reduce_sum3A_627[15] : i32 from vector<16xi32>
    %shift_right_logical3A_629 = arith.constant 4 : i32
    %shift_right_logical3A_630 = arith.shrui %reduce_sum3A_623, %shift_right_logical3A_629 : i32
    %add3A_631 = arith.constant 16 : i32
    %add3A_632 = arith.addi %reduce_sum3A_628, %add3A_631 : i32
    %sub3A_633 = arith.constant 1 : i32
    %sub3A_634 = arith.subi %add3A_632, %sub3A_633 : i32
    %shift_right_logical3A_635 = arith.constant 4 : i32
    %shift_right_logical3A_636 = arith.shrui %sub3A_634, %shift_right_logical3A_635 : i32
    %lt3A_637 = arith.cmpi slt, %shift_right_logical3A_630, %shift_right_logical3A_636 : i32
    %convert_element_type3A_638 = arith.extui %lt3A_637 : i1 to i32
    %cond3A_639 = arith.constant 0 : i32
    %cond3A_640 = arith.cmpi ne, %convert_element_type3A_638, %cond3A_639 : i32
    scf.if %cond3A_640 {
      %mul3A_1539 = arith.constant 16 : i32
      %mul3A_1540 = arith.muli %shift_right_logical3A_630, %mul3A_1539 : i32
      %get3A_1541 = arith.index_cast %mul3A_1540 : i32 to index
      %get3A_1542 = tpu.vector_load %arg10[%get3A_1541] {strides = array<i32>} : memref<16384xi32, #tpu.memory_space<vmem>>, vector<16xi32>,
      %and3A = arith.constant 16383 : i32
      %and3A_1543 = vector.broadcast %and3A : i32 to vector<16xi32>
      %and3A_1544 = arith.andi %get3A_1542, %and3A_1543 : vector<16xi32>
      %shift_right_logical3A_1545 = arith.constant 14 : i32
      %shift_right_logical3A_1546 = vector.broadcast %shift_right_logical3A_1545 : i32 to vector<16xi32>
      %shift_right_logical3A_1547 = arith.shrui %get3A_1542, %shift_right_logical3A_1546 : vector<16xi32>
      %and3A_1548 = arith.constant 16383 : i32
      %and3A_1549 = vector.broadcast %and3A_1548 : i32 to vector<16xi32>
      %and3A_1550 = arith.andi %shift_right_logical3A_1547, %and3A_1549 : vector<16xi32>
      %gather3A = tpu.vector_load_idx %arg7[%broadcast_in_dim3A_25, %and3A_1544] : memref<2x16384xf32, #tpu.memory_space<vmem>>[vector<16xi32>, vector<16xi32>], vector<16xf32>,
      %gather3A_1551 = tpu.vector_load_idx %arg7[%broadcast_in_dim3A_27, %and3A_1544] : memref<2x16384xf32, #tpu.memory_space<vmem>>[vector<16xi32>, vector<16xi32>], vector<16xf32>,
      %mul3A_1552 = arith.constant 16 : i32
      %mul3A_1553 = arith.muli %shift_right_logical3A_630, %mul3A_1552 : i32
      %add3A_1554 = vector.broadcast %mul3A_1553 : i32 to vector<16xi32>
      %add3A_1555 = arith.addi %add3A_1554, %iota3A : vector<16xi32>
      %ge3A = vector.broadcast %reduce_sum3A_623 : i32 to vector<16xi32>
      %ge3A_1556 = arith.cmpi sge, %add3A_1555, %ge3A : vector<16xi32>
      %lt3A_1557 = vector.broadcast %reduce_sum3A_628 : i32 to vector<16xi32>
      %lt3A_1558 = arith.cmpi slt, %add3A_1555, %lt3A_1557 : vector<16xi32>
      %and3A_1559 = arith.andi %ge3A_1556, %lt3A_1558 : vector<16xi1>
      tpu.vector_store_idx %arg9[%broadcast_in_dim3A_25, %and3A_1550], %gather3A masked %and3A_1559 : memref<2x16384xf32, #tpu.memory_space<vmem>>[vector<16xi32>, vector<16xi32>], vector<16xf32>, vector<16xi1>
      tpu.vector_store_idx %arg9[%broadcast_in_dim3A_27, %and3A_1550], %gather3A_1551 masked %and3A_1559 : memref<2x16384xf32, #tpu.memory_space<vmem>>[vector<16xi32>, vector<16xi32>], vector<16xf32>, vector<16xi1>
    } else {
    }
    %add3A_641 = arith.constant 1 : i32
    %add3A_642 = arith.addi %shift_right_logical3A_630, %add3A_641 : i32
    %gt3A_643 = arith.cmpi sgt, %shift_right_logical3A_636, %add3A_642 : i32
    %convert_element_type3A_644 = arith.extui %gt3A_643 : i1 to i32
    %cond3A_645 = arith.constant 0 : i32
    %cond3A_646 = arith.cmpi ne, %convert_element_type3A_644, %cond3A_645 : i32
    scf.if %cond3A_646 {
      %sub3A_1539 = arith.constant 1 : i32
      %sub3A_1540 = arith.subi %shift_right_logical3A_636, %sub3A_1539 : i32
      %mul3A_1541 = arith.constant 16 : i32
      %mul3A_1542 = arith.muli %sub3A_1540, %mul3A_1541 : i32
      %get3A_1543 = arith.index_cast %mul3A_1542 : i32 to index
      %get3A_1544 = tpu.vector_load %arg10[%get3A_1543] {strides = array<i32>} : memref<16384xi32, #tpu.memory_space<vmem>>, vector<16xi32>,
      %and3A = arith.constant 16383 : i32
      %and3A_1545 = vector.broadcast %and3A : i32 to vector<16xi32>
      %and3A_1546 = arith.andi %get3A_1544, %and3A_1545 : vector<16xi32>
      %shift_right_logical3A_1547 = arith.constant 14 : i32
      %shift_right_logical3A_1548 = vector.broadcast %shift_right_logical3A_1547 : i32 to vector<16xi32>
      %shift_right_logical3A_1549 = arith.shrui %get3A_1544, %shift_right_logical3A_1548 : vector<16xi32>
      %and3A_1550 = arith.constant 16383 : i32
      %and3A_1551 = vector.broadcast %and3A_1550 : i32 to vector<16xi32>
      %and3A_1552 = arith.andi %shift_right_logical3A_1549, %and3A_1551 : vector<16xi32>
      %gather3A = tpu.vector_load_idx %arg7[%broadcast_in_dim3A_25, %and3A_1546] : memref<2x16384xf32, #tpu.memory_space<vmem>>[vector<16xi32>, vector<16xi32>], vector<16xf32>,
      %gather3A_1553 = tpu.vector_load_idx %arg7[%broadcast_in_dim3A_27, %and3A_1546] : memref<2x16384xf32, #tpu.memory_space<vmem>>[vector<16xi32>, vector<16xi32>], vector<16xf32>,
      %mul3A_1554 = arith.constant 16 : i32
      %mul3A_1555 = arith.muli %sub3A_1540, %mul3A_1554 : i32
      %add3A_1556 = vector.broadcast %mul3A_1555 : i32 to vector<16xi32>
      %add3A_1557 = arith.addi %add3A_1556, %iota3A : vector<16xi32>
      %ge3A = vector.broadcast %reduce_sum3A_623 : i32 to vector<16xi32>
      %ge3A_1558 = arith.cmpi sge, %add3A_1557, %ge3A : vector<16xi32>
      %lt3A_1559 = vector.broadcast %reduce_sum3A_628 : i32 to vector<16xi32>
      %lt3A_1560 = arith.cmpi slt, %add3A_1557, %lt3A_1559 : vector<16xi32>
      %and3A_1561 = arith.andi %ge3A_1558, %lt3A_1560 : vector<16xi1>
      tpu.vector_store_idx %arg9[%broadcast_in_dim3A_25, %and3A_1552], %gather3A masked %and3A_1561 : memref<2x16384xf32, #tpu.memory_space<vmem>>[vector<16xi32>, vector<16xi32>], vector<16xf32>, vector<16xi1>
      tpu.vector_store_idx %arg9[%broadcast_in_dim3A_27, %and3A_1552], %gather3A_1553 masked %and3A_1561 : memref<2x16384xf32, #tpu.memory_space<vmem>>[vector<16xi32>, vector<16xi32>], vector<16xf32>, vector<16xi1>
    } else {
    }
    %add3A_647 = arith.constant 1 : i32
    %add3A_648 = arith.addi %shift_right_logical3A_630, %add3A_647 : i32
    %sub3A_649 = arith.constant 1 : i32
    %sub3A_650 = arith.subi %shift_right_logical3A_636, %sub3A_649 : i32
    %sub3A_651 = arith.subi %sub3A_650, %add3A_648 : i32
    %sub3A_652 = arith.constant 1 : i32
    %sub3A_653 = arith.constant 1 : i32
    %sub3A_654 = arith.subi %sub3A_652, %sub3A_653 : i32
    %add3A_655 = arith.addi %sub3A_651, %sub3A_654 : i32
    %div3A_656 = arith.constant 1 : i32
    %div3A_657 = arith.divsi %add3A_655, %div3A_656 : i32
    %while3A_658 = arith.constant 1 : i32
    %while3A_659 = arith.constant 0 : i32
    %while3A_660 = arith.subi %div3A_657, %while3A_659 : i32
    %while3A_661 = arith.addi %while3A_659, %while3A_660 : i32
    %while3A_662 = arith.constant 1 : i32
    %while3A_663 = arith.divsi %while3A_660, %while3A_662 : i32
    %while3A_664 = arith.muli %while3A_663, %while3A_662 : i32
    %while3A_665 = arith.addi %while3A_659, %while3A_664 : i32
    %while3A_666 = arith.constant 1 : i32
    scf.for %while3A_1539 = %while3A_659 to %while3A_665 step %while3A_666  : i32 {
      %mul3A_1540 = arith.muli %while3A_1539, %while3A_658 : i32
      %add3A_1541 = arith.addi %add3A_648, %mul3A_1540 : i32
      %mul3A_1542 = arith.constant 16 : i32
      %mul3A_1543 = arith.muli %add3A_1541, %mul3A_1542 : i32
      %get3A_1544 = arith.index_cast %mul3A_1543 : i32 to index
      %get3A_1545 = tpu.vector_load %arg10[%get3A_1544] {strides = array<i32>} : memref<16384xi32, #tpu.memory_space<vmem>>, vector<16xi32>,
      %and3A = arith.constant 16383 : i32
      %and3A_1546 = vector.broadcast %and3A : i32 to vector<16xi32>
      %and3A_1547 = arith.andi %get3A_1545, %and3A_1546 : vector<16xi32>
      %shift_right_logical3A_1548 = arith.constant 14 : i32
      %shift_right_logical3A_1549 = vector.broadcast %shift_right_logical3A_1548 : i32 to vector<16xi32>
      %shift_right_logical3A_1550 = arith.shrui %get3A_1545, %shift_right_logical3A_1549 : vector<16xi32>
      %and3A_1551 = arith.constant 16383 : i32
      %and3A_1552 = vector.broadcast %and3A_1551 : i32 to vector<16xi32>
      %and3A_1553 = arith.andi %shift_right_logical3A_1550, %and3A_1552 : vector<16xi32>
      %gather3A = tpu.vector_load_idx %arg7[%broadcast_in_dim3A_25, %and3A_1547] : memref<2x16384xf32, #tpu.memory_space<vmem>>[vector<16xi32>, vector<16xi32>], vector<16xf32>,
      %gather3A_1554 = tpu.vector_load_idx %arg7[%broadcast_in_dim3A_27, %and3A_1547] : memref<2x16384xf32, #tpu.memory_space<vmem>>[vector<16xi32>, vector<16xi32>], vector<16xf32>,
      tpu.vector_store_idx %arg9[%broadcast_in_dim3A_25, %and3A_1553], %gather3A : memref<2x16384xf32, #tpu.memory_space<vmem>>[vector<16xi32>, vector<16xi32>], vector<16xf32>,
      tpu.vector_store_idx %arg9[%broadcast_in_dim3A_27, %and3A_1553], %gather3A_1554 : memref<2x16384xf32, #tpu.memory_space<vmem>>[vector<16xi32>, vector<16xi32>], vector<16xf32>,
    }
    %while3A_667 = arith.constant 1 : i32
    scf.for %while3A_1539 = %while3A_665 to %while3A_661 step %while3A_667  : i32 {
      %mul3A_1540 = arith.muli %while3A_1539, %while3A_658 : i32
      %add3A_1541 = arith.addi %add3A_648, %mul3A_1540 : i32
      %mul3A_1542 = arith.constant 16 : i32
      %mul3A_1543 = arith.muli %add3A_1541, %mul3A_1542 : i32
      %get3A_1544 = arith.index_cast %mul3A_1543 : i32 to index
      %get3A_1545 = tpu.vector_load %arg10[%get3A_1544] {strides = array<i32>} : memref<16384xi32, #tpu.memory_space<vmem>>, vector<16xi32>,
      %and3A = arith.constant 16383 : i32
      %and3A_1546 = vector.broadcast %and3A : i32 to vector<16xi32>
      %and3A_1547 = arith.andi %get3A_1545, %and3A_1546 : vector<16xi32>
      %shift_right_logical3A_1548 = arith.constant 14 : i32
      %shift_right_logical3A_1549 = vector.broadcast %shift_right_logical3A_1548 : i32 to vector<16xi32>
      %shift_right_logical3A_1550 = arith.shrui %get3A_1545, %shift_right_logical3A_1549 : vector<16xi32>
      %and3A_1551 = arith.constant 16383 : i32
      %and3A_1552 = vector.broadcast %and3A_1551 : i32 to vector<16xi32>
      %and3A_1553 = arith.andi %shift_right_logical3A_1550, %and3A_1552 : vector<16xi32>
      %gather3A = tpu.vector_load_idx %arg7[%broadcast_in_dim3A_25, %and3A_1547] : memref<2x16384xf32, #tpu.memory_space<vmem>>[vector<16xi32>, vector<16xi32>], vector<16xf32>,
      %gather3A_1554 = tpu.vector_load_idx %arg7[%broadcast_in_dim3A_27, %and3A_1547] : memref<2x16384xf32, #tpu.memory_space<vmem>>[vector<16xi32>, vector<16xi32>], vector<16xf32>,
      tpu.vector_store_idx %arg9[%broadcast_in_dim3A_25, %and3A_1553], %gather3A : memref<2x16384xf32, #tpu.memory_space<vmem>>[vector<16xi32>, vector<16xi32>], vector<16xf32>,
      tpu.vector_store_idx %arg9[%broadcast_in_dim3A_27, %and3A_1553], %gather3A_1554 : memref<2x16384xf32, #tpu.memory_space<vmem>>[vector<16xi32>, vector<16xi32>], vector<16xf32>,
    }
    %dma_wait3A_668 = arith.constant 0 : i32
    %dma_wait3A_669 = arith.constant 0 : i32
    %dma_wait3A_670 = tpu.memref_slice %arg8[%dma_wait3A_668, %dma_wait3A_669] : memref<2x16384xf32, #tpu.memory_space<vmem>> -> memref<2x8192xf32, #tpu.memory_space<vmem>>
    %dma_wait3A_671 = arith.constant 114688 : i32
    %dma_wait3A_672 = tpu.memref_slice %arg2[%mul3A_2, %dma_wait3A_671] : memref<64x250000xf32, #tpu.memory_space<hbm>> -> memref<2x8192xf32, #tpu.memory_space<hbm>>
    %dma_wait3A_673 = arith.constant 0 : i32
    %dma_wait3A_674 = arith.constant 0 : i32
    %dma_wait3A_675 = tpu.memref_slice %arg8[%dma_wait3A_673, %dma_wait3A_674] : memref<2x16384xf32, #tpu.memory_space<vmem>> -> memref<2x8192xf32, #tpu.memory_space<vmem>>
    %dma_wait3A_676 = arith.constant 114688 : i32
    %dma_wait3A_677 = tpu.memref_slice %arg2[%mul3A_2, %dma_wait3A_676] : memref<64x250000xf32, #tpu.memory_space<hbm>> -> memref<2x8192xf32, #tpu.memory_space<hbm>>
    tpu.wait_dma2 semaphore(%arg15 : memref<!tpu.dma_semaphore, #tpu.memory_space<semaphore_mem>>) src(%dma_wait3A_677 : memref<2x8192xf32, #tpu.memory_space<hbm>>) dst(%dma_wait3A_675 : memref<2x8192xf32, #tpu.memory_space<vmem>>)
    %dma_wait3A_678 = arith.constant 0 : i32
    %dma_wait3A_679 = arith.constant 8192 : i32
    %dma_wait3A_680 = tpu.memref_slice %arg8[%dma_wait3A_678, %dma_wait3A_679] : memref<2x16384xf32, #tpu.memory_space<vmem>> -> memref<2x8192xf32, #tpu.memory_space<vmem>>
    %dma_wait3A_681 = arith.constant 122880 : i32
    %dma_wait3A_682 = tpu.memref_slice %arg2[%mul3A_2, %dma_wait3A_681] : memref<64x250000xf32, #tpu.memory_space<hbm>> -> memref<2x8192xf32, #tpu.memory_space<hbm>>
    %dma_wait3A_683 = arith.constant 0 : i32
    %dma_wait3A_684 = arith.constant 8192 : i32
    %dma_wait3A_685 = tpu.memref_slice %arg8[%dma_wait3A_683, %dma_wait3A_684] : memref<2x16384xf32, #tpu.memory_space<vmem>> -> memref<2x8192xf32, #tpu.memory_space<vmem>>
    %dma_wait3A_686 = arith.constant 122880 : i32
    %dma_wait3A_687 = tpu.memref_slice %arg2[%mul3A_2, %dma_wait3A_686] : memref<64x250000xf32, #tpu.memory_space<hbm>> -> memref<2x8192xf32, #tpu.memory_space<hbm>>
    tpu.wait_dma2 semaphore(%arg15 : memref<!tpu.dma_semaphore, #tpu.memory_space<semaphore_mem>>) src(%dma_wait3A_687 : memref<2x8192xf32, #tpu.memory_space<hbm>>) dst(%dma_wait3A_685 : memref<2x8192xf32, #tpu.memory_space<vmem>>)
    %dma_start3A_688 = arith.constant 0 : i32
    %dma_start3A_689 = arith.constant 0 : i32
    %dma_start3A_690 = tpu.memref_slice %arg7[%dma_start3A_688, %dma_start3A_689] : memref<2x16384xf32, #tpu.memory_space<vmem>> -> memref<2x8192xf32, #tpu.memory_space<vmem>>
    %dma_start3A_691 = arith.constant 131072 : i32
    %dma_start3A_692 = tpu.memref_slice %arg2[%mul3A_2, %dma_start3A_691] : memref<64x250000xf32, #tpu.memory_space<hbm>> -> memref<2x8192xf32, #tpu.memory_space<hbm>>
    %dma_start3A_693 = arith.constant 0 : i32
    %dma_start3A_694 = arith.constant 0 : i32
    %dma_start3A_695 = tpu.memref_slice %arg7[%dma_start3A_693, %dma_start3A_694] : memref<2x16384xf32, #tpu.memory_space<vmem>> -> memref<2x8192xf32, #tpu.memory_space<vmem>>
    %dma_start3A_696 = arith.constant 131072 : i32
    %dma_start3A_697 = tpu.memref_slice %arg2[%mul3A_2, %dma_start3A_696] : memref<64x250000xf32, #tpu.memory_space<hbm>> -> memref<2x8192xf32, #tpu.memory_space<hbm>>
    tpu.enqueue_dma source(%dma_start3A_697 : memref<2x8192xf32, #tpu.memory_space<hbm>>) target(%dma_start3A_695 : memref<2x8192xf32, #tpu.memory_space<vmem>>) target_semaphore(%arg14 : memref<!tpu.dma_semaphore, #tpu.memory_space<semaphore_mem>>)
    %dma_start3A_698 = arith.constant 0 : i32
    %dma_start3A_699 = arith.constant 8192 : i32
    %dma_start3A_700 = tpu.memref_slice %arg7[%dma_start3A_698, %dma_start3A_699] : memref<2x16384xf32, #tpu.memory_space<vmem>> -> memref<2x8192xf32, #tpu.memory_space<vmem>>
    %dma_start3A_701 = arith.constant 139264 : i32
    %dma_start3A_702 = tpu.memref_slice %arg2[%mul3A_2, %dma_start3A_701] : memref<64x250000xf32, #tpu.memory_space<hbm>> -> memref<2x8192xf32, #tpu.memory_space<hbm>>
    %dma_start3A_703 = arith.constant 0 : i32
    %dma_start3A_704 = arith.constant 8192 : i32
    %dma_start3A_705 = tpu.memref_slice %arg7[%dma_start3A_703, %dma_start3A_704] : memref<2x16384xf32, #tpu.memory_space<vmem>> -> memref<2x8192xf32, #tpu.memory_space<vmem>>
    %dma_start3A_706 = arith.constant 139264 : i32
    %dma_start3A_707 = tpu.memref_slice %arg2[%mul3A_2, %dma_start3A_706] : memref<64x250000xf32, #tpu.memory_space<hbm>> -> memref<2x8192xf32, #tpu.memory_space<hbm>>
    tpu.enqueue_dma source(%dma_start3A_707 : memref<2x8192xf32, #tpu.memory_space<hbm>>) target(%dma_start3A_705 : memref<2x8192xf32, #tpu.memory_space<vmem>>) target_semaphore(%arg14 : memref<!tpu.dma_semaphore, #tpu.memory_space<semaphore_mem>>)
    %eq3A_708 = arith.constant 7 : i32
    %eq3A_709 = vector.broadcast %eq3A_708 : i32 to vector<16xi32>
    %eq3A_710 = arith.cmpi eq, %iota3A, %eq3A_709 : vector<16xi32>
    %convert_element_type3A_711 = arith.extui %eq3A_710 : vector<16xi1> to vector<16xi32>
    %mul3A_712 = arith.muli %convert_element_type3A_711, %get3A_3 : vector<16xi32>
    %reduce_sum3A_713 = arith.constant true
    %reduce_sum3A_714 = vector.broadcast %reduce_sum3A_713 : i1 to vector<16xi1>
    %reduce_sum3A_715 = tpu.scan <sum>, %mul3A_712 masked %reduce_sum3A_714 : vector<16xi32>, vector<16xi1> -> vector<16xi32>
    %reduce_sum3A_716 = vector.extract %reduce_sum3A_715[15] : i32 from vector<16xi32>
    %mul3A_717 = arith.muli %convert_element_type3A_711, %get3A_5 : vector<16xi32>
    %reduce_sum3A_718 = arith.constant true
    %reduce_sum3A_719 = vector.broadcast %reduce_sum3A_718 : i1 to vector<16xi1>
    %reduce_sum3A_720 = tpu.scan <sum>, %mul3A_717 masked %reduce_sum3A_719 : vector<16xi32>, vector<16xi1> -> vector<16xi32>
    %reduce_sum3A_721 = vector.extract %reduce_sum3A_720[15] : i32 from vector<16xi32>
    %shift_right_logical3A_722 = arith.constant 4 : i32
    %shift_right_logical3A_723 = arith.shrui %reduce_sum3A_716, %shift_right_logical3A_722 : i32
    %add3A_724 = arith.constant 16 : i32
    %add3A_725 = arith.addi %reduce_sum3A_721, %add3A_724 : i32
    %sub3A_726 = arith.constant 1 : i32
    %sub3A_727 = arith.subi %add3A_725, %sub3A_726 : i32
    %shift_right_logical3A_728 = arith.constant 4 : i32
    %shift_right_logical3A_729 = arith.shrui %sub3A_727, %shift_right_logical3A_728 : i32
    %lt3A_730 = arith.cmpi slt, %shift_right_logical3A_723, %shift_right_logical3A_729 : i32
    %convert_element_type3A_731 = arith.extui %lt3A_730 : i1 to i32
    %cond3A_732 = arith.constant 0 : i32
    %cond3A_733 = arith.cmpi ne, %convert_element_type3A_731, %cond3A_732 : i32
    scf.if %cond3A_733 {
      %mul3A_1539 = arith.constant 16 : i32
      %mul3A_1540 = arith.muli %shift_right_logical3A_723, %mul3A_1539 : i32
      %get3A_1541 = arith.index_cast %mul3A_1540 : i32 to index
      %get3A_1542 = tpu.vector_load %arg10[%get3A_1541] {strides = array<i32>} : memref<16384xi32, #tpu.memory_space<vmem>>, vector<16xi32>,
      %and3A = arith.constant 16383 : i32
      %and3A_1543 = vector.broadcast %and3A : i32 to vector<16xi32>
      %and3A_1544 = arith.andi %get3A_1542, %and3A_1543 : vector<16xi32>
      %shift_right_logical3A_1545 = arith.constant 14 : i32
      %shift_right_logical3A_1546 = vector.broadcast %shift_right_logical3A_1545 : i32 to vector<16xi32>
      %shift_right_logical3A_1547 = arith.shrui %get3A_1542, %shift_right_logical3A_1546 : vector<16xi32>
      %and3A_1548 = arith.constant 16383 : i32
      %and3A_1549 = vector.broadcast %and3A_1548 : i32 to vector<16xi32>
      %and3A_1550 = arith.andi %shift_right_logical3A_1547, %and3A_1549 : vector<16xi32>
      %gather3A = tpu.vector_load_idx %arg8[%broadcast_in_dim3A_25, %and3A_1544] : memref<2x16384xf32, #tpu.memory_space<vmem>>[vector<16xi32>, vector<16xi32>], vector<16xf32>,
      %gather3A_1551 = tpu.vector_load_idx %arg8[%broadcast_in_dim3A_27, %and3A_1544] : memref<2x16384xf32, #tpu.memory_space<vmem>>[vector<16xi32>, vector<16xi32>], vector<16xf32>,
      %mul3A_1552 = arith.constant 16 : i32
      %mul3A_1553 = arith.muli %shift_right_logical3A_723, %mul3A_1552 : i32
      %add3A_1554 = vector.broadcast %mul3A_1553 : i32 to vector<16xi32>
      %add3A_1555 = arith.addi %add3A_1554, %iota3A : vector<16xi32>
      %ge3A = vector.broadcast %reduce_sum3A_716 : i32 to vector<16xi32>
      %ge3A_1556 = arith.cmpi sge, %add3A_1555, %ge3A : vector<16xi32>
      %lt3A_1557 = vector.broadcast %reduce_sum3A_721 : i32 to vector<16xi32>
      %lt3A_1558 = arith.cmpi slt, %add3A_1555, %lt3A_1557 : vector<16xi32>
      %and3A_1559 = arith.andi %ge3A_1556, %lt3A_1558 : vector<16xi1>
      tpu.vector_store_idx %arg9[%broadcast_in_dim3A_25, %and3A_1550], %gather3A masked %and3A_1559 : memref<2x16384xf32, #tpu.memory_space<vmem>>[vector<16xi32>, vector<16xi32>], vector<16xf32>, vector<16xi1>
      tpu.vector_store_idx %arg9[%broadcast_in_dim3A_27, %and3A_1550], %gather3A_1551 masked %and3A_1559 : memref<2x16384xf32, #tpu.memory_space<vmem>>[vector<16xi32>, vector<16xi32>], vector<16xf32>, vector<16xi1>
    } else {
    }
    %add3A_734 = arith.constant 1 : i32
    %add3A_735 = arith.addi %shift_right_logical3A_723, %add3A_734 : i32
    %gt3A_736 = arith.cmpi sgt, %shift_right_logical3A_729, %add3A_735 : i32
    %convert_element_type3A_737 = arith.extui %gt3A_736 : i1 to i32
    %cond3A_738 = arith.constant 0 : i32
    %cond3A_739 = arith.cmpi ne, %convert_element_type3A_737, %cond3A_738 : i32
    scf.if %cond3A_739 {
      %sub3A_1539 = arith.constant 1 : i32
      %sub3A_1540 = arith.subi %shift_right_logical3A_729, %sub3A_1539 : i32
      %mul3A_1541 = arith.constant 16 : i32
      %mul3A_1542 = arith.muli %sub3A_1540, %mul3A_1541 : i32
      %get3A_1543 = arith.index_cast %mul3A_1542 : i32 to index
      %get3A_1544 = tpu.vector_load %arg10[%get3A_1543] {strides = array<i32>} : memref<16384xi32, #tpu.memory_space<vmem>>, vector<16xi32>,
      %and3A = arith.constant 16383 : i32
      %and3A_1545 = vector.broadcast %and3A : i32 to vector<16xi32>
      %and3A_1546 = arith.andi %get3A_1544, %and3A_1545 : vector<16xi32>
      %shift_right_logical3A_1547 = arith.constant 14 : i32
      %shift_right_logical3A_1548 = vector.broadcast %shift_right_logical3A_1547 : i32 to vector<16xi32>
      %shift_right_logical3A_1549 = arith.shrui %get3A_1544, %shift_right_logical3A_1548 : vector<16xi32>
      %and3A_1550 = arith.constant 16383 : i32
      %and3A_1551 = vector.broadcast %and3A_1550 : i32 to vector<16xi32>
      %and3A_1552 = arith.andi %shift_right_logical3A_1549, %and3A_1551 : vector<16xi32>
      %gather3A = tpu.vector_load_idx %arg8[%broadcast_in_dim3A_25, %and3A_1546] : memref<2x16384xf32, #tpu.memory_space<vmem>>[vector<16xi32>, vector<16xi32>], vector<16xf32>,
      %gather3A_1553 = tpu.vector_load_idx %arg8[%broadcast_in_dim3A_27, %and3A_1546] : memref<2x16384xf32, #tpu.memory_space<vmem>>[vector<16xi32>, vector<16xi32>], vector<16xf32>,
      %mul3A_1554 = arith.constant 16 : i32
      %mul3A_1555 = arith.muli %sub3A_1540, %mul3A_1554 : i32
      %add3A_1556 = vector.broadcast %mul3A_1555 : i32 to vector<16xi32>
      %add3A_1557 = arith.addi %add3A_1556, %iota3A : vector<16xi32>
      %ge3A = vector.broadcast %reduce_sum3A_716 : i32 to vector<16xi32>
      %ge3A_1558 = arith.cmpi sge, %add3A_1557, %ge3A : vector<16xi32>
      %lt3A_1559 = vector.broadcast %reduce_sum3A_721 : i32 to vector<16xi32>
      %lt3A_1560 = arith.cmpi slt, %add3A_1557, %lt3A_1559 : vector<16xi32>
      %and3A_1561 = arith.andi %ge3A_1558, %lt3A_1560 : vector<16xi1>
      tpu.vector_store_idx %arg9[%broadcast_in_dim3A_25, %and3A_1552], %gather3A masked %and3A_1561 : memref<2x16384xf32, #tpu.memory_space<vmem>>[vector<16xi32>, vector<16xi32>], vector<16xf32>, vector<16xi1>
      tpu.vector_store_idx %arg9[%broadcast_in_dim3A_27, %and3A_1552], %gather3A_1553 masked %and3A_1561 : memref<2x16384xf32, #tpu.memory_space<vmem>>[vector<16xi32>, vector<16xi32>], vector<16xf32>, vector<16xi1>
    } else {
    }
    %add3A_740 = arith.constant 1 : i32
    %add3A_741 = arith.addi %shift_right_logical3A_723, %add3A_740 : i32
    %sub3A_742 = arith.constant 1 : i32
    %sub3A_743 = arith.subi %shift_right_logical3A_729, %sub3A_742 : i32
    %sub3A_744 = arith.subi %sub3A_743, %add3A_741 : i32
    %sub3A_745 = arith.constant 1 : i32
    %sub3A_746 = arith.constant 1 : i32
    %sub3A_747 = arith.subi %sub3A_745, %sub3A_746 : i32
    %add3A_748 = arith.addi %sub3A_744, %sub3A_747 : i32
    %div3A_749 = arith.constant 1 : i32
    %div3A_750 = arith.divsi %add3A_748, %div3A_749 : i32
    %while3A_751 = arith.constant 1 : i32
    %while3A_752 = arith.constant 0 : i32
    %while3A_753 = arith.subi %div3A_750, %while3A_752 : i32
    %while3A_754 = arith.addi %while3A_752, %while3A_753 : i32
    %while3A_755 = arith.constant 1 : i32
    %while3A_756 = arith.divsi %while3A_753, %while3A_755 : i32
    %while3A_757 = arith.muli %while3A_756, %while3A_755 : i32
    %while3A_758 = arith.addi %while3A_752, %while3A_757 : i32
    %while3A_759 = arith.constant 1 : i32
    scf.for %while3A_1539 = %while3A_752 to %while3A_758 step %while3A_759  : i32 {
      %mul3A_1540 = arith.muli %while3A_1539, %while3A_751 : i32
      %add3A_1541 = arith.addi %add3A_741, %mul3A_1540 : i32
      %mul3A_1542 = arith.constant 16 : i32
      %mul3A_1543 = arith.muli %add3A_1541, %mul3A_1542 : i32
      %get3A_1544 = arith.index_cast %mul3A_1543 : i32 to index
      %get3A_1545 = tpu.vector_load %arg10[%get3A_1544] {strides = array<i32>} : memref<16384xi32, #tpu.memory_space<vmem>>, vector<16xi32>,
      %and3A = arith.constant 16383 : i32
      %and3A_1546 = vector.broadcast %and3A : i32 to vector<16xi32>
      %and3A_1547 = arith.andi %get3A_1545, %and3A_1546 : vector<16xi32>
      %shift_right_logical3A_1548 = arith.constant 14 : i32
      %shift_right_logical3A_1549 = vector.broadcast %shift_right_logical3A_1548 : i32 to vector<16xi32>
      %shift_right_logical3A_1550 = arith.shrui %get3A_1545, %shift_right_logical3A_1549 : vector<16xi32>
      %and3A_1551 = arith.constant 16383 : i32
      %and3A_1552 = vector.broadcast %and3A_1551 : i32 to vector<16xi32>
      %and3A_1553 = arith.andi %shift_right_logical3A_1550, %and3A_1552 : vector<16xi32>
      %gather3A = tpu.vector_load_idx %arg8[%broadcast_in_dim3A_25, %and3A_1547] : memref<2x16384xf32, #tpu.memory_space<vmem>>[vector<16xi32>, vector<16xi32>], vector<16xf32>,
      %gather3A_1554 = tpu.vector_load_idx %arg8[%broadcast_in_dim3A_27, %and3A_1547] : memref<2x16384xf32, #tpu.memory_space<vmem>>[vector<16xi32>, vector<16xi32>], vector<16xf32>,
      tpu.vector_store_idx %arg9[%broadcast_in_dim3A_25, %and3A_1553], %gather3A : memref<2x16384xf32, #tpu.memory_space<vmem>>[vector<16xi32>, vector<16xi32>], vector<16xf32>,
      tpu.vector_store_idx %arg9[%broadcast_in_dim3A_27, %and3A_1553], %gather3A_1554 : memref<2x16384xf32, #tpu.memory_space<vmem>>[vector<16xi32>, vector<16xi32>], vector<16xf32>,
    }
    %while3A_760 = arith.constant 1 : i32
    scf.for %while3A_1539 = %while3A_758 to %while3A_754 step %while3A_760  : i32 {
      %mul3A_1540 = arith.muli %while3A_1539, %while3A_751 : i32
      %add3A_1541 = arith.addi %add3A_741, %mul3A_1540 : i32
      %mul3A_1542 = arith.constant 16 : i32
      %mul3A_1543 = arith.muli %add3A_1541, %mul3A_1542 : i32
      %get3A_1544 = arith.index_cast %mul3A_1543 : i32 to index
      %get3A_1545 = tpu.vector_load %arg10[%get3A_1544] {strides = array<i32>} : memref<16384xi32, #tpu.memory_space<vmem>>, vector<16xi32>,
      %and3A = arith.constant 16383 : i32
      %and3A_1546 = vector.broadcast %and3A : i32 to vector<16xi32>
      %and3A_1547 = arith.andi %get3A_1545, %and3A_1546 : vector<16xi32>
      %shift_right_logical3A_1548 = arith.constant 14 : i32
      %shift_right_logical3A_1549 = vector.broadcast %shift_right_logical3A_1548 : i32 to vector<16xi32>
      %shift_right_logical3A_1550 = arith.shrui %get3A_1545, %shift_right_logical3A_1549 : vector<16xi32>
      %and3A_1551 = arith.constant 16383 : i32
      %and3A_1552 = vector.broadcast %and3A_1551 : i32 to vector<16xi32>
      %and3A_1553 = arith.andi %shift_right_logical3A_1550, %and3A_1552 : vector<16xi32>
      %gather3A = tpu.vector_load_idx %arg8[%broadcast_in_dim3A_25, %and3A_1547] : memref<2x16384xf32, #tpu.memory_space<vmem>>[vector<16xi32>, vector<16xi32>], vector<16xf32>,
      %gather3A_1554 = tpu.vector_load_idx %arg8[%broadcast_in_dim3A_27, %and3A_1547] : memref<2x16384xf32, #tpu.memory_space<vmem>>[vector<16xi32>, vector<16xi32>], vector<16xf32>,
      tpu.vector_store_idx %arg9[%broadcast_in_dim3A_25, %and3A_1553], %gather3A : memref<2x16384xf32, #tpu.memory_space<vmem>>[vector<16xi32>, vector<16xi32>], vector<16xf32>,
      tpu.vector_store_idx %arg9[%broadcast_in_dim3A_27, %and3A_1553], %gather3A_1554 : memref<2x16384xf32, #tpu.memory_space<vmem>>[vector<16xi32>, vector<16xi32>], vector<16xf32>,
    }
    %dma_wait3A_761 = arith.constant 0 : i32
    %dma_wait3A_762 = arith.constant 0 : i32
    %dma_wait3A_763 = tpu.memref_slice %arg7[%dma_wait3A_761, %dma_wait3A_762] : memref<2x16384xf32, #tpu.memory_space<vmem>> -> memref<2x8192xf32, #tpu.memory_space<vmem>>
    %dma_wait3A_764 = arith.constant 131072 : i32
    %dma_wait3A_765 = tpu.memref_slice %arg2[%mul3A_2, %dma_wait3A_764] : memref<64x250000xf32, #tpu.memory_space<hbm>> -> memref<2x8192xf32, #tpu.memory_space<hbm>>
    %dma_wait3A_766 = arith.constant 0 : i32
    %dma_wait3A_767 = arith.constant 0 : i32
    %dma_wait3A_768 = tpu.memref_slice %arg7[%dma_wait3A_766, %dma_wait3A_767] : memref<2x16384xf32, #tpu.memory_space<vmem>> -> memref<2x8192xf32, #tpu.memory_space<vmem>>
    %dma_wait3A_769 = arith.constant 131072 : i32
    %dma_wait3A_770 = tpu.memref_slice %arg2[%mul3A_2, %dma_wait3A_769] : memref<64x250000xf32, #tpu.memory_space<hbm>> -> memref<2x8192xf32, #tpu.memory_space<hbm>>
    tpu.wait_dma2 semaphore(%arg14 : memref<!tpu.dma_semaphore, #tpu.memory_space<semaphore_mem>>) src(%dma_wait3A_770 : memref<2x8192xf32, #tpu.memory_space<hbm>>) dst(%dma_wait3A_768 : memref<2x8192xf32, #tpu.memory_space<vmem>>)
    %dma_wait3A_771 = arith.constant 0 : i32
    %dma_wait3A_772 = arith.constant 8192 : i32
    %dma_wait3A_773 = tpu.memref_slice %arg7[%dma_wait3A_771, %dma_wait3A_772] : memref<2x16384xf32, #tpu.memory_space<vmem>> -> memref<2x8192xf32, #tpu.memory_space<vmem>>
    %dma_wait3A_774 = arith.constant 139264 : i32
    %dma_wait3A_775 = tpu.memref_slice %arg2[%mul3A_2, %dma_wait3A_774] : memref<64x250000xf32, #tpu.memory_space<hbm>> -> memref<2x8192xf32, #tpu.memory_space<hbm>>
    %dma_wait3A_776 = arith.constant 0 : i32
    %dma_wait3A_777 = arith.constant 8192 : i32
    %dma_wait3A_778 = tpu.memref_slice %arg7[%dma_wait3A_776, %dma_wait3A_777] : memref<2x16384xf32, #tpu.memory_space<vmem>> -> memref<2x8192xf32, #tpu.memory_space<vmem>>
    %dma_wait3A_779 = arith.constant 139264 : i32
    %dma_wait3A_780 = tpu.memref_slice %arg2[%mul3A_2, %dma_wait3A_779] : memref<64x250000xf32, #tpu.memory_space<hbm>> -> memref<2x8192xf32, #tpu.memory_space<hbm>>
    tpu.wait_dma2 semaphore(%arg14 : memref<!tpu.dma_semaphore, #tpu.memory_space<semaphore_mem>>) src(%dma_wait3A_780 : memref<2x8192xf32, #tpu.memory_space<hbm>>) dst(%dma_wait3A_778 : memref<2x8192xf32, #tpu.memory_space<vmem>>)
    %dma_start3A_781 = arith.constant 0 : i32
    %dma_start3A_782 = arith.constant 0 : i32
    %dma_start3A_783 = tpu.memref_slice %arg8[%dma_start3A_781, %dma_start3A_782] : memref<2x16384xf32, #tpu.memory_space<vmem>> -> memref<2x8192xf32, #tpu.memory_space<vmem>>
    %dma_start3A_784 = arith.constant 147456 : i32
    %dma_start3A_785 = tpu.memref_slice %arg2[%mul3A_2, %dma_start3A_784] : memref<64x250000xf32, #tpu.memory_space<hbm>> -> memref<2x8192xf32, #tpu.memory_space<hbm>>
    %dma_start3A_786 = arith.constant 0 : i32
    %dma_start3A_787 = arith.constant 0 : i32
    %dma_start3A_788 = tpu.memref_slice %arg8[%dma_start3A_786, %dma_start3A_787] : memref<2x16384xf32, #tpu.memory_space<vmem>> -> memref<2x8192xf32, #tpu.memory_space<vmem>>
    %dma_start3A_789 = arith.constant 147456 : i32
    %dma_start3A_790 = tpu.memref_slice %arg2[%mul3A_2, %dma_start3A_789] : memref<64x250000xf32, #tpu.memory_space<hbm>> -> memref<2x8192xf32, #tpu.memory_space<hbm>>
    tpu.enqueue_dma source(%dma_start3A_790 : memref<2x8192xf32, #tpu.memory_space<hbm>>) target(%dma_start3A_788 : memref<2x8192xf32, #tpu.memory_space<vmem>>) target_semaphore(%arg15 : memref<!tpu.dma_semaphore, #tpu.memory_space<semaphore_mem>>)
    %dma_start3A_791 = arith.constant 0 : i32
    %dma_start3A_792 = arith.constant 8192 : i32
    %dma_start3A_793 = tpu.memref_slice %arg8[%dma_start3A_791, %dma_start3A_792] : memref<2x16384xf32, #tpu.memory_space<vmem>> -> memref<2x8192xf32, #tpu.memory_space<vmem>>
    %dma_start3A_794 = arith.constant 155648 : i32
    %dma_start3A_795 = tpu.memref_slice %arg2[%mul3A_2, %dma_start3A_794] : memref<64x250000xf32, #tpu.memory_space<hbm>> -> memref<2x8192xf32, #tpu.memory_space<hbm>>
    %dma_start3A_796 = arith.constant 0 : i32
    %dma_start3A_797 = arith.constant 8192 : i32
    %dma_start3A_798 = tpu.memref_slice %arg8[%dma_start3A_796, %dma_start3A_797] : memref<2x16384xf32, #tpu.memory_space<vmem>> -> memref<2x8192xf32, #tpu.memory_space<vmem>>
    %dma_start3A_799 = arith.constant 155648 : i32
    %dma_start3A_800 = tpu.memref_slice %arg2[%mul3A_2, %dma_start3A_799] : memref<64x250000xf32, #tpu.memory_space<hbm>> -> memref<2x8192xf32, #tpu.memory_space<hbm>>
    tpu.enqueue_dma source(%dma_start3A_800 : memref<2x8192xf32, #tpu.memory_space<hbm>>) target(%dma_start3A_798 : memref<2x8192xf32, #tpu.memory_space<vmem>>) target_semaphore(%arg15 : memref<!tpu.dma_semaphore, #tpu.memory_space<semaphore_mem>>)
    %eq3A_801 = arith.constant 8 : i32
    %eq3A_802 = vector.broadcast %eq3A_801 : i32 to vector<16xi32>
    %eq3A_803 = arith.cmpi eq, %iota3A, %eq3A_802 : vector<16xi32>
    %convert_element_type3A_804 = arith.extui %eq3A_803 : vector<16xi1> to vector<16xi32>
    %mul3A_805 = arith.muli %convert_element_type3A_804, %get3A_3 : vector<16xi32>
    %reduce_sum3A_806 = arith.constant true
    %reduce_sum3A_807 = vector.broadcast %reduce_sum3A_806 : i1 to vector<16xi1>
    %reduce_sum3A_808 = tpu.scan <sum>, %mul3A_805 masked %reduce_sum3A_807 : vector<16xi32>, vector<16xi1> -> vector<16xi32>
    %reduce_sum3A_809 = vector.extract %reduce_sum3A_808[15] : i32 from vector<16xi32>
    %mul3A_810 = arith.muli %convert_element_type3A_804, %get3A_5 : vector<16xi32>
    %reduce_sum3A_811 = arith.constant true
    %reduce_sum3A_812 = vector.broadcast %reduce_sum3A_811 : i1 to vector<16xi1>
    %reduce_sum3A_813 = tpu.scan <sum>, %mul3A_810 masked %reduce_sum3A_812 : vector<16xi32>, vector<16xi1> -> vector<16xi32>
    %reduce_sum3A_814 = vector.extract %reduce_sum3A_813[15] : i32 from vector<16xi32>
    %shift_right_logical3A_815 = arith.constant 4 : i32
    %shift_right_logical3A_816 = arith.shrui %reduce_sum3A_809, %shift_right_logical3A_815 : i32
    %add3A_817 = arith.constant 16 : i32
    %add3A_818 = arith.addi %reduce_sum3A_814, %add3A_817 : i32
    %sub3A_819 = arith.constant 1 : i32
    %sub3A_820 = arith.subi %add3A_818, %sub3A_819 : i32
    %shift_right_logical3A_821 = arith.constant 4 : i32
    %shift_right_logical3A_822 = arith.shrui %sub3A_820, %shift_right_logical3A_821 : i32
    %lt3A_823 = arith.cmpi slt, %shift_right_logical3A_816, %shift_right_logical3A_822 : i32
    %convert_element_type3A_824 = arith.extui %lt3A_823 : i1 to i32
    %cond3A_825 = arith.constant 0 : i32
    %cond3A_826 = arith.cmpi ne, %convert_element_type3A_824, %cond3A_825 : i32
    scf.if %cond3A_826 {
      %mul3A_1539 = arith.constant 16 : i32
      %mul3A_1540 = arith.muli %shift_right_logical3A_816, %mul3A_1539 : i32
      %get3A_1541 = arith.index_cast %mul3A_1540 : i32 to index
      %get3A_1542 = tpu.vector_load %arg10[%get3A_1541] {strides = array<i32>} : memref<16384xi32, #tpu.memory_space<vmem>>, vector<16xi32>,
      %and3A = arith.constant 16383 : i32
      %and3A_1543 = vector.broadcast %and3A : i32 to vector<16xi32>
      %and3A_1544 = arith.andi %get3A_1542, %and3A_1543 : vector<16xi32>
      %shift_right_logical3A_1545 = arith.constant 14 : i32
      %shift_right_logical3A_1546 = vector.broadcast %shift_right_logical3A_1545 : i32 to vector<16xi32>
      %shift_right_logical3A_1547 = arith.shrui %get3A_1542, %shift_right_logical3A_1546 : vector<16xi32>
      %and3A_1548 = arith.constant 16383 : i32
      %and3A_1549 = vector.broadcast %and3A_1548 : i32 to vector<16xi32>
      %and3A_1550 = arith.andi %shift_right_logical3A_1547, %and3A_1549 : vector<16xi32>
      %gather3A = tpu.vector_load_idx %arg7[%broadcast_in_dim3A_25, %and3A_1544] : memref<2x16384xf32, #tpu.memory_space<vmem>>[vector<16xi32>, vector<16xi32>], vector<16xf32>,
      %gather3A_1551 = tpu.vector_load_idx %arg7[%broadcast_in_dim3A_27, %and3A_1544] : memref<2x16384xf32, #tpu.memory_space<vmem>>[vector<16xi32>, vector<16xi32>], vector<16xf32>,
      %mul3A_1552 = arith.constant 16 : i32
      %mul3A_1553 = arith.muli %shift_right_logical3A_816, %mul3A_1552 : i32
      %add3A_1554 = vector.broadcast %mul3A_1553 : i32 to vector<16xi32>
      %add3A_1555 = arith.addi %add3A_1554, %iota3A : vector<16xi32>
      %ge3A = vector.broadcast %reduce_sum3A_809 : i32 to vector<16xi32>
      %ge3A_1556 = arith.cmpi sge, %add3A_1555, %ge3A : vector<16xi32>
      %lt3A_1557 = vector.broadcast %reduce_sum3A_814 : i32 to vector<16xi32>
      %lt3A_1558 = arith.cmpi slt, %add3A_1555, %lt3A_1557 : vector<16xi32>
      %and3A_1559 = arith.andi %ge3A_1556, %lt3A_1558 : vector<16xi1>
      tpu.vector_store_idx %arg9[%broadcast_in_dim3A_25, %and3A_1550], %gather3A masked %and3A_1559 : memref<2x16384xf32, #tpu.memory_space<vmem>>[vector<16xi32>, vector<16xi32>], vector<16xf32>, vector<16xi1>
      tpu.vector_store_idx %arg9[%broadcast_in_dim3A_27, %and3A_1550], %gather3A_1551 masked %and3A_1559 : memref<2x16384xf32, #tpu.memory_space<vmem>>[vector<16xi32>, vector<16xi32>], vector<16xf32>, vector<16xi1>
    } else {
    }
    %add3A_827 = arith.constant 1 : i32
    %add3A_828 = arith.addi %shift_right_logical3A_816, %add3A_827 : i32
    %gt3A_829 = arith.cmpi sgt, %shift_right_logical3A_822, %add3A_828 : i32
    %convert_element_type3A_830 = arith.extui %gt3A_829 : i1 to i32
    %cond3A_831 = arith.constant 0 : i32
    %cond3A_832 = arith.cmpi ne, %convert_element_type3A_830, %cond3A_831 : i32
    scf.if %cond3A_832 {
      %sub3A_1539 = arith.constant 1 : i32
      %sub3A_1540 = arith.subi %shift_right_logical3A_822, %sub3A_1539 : i32
      %mul3A_1541 = arith.constant 16 : i32
      %mul3A_1542 = arith.muli %sub3A_1540, %mul3A_1541 : i32
      %get3A_1543 = arith.index_cast %mul3A_1542 : i32 to index
      %get3A_1544 = tpu.vector_load %arg10[%get3A_1543] {strides = array<i32>} : memref<16384xi32, #tpu.memory_space<vmem>>, vector<16xi32>,
      %and3A = arith.constant 16383 : i32
      %and3A_1545 = vector.broadcast %and3A : i32 to vector<16xi32>
      %and3A_1546 = arith.andi %get3A_1544, %and3A_1545 : vector<16xi32>
      %shift_right_logical3A_1547 = arith.constant 14 : i32
      %shift_right_logical3A_1548 = vector.broadcast %shift_right_logical3A_1547 : i32 to vector<16xi32>
      %shift_right_logical3A_1549 = arith.shrui %get3A_1544, %shift_right_logical3A_1548 : vector<16xi32>
      %and3A_1550 = arith.constant 16383 : i32
      %and3A_1551 = vector.broadcast %and3A_1550 : i32 to vector<16xi32>
      %and3A_1552 = arith.andi %shift_right_logical3A_1549, %and3A_1551 : vector<16xi32>
      %gather3A = tpu.vector_load_idx %arg7[%broadcast_in_dim3A_25, %and3A_1546] : memref<2x16384xf32, #tpu.memory_space<vmem>>[vector<16xi32>, vector<16xi32>], vector<16xf32>,
      %gather3A_1553 = tpu.vector_load_idx %arg7[%broadcast_in_dim3A_27, %and3A_1546] : memref<2x16384xf32, #tpu.memory_space<vmem>>[vector<16xi32>, vector<16xi32>], vector<16xf32>,
      %mul3A_1554 = arith.constant 16 : i32
      %mul3A_1555 = arith.muli %sub3A_1540, %mul3A_1554 : i32
      %add3A_1556 = vector.broadcast %mul3A_1555 : i32 to vector<16xi32>
      %add3A_1557 = arith.addi %add3A_1556, %iota3A : vector<16xi32>
      %ge3A = vector.broadcast %reduce_sum3A_809 : i32 to vector<16xi32>
      %ge3A_1558 = arith.cmpi sge, %add3A_1557, %ge3A : vector<16xi32>
      %lt3A_1559 = vector.broadcast %reduce_sum3A_814 : i32 to vector<16xi32>
      %lt3A_1560 = arith.cmpi slt, %add3A_1557, %lt3A_1559 : vector<16xi32>
      %and3A_1561 = arith.andi %ge3A_1558, %lt3A_1560 : vector<16xi1>
      tpu.vector_store_idx %arg9[%broadcast_in_dim3A_25, %and3A_1552], %gather3A masked %and3A_1561 : memref<2x16384xf32, #tpu.memory_space<vmem>>[vector<16xi32>, vector<16xi32>], vector<16xf32>, vector<16xi1>
      tpu.vector_store_idx %arg9[%broadcast_in_dim3A_27, %and3A_1552], %gather3A_1553 masked %and3A_1561 : memref<2x16384xf32, #tpu.memory_space<vmem>>[vector<16xi32>, vector<16xi32>], vector<16xf32>, vector<16xi1>
    } else {
    }
    %add3A_833 = arith.constant 1 : i32
    %add3A_834 = arith.addi %shift_right_logical3A_816, %add3A_833 : i32
    %sub3A_835 = arith.constant 1 : i32
    %sub3A_836 = arith.subi %shift_right_logical3A_822, %sub3A_835 : i32
    %sub3A_837 = arith.subi %sub3A_836, %add3A_834 : i32
    %sub3A_838 = arith.constant 1 : i32
    %sub3A_839 = arith.constant 1 : i32
    %sub3A_840 = arith.subi %sub3A_838, %sub3A_839 : i32
    %add3A_841 = arith.addi %sub3A_837, %sub3A_840 : i32
    %div3A_842 = arith.constant 1 : i32
    %div3A_843 = arith.divsi %add3A_841, %div3A_842 : i32
    %while3A_844 = arith.constant 1 : i32
    %while3A_845 = arith.constant 0 : i32
    %while3A_846 = arith.subi %div3A_843, %while3A_845 : i32
    %while3A_847 = arith.addi %while3A_845, %while3A_846 : i32
    %while3A_848 = arith.constant 1 : i32
    %while3A_849 = arith.divsi %while3A_846, %while3A_848 : i32
    %while3A_850 = arith.muli %while3A_849, %while3A_848 : i32
    %while3A_851 = arith.addi %while3A_845, %while3A_850 : i32
    %while3A_852 = arith.constant 1 : i32
    scf.for %while3A_1539 = %while3A_845 to %while3A_851 step %while3A_852  : i32 {
      %mul3A_1540 = arith.muli %while3A_1539, %while3A_844 : i32
      %add3A_1541 = arith.addi %add3A_834, %mul3A_1540 : i32
      %mul3A_1542 = arith.constant 16 : i32
      %mul3A_1543 = arith.muli %add3A_1541, %mul3A_1542 : i32
      %get3A_1544 = arith.index_cast %mul3A_1543 : i32 to index
      %get3A_1545 = tpu.vector_load %arg10[%get3A_1544] {strides = array<i32>} : memref<16384xi32, #tpu.memory_space<vmem>>, vector<16xi32>,
      %and3A = arith.constant 16383 : i32
      %and3A_1546 = vector.broadcast %and3A : i32 to vector<16xi32>
      %and3A_1547 = arith.andi %get3A_1545, %and3A_1546 : vector<16xi32>
      %shift_right_logical3A_1548 = arith.constant 14 : i32
      %shift_right_logical3A_1549 = vector.broadcast %shift_right_logical3A_1548 : i32 to vector<16xi32>
      %shift_right_logical3A_1550 = arith.shrui %get3A_1545, %shift_right_logical3A_1549 : vector<16xi32>
      %and3A_1551 = arith.constant 16383 : i32
      %and3A_1552 = vector.broadcast %and3A_1551 : i32 to vector<16xi32>
      %and3A_1553 = arith.andi %shift_right_logical3A_1550, %and3A_1552 : vector<16xi32>
      %gather3A = tpu.vector_load_idx %arg7[%broadcast_in_dim3A_25, %and3A_1547] : memref<2x16384xf32, #tpu.memory_space<vmem>>[vector<16xi32>, vector<16xi32>], vector<16xf32>,
      %gather3A_1554 = tpu.vector_load_idx %arg7[%broadcast_in_dim3A_27, %and3A_1547] : memref<2x16384xf32, #tpu.memory_space<vmem>>[vector<16xi32>, vector<16xi32>], vector<16xf32>,
      tpu.vector_store_idx %arg9[%broadcast_in_dim3A_25, %and3A_1553], %gather3A : memref<2x16384xf32, #tpu.memory_space<vmem>>[vector<16xi32>, vector<16xi32>], vector<16xf32>,
      tpu.vector_store_idx %arg9[%broadcast_in_dim3A_27, %and3A_1553], %gather3A_1554 : memref<2x16384xf32, #tpu.memory_space<vmem>>[vector<16xi32>, vector<16xi32>], vector<16xf32>,
    }
    %while3A_853 = arith.constant 1 : i32
    scf.for %while3A_1539 = %while3A_851 to %while3A_847 step %while3A_853  : i32 {
      %mul3A_1540 = arith.muli %while3A_1539, %while3A_844 : i32
      %add3A_1541 = arith.addi %add3A_834, %mul3A_1540 : i32
      %mul3A_1542 = arith.constant 16 : i32
      %mul3A_1543 = arith.muli %add3A_1541, %mul3A_1542 : i32
      %get3A_1544 = arith.index_cast %mul3A_1543 : i32 to index
      %get3A_1545 = tpu.vector_load %arg10[%get3A_1544] {strides = array<i32>} : memref<16384xi32, #tpu.memory_space<vmem>>, vector<16xi32>,
      %and3A = arith.constant 16383 : i32
      %and3A_1546 = vector.broadcast %and3A : i32 to vector<16xi32>
      %and3A_1547 = arith.andi %get3A_1545, %and3A_1546 : vector<16xi32>
      %shift_right_logical3A_1548 = arith.constant 14 : i32
      %shift_right_logical3A_1549 = vector.broadcast %shift_right_logical3A_1548 : i32 to vector<16xi32>
      %shift_right_logical3A_1550 = arith.shrui %get3A_1545, %shift_right_logical3A_1549 : vector<16xi32>
      %and3A_1551 = arith.constant 16383 : i32
      %and3A_1552 = vector.broadcast %and3A_1551 : i32 to vector<16xi32>
      %and3A_1553 = arith.andi %shift_right_logical3A_1550, %and3A_1552 : vector<16xi32>
      %gather3A = tpu.vector_load_idx %arg7[%broadcast_in_dim3A_25, %and3A_1547] : memref<2x16384xf32, #tpu.memory_space<vmem>>[vector<16xi32>, vector<16xi32>], vector<16xf32>,
      %gather3A_1554 = tpu.vector_load_idx %arg7[%broadcast_in_dim3A_27, %and3A_1547] : memref<2x16384xf32, #tpu.memory_space<vmem>>[vector<16xi32>, vector<16xi32>], vector<16xf32>,
      tpu.vector_store_idx %arg9[%broadcast_in_dim3A_25, %and3A_1553], %gather3A : memref<2x16384xf32, #tpu.memory_space<vmem>>[vector<16xi32>, vector<16xi32>], vector<16xf32>,
      tpu.vector_store_idx %arg9[%broadcast_in_dim3A_27, %and3A_1553], %gather3A_1554 : memref<2x16384xf32, #tpu.memory_space<vmem>>[vector<16xi32>, vector<16xi32>], vector<16xf32>,
    }
    %dma_wait3A_854 = arith.constant 0 : i32
    %dma_wait3A_855 = arith.constant 0 : i32
    %dma_wait3A_856 = tpu.memref_slice %arg8[%dma_wait3A_854, %dma_wait3A_855] : memref<2x16384xf32, #tpu.memory_space<vmem>> -> memref<2x8192xf32, #tpu.memory_space<vmem>>
    %dma_wait3A_857 = arith.constant 147456 : i32
    %dma_wait3A_858 = tpu.memref_slice %arg2[%mul3A_2, %dma_wait3A_857] : memref<64x250000xf32, #tpu.memory_space<hbm>> -> memref<2x8192xf32, #tpu.memory_space<hbm>>
    %dma_wait3A_859 = arith.constant 0 : i32
    %dma_wait3A_860 = arith.constant 0 : i32
    %dma_wait3A_861 = tpu.memref_slice %arg8[%dma_wait3A_859, %dma_wait3A_860] : memref<2x16384xf32, #tpu.memory_space<vmem>> -> memref<2x8192xf32, #tpu.memory_space<vmem>>
    %dma_wait3A_862 = arith.constant 147456 : i32
    %dma_wait3A_863 = tpu.memref_slice %arg2[%mul3A_2, %dma_wait3A_862] : memref<64x250000xf32, #tpu.memory_space<hbm>> -> memref<2x8192xf32, #tpu.memory_space<hbm>>
    tpu.wait_dma2 semaphore(%arg15 : memref<!tpu.dma_semaphore, #tpu.memory_space<semaphore_mem>>) src(%dma_wait3A_863 : memref<2x8192xf32, #tpu.memory_space<hbm>>) dst(%dma_wait3A_861 : memref<2x8192xf32, #tpu.memory_space<vmem>>)
    %dma_wait3A_864 = arith.constant 0 : i32
    %dma_wait3A_865 = arith.constant 8192 : i32
    %dma_wait3A_866 = tpu.memref_slice %arg8[%dma_wait3A_864, %dma_wait3A_865] : memref<2x16384xf32, #tpu.memory_space<vmem>> -> memref<2x8192xf32, #tpu.memory_space<vmem>>
    %dma_wait3A_867 = arith.constant 155648 : i32
    %dma_wait3A_868 = tpu.memref_slice %arg2[%mul3A_2, %dma_wait3A_867] : memref<64x250000xf32, #tpu.memory_space<hbm>> -> memref<2x8192xf32, #tpu.memory_space<hbm>>
    %dma_wait3A_869 = arith.constant 0 : i32
    %dma_wait3A_870 = arith.constant 8192 : i32
    %dma_wait3A_871 = tpu.memref_slice %arg8[%dma_wait3A_869, %dma_wait3A_870] : memref<2x16384xf32, #tpu.memory_space<vmem>> -> memref<2x8192xf32, #tpu.memory_space<vmem>>
    %dma_wait3A_872 = arith.constant 155648 : i32
    %dma_wait3A_873 = tpu.memref_slice %arg2[%mul3A_2, %dma_wait3A_872] : memref<64x250000xf32, #tpu.memory_space<hbm>> -> memref<2x8192xf32, #tpu.memory_space<hbm>>
    tpu.wait_dma2 semaphore(%arg15 : memref<!tpu.dma_semaphore, #tpu.memory_space<semaphore_mem>>) src(%dma_wait3A_873 : memref<2x8192xf32, #tpu.memory_space<hbm>>) dst(%dma_wait3A_871 : memref<2x8192xf32, #tpu.memory_space<vmem>>)
    %dma_start3A_874 = arith.constant 0 : i32
    %dma_start3A_875 = arith.constant 0 : i32
    %dma_start3A_876 = tpu.memref_slice %arg7[%dma_start3A_874, %dma_start3A_875] : memref<2x16384xf32, #tpu.memory_space<vmem>> -> memref<2x8192xf32, #tpu.memory_space<vmem>>
    %dma_start3A_877 = arith.constant 163840 : i32
    %dma_start3A_878 = tpu.memref_slice %arg2[%mul3A_2, %dma_start3A_877] : memref<64x250000xf32, #tpu.memory_space<hbm>> -> memref<2x8192xf32, #tpu.memory_space<hbm>>
    %dma_start3A_879 = arith.constant 0 : i32
    %dma_start3A_880 = arith.constant 0 : i32
    %dma_start3A_881 = tpu.memref_slice %arg7[%dma_start3A_879, %dma_start3A_880] : memref<2x16384xf32, #tpu.memory_space<vmem>> -> memref<2x8192xf32, #tpu.memory_space<vmem>>
    %dma_start3A_882 = arith.constant 163840 : i32
    %dma_start3A_883 = tpu.memref_slice %arg2[%mul3A_2, %dma_start3A_882] : memref<64x250000xf32, #tpu.memory_space<hbm>> -> memref<2x8192xf32, #tpu.memory_space<hbm>>
    tpu.enqueue_dma source(%dma_start3A_883 : memref<2x8192xf32, #tpu.memory_space<hbm>>) target(%dma_start3A_881 : memref<2x8192xf32, #tpu.memory_space<vmem>>) target_semaphore(%arg14 : memref<!tpu.dma_semaphore, #tpu.memory_space<semaphore_mem>>)
    %dma_start3A_884 = arith.constant 0 : i32
    %dma_start3A_885 = arith.constant 8192 : i32
    %dma_start3A_886 = tpu.memref_slice %arg7[%dma_start3A_884, %dma_start3A_885] : memref<2x16384xf32, #tpu.memory_space<vmem>> -> memref<2x8192xf32, #tpu.memory_space<vmem>>
    %dma_start3A_887 = arith.constant 172032 : i32
    %dma_start3A_888 = tpu.memref_slice %arg2[%mul3A_2, %dma_start3A_887] : memref<64x250000xf32, #tpu.memory_space<hbm>> -> memref<2x8192xf32, #tpu.memory_space<hbm>>
    %dma_start3A_889 = arith.constant 0 : i32
    %dma_start3A_890 = arith.constant 8192 : i32
    %dma_start3A_891 = tpu.memref_slice %arg7[%dma_start3A_889, %dma_start3A_890] : memref<2x16384xf32, #tpu.memory_space<vmem>> -> memref<2x8192xf32, #tpu.memory_space<vmem>>
    %dma_start3A_892 = arith.constant 172032 : i32
    %dma_start3A_893 = tpu.memref_slice %arg2[%mul3A_2, %dma_start3A_892] : memref<64x250000xf32, #tpu.memory_space<hbm>> -> memref<2x8192xf32, #tpu.memory_space<hbm>>
    tpu.enqueue_dma source(%dma_start3A_893 : memref<2x8192xf32, #tpu.memory_space<hbm>>) target(%dma_start3A_891 : memref<2x8192xf32, #tpu.memory_space<vmem>>) target_semaphore(%arg14 : memref<!tpu.dma_semaphore, #tpu.memory_space<semaphore_mem>>)
    %eq3A_894 = arith.constant 9 : i32
    %eq3A_895 = vector.broadcast %eq3A_894 : i32 to vector<16xi32>
    %eq3A_896 = arith.cmpi eq, %iota3A, %eq3A_895 : vector<16xi32>
    %convert_element_type3A_897 = arith.extui %eq3A_896 : vector<16xi1> to vector<16xi32>
    %mul3A_898 = arith.muli %convert_element_type3A_897, %get3A_3 : vector<16xi32>
    %reduce_sum3A_899 = arith.constant true
    %reduce_sum3A_900 = vector.broadcast %reduce_sum3A_899 : i1 to vector<16xi1>
    %reduce_sum3A_901 = tpu.scan <sum>, %mul3A_898 masked %reduce_sum3A_900 : vector<16xi32>, vector<16xi1> -> vector<16xi32>
    %reduce_sum3A_902 = vector.extract %reduce_sum3A_901[15] : i32 from vector<16xi32>
    %mul3A_903 = arith.muli %convert_element_type3A_897, %get3A_5 : vector<16xi32>
    %reduce_sum3A_904 = arith.constant true
    %reduce_sum3A_905 = vector.broadcast %reduce_sum3A_904 : i1 to vector<16xi1>
    %reduce_sum3A_906 = tpu.scan <sum>, %mul3A_903 masked %reduce_sum3A_905 : vector<16xi32>, vector<16xi1> -> vector<16xi32>
    %reduce_sum3A_907 = vector.extract %reduce_sum3A_906[15] : i32 from vector<16xi32>
    %shift_right_logical3A_908 = arith.constant 4 : i32
    %shift_right_logical3A_909 = arith.shrui %reduce_sum3A_902, %shift_right_logical3A_908 : i32
    %add3A_910 = arith.constant 16 : i32
    %add3A_911 = arith.addi %reduce_sum3A_907, %add3A_910 : i32
    %sub3A_912 = arith.constant 1 : i32
    %sub3A_913 = arith.subi %add3A_911, %sub3A_912 : i32
    %shift_right_logical3A_914 = arith.constant 4 : i32
    %shift_right_logical3A_915 = arith.shrui %sub3A_913, %shift_right_logical3A_914 : i32
    %lt3A_916 = arith.cmpi slt, %shift_right_logical3A_909, %shift_right_logical3A_915 : i32
    %convert_element_type3A_917 = arith.extui %lt3A_916 : i1 to i32
    %cond3A_918 = arith.constant 0 : i32
    %cond3A_919 = arith.cmpi ne, %convert_element_type3A_917, %cond3A_918 : i32
    scf.if %cond3A_919 {
      %mul3A_1539 = arith.constant 16 : i32
      %mul3A_1540 = arith.muli %shift_right_logical3A_909, %mul3A_1539 : i32
      %get3A_1541 = arith.index_cast %mul3A_1540 : i32 to index
      %get3A_1542 = tpu.vector_load %arg10[%get3A_1541] {strides = array<i32>} : memref<16384xi32, #tpu.memory_space<vmem>>, vector<16xi32>,
      %and3A = arith.constant 16383 : i32
      %and3A_1543 = vector.broadcast %and3A : i32 to vector<16xi32>
      %and3A_1544 = arith.andi %get3A_1542, %and3A_1543 : vector<16xi32>
      %shift_right_logical3A_1545 = arith.constant 14 : i32
      %shift_right_logical3A_1546 = vector.broadcast %shift_right_logical3A_1545 : i32 to vector<16xi32>
      %shift_right_logical3A_1547 = arith.shrui %get3A_1542, %shift_right_logical3A_1546 : vector<16xi32>
      %and3A_1548 = arith.constant 16383 : i32
      %and3A_1549 = vector.broadcast %and3A_1548 : i32 to vector<16xi32>
      %and3A_1550 = arith.andi %shift_right_logical3A_1547, %and3A_1549 : vector<16xi32>
      %gather3A = tpu.vector_load_idx %arg8[%broadcast_in_dim3A_25, %and3A_1544] : memref<2x16384xf32, #tpu.memory_space<vmem>>[vector<16xi32>, vector<16xi32>], vector<16xf32>,
      %gather3A_1551 = tpu.vector_load_idx %arg8[%broadcast_in_dim3A_27, %and3A_1544] : memref<2x16384xf32, #tpu.memory_space<vmem>>[vector<16xi32>, vector<16xi32>], vector<16xf32>,
      %mul3A_1552 = arith.constant 16 : i32
      %mul3A_1553 = arith.muli %shift_right_logical3A_909, %mul3A_1552 : i32
      %add3A_1554 = vector.broadcast %mul3A_1553 : i32 to vector<16xi32>
      %add3A_1555 = arith.addi %add3A_1554, %iota3A : vector<16xi32>
      %ge3A = vector.broadcast %reduce_sum3A_902 : i32 to vector<16xi32>
      %ge3A_1556 = arith.cmpi sge, %add3A_1555, %ge3A : vector<16xi32>
      %lt3A_1557 = vector.broadcast %reduce_sum3A_907 : i32 to vector<16xi32>
      %lt3A_1558 = arith.cmpi slt, %add3A_1555, %lt3A_1557 : vector<16xi32>
      %and3A_1559 = arith.andi %ge3A_1556, %lt3A_1558 : vector<16xi1>
      tpu.vector_store_idx %arg9[%broadcast_in_dim3A_25, %and3A_1550], %gather3A masked %and3A_1559 : memref<2x16384xf32, #tpu.memory_space<vmem>>[vector<16xi32>, vector<16xi32>], vector<16xf32>, vector<16xi1>
      tpu.vector_store_idx %arg9[%broadcast_in_dim3A_27, %and3A_1550], %gather3A_1551 masked %and3A_1559 : memref<2x16384xf32, #tpu.memory_space<vmem>>[vector<16xi32>, vector<16xi32>], vector<16xf32>, vector<16xi1>
    } else {
    }
    %add3A_920 = arith.constant 1 : i32
    %add3A_921 = arith.addi %shift_right_logical3A_909, %add3A_920 : i32
    %gt3A_922 = arith.cmpi sgt, %shift_right_logical3A_915, %add3A_921 : i32
    %convert_element_type3A_923 = arith.extui %gt3A_922 : i1 to i32
    %cond3A_924 = arith.constant 0 : i32
    %cond3A_925 = arith.cmpi ne, %convert_element_type3A_923, %cond3A_924 : i32
    scf.if %cond3A_925 {
      %sub3A_1539 = arith.constant 1 : i32
      %sub3A_1540 = arith.subi %shift_right_logical3A_915, %sub3A_1539 : i32
      %mul3A_1541 = arith.constant 16 : i32
      %mul3A_1542 = arith.muli %sub3A_1540, %mul3A_1541 : i32
      %get3A_1543 = arith.index_cast %mul3A_1542 : i32 to index
      %get3A_1544 = tpu.vector_load %arg10[%get3A_1543] {strides = array<i32>} : memref<16384xi32, #tpu.memory_space<vmem>>, vector<16xi32>,
      %and3A = arith.constant 16383 : i32
      %and3A_1545 = vector.broadcast %and3A : i32 to vector<16xi32>
      %and3A_1546 = arith.andi %get3A_1544, %and3A_1545 : vector<16xi32>
      %shift_right_logical3A_1547 = arith.constant 14 : i32
      %shift_right_logical3A_1548 = vector.broadcast %shift_right_logical3A_1547 : i32 to vector<16xi32>
      %shift_right_logical3A_1549 = arith.shrui %get3A_1544, %shift_right_logical3A_1548 : vector<16xi32>
      %and3A_1550 = arith.constant 16383 : i32
      %and3A_1551 = vector.broadcast %and3A_1550 : i32 to vector<16xi32>
      %and3A_1552 = arith.andi %shift_right_logical3A_1549, %and3A_1551 : vector<16xi32>
      %gather3A = tpu.vector_load_idx %arg8[%broadcast_in_dim3A_25, %and3A_1546] : memref<2x16384xf32, #tpu.memory_space<vmem>>[vector<16xi32>, vector<16xi32>], vector<16xf32>,
      %gather3A_1553 = tpu.vector_load_idx %arg8[%broadcast_in_dim3A_27, %and3A_1546] : memref<2x16384xf32, #tpu.memory_space<vmem>>[vector<16xi32>, vector<16xi32>], vector<16xf32>,
      %mul3A_1554 = arith.constant 16 : i32
      %mul3A_1555 = arith.muli %sub3A_1540, %mul3A_1554 : i32
      %add3A_1556 = vector.broadcast %mul3A_1555 : i32 to vector<16xi32>
      %add3A_1557 = arith.addi %add3A_1556, %iota3A : vector<16xi32>
      %ge3A = vector.broadcast %reduce_sum3A_902 : i32 to vector<16xi32>
      %ge3A_1558 = arith.cmpi sge, %add3A_1557, %ge3A : vector<16xi32>
      %lt3A_1559 = vector.broadcast %reduce_sum3A_907 : i32 to vector<16xi32>
      %lt3A_1560 = arith.cmpi slt, %add3A_1557, %lt3A_1559 : vector<16xi32>
      %and3A_1561 = arith.andi %ge3A_1558, %lt3A_1560 : vector<16xi1>
      tpu.vector_store_idx %arg9[%broadcast_in_dim3A_25, %and3A_1552], %gather3A masked %and3A_1561 : memref<2x16384xf32, #tpu.memory_space<vmem>>[vector<16xi32>, vector<16xi32>], vector<16xf32>, vector<16xi1>
      tpu.vector_store_idx %arg9[%broadcast_in_dim3A_27, %and3A_1552], %gather3A_1553 masked %and3A_1561 : memref<2x16384xf32, #tpu.memory_space<vmem>>[vector<16xi32>, vector<16xi32>], vector<16xf32>, vector<16xi1>
    } else {
    }
    %add3A_926 = arith.constant 1 : i32
    %add3A_927 = arith.addi %shift_right_logical3A_909, %add3A_926 : i32
    %sub3A_928 = arith.constant 1 : i32
    %sub3A_929 = arith.subi %shift_right_logical3A_915, %sub3A_928 : i32
    %sub3A_930 = arith.subi %sub3A_929, %add3A_927 : i32
    %sub3A_931 = arith.constant 1 : i32
    %sub3A_932 = arith.constant 1 : i32
    %sub3A_933 = arith.subi %sub3A_931, %sub3A_932 : i32
    %add3A_934 = arith.addi %sub3A_930, %sub3A_933 : i32
    %div3A_935 = arith.constant 1 : i32
    %div3A_936 = arith.divsi %add3A_934, %div3A_935 : i32
    %while3A_937 = arith.constant 1 : i32
    %while3A_938 = arith.constant 0 : i32
    %while3A_939 = arith.subi %div3A_936, %while3A_938 : i32
    %while3A_940 = arith.addi %while3A_938, %while3A_939 : i32
    %while3A_941 = arith.constant 1 : i32
    %while3A_942 = arith.divsi %while3A_939, %while3A_941 : i32
    %while3A_943 = arith.muli %while3A_942, %while3A_941 : i32
    %while3A_944 = arith.addi %while3A_938, %while3A_943 : i32
    %while3A_945 = arith.constant 1 : i32
    scf.for %while3A_1539 = %while3A_938 to %while3A_944 step %while3A_945  : i32 {
      %mul3A_1540 = arith.muli %while3A_1539, %while3A_937 : i32
      %add3A_1541 = arith.addi %add3A_927, %mul3A_1540 : i32
      %mul3A_1542 = arith.constant 16 : i32
      %mul3A_1543 = arith.muli %add3A_1541, %mul3A_1542 : i32
      %get3A_1544 = arith.index_cast %mul3A_1543 : i32 to index
      %get3A_1545 = tpu.vector_load %arg10[%get3A_1544] {strides = array<i32>} : memref<16384xi32, #tpu.memory_space<vmem>>, vector<16xi32>,
      %and3A = arith.constant 16383 : i32
      %and3A_1546 = vector.broadcast %and3A : i32 to vector<16xi32>
      %and3A_1547 = arith.andi %get3A_1545, %and3A_1546 : vector<16xi32>
      %shift_right_logical3A_1548 = arith.constant 14 : i32
      %shift_right_logical3A_1549 = vector.broadcast %shift_right_logical3A_1548 : i32 to vector<16xi32>
      %shift_right_logical3A_1550 = arith.shrui %get3A_1545, %shift_right_logical3A_1549 : vector<16xi32>
      %and3A_1551 = arith.constant 16383 : i32
      %and3A_1552 = vector.broadcast %and3A_1551 : i32 to vector<16xi32>
      %and3A_1553 = arith.andi %shift_right_logical3A_1550, %and3A_1552 : vector<16xi32>
      %gather3A = tpu.vector_load_idx %arg8[%broadcast_in_dim3A_25, %and3A_1547] : memref<2x16384xf32, #tpu.memory_space<vmem>>[vector<16xi32>, vector<16xi32>], vector<16xf32>,
      %gather3A_1554 = tpu.vector_load_idx %arg8[%broadcast_in_dim3A_27, %and3A_1547] : memref<2x16384xf32, #tpu.memory_space<vmem>>[vector<16xi32>, vector<16xi32>], vector<16xf32>,
      tpu.vector_store_idx %arg9[%broadcast_in_dim3A_25, %and3A_1553], %gather3A : memref<2x16384xf32, #tpu.memory_space<vmem>>[vector<16xi32>, vector<16xi32>], vector<16xf32>,
      tpu.vector_store_idx %arg9[%broadcast_in_dim3A_27, %and3A_1553], %gather3A_1554 : memref<2x16384xf32, #tpu.memory_space<vmem>>[vector<16xi32>, vector<16xi32>], vector<16xf32>,
    }
    %while3A_946 = arith.constant 1 : i32
    scf.for %while3A_1539 = %while3A_944 to %while3A_940 step %while3A_946  : i32 {
      %mul3A_1540 = arith.muli %while3A_1539, %while3A_937 : i32
      %add3A_1541 = arith.addi %add3A_927, %mul3A_1540 : i32
      %mul3A_1542 = arith.constant 16 : i32
      %mul3A_1543 = arith.muli %add3A_1541, %mul3A_1542 : i32
      %get3A_1544 = arith.index_cast %mul3A_1543 : i32 to index
      %get3A_1545 = tpu.vector_load %arg10[%get3A_1544] {strides = array<i32>} : memref<16384xi32, #tpu.memory_space<vmem>>, vector<16xi32>,
      %and3A = arith.constant 16383 : i32
      %and3A_1546 = vector.broadcast %and3A : i32 to vector<16xi32>
      %and3A_1547 = arith.andi %get3A_1545, %and3A_1546 : vector<16xi32>
      %shift_right_logical3A_1548 = arith.constant 14 : i32
      %shift_right_logical3A_1549 = vector.broadcast %shift_right_logical3A_1548 : i32 to vector<16xi32>
      %shift_right_logical3A_1550 = arith.shrui %get3A_1545, %shift_right_logical3A_1549 : vector<16xi32>
      %and3A_1551 = arith.constant 16383 : i32
      %and3A_1552 = vector.broadcast %and3A_1551 : i32 to vector<16xi32>
      %and3A_1553 = arith.andi %shift_right_logical3A_1550, %and3A_1552 : vector<16xi32>
      %gather3A = tpu.vector_load_idx %arg8[%broadcast_in_dim3A_25, %and3A_1547] : memref<2x16384xf32, #tpu.memory_space<vmem>>[vector<16xi32>, vector<16xi32>], vector<16xf32>,
      %gather3A_1554 = tpu.vector_load_idx %arg8[%broadcast_in_dim3A_27, %and3A_1547] : memref<2x16384xf32, #tpu.memory_space<vmem>>[vector<16xi32>, vector<16xi32>], vector<16xf32>,
      tpu.vector_store_idx %arg9[%broadcast_in_dim3A_25, %and3A_1553], %gather3A : memref<2x16384xf32, #tpu.memory_space<vmem>>[vector<16xi32>, vector<16xi32>], vector<16xf32>,
      tpu.vector_store_idx %arg9[%broadcast_in_dim3A_27, %and3A_1553], %gather3A_1554 : memref<2x16384xf32, #tpu.memory_space<vmem>>[vector<16xi32>, vector<16xi32>], vector<16xf32>,
    }
    %dma_wait3A_947 = arith.constant 0 : i32
    %dma_wait3A_948 = arith.constant 0 : i32
    %dma_wait3A_949 = tpu.memref_slice %arg7[%dma_wait3A_947, %dma_wait3A_948] : memref<2x16384xf32, #tpu.memory_space<vmem>> -> memref<2x8192xf32, #tpu.memory_space<vmem>>
    %dma_wait3A_950 = arith.constant 163840 : i32
    %dma_wait3A_951 = tpu.memref_slice %arg2[%mul3A_2, %dma_wait3A_950] : memref<64x250000xf32, #tpu.memory_space<hbm>> -> memref<2x8192xf32, #tpu.memory_space<hbm>>
    %dma_wait3A_952 = arith.constant 0 : i32
    %dma_wait3A_953 = arith.constant 0 : i32
    %dma_wait3A_954 = tpu.memref_slice %arg7[%dma_wait3A_952, %dma_wait3A_953] : memref<2x16384xf32, #tpu.memory_space<vmem>> -> memref<2x8192xf32, #tpu.memory_space<vmem>>
    %dma_wait3A_955 = arith.constant 163840 : i32
    %dma_wait3A_956 = tpu.memref_slice %arg2[%mul3A_2, %dma_wait3A_955] : memref<64x250000xf32, #tpu.memory_space<hbm>> -> memref<2x8192xf32, #tpu.memory_space<hbm>>
    tpu.wait_dma2 semaphore(%arg14 : memref<!tpu.dma_semaphore, #tpu.memory_space<semaphore_mem>>) src(%dma_wait3A_956 : memref<2x8192xf32, #tpu.memory_space<hbm>>) dst(%dma_wait3A_954 : memref<2x8192xf32, #tpu.memory_space<vmem>>)
    %dma_wait3A_957 = arith.constant 0 : i32
    %dma_wait3A_958 = arith.constant 8192 : i32
    %dma_wait3A_959 = tpu.memref_slice %arg7[%dma_wait3A_957, %dma_wait3A_958] : memref<2x16384xf32, #tpu.memory_space<vmem>> -> memref<2x8192xf32, #tpu.memory_space<vmem>>
    %dma_wait3A_960 = arith.constant 172032 : i32
    %dma_wait3A_961 = tpu.memref_slice %arg2[%mul3A_2, %dma_wait3A_960] : memref<64x250000xf32, #tpu.memory_space<hbm>> -> memref<2x8192xf32, #tpu.memory_space<hbm>>
    %dma_wait3A_962 = arith.constant 0 : i32
    %dma_wait3A_963 = arith.constant 8192 : i32
    %dma_wait3A_964 = tpu.memref_slice %arg7[%dma_wait3A_962, %dma_wait3A_963] : memref<2x16384xf32, #tpu.memory_space<vmem>> -> memref<2x8192xf32, #tpu.memory_space<vmem>>
    %dma_wait3A_965 = arith.constant 172032 : i32
    %dma_wait3A_966 = tpu.memref_slice %arg2[%mul3A_2, %dma_wait3A_965] : memref<64x250000xf32, #tpu.memory_space<hbm>> -> memref<2x8192xf32, #tpu.memory_space<hbm>>
    tpu.wait_dma2 semaphore(%arg14 : memref<!tpu.dma_semaphore, #tpu.memory_space<semaphore_mem>>) src(%dma_wait3A_966 : memref<2x8192xf32, #tpu.memory_space<hbm>>) dst(%dma_wait3A_964 : memref<2x8192xf32, #tpu.memory_space<vmem>>)
    %dma_start3A_967 = arith.constant 0 : i32
    %dma_start3A_968 = arith.constant 0 : i32
    %dma_start3A_969 = tpu.memref_slice %arg8[%dma_start3A_967, %dma_start3A_968] : memref<2x16384xf32, #tpu.memory_space<vmem>> -> memref<2x8192xf32, #tpu.memory_space<vmem>>
    %dma_start3A_970 = arith.constant 180224 : i32
    %dma_start3A_971 = tpu.memref_slice %arg2[%mul3A_2, %dma_start3A_970] : memref<64x250000xf32, #tpu.memory_space<hbm>> -> memref<2x8192xf32, #tpu.memory_space<hbm>>
    %dma_start3A_972 = arith.constant 0 : i32
    %dma_start3A_973 = arith.constant 0 : i32
    %dma_start3A_974 = tpu.memref_slice %arg8[%dma_start3A_972, %dma_start3A_973] : memref<2x16384xf32, #tpu.memory_space<vmem>> -> memref<2x8192xf32, #tpu.memory_space<vmem>>
    %dma_start3A_975 = arith.constant 180224 : i32
    %dma_start3A_976 = tpu.memref_slice %arg2[%mul3A_2, %dma_start3A_975] : memref<64x250000xf32, #tpu.memory_space<hbm>> -> memref<2x8192xf32, #tpu.memory_space<hbm>>
    tpu.enqueue_dma source(%dma_start3A_976 : memref<2x8192xf32, #tpu.memory_space<hbm>>) target(%dma_start3A_974 : memref<2x8192xf32, #tpu.memory_space<vmem>>) target_semaphore(%arg15 : memref<!tpu.dma_semaphore, #tpu.memory_space<semaphore_mem>>)
    %dma_start3A_977 = arith.constant 0 : i32
    %dma_start3A_978 = arith.constant 8192 : i32
    %dma_start3A_979 = tpu.memref_slice %arg8[%dma_start3A_977, %dma_start3A_978] : memref<2x16384xf32, #tpu.memory_space<vmem>> -> memref<2x8192xf32, #tpu.memory_space<vmem>>
    %dma_start3A_980 = arith.constant 188416 : i32
    %dma_start3A_981 = tpu.memref_slice %arg2[%mul3A_2, %dma_start3A_980] : memref<64x250000xf32, #tpu.memory_space<hbm>> -> memref<2x8192xf32, #tpu.memory_space<hbm>>
    %dma_start3A_982 = arith.constant 0 : i32
    %dma_start3A_983 = arith.constant 8192 : i32
    %dma_start3A_984 = tpu.memref_slice %arg8[%dma_start3A_982, %dma_start3A_983] : memref<2x16384xf32, #tpu.memory_space<vmem>> -> memref<2x8192xf32, #tpu.memory_space<vmem>>
    %dma_start3A_985 = arith.constant 188416 : i32
    %dma_start3A_986 = tpu.memref_slice %arg2[%mul3A_2, %dma_start3A_985] : memref<64x250000xf32, #tpu.memory_space<hbm>> -> memref<2x8192xf32, #tpu.memory_space<hbm>>
    tpu.enqueue_dma source(%dma_start3A_986 : memref<2x8192xf32, #tpu.memory_space<hbm>>) target(%dma_start3A_984 : memref<2x8192xf32, #tpu.memory_space<vmem>>) target_semaphore(%arg15 : memref<!tpu.dma_semaphore, #tpu.memory_space<semaphore_mem>>)
    %eq3A_987 = arith.constant 10 : i32
    %eq3A_988 = vector.broadcast %eq3A_987 : i32 to vector<16xi32>
    %eq3A_989 = arith.cmpi eq, %iota3A, %eq3A_988 : vector<16xi32>
    %convert_element_type3A_990 = arith.extui %eq3A_989 : vector<16xi1> to vector<16xi32>
    %mul3A_991 = arith.muli %convert_element_type3A_990, %get3A_3 : vector<16xi32>
    %reduce_sum3A_992 = arith.constant true
    %reduce_sum3A_993 = vector.broadcast %reduce_sum3A_992 : i1 to vector<16xi1>
    %reduce_sum3A_994 = tpu.scan <sum>, %mul3A_991 masked %reduce_sum3A_993 : vector<16xi32>, vector<16xi1> -> vector<16xi32>
    %reduce_sum3A_995 = vector.extract %reduce_sum3A_994[15] : i32 from vector<16xi32>
    %mul3A_996 = arith.muli %convert_element_type3A_990, %get3A_5 : vector<16xi32>
    %reduce_sum3A_997 = arith.constant true
    %reduce_sum3A_998 = vector.broadcast %reduce_sum3A_997 : i1 to vector<16xi1>
    %reduce_sum3A_999 = tpu.scan <sum>, %mul3A_996 masked %reduce_sum3A_998 : vector<16xi32>, vector<16xi1> -> vector<16xi32>
    %reduce_sum3A_1000 = vector.extract %reduce_sum3A_999[15] : i32 from vector<16xi32>
    %shift_right_logical3A_1001 = arith.constant 4 : i32
    %shift_right_logical3A_1002 = arith.shrui %reduce_sum3A_995, %shift_right_logical3A_1001 : i32
    %add3A_1003 = arith.constant 16 : i32
    %add3A_1004 = arith.addi %reduce_sum3A_1000, %add3A_1003 : i32
    %sub3A_1005 = arith.constant 1 : i32
    %sub3A_1006 = arith.subi %add3A_1004, %sub3A_1005 : i32
    %shift_right_logical3A_1007 = arith.constant 4 : i32
    %shift_right_logical3A_1008 = arith.shrui %sub3A_1006, %shift_right_logical3A_1007 : i32
    %lt3A_1009 = arith.cmpi slt, %shift_right_logical3A_1002, %shift_right_logical3A_1008 : i32
    %convert_element_type3A_1010 = arith.extui %lt3A_1009 : i1 to i32
    %cond3A_1011 = arith.constant 0 : i32
    %cond3A_1012 = arith.cmpi ne, %convert_element_type3A_1010, %cond3A_1011 : i32
    scf.if %cond3A_1012 {
      %mul3A_1539 = arith.constant 16 : i32
      %mul3A_1540 = arith.muli %shift_right_logical3A_1002, %mul3A_1539 : i32
      %get3A_1541 = arith.index_cast %mul3A_1540 : i32 to index
      %get3A_1542 = tpu.vector_load %arg10[%get3A_1541] {strides = array<i32>} : memref<16384xi32, #tpu.memory_space<vmem>>, vector<16xi32>,
      %and3A = arith.constant 16383 : i32
      %and3A_1543 = vector.broadcast %and3A : i32 to vector<16xi32>
      %and3A_1544 = arith.andi %get3A_1542, %and3A_1543 : vector<16xi32>
      %shift_right_logical3A_1545 = arith.constant 14 : i32
      %shift_right_logical3A_1546 = vector.broadcast %shift_right_logical3A_1545 : i32 to vector<16xi32>
      %shift_right_logical3A_1547 = arith.shrui %get3A_1542, %shift_right_logical3A_1546 : vector<16xi32>
      %and3A_1548 = arith.constant 16383 : i32
      %and3A_1549 = vector.broadcast %and3A_1548 : i32 to vector<16xi32>
      %and3A_1550 = arith.andi %shift_right_logical3A_1547, %and3A_1549 : vector<16xi32>
      %gather3A = tpu.vector_load_idx %arg7[%broadcast_in_dim3A_25, %and3A_1544] : memref<2x16384xf32, #tpu.memory_space<vmem>>[vector<16xi32>, vector<16xi32>], vector<16xf32>,
      %gather3A_1551 = tpu.vector_load_idx %arg7[%broadcast_in_dim3A_27, %and3A_1544] : memref<2x16384xf32, #tpu.memory_space<vmem>>[vector<16xi32>, vector<16xi32>], vector<16xf32>,
      %mul3A_1552 = arith.constant 16 : i32
      %mul3A_1553 = arith.muli %shift_right_logical3A_1002, %mul3A_1552 : i32
      %add3A_1554 = vector.broadcast %mul3A_1553 : i32 to vector<16xi32>
      %add3A_1555 = arith.addi %add3A_1554, %iota3A : vector<16xi32>
      %ge3A = vector.broadcast %reduce_sum3A_995 : i32 to vector<16xi32>
      %ge3A_1556 = arith.cmpi sge, %add3A_1555, %ge3A : vector<16xi32>
      %lt3A_1557 = vector.broadcast %reduce_sum3A_1000 : i32 to vector<16xi32>
      %lt3A_1558 = arith.cmpi slt, %add3A_1555, %lt3A_1557 : vector<16xi32>
      %and3A_1559 = arith.andi %ge3A_1556, %lt3A_1558 : vector<16xi1>
      tpu.vector_store_idx %arg9[%broadcast_in_dim3A_25, %and3A_1550], %gather3A masked %and3A_1559 : memref<2x16384xf32, #tpu.memory_space<vmem>>[vector<16xi32>, vector<16xi32>], vector<16xf32>, vector<16xi1>
      tpu.vector_store_idx %arg9[%broadcast_in_dim3A_27, %and3A_1550], %gather3A_1551 masked %and3A_1559 : memref<2x16384xf32, #tpu.memory_space<vmem>>[vector<16xi32>, vector<16xi32>], vector<16xf32>, vector<16xi1>
    } else {
    }
    %add3A_1013 = arith.constant 1 : i32
    %add3A_1014 = arith.addi %shift_right_logical3A_1002, %add3A_1013 : i32
    %gt3A_1015 = arith.cmpi sgt, %shift_right_logical3A_1008, %add3A_1014 : i32
    %convert_element_type3A_1016 = arith.extui %gt3A_1015 : i1 to i32
    %cond3A_1017 = arith.constant 0 : i32
    %cond3A_1018 = arith.cmpi ne, %convert_element_type3A_1016, %cond3A_1017 : i32
    scf.if %cond3A_1018 {
      %sub3A_1539 = arith.constant 1 : i32
      %sub3A_1540 = arith.subi %shift_right_logical3A_1008, %sub3A_1539 : i32
      %mul3A_1541 = arith.constant 16 : i32
      %mul3A_1542 = arith.muli %sub3A_1540, %mul3A_1541 : i32
      %get3A_1543 = arith.index_cast %mul3A_1542 : i32 to index
      %get3A_1544 = tpu.vector_load %arg10[%get3A_1543] {strides = array<i32>} : memref<16384xi32, #tpu.memory_space<vmem>>, vector<16xi32>,
      %and3A = arith.constant 16383 : i32
      %and3A_1545 = vector.broadcast %and3A : i32 to vector<16xi32>
      %and3A_1546 = arith.andi %get3A_1544, %and3A_1545 : vector<16xi32>
      %shift_right_logical3A_1547 = arith.constant 14 : i32
      %shift_right_logical3A_1548 = vector.broadcast %shift_right_logical3A_1547 : i32 to vector<16xi32>
      %shift_right_logical3A_1549 = arith.shrui %get3A_1544, %shift_right_logical3A_1548 : vector<16xi32>
      %and3A_1550 = arith.constant 16383 : i32
      %and3A_1551 = vector.broadcast %and3A_1550 : i32 to vector<16xi32>
      %and3A_1552 = arith.andi %shift_right_logical3A_1549, %and3A_1551 : vector<16xi32>
      %gather3A = tpu.vector_load_idx %arg7[%broadcast_in_dim3A_25, %and3A_1546] : memref<2x16384xf32, #tpu.memory_space<vmem>>[vector<16xi32>, vector<16xi32>], vector<16xf32>,
      %gather3A_1553 = tpu.vector_load_idx %arg7[%broadcast_in_dim3A_27, %and3A_1546] : memref<2x16384xf32, #tpu.memory_space<vmem>>[vector<16xi32>, vector<16xi32>], vector<16xf32>,
      %mul3A_1554 = arith.constant 16 : i32
      %mul3A_1555 = arith.muli %sub3A_1540, %mul3A_1554 : i32
      %add3A_1556 = vector.broadcast %mul3A_1555 : i32 to vector<16xi32>
      %add3A_1557 = arith.addi %add3A_1556, %iota3A : vector<16xi32>
      %ge3A = vector.broadcast %reduce_sum3A_995 : i32 to vector<16xi32>
      %ge3A_1558 = arith.cmpi sge, %add3A_1557, %ge3A : vector<16xi32>
      %lt3A_1559 = vector.broadcast %reduce_sum3A_1000 : i32 to vector<16xi32>
      %lt3A_1560 = arith.cmpi slt, %add3A_1557, %lt3A_1559 : vector<16xi32>
      %and3A_1561 = arith.andi %ge3A_1558, %lt3A_1560 : vector<16xi1>
      tpu.vector_store_idx %arg9[%broadcast_in_dim3A_25, %and3A_1552], %gather3A masked %and3A_1561 : memref<2x16384xf32, #tpu.memory_space<vmem>>[vector<16xi32>, vector<16xi32>], vector<16xf32>, vector<16xi1>
      tpu.vector_store_idx %arg9[%broadcast_in_dim3A_27, %and3A_1552], %gather3A_1553 masked %and3A_1561 : memref<2x16384xf32, #tpu.memory_space<vmem>>[vector<16xi32>, vector<16xi32>], vector<16xf32>, vector<16xi1>
    } else {
    }
    %add3A_1019 = arith.constant 1 : i32
    %add3A_1020 = arith.addi %shift_right_logical3A_1002, %add3A_1019 : i32
    %sub3A_1021 = arith.constant 1 : i32
    %sub3A_1022 = arith.subi %shift_right_logical3A_1008, %sub3A_1021 : i32
    %sub3A_1023 = arith.subi %sub3A_1022, %add3A_1020 : i32
    %sub3A_1024 = arith.constant 1 : i32
    %sub3A_1025 = arith.constant 1 : i32
    %sub3A_1026 = arith.subi %sub3A_1024, %sub3A_1025 : i32
    %add3A_1027 = arith.addi %sub3A_1023, %sub3A_1026 : i32
    %div3A_1028 = arith.constant 1 : i32
    %div3A_1029 = arith.divsi %add3A_1027, %div3A_1028 : i32
    %while3A_1030 = arith.constant 1 : i32
    %while3A_1031 = arith.constant 0 : i32
    %while3A_1032 = arith.subi %div3A_1029, %while3A_1031 : i32
    %while3A_1033 = arith.addi %while3A_1031, %while3A_1032 : i32
    %while3A_1034 = arith.constant 1 : i32
    %while3A_1035 = arith.divsi %while3A_1032, %while3A_1034 : i32
    %while3A_1036 = arith.muli %while3A_1035, %while3A_1034 : i32
    %while3A_1037 = arith.addi %while3A_1031, %while3A_1036 : i32
    %while3A_1038 = arith.constant 1 : i32
    scf.for %while3A_1539 = %while3A_1031 to %while3A_1037 step %while3A_1038  : i32 {
      %mul3A_1540 = arith.muli %while3A_1539, %while3A_1030 : i32
      %add3A_1541 = arith.addi %add3A_1020, %mul3A_1540 : i32
      %mul3A_1542 = arith.constant 16 : i32
      %mul3A_1543 = arith.muli %add3A_1541, %mul3A_1542 : i32
      %get3A_1544 = arith.index_cast %mul3A_1543 : i32 to index
      %get3A_1545 = tpu.vector_load %arg10[%get3A_1544] {strides = array<i32>} : memref<16384xi32, #tpu.memory_space<vmem>>, vector<16xi32>,
      %and3A = arith.constant 16383 : i32
      %and3A_1546 = vector.broadcast %and3A : i32 to vector<16xi32>
      %and3A_1547 = arith.andi %get3A_1545, %and3A_1546 : vector<16xi32>
      %shift_right_logical3A_1548 = arith.constant 14 : i32
      %shift_right_logical3A_1549 = vector.broadcast %shift_right_logical3A_1548 : i32 to vector<16xi32>
      %shift_right_logical3A_1550 = arith.shrui %get3A_1545, %shift_right_logical3A_1549 : vector<16xi32>
      %and3A_1551 = arith.constant 16383 : i32
      %and3A_1552 = vector.broadcast %and3A_1551 : i32 to vector<16xi32>
      %and3A_1553 = arith.andi %shift_right_logical3A_1550, %and3A_1552 : vector<16xi32>
      %gather3A = tpu.vector_load_idx %arg7[%broadcast_in_dim3A_25, %and3A_1547] : memref<2x16384xf32, #tpu.memory_space<vmem>>[vector<16xi32>, vector<16xi32>], vector<16xf32>,
      %gather3A_1554 = tpu.vector_load_idx %arg7[%broadcast_in_dim3A_27, %and3A_1547] : memref<2x16384xf32, #tpu.memory_space<vmem>>[vector<16xi32>, vector<16xi32>], vector<16xf32>,
      tpu.vector_store_idx %arg9[%broadcast_in_dim3A_25, %and3A_1553], %gather3A : memref<2x16384xf32, #tpu.memory_space<vmem>>[vector<16xi32>, vector<16xi32>], vector<16xf32>,
      tpu.vector_store_idx %arg9[%broadcast_in_dim3A_27, %and3A_1553], %gather3A_1554 : memref<2x16384xf32, #tpu.memory_space<vmem>>[vector<16xi32>, vector<16xi32>], vector<16xf32>,
    }
    %while3A_1039 = arith.constant 1 : i32
    scf.for %while3A_1539 = %while3A_1037 to %while3A_1033 step %while3A_1039  : i32 {
      %mul3A_1540 = arith.muli %while3A_1539, %while3A_1030 : i32
      %add3A_1541 = arith.addi %add3A_1020, %mul3A_1540 : i32
      %mul3A_1542 = arith.constant 16 : i32
      %mul3A_1543 = arith.muli %add3A_1541, %mul3A_1542 : i32
      %get3A_1544 = arith.index_cast %mul3A_1543 : i32 to index
      %get3A_1545 = tpu.vector_load %arg10[%get3A_1544] {strides = array<i32>} : memref<16384xi32, #tpu.memory_space<vmem>>, vector<16xi32>,
      %and3A = arith.constant 16383 : i32
      %and3A_1546 = vector.broadcast %and3A : i32 to vector<16xi32>
      %and3A_1547 = arith.andi %get3A_1545, %and3A_1546 : vector<16xi32>
      %shift_right_logical3A_1548 = arith.constant 14 : i32
      %shift_right_logical3A_1549 = vector.broadcast %shift_right_logical3A_1548 : i32 to vector<16xi32>
      %shift_right_logical3A_1550 = arith.shrui %get3A_1545, %shift_right_logical3A_1549 : vector<16xi32>
      %and3A_1551 = arith.constant 16383 : i32
      %and3A_1552 = vector.broadcast %and3A_1551 : i32 to vector<16xi32>
      %and3A_1553 = arith.andi %shift_right_logical3A_1550, %and3A_1552 : vector<16xi32>
      %gather3A = tpu.vector_load_idx %arg7[%broadcast_in_dim3A_25, %and3A_1547] : memref<2x16384xf32, #tpu.memory_space<vmem>>[vector<16xi32>, vector<16xi32>], vector<16xf32>,
      %gather3A_1554 = tpu.vector_load_idx %arg7[%broadcast_in_dim3A_27, %and3A_1547] : memref<2x16384xf32, #tpu.memory_space<vmem>>[vector<16xi32>, vector<16xi32>], vector<16xf32>,
      tpu.vector_store_idx %arg9[%broadcast_in_dim3A_25, %and3A_1553], %gather3A : memref<2x16384xf32, #tpu.memory_space<vmem>>[vector<16xi32>, vector<16xi32>], vector<16xf32>,
      tpu.vector_store_idx %arg9[%broadcast_in_dim3A_27, %and3A_1553], %gather3A_1554 : memref<2x16384xf32, #tpu.memory_space<vmem>>[vector<16xi32>, vector<16xi32>], vector<16xf32>,
    }
    %dma_wait3A_1040 = arith.constant 0 : i32
    %dma_wait3A_1041 = arith.constant 0 : i32
    %dma_wait3A_1042 = tpu.memref_slice %arg8[%dma_wait3A_1040, %dma_wait3A_1041] : memref<2x16384xf32, #tpu.memory_space<vmem>> -> memref<2x8192xf32, #tpu.memory_space<vmem>>
    %dma_wait3A_1043 = arith.constant 180224 : i32
    %dma_wait3A_1044 = tpu.memref_slice %arg2[%mul3A_2, %dma_wait3A_1043] : memref<64x250000xf32, #tpu.memory_space<hbm>> -> memref<2x8192xf32, #tpu.memory_space<hbm>>
    %dma_wait3A_1045 = arith.constant 0 : i32
    %dma_wait3A_1046 = arith.constant 0 : i32
    %dma_wait3A_1047 = tpu.memref_slice %arg8[%dma_wait3A_1045, %dma_wait3A_1046] : memref<2x16384xf32, #tpu.memory_space<vmem>> -> memref<2x8192xf32, #tpu.memory_space<vmem>>
    %dma_wait3A_1048 = arith.constant 180224 : i32
    %dma_wait3A_1049 = tpu.memref_slice %arg2[%mul3A_2, %dma_wait3A_1048] : memref<64x250000xf32, #tpu.memory_space<hbm>> -> memref<2x8192xf32, #tpu.memory_space<hbm>>
    tpu.wait_dma2 semaphore(%arg15 : memref<!tpu.dma_semaphore, #tpu.memory_space<semaphore_mem>>) src(%dma_wait3A_1049 : memref<2x8192xf32, #tpu.memory_space<hbm>>) dst(%dma_wait3A_1047 : memref<2x8192xf32, #tpu.memory_space<vmem>>)
    %dma_wait3A_1050 = arith.constant 0 : i32
    %dma_wait3A_1051 = arith.constant 8192 : i32
    %dma_wait3A_1052 = tpu.memref_slice %arg8[%dma_wait3A_1050, %dma_wait3A_1051] : memref<2x16384xf32, #tpu.memory_space<vmem>> -> memref<2x8192xf32, #tpu.memory_space<vmem>>
    %dma_wait3A_1053 = arith.constant 188416 : i32
    %dma_wait3A_1054 = tpu.memref_slice %arg2[%mul3A_2, %dma_wait3A_1053] : memref<64x250000xf32, #tpu.memory_space<hbm>> -> memref<2x8192xf32, #tpu.memory_space<hbm>>
    %dma_wait3A_1055 = arith.constant 0 : i32
    %dma_wait3A_1056 = arith.constant 8192 : i32
    %dma_wait3A_1057 = tpu.memref_slice %arg8[%dma_wait3A_1055, %dma_wait3A_1056] : memref<2x16384xf32, #tpu.memory_space<vmem>> -> memref<2x8192xf32, #tpu.memory_space<vmem>>
    %dma_wait3A_1058 = arith.constant 188416 : i32
    %dma_wait3A_1059 = tpu.memref_slice %arg2[%mul3A_2, %dma_wait3A_1058] : memref<64x250000xf32, #tpu.memory_space<hbm>> -> memref<2x8192xf32, #tpu.memory_space<hbm>>
    tpu.wait_dma2 semaphore(%arg15 : memref<!tpu.dma_semaphore, #tpu.memory_space<semaphore_mem>>) src(%dma_wait3A_1059 : memref<2x8192xf32, #tpu.memory_space<hbm>>) dst(%dma_wait3A_1057 : memref<2x8192xf32, #tpu.memory_space<vmem>>)
    %dma_start3A_1060 = arith.constant 0 : i32
    %dma_start3A_1061 = arith.constant 0 : i32
    %dma_start3A_1062 = tpu.memref_slice %arg7[%dma_start3A_1060, %dma_start3A_1061] : memref<2x16384xf32, #tpu.memory_space<vmem>> -> memref<2x8192xf32, #tpu.memory_space<vmem>>
    %dma_start3A_1063 = arith.constant 196608 : i32
    %dma_start3A_1064 = tpu.memref_slice %arg2[%mul3A_2, %dma_start3A_1063] : memref<64x250000xf32, #tpu.memory_space<hbm>> -> memref<2x8192xf32, #tpu.memory_space<hbm>>
    %dma_start3A_1065 = arith.constant 0 : i32
    %dma_start3A_1066 = arith.constant 0 : i32
    %dma_start3A_1067 = tpu.memref_slice %arg7[%dma_start3A_1065, %dma_start3A_1066] : memref<2x16384xf32, #tpu.memory_space<vmem>> -> memref<2x8192xf32, #tpu.memory_space<vmem>>
    %dma_start3A_1068 = arith.constant 196608 : i32
    %dma_start3A_1069 = tpu.memref_slice %arg2[%mul3A_2, %dma_start3A_1068] : memref<64x250000xf32, #tpu.memory_space<hbm>> -> memref<2x8192xf32, #tpu.memory_space<hbm>>
    tpu.enqueue_dma source(%dma_start3A_1069 : memref<2x8192xf32, #tpu.memory_space<hbm>>) target(%dma_start3A_1067 : memref<2x8192xf32, #tpu.memory_space<vmem>>) target_semaphore(%arg14 : memref<!tpu.dma_semaphore, #tpu.memory_space<semaphore_mem>>)
    %dma_start3A_1070 = arith.constant 0 : i32
    %dma_start3A_1071 = arith.constant 8192 : i32
    %dma_start3A_1072 = tpu.memref_slice %arg7[%dma_start3A_1070, %dma_start3A_1071] : memref<2x16384xf32, #tpu.memory_space<vmem>> -> memref<2x8192xf32, #tpu.memory_space<vmem>>
    %dma_start3A_1073 = arith.constant 204800 : i32
    %dma_start3A_1074 = tpu.memref_slice %arg2[%mul3A_2, %dma_start3A_1073] : memref<64x250000xf32, #tpu.memory_space<hbm>> -> memref<2x8192xf32, #tpu.memory_space<hbm>>
    %dma_start3A_1075 = arith.constant 0 : i32
    %dma_start3A_1076 = arith.constant 8192 : i32
    %dma_start3A_1077 = tpu.memref_slice %arg7[%dma_start3A_1075, %dma_start3A_1076] : memref<2x16384xf32, #tpu.memory_space<vmem>> -> memref<2x8192xf32, #tpu.memory_space<vmem>>
    %dma_start3A_1078 = arith.constant 204800 : i32
    %dma_start3A_1079 = tpu.memref_slice %arg2[%mul3A_2, %dma_start3A_1078] : memref<64x250000xf32, #tpu.memory_space<hbm>> -> memref<2x8192xf32, #tpu.memory_space<hbm>>
    tpu.enqueue_dma source(%dma_start3A_1079 : memref<2x8192xf32, #tpu.memory_space<hbm>>) target(%dma_start3A_1077 : memref<2x8192xf32, #tpu.memory_space<vmem>>) target_semaphore(%arg14 : memref<!tpu.dma_semaphore, #tpu.memory_space<semaphore_mem>>)
    %eq3A_1080 = arith.constant 11 : i32
    %eq3A_1081 = vector.broadcast %eq3A_1080 : i32 to vector<16xi32>
    %eq3A_1082 = arith.cmpi eq, %iota3A, %eq3A_1081 : vector<16xi32>
    %convert_element_type3A_1083 = arith.extui %eq3A_1082 : vector<16xi1> to vector<16xi32>
    %mul3A_1084 = arith.muli %convert_element_type3A_1083, %get3A_3 : vector<16xi32>
    %reduce_sum3A_1085 = arith.constant true
    %reduce_sum3A_1086 = vector.broadcast %reduce_sum3A_1085 : i1 to vector<16xi1>
    %reduce_sum3A_1087 = tpu.scan <sum>, %mul3A_1084 masked %reduce_sum3A_1086 : vector<16xi32>, vector<16xi1> -> vector<16xi32>
    %reduce_sum3A_1088 = vector.extract %reduce_sum3A_1087[15] : i32 from vector<16xi32>
    %mul3A_1089 = arith.muli %convert_element_type3A_1083, %get3A_5 : vector<16xi32>
    %reduce_sum3A_1090 = arith.constant true
    %reduce_sum3A_1091 = vector.broadcast %reduce_sum3A_1090 : i1 to vector<16xi1>
    %reduce_sum3A_1092 = tpu.scan <sum>, %mul3A_1089 masked %reduce_sum3A_1091 : vector<16xi32>, vector<16xi1> -> vector<16xi32>
    %reduce_sum3A_1093 = vector.extract %reduce_sum3A_1092[15] : i32 from vector<16xi32>
    %shift_right_logical3A_1094 = arith.constant 4 : i32
    %shift_right_logical3A_1095 = arith.shrui %reduce_sum3A_1088, %shift_right_logical3A_1094 : i32
    %add3A_1096 = arith.constant 16 : i32
    %add3A_1097 = arith.addi %reduce_sum3A_1093, %add3A_1096 : i32
    %sub3A_1098 = arith.constant 1 : i32
    %sub3A_1099 = arith.subi %add3A_1097, %sub3A_1098 : i32
    %shift_right_logical3A_1100 = arith.constant 4 : i32
    %shift_right_logical3A_1101 = arith.shrui %sub3A_1099, %shift_right_logical3A_1100 : i32
    %lt3A_1102 = arith.cmpi slt, %shift_right_logical3A_1095, %shift_right_logical3A_1101 : i32
    %convert_element_type3A_1103 = arith.extui %lt3A_1102 : i1 to i32
    %cond3A_1104 = arith.constant 0 : i32
    %cond3A_1105 = arith.cmpi ne, %convert_element_type3A_1103, %cond3A_1104 : i32
    scf.if %cond3A_1105 {
      %mul3A_1539 = arith.constant 16 : i32
      %mul3A_1540 = arith.muli %shift_right_logical3A_1095, %mul3A_1539 : i32
      %get3A_1541 = arith.index_cast %mul3A_1540 : i32 to index
      %get3A_1542 = tpu.vector_load %arg10[%get3A_1541] {strides = array<i32>} : memref<16384xi32, #tpu.memory_space<vmem>>, vector<16xi32>,
      %and3A = arith.constant 16383 : i32
      %and3A_1543 = vector.broadcast %and3A : i32 to vector<16xi32>
      %and3A_1544 = arith.andi %get3A_1542, %and3A_1543 : vector<16xi32>
      %shift_right_logical3A_1545 = arith.constant 14 : i32
      %shift_right_logical3A_1546 = vector.broadcast %shift_right_logical3A_1545 : i32 to vector<16xi32>
      %shift_right_logical3A_1547 = arith.shrui %get3A_1542, %shift_right_logical3A_1546 : vector<16xi32>
      %and3A_1548 = arith.constant 16383 : i32
      %and3A_1549 = vector.broadcast %and3A_1548 : i32 to vector<16xi32>
      %and3A_1550 = arith.andi %shift_right_logical3A_1547, %and3A_1549 : vector<16xi32>
      %gather3A = tpu.vector_load_idx %arg8[%broadcast_in_dim3A_25, %and3A_1544] : memref<2x16384xf32, #tpu.memory_space<vmem>>[vector<16xi32>, vector<16xi32>], vector<16xf32>,
      %gather3A_1551 = tpu.vector_load_idx %arg8[%broadcast_in_dim3A_27, %and3A_1544] : memref<2x16384xf32, #tpu.memory_space<vmem>>[vector<16xi32>, vector<16xi32>], vector<16xf32>,
      %mul3A_1552 = arith.constant 16 : i32
      %mul3A_1553 = arith.muli %shift_right_logical3A_1095, %mul3A_1552 : i32
      %add3A_1554 = vector.broadcast %mul3A_1553 : i32 to vector<16xi32>
      %add3A_1555 = arith.addi %add3A_1554, %iota3A : vector<16xi32>
      %ge3A = vector.broadcast %reduce_sum3A_1088 : i32 to vector<16xi32>
      %ge3A_1556 = arith.cmpi sge, %add3A_1555, %ge3A : vector<16xi32>
      %lt3A_1557 = vector.broadcast %reduce_sum3A_1093 : i32 to vector<16xi32>
      %lt3A_1558 = arith.cmpi slt, %add3A_1555, %lt3A_1557 : vector<16xi32>
      %and3A_1559 = arith.andi %ge3A_1556, %lt3A_1558 : vector<16xi1>
      tpu.vector_store_idx %arg9[%broadcast_in_dim3A_25, %and3A_1550], %gather3A masked %and3A_1559 : memref<2x16384xf32, #tpu.memory_space<vmem>>[vector<16xi32>, vector<16xi32>], vector<16xf32>, vector<16xi1>
      tpu.vector_store_idx %arg9[%broadcast_in_dim3A_27, %and3A_1550], %gather3A_1551 masked %and3A_1559 : memref<2x16384xf32, #tpu.memory_space<vmem>>[vector<16xi32>, vector<16xi32>], vector<16xf32>, vector<16xi1>
    } else {
    }
    %add3A_1106 = arith.constant 1 : i32
    %add3A_1107 = arith.addi %shift_right_logical3A_1095, %add3A_1106 : i32
    %gt3A_1108 = arith.cmpi sgt, %shift_right_logical3A_1101, %add3A_1107 : i32
    %convert_element_type3A_1109 = arith.extui %gt3A_1108 : i1 to i32
    %cond3A_1110 = arith.constant 0 : i32
    %cond3A_1111 = arith.cmpi ne, %convert_element_type3A_1109, %cond3A_1110 : i32
    scf.if %cond3A_1111 {
      %sub3A_1539 = arith.constant 1 : i32
      %sub3A_1540 = arith.subi %shift_right_logical3A_1101, %sub3A_1539 : i32
      %mul3A_1541 = arith.constant 16 : i32
      %mul3A_1542 = arith.muli %sub3A_1540, %mul3A_1541 : i32
      %get3A_1543 = arith.index_cast %mul3A_1542 : i32 to index
      %get3A_1544 = tpu.vector_load %arg10[%get3A_1543] {strides = array<i32>} : memref<16384xi32, #tpu.memory_space<vmem>>, vector<16xi32>,
      %and3A = arith.constant 16383 : i32
      %and3A_1545 = vector.broadcast %and3A : i32 to vector<16xi32>
      %and3A_1546 = arith.andi %get3A_1544, %and3A_1545 : vector<16xi32>
      %shift_right_logical3A_1547 = arith.constant 14 : i32
      %shift_right_logical3A_1548 = vector.broadcast %shift_right_logical3A_1547 : i32 to vector<16xi32>
      %shift_right_logical3A_1549 = arith.shrui %get3A_1544, %shift_right_logical3A_1548 : vector<16xi32>
      %and3A_1550 = arith.constant 16383 : i32
      %and3A_1551 = vector.broadcast %and3A_1550 : i32 to vector<16xi32>
      %and3A_1552 = arith.andi %shift_right_logical3A_1549, %and3A_1551 : vector<16xi32>
      %gather3A = tpu.vector_load_idx %arg8[%broadcast_in_dim3A_25, %and3A_1546] : memref<2x16384xf32, #tpu.memory_space<vmem>>[vector<16xi32>, vector<16xi32>], vector<16xf32>,
      %gather3A_1553 = tpu.vector_load_idx %arg8[%broadcast_in_dim3A_27, %and3A_1546] : memref<2x16384xf32, #tpu.memory_space<vmem>>[vector<16xi32>, vector<16xi32>], vector<16xf32>,
      %mul3A_1554 = arith.constant 16 : i32
      %mul3A_1555 = arith.muli %sub3A_1540, %mul3A_1554 : i32
      %add3A_1556 = vector.broadcast %mul3A_1555 : i32 to vector<16xi32>
      %add3A_1557 = arith.addi %add3A_1556, %iota3A : vector<16xi32>
      %ge3A = vector.broadcast %reduce_sum3A_1088 : i32 to vector<16xi32>
      %ge3A_1558 = arith.cmpi sge, %add3A_1557, %ge3A : vector<16xi32>
      %lt3A_1559 = vector.broadcast %reduce_sum3A_1093 : i32 to vector<16xi32>
      %lt3A_1560 = arith.cmpi slt, %add3A_1557, %lt3A_1559 : vector<16xi32>
      %and3A_1561 = arith.andi %ge3A_1558, %lt3A_1560 : vector<16xi1>
      tpu.vector_store_idx %arg9[%broadcast_in_dim3A_25, %and3A_1552], %gather3A masked %and3A_1561 : memref<2x16384xf32, #tpu.memory_space<vmem>>[vector<16xi32>, vector<16xi32>], vector<16xf32>, vector<16xi1>
      tpu.vector_store_idx %arg9[%broadcast_in_dim3A_27, %and3A_1552], %gather3A_1553 masked %and3A_1561 : memref<2x16384xf32, #tpu.memory_space<vmem>>[vector<16xi32>, vector<16xi32>], vector<16xf32>, vector<16xi1>
    } else {
    }
    %add3A_1112 = arith.constant 1 : i32
    %add3A_1113 = arith.addi %shift_right_logical3A_1095, %add3A_1112 : i32
    %sub3A_1114 = arith.constant 1 : i32
    %sub3A_1115 = arith.subi %shift_right_logical3A_1101, %sub3A_1114 : i32
    %sub3A_1116 = arith.subi %sub3A_1115, %add3A_1113 : i32
    %sub3A_1117 = arith.constant 1 : i32
    %sub3A_1118 = arith.constant 1 : i32
    %sub3A_1119 = arith.subi %sub3A_1117, %sub3A_1118 : i32
    %add3A_1120 = arith.addi %sub3A_1116, %sub3A_1119 : i32
    %div3A_1121 = arith.constant 1 : i32
    %div3A_1122 = arith.divsi %add3A_1120, %div3A_1121 : i32
    %while3A_1123 = arith.constant 1 : i32
    %while3A_1124 = arith.constant 0 : i32
    %while3A_1125 = arith.subi %div3A_1122, %while3A_1124 : i32
    %while3A_1126 = arith.addi %while3A_1124, %while3A_1125 : i32
    %while3A_1127 = arith.constant 1 : i32
    %while3A_1128 = arith.divsi %while3A_1125, %while3A_1127 : i32
    %while3A_1129 = arith.muli %while3A_1128, %while3A_1127 : i32
    %while3A_1130 = arith.addi %while3A_1124, %while3A_1129 : i32
    %while3A_1131 = arith.constant 1 : i32
    scf.for %while3A_1539 = %while3A_1124 to %while3A_1130 step %while3A_1131  : i32 {
      %mul3A_1540 = arith.muli %while3A_1539, %while3A_1123 : i32
      %add3A_1541 = arith.addi %add3A_1113, %mul3A_1540 : i32
      %mul3A_1542 = arith.constant 16 : i32
      %mul3A_1543 = arith.muli %add3A_1541, %mul3A_1542 : i32
      %get3A_1544 = arith.index_cast %mul3A_1543 : i32 to index
      %get3A_1545 = tpu.vector_load %arg10[%get3A_1544] {strides = array<i32>} : memref<16384xi32, #tpu.memory_space<vmem>>, vector<16xi32>,
      %and3A = arith.constant 16383 : i32
      %and3A_1546 = vector.broadcast %and3A : i32 to vector<16xi32>
      %and3A_1547 = arith.andi %get3A_1545, %and3A_1546 : vector<16xi32>
      %shift_right_logical3A_1548 = arith.constant 14 : i32
      %shift_right_logical3A_1549 = vector.broadcast %shift_right_logical3A_1548 : i32 to vector<16xi32>
      %shift_right_logical3A_1550 = arith.shrui %get3A_1545, %shift_right_logical3A_1549 : vector<16xi32>
      %and3A_1551 = arith.constant 16383 : i32
      %and3A_1552 = vector.broadcast %and3A_1551 : i32 to vector<16xi32>
      %and3A_1553 = arith.andi %shift_right_logical3A_1550, %and3A_1552 : vector<16xi32>
      %gather3A = tpu.vector_load_idx %arg8[%broadcast_in_dim3A_25, %and3A_1547] : memref<2x16384xf32, #tpu.memory_space<vmem>>[vector<16xi32>, vector<16xi32>], vector<16xf32>,
      %gather3A_1554 = tpu.vector_load_idx %arg8[%broadcast_in_dim3A_27, %and3A_1547] : memref<2x16384xf32, #tpu.memory_space<vmem>>[vector<16xi32>, vector<16xi32>], vector<16xf32>,
      tpu.vector_store_idx %arg9[%broadcast_in_dim3A_25, %and3A_1553], %gather3A : memref<2x16384xf32, #tpu.memory_space<vmem>>[vector<16xi32>, vector<16xi32>], vector<16xf32>,
      tpu.vector_store_idx %arg9[%broadcast_in_dim3A_27, %and3A_1553], %gather3A_1554 : memref<2x16384xf32, #tpu.memory_space<vmem>>[vector<16xi32>, vector<16xi32>], vector<16xf32>,
    }
    %while3A_1132 = arith.constant 1 : i32
    scf.for %while3A_1539 = %while3A_1130 to %while3A_1126 step %while3A_1132  : i32 {
      %mul3A_1540 = arith.muli %while3A_1539, %while3A_1123 : i32
      %add3A_1541 = arith.addi %add3A_1113, %mul3A_1540 : i32
      %mul3A_1542 = arith.constant 16 : i32
      %mul3A_1543 = arith.muli %add3A_1541, %mul3A_1542 : i32
      %get3A_1544 = arith.index_cast %mul3A_1543 : i32 to index
      %get3A_1545 = tpu.vector_load %arg10[%get3A_1544] {strides = array<i32>} : memref<16384xi32, #tpu.memory_space<vmem>>, vector<16xi32>,
      %and3A = arith.constant 16383 : i32
      %and3A_1546 = vector.broadcast %and3A : i32 to vector<16xi32>
      %and3A_1547 = arith.andi %get3A_1545, %and3A_1546 : vector<16xi32>
      %shift_right_logical3A_1548 = arith.constant 14 : i32
      %shift_right_logical3A_1549 = vector.broadcast %shift_right_logical3A_1548 : i32 to vector<16xi32>
      %shift_right_logical3A_1550 = arith.shrui %get3A_1545, %shift_right_logical3A_1549 : vector<16xi32>
      %and3A_1551 = arith.constant 16383 : i32
      %and3A_1552 = vector.broadcast %and3A_1551 : i32 to vector<16xi32>
      %and3A_1553 = arith.andi %shift_right_logical3A_1550, %and3A_1552 : vector<16xi32>
      %gather3A = tpu.vector_load_idx %arg8[%broadcast_in_dim3A_25, %and3A_1547] : memref<2x16384xf32, #tpu.memory_space<vmem>>[vector<16xi32>, vector<16xi32>], vector<16xf32>,
      %gather3A_1554 = tpu.vector_load_idx %arg8[%broadcast_in_dim3A_27, %and3A_1547] : memref<2x16384xf32, #tpu.memory_space<vmem>>[vector<16xi32>, vector<16xi32>], vector<16xf32>,
      tpu.vector_store_idx %arg9[%broadcast_in_dim3A_25, %and3A_1553], %gather3A : memref<2x16384xf32, #tpu.memory_space<vmem>>[vector<16xi32>, vector<16xi32>], vector<16xf32>,
      tpu.vector_store_idx %arg9[%broadcast_in_dim3A_27, %and3A_1553], %gather3A_1554 : memref<2x16384xf32, #tpu.memory_space<vmem>>[vector<16xi32>, vector<16xi32>], vector<16xf32>,
    }
    %dma_wait3A_1133 = arith.constant 0 : i32
    %dma_wait3A_1134 = arith.constant 0 : i32
    %dma_wait3A_1135 = tpu.memref_slice %arg7[%dma_wait3A_1133, %dma_wait3A_1134] : memref<2x16384xf32, #tpu.memory_space<vmem>> -> memref<2x8192xf32, #tpu.memory_space<vmem>>
    %dma_wait3A_1136 = arith.constant 196608 : i32
    %dma_wait3A_1137 = tpu.memref_slice %arg2[%mul3A_2, %dma_wait3A_1136] : memref<64x250000xf32, #tpu.memory_space<hbm>> -> memref<2x8192xf32, #tpu.memory_space<hbm>>
    %dma_wait3A_1138 = arith.constant 0 : i32
    %dma_wait3A_1139 = arith.constant 0 : i32
    %dma_wait3A_1140 = tpu.memref_slice %arg7[%dma_wait3A_1138, %dma_wait3A_1139] : memref<2x16384xf32, #tpu.memory_space<vmem>> -> memref<2x8192xf32, #tpu.memory_space<vmem>>
    %dma_wait3A_1141 = arith.constant 196608 : i32
    %dma_wait3A_1142 = tpu.memref_slice %arg2[%mul3A_2, %dma_wait3A_1141] : memref<64x250000xf32, #tpu.memory_space<hbm>> -> memref<2x8192xf32, #tpu.memory_space<hbm>>
    tpu.wait_dma2 semaphore(%arg14 : memref<!tpu.dma_semaphore, #tpu.memory_space<semaphore_mem>>) src(%dma_wait3A_1142 : memref<2x8192xf32, #tpu.memory_space<hbm>>) dst(%dma_wait3A_1140 : memref<2x8192xf32, #tpu.memory_space<vmem>>)
    %dma_wait3A_1143 = arith.constant 0 : i32
    %dma_wait3A_1144 = arith.constant 8192 : i32
    %dma_wait3A_1145 = tpu.memref_slice %arg7[%dma_wait3A_1143, %dma_wait3A_1144] : memref<2x16384xf32, #tpu.memory_space<vmem>> -> memref<2x8192xf32, #tpu.memory_space<vmem>>
    %dma_wait3A_1146 = arith.constant 204800 : i32
    %dma_wait3A_1147 = tpu.memref_slice %arg2[%mul3A_2, %dma_wait3A_1146] : memref<64x250000xf32, #tpu.memory_space<hbm>> -> memref<2x8192xf32, #tpu.memory_space<hbm>>
    %dma_wait3A_1148 = arith.constant 0 : i32
    %dma_wait3A_1149 = arith.constant 8192 : i32
    %dma_wait3A_1150 = tpu.memref_slice %arg7[%dma_wait3A_1148, %dma_wait3A_1149] : memref<2x16384xf32, #tpu.memory_space<vmem>> -> memref<2x8192xf32, #tpu.memory_space<vmem>>
    %dma_wait3A_1151 = arith.constant 204800 : i32
    %dma_wait3A_1152 = tpu.memref_slice %arg2[%mul3A_2, %dma_wait3A_1151] : memref<64x250000xf32, #tpu.memory_space<hbm>> -> memref<2x8192xf32, #tpu.memory_space<hbm>>
    tpu.wait_dma2 semaphore(%arg14 : memref<!tpu.dma_semaphore, #tpu.memory_space<semaphore_mem>>) src(%dma_wait3A_1152 : memref<2x8192xf32, #tpu.memory_space<hbm>>) dst(%dma_wait3A_1150 : memref<2x8192xf32, #tpu.memory_space<vmem>>)
    %dma_start3A_1153 = arith.constant 0 : i32
    %dma_start3A_1154 = arith.constant 0 : i32
    %dma_start3A_1155 = tpu.memref_slice %arg8[%dma_start3A_1153, %dma_start3A_1154] : memref<2x16384xf32, #tpu.memory_space<vmem>> -> memref<2x8192xf32, #tpu.memory_space<vmem>>
    %dma_start3A_1156 = arith.constant 212992 : i32
    %dma_start3A_1157 = tpu.memref_slice %arg2[%mul3A_2, %dma_start3A_1156] : memref<64x250000xf32, #tpu.memory_space<hbm>> -> memref<2x8192xf32, #tpu.memory_space<hbm>>
    %dma_start3A_1158 = arith.constant 0 : i32
    %dma_start3A_1159 = arith.constant 0 : i32
    %dma_start3A_1160 = tpu.memref_slice %arg8[%dma_start3A_1158, %dma_start3A_1159] : memref<2x16384xf32, #tpu.memory_space<vmem>> -> memref<2x8192xf32, #tpu.memory_space<vmem>>
    %dma_start3A_1161 = arith.constant 212992 : i32
    %dma_start3A_1162 = tpu.memref_slice %arg2[%mul3A_2, %dma_start3A_1161] : memref<64x250000xf32, #tpu.memory_space<hbm>> -> memref<2x8192xf32, #tpu.memory_space<hbm>>
    tpu.enqueue_dma source(%dma_start3A_1162 : memref<2x8192xf32, #tpu.memory_space<hbm>>) target(%dma_start3A_1160 : memref<2x8192xf32, #tpu.memory_space<vmem>>) target_semaphore(%arg15 : memref<!tpu.dma_semaphore, #tpu.memory_space<semaphore_mem>>)
    %dma_start3A_1163 = arith.constant 0 : i32
    %dma_start3A_1164 = arith.constant 8192 : i32
    %dma_start3A_1165 = tpu.memref_slice %arg8[%dma_start3A_1163, %dma_start3A_1164] : memref<2x16384xf32, #tpu.memory_space<vmem>> -> memref<2x8192xf32, #tpu.memory_space<vmem>>
    %dma_start3A_1166 = arith.constant 221184 : i32
    %dma_start3A_1167 = tpu.memref_slice %arg2[%mul3A_2, %dma_start3A_1166] : memref<64x250000xf32, #tpu.memory_space<hbm>> -> memref<2x8192xf32, #tpu.memory_space<hbm>>
    %dma_start3A_1168 = arith.constant 0 : i32
    %dma_start3A_1169 = arith.constant 8192 : i32
    %dma_start3A_1170 = tpu.memref_slice %arg8[%dma_start3A_1168, %dma_start3A_1169] : memref<2x16384xf32, #tpu.memory_space<vmem>> -> memref<2x8192xf32, #tpu.memory_space<vmem>>
    %dma_start3A_1171 = arith.constant 221184 : i32
    %dma_start3A_1172 = tpu.memref_slice %arg2[%mul3A_2, %dma_start3A_1171] : memref<64x250000xf32, #tpu.memory_space<hbm>> -> memref<2x8192xf32, #tpu.memory_space<hbm>>
    tpu.enqueue_dma source(%dma_start3A_1172 : memref<2x8192xf32, #tpu.memory_space<hbm>>) target(%dma_start3A_1170 : memref<2x8192xf32, #tpu.memory_space<vmem>>) target_semaphore(%arg15 : memref<!tpu.dma_semaphore, #tpu.memory_space<semaphore_mem>>)
    %eq3A_1173 = arith.constant 12 : i32
    %eq3A_1174 = vector.broadcast %eq3A_1173 : i32 to vector<16xi32>
    %eq3A_1175 = arith.cmpi eq, %iota3A, %eq3A_1174 : vector<16xi32>
    %convert_element_type3A_1176 = arith.extui %eq3A_1175 : vector<16xi1> to vector<16xi32>
    %mul3A_1177 = arith.muli %convert_element_type3A_1176, %get3A_3 : vector<16xi32>
    %reduce_sum3A_1178 = arith.constant true
    %reduce_sum3A_1179 = vector.broadcast %reduce_sum3A_1178 : i1 to vector<16xi1>
    %reduce_sum3A_1180 = tpu.scan <sum>, %mul3A_1177 masked %reduce_sum3A_1179 : vector<16xi32>, vector<16xi1> -> vector<16xi32>
    %reduce_sum3A_1181 = vector.extract %reduce_sum3A_1180[15] : i32 from vector<16xi32>
    %mul3A_1182 = arith.muli %convert_element_type3A_1176, %get3A_5 : vector<16xi32>
    %reduce_sum3A_1183 = arith.constant true
    %reduce_sum3A_1184 = vector.broadcast %reduce_sum3A_1183 : i1 to vector<16xi1>
    %reduce_sum3A_1185 = tpu.scan <sum>, %mul3A_1182 masked %reduce_sum3A_1184 : vector<16xi32>, vector<16xi1> -> vector<16xi32>
    %reduce_sum3A_1186 = vector.extract %reduce_sum3A_1185[15] : i32 from vector<16xi32>
    %shift_right_logical3A_1187 = arith.constant 4 : i32
    %shift_right_logical3A_1188 = arith.shrui %reduce_sum3A_1181, %shift_right_logical3A_1187 : i32
    %add3A_1189 = arith.constant 16 : i32
    %add3A_1190 = arith.addi %reduce_sum3A_1186, %add3A_1189 : i32
    %sub3A_1191 = arith.constant 1 : i32
    %sub3A_1192 = arith.subi %add3A_1190, %sub3A_1191 : i32
    %shift_right_logical3A_1193 = arith.constant 4 : i32
    %shift_right_logical3A_1194 = arith.shrui %sub3A_1192, %shift_right_logical3A_1193 : i32
    %lt3A_1195 = arith.cmpi slt, %shift_right_logical3A_1188, %shift_right_logical3A_1194 : i32
    %convert_element_type3A_1196 = arith.extui %lt3A_1195 : i1 to i32
    %cond3A_1197 = arith.constant 0 : i32
    %cond3A_1198 = arith.cmpi ne, %convert_element_type3A_1196, %cond3A_1197 : i32
    scf.if %cond3A_1198 {
      %mul3A_1539 = arith.constant 16 : i32
      %mul3A_1540 = arith.muli %shift_right_logical3A_1188, %mul3A_1539 : i32
      %get3A_1541 = arith.index_cast %mul3A_1540 : i32 to index
      %get3A_1542 = tpu.vector_load %arg10[%get3A_1541] {strides = array<i32>} : memref<16384xi32, #tpu.memory_space<vmem>>, vector<16xi32>,
      %and3A = arith.constant 16383 : i32
      %and3A_1543 = vector.broadcast %and3A : i32 to vector<16xi32>
      %and3A_1544 = arith.andi %get3A_1542, %and3A_1543 : vector<16xi32>
      %shift_right_logical3A_1545 = arith.constant 14 : i32
      %shift_right_logical3A_1546 = vector.broadcast %shift_right_logical3A_1545 : i32 to vector<16xi32>
      %shift_right_logical3A_1547 = arith.shrui %get3A_1542, %shift_right_logical3A_1546 : vector<16xi32>
      %and3A_1548 = arith.constant 16383 : i32
      %and3A_1549 = vector.broadcast %and3A_1548 : i32 to vector<16xi32>
      %and3A_1550 = arith.andi %shift_right_logical3A_1547, %and3A_1549 : vector<16xi32>
      %gather3A = tpu.vector_load_idx %arg7[%broadcast_in_dim3A_25, %and3A_1544] : memref<2x16384xf32, #tpu.memory_space<vmem>>[vector<16xi32>, vector<16xi32>], vector<16xf32>,
      %gather3A_1551 = tpu.vector_load_idx %arg7[%broadcast_in_dim3A_27, %and3A_1544] : memref<2x16384xf32, #tpu.memory_space<vmem>>[vector<16xi32>, vector<16xi32>], vector<16xf32>,
      %mul3A_1552 = arith.constant 16 : i32
      %mul3A_1553 = arith.muli %shift_right_logical3A_1188, %mul3A_1552 : i32
      %add3A_1554 = vector.broadcast %mul3A_1553 : i32 to vector<16xi32>
      %add3A_1555 = arith.addi %add3A_1554, %iota3A : vector<16xi32>
      %ge3A = vector.broadcast %reduce_sum3A_1181 : i32 to vector<16xi32>
      %ge3A_1556 = arith.cmpi sge, %add3A_1555, %ge3A : vector<16xi32>
      %lt3A_1557 = vector.broadcast %reduce_sum3A_1186 : i32 to vector<16xi32>
      %lt3A_1558 = arith.cmpi slt, %add3A_1555, %lt3A_1557 : vector<16xi32>
      %and3A_1559 = arith.andi %ge3A_1556, %lt3A_1558 : vector<16xi1>
      tpu.vector_store_idx %arg9[%broadcast_in_dim3A_25, %and3A_1550], %gather3A masked %and3A_1559 : memref<2x16384xf32, #tpu.memory_space<vmem>>[vector<16xi32>, vector<16xi32>], vector<16xf32>, vector<16xi1>
      tpu.vector_store_idx %arg9[%broadcast_in_dim3A_27, %and3A_1550], %gather3A_1551 masked %and3A_1559 : memref<2x16384xf32, #tpu.memory_space<vmem>>[vector<16xi32>, vector<16xi32>], vector<16xf32>, vector<16xi1>
    } else {
    }
    %add3A_1199 = arith.constant 1 : i32
    %add3A_1200 = arith.addi %shift_right_logical3A_1188, %add3A_1199 : i32
    %gt3A_1201 = arith.cmpi sgt, %shift_right_logical3A_1194, %add3A_1200 : i32
    %convert_element_type3A_1202 = arith.extui %gt3A_1201 : i1 to i32
    %cond3A_1203 = arith.constant 0 : i32
    %cond3A_1204 = arith.cmpi ne, %convert_element_type3A_1202, %cond3A_1203 : i32
    scf.if %cond3A_1204 {
      %sub3A_1539 = arith.constant 1 : i32
      %sub3A_1540 = arith.subi %shift_right_logical3A_1194, %sub3A_1539 : i32
      %mul3A_1541 = arith.constant 16 : i32
      %mul3A_1542 = arith.muli %sub3A_1540, %mul3A_1541 : i32
      %get3A_1543 = arith.index_cast %mul3A_1542 : i32 to index
      %get3A_1544 = tpu.vector_load %arg10[%get3A_1543] {strides = array<i32>} : memref<16384xi32, #tpu.memory_space<vmem>>, vector<16xi32>,
      %and3A = arith.constant 16383 : i32
      %and3A_1545 = vector.broadcast %and3A : i32 to vector<16xi32>
      %and3A_1546 = arith.andi %get3A_1544, %and3A_1545 : vector<16xi32>
      %shift_right_logical3A_1547 = arith.constant 14 : i32
      %shift_right_logical3A_1548 = vector.broadcast %shift_right_logical3A_1547 : i32 to vector<16xi32>
      %shift_right_logical3A_1549 = arith.shrui %get3A_1544, %shift_right_logical3A_1548 : vector<16xi32>
      %and3A_1550 = arith.constant 16383 : i32
      %and3A_1551 = vector.broadcast %and3A_1550 : i32 to vector<16xi32>
      %and3A_1552 = arith.andi %shift_right_logical3A_1549, %and3A_1551 : vector<16xi32>
      %gather3A = tpu.vector_load_idx %arg7[%broadcast_in_dim3A_25, %and3A_1546] : memref<2x16384xf32, #tpu.memory_space<vmem>>[vector<16xi32>, vector<16xi32>], vector<16xf32>,
      %gather3A_1553 = tpu.vector_load_idx %arg7[%broadcast_in_dim3A_27, %and3A_1546] : memref<2x16384xf32, #tpu.memory_space<vmem>>[vector<16xi32>, vector<16xi32>], vector<16xf32>,
      %mul3A_1554 = arith.constant 16 : i32
      %mul3A_1555 = arith.muli %sub3A_1540, %mul3A_1554 : i32
      %add3A_1556 = vector.broadcast %mul3A_1555 : i32 to vector<16xi32>
      %add3A_1557 = arith.addi %add3A_1556, %iota3A : vector<16xi32>
      %ge3A = vector.broadcast %reduce_sum3A_1181 : i32 to vector<16xi32>
      %ge3A_1558 = arith.cmpi sge, %add3A_1557, %ge3A : vector<16xi32>
      %lt3A_1559 = vector.broadcast %reduce_sum3A_1186 : i32 to vector<16xi32>
      %lt3A_1560 = arith.cmpi slt, %add3A_1557, %lt3A_1559 : vector<16xi32>
      %and3A_1561 = arith.andi %ge3A_1558, %lt3A_1560 : vector<16xi1>
      tpu.vector_store_idx %arg9[%broadcast_in_dim3A_25, %and3A_1552], %gather3A masked %and3A_1561 : memref<2x16384xf32, #tpu.memory_space<vmem>>[vector<16xi32>, vector<16xi32>], vector<16xf32>, vector<16xi1>
      tpu.vector_store_idx %arg9[%broadcast_in_dim3A_27, %and3A_1552], %gather3A_1553 masked %and3A_1561 : memref<2x16384xf32, #tpu.memory_space<vmem>>[vector<16xi32>, vector<16xi32>], vector<16xf32>, vector<16xi1>
    } else {
    }
    %add3A_1205 = arith.constant 1 : i32
    %add3A_1206 = arith.addi %shift_right_logical3A_1188, %add3A_1205 : i32
    %sub3A_1207 = arith.constant 1 : i32
    %sub3A_1208 = arith.subi %shift_right_logical3A_1194, %sub3A_1207 : i32
    %sub3A_1209 = arith.subi %sub3A_1208, %add3A_1206 : i32
    %sub3A_1210 = arith.constant 1 : i32
    %sub3A_1211 = arith.constant 1 : i32
    %sub3A_1212 = arith.subi %sub3A_1210, %sub3A_1211 : i32
    %add3A_1213 = arith.addi %sub3A_1209, %sub3A_1212 : i32
    %div3A_1214 = arith.constant 1 : i32
    %div3A_1215 = arith.divsi %add3A_1213, %div3A_1214 : i32
    %while3A_1216 = arith.constant 1 : i32
    %while3A_1217 = arith.constant 0 : i32
    %while3A_1218 = arith.subi %div3A_1215, %while3A_1217 : i32
    %while3A_1219 = arith.addi %while3A_1217, %while3A_1218 : i32
    %while3A_1220 = arith.constant 1 : i32
    %while3A_1221 = arith.divsi %while3A_1218, %while3A_1220 : i32
    %while3A_1222 = arith.muli %while3A_1221, %while3A_1220 : i32
    %while3A_1223 = arith.addi %while3A_1217, %while3A_1222 : i32
    %while3A_1224 = arith.constant 1 : i32
    scf.for %while3A_1539 = %while3A_1217 to %while3A_1223 step %while3A_1224  : i32 {
      %mul3A_1540 = arith.muli %while3A_1539, %while3A_1216 : i32
      %add3A_1541 = arith.addi %add3A_1206, %mul3A_1540 : i32
      %mul3A_1542 = arith.constant 16 : i32
      %mul3A_1543 = arith.muli %add3A_1541, %mul3A_1542 : i32
      %get3A_1544 = arith.index_cast %mul3A_1543 : i32 to index
      %get3A_1545 = tpu.vector_load %arg10[%get3A_1544] {strides = array<i32>} : memref<16384xi32, #tpu.memory_space<vmem>>, vector<16xi32>,
      %and3A = arith.constant 16383 : i32
      %and3A_1546 = vector.broadcast %and3A : i32 to vector<16xi32>
      %and3A_1547 = arith.andi %get3A_1545, %and3A_1546 : vector<16xi32>
      %shift_right_logical3A_1548 = arith.constant 14 : i32
      %shift_right_logical3A_1549 = vector.broadcast %shift_right_logical3A_1548 : i32 to vector<16xi32>
      %shift_right_logical3A_1550 = arith.shrui %get3A_1545, %shift_right_logical3A_1549 : vector<16xi32>
      %and3A_1551 = arith.constant 16383 : i32
      %and3A_1552 = vector.broadcast %and3A_1551 : i32 to vector<16xi32>
      %and3A_1553 = arith.andi %shift_right_logical3A_1550, %and3A_1552 : vector<16xi32>
      %gather3A = tpu.vector_load_idx %arg7[%broadcast_in_dim3A_25, %and3A_1547] : memref<2x16384xf32, #tpu.memory_space<vmem>>[vector<16xi32>, vector<16xi32>], vector<16xf32>,
      %gather3A_1554 = tpu.vector_load_idx %arg7[%broadcast_in_dim3A_27, %and3A_1547] : memref<2x16384xf32, #tpu.memory_space<vmem>>[vector<16xi32>, vector<16xi32>], vector<16xf32>,
      tpu.vector_store_idx %arg9[%broadcast_in_dim3A_25, %and3A_1553], %gather3A : memref<2x16384xf32, #tpu.memory_space<vmem>>[vector<16xi32>, vector<16xi32>], vector<16xf32>,
      tpu.vector_store_idx %arg9[%broadcast_in_dim3A_27, %and3A_1553], %gather3A_1554 : memref<2x16384xf32, #tpu.memory_space<vmem>>[vector<16xi32>, vector<16xi32>], vector<16xf32>,
    }
    %while3A_1225 = arith.constant 1 : i32
    scf.for %while3A_1539 = %while3A_1223 to %while3A_1219 step %while3A_1225  : i32 {
      %mul3A_1540 = arith.muli %while3A_1539, %while3A_1216 : i32
      %add3A_1541 = arith.addi %add3A_1206, %mul3A_1540 : i32
      %mul3A_1542 = arith.constant 16 : i32
      %mul3A_1543 = arith.muli %add3A_1541, %mul3A_1542 : i32
      %get3A_1544 = arith.index_cast %mul3A_1543 : i32 to index
      %get3A_1545 = tpu.vector_load %arg10[%get3A_1544] {strides = array<i32>} : memref<16384xi32, #tpu.memory_space<vmem>>, vector<16xi32>,
      %and3A = arith.constant 16383 : i32
      %and3A_1546 = vector.broadcast %and3A : i32 to vector<16xi32>
      %and3A_1547 = arith.andi %get3A_1545, %and3A_1546 : vector<16xi32>
      %shift_right_logical3A_1548 = arith.constant 14 : i32
      %shift_right_logical3A_1549 = vector.broadcast %shift_right_logical3A_1548 : i32 to vector<16xi32>
      %shift_right_logical3A_1550 = arith.shrui %get3A_1545, %shift_right_logical3A_1549 : vector<16xi32>
      %and3A_1551 = arith.constant 16383 : i32
      %and3A_1552 = vector.broadcast %and3A_1551 : i32 to vector<16xi32>
      %and3A_1553 = arith.andi %shift_right_logical3A_1550, %and3A_1552 : vector<16xi32>
      %gather3A = tpu.vector_load_idx %arg7[%broadcast_in_dim3A_25, %and3A_1547] : memref<2x16384xf32, #tpu.memory_space<vmem>>[vector<16xi32>, vector<16xi32>], vector<16xf32>,
      %gather3A_1554 = tpu.vector_load_idx %arg7[%broadcast_in_dim3A_27, %and3A_1547] : memref<2x16384xf32, #tpu.memory_space<vmem>>[vector<16xi32>, vector<16xi32>], vector<16xf32>,
      tpu.vector_store_idx %arg9[%broadcast_in_dim3A_25, %and3A_1553], %gather3A : memref<2x16384xf32, #tpu.memory_space<vmem>>[vector<16xi32>, vector<16xi32>], vector<16xf32>,
      tpu.vector_store_idx %arg9[%broadcast_in_dim3A_27, %and3A_1553], %gather3A_1554 : memref<2x16384xf32, #tpu.memory_space<vmem>>[vector<16xi32>, vector<16xi32>], vector<16xf32>,
    }
    %dma_wait3A_1226 = arith.constant 0 : i32
    %dma_wait3A_1227 = arith.constant 0 : i32
    %dma_wait3A_1228 = tpu.memref_slice %arg8[%dma_wait3A_1226, %dma_wait3A_1227] : memref<2x16384xf32, #tpu.memory_space<vmem>> -> memref<2x8192xf32, #tpu.memory_space<vmem>>
    %dma_wait3A_1229 = arith.constant 212992 : i32
    %dma_wait3A_1230 = tpu.memref_slice %arg2[%mul3A_2, %dma_wait3A_1229] : memref<64x250000xf32, #tpu.memory_space<hbm>> -> memref<2x8192xf32, #tpu.memory_space<hbm>>
    %dma_wait3A_1231 = arith.constant 0 : i32
    %dma_wait3A_1232 = arith.constant 0 : i32
    %dma_wait3A_1233 = tpu.memref_slice %arg8[%dma_wait3A_1231, %dma_wait3A_1232] : memref<2x16384xf32, #tpu.memory_space<vmem>> -> memref<2x8192xf32, #tpu.memory_space<vmem>>
    %dma_wait3A_1234 = arith.constant 212992 : i32
    %dma_wait3A_1235 = tpu.memref_slice %arg2[%mul3A_2, %dma_wait3A_1234] : memref<64x250000xf32, #tpu.memory_space<hbm>> -> memref<2x8192xf32, #tpu.memory_space<hbm>>
    tpu.wait_dma2 semaphore(%arg15 : memref<!tpu.dma_semaphore, #tpu.memory_space<semaphore_mem>>) src(%dma_wait3A_1235 : memref<2x8192xf32, #tpu.memory_space<hbm>>) dst(%dma_wait3A_1233 : memref<2x8192xf32, #tpu.memory_space<vmem>>)
    %dma_wait3A_1236 = arith.constant 0 : i32
    %dma_wait3A_1237 = arith.constant 8192 : i32
    %dma_wait3A_1238 = tpu.memref_slice %arg8[%dma_wait3A_1236, %dma_wait3A_1237] : memref<2x16384xf32, #tpu.memory_space<vmem>> -> memref<2x8192xf32, #tpu.memory_space<vmem>>
    %dma_wait3A_1239 = arith.constant 221184 : i32
    %dma_wait3A_1240 = tpu.memref_slice %arg2[%mul3A_2, %dma_wait3A_1239] : memref<64x250000xf32, #tpu.memory_space<hbm>> -> memref<2x8192xf32, #tpu.memory_space<hbm>>
    %dma_wait3A_1241 = arith.constant 0 : i32
    %dma_wait3A_1242 = arith.constant 8192 : i32
    %dma_wait3A_1243 = tpu.memref_slice %arg8[%dma_wait3A_1241, %dma_wait3A_1242] : memref<2x16384xf32, #tpu.memory_space<vmem>> -> memref<2x8192xf32, #tpu.memory_space<vmem>>
    %dma_wait3A_1244 = arith.constant 221184 : i32
    %dma_wait3A_1245 = tpu.memref_slice %arg2[%mul3A_2, %dma_wait3A_1244] : memref<64x250000xf32, #tpu.memory_space<hbm>> -> memref<2x8192xf32, #tpu.memory_space<hbm>>
    tpu.wait_dma2 semaphore(%arg15 : memref<!tpu.dma_semaphore, #tpu.memory_space<semaphore_mem>>) src(%dma_wait3A_1245 : memref<2x8192xf32, #tpu.memory_space<hbm>>) dst(%dma_wait3A_1243 : memref<2x8192xf32, #tpu.memory_space<vmem>>)
    %dma_start3A_1246 = arith.constant 0 : i32
    %dma_start3A_1247 = arith.constant 0 : i32
    %dma_start3A_1248 = tpu.memref_slice %arg7[%dma_start3A_1246, %dma_start3A_1247] : memref<2x16384xf32, #tpu.memory_space<vmem>> -> memref<2x8192xf32, #tpu.memory_space<vmem>>
    %dma_start3A_1249 = arith.constant 229376 : i32
    %dma_start3A_1250 = tpu.memref_slice %arg2[%mul3A_2, %dma_start3A_1249] : memref<64x250000xf32, #tpu.memory_space<hbm>> -> memref<2x8192xf32, #tpu.memory_space<hbm>>
    %dma_start3A_1251 = arith.constant 0 : i32
    %dma_start3A_1252 = arith.constant 0 : i32
    %dma_start3A_1253 = tpu.memref_slice %arg7[%dma_start3A_1251, %dma_start3A_1252] : memref<2x16384xf32, #tpu.memory_space<vmem>> -> memref<2x8192xf32, #tpu.memory_space<vmem>>
    %dma_start3A_1254 = arith.constant 229376 : i32
    %dma_start3A_1255 = tpu.memref_slice %arg2[%mul3A_2, %dma_start3A_1254] : memref<64x250000xf32, #tpu.memory_space<hbm>> -> memref<2x8192xf32, #tpu.memory_space<hbm>>
    tpu.enqueue_dma source(%dma_start3A_1255 : memref<2x8192xf32, #tpu.memory_space<hbm>>) target(%dma_start3A_1253 : memref<2x8192xf32, #tpu.memory_space<vmem>>) target_semaphore(%arg14 : memref<!tpu.dma_semaphore, #tpu.memory_space<semaphore_mem>>)
    %dma_start3A_1256 = arith.constant 0 : i32
    %dma_start3A_1257 = arith.constant 8192 : i32
    %dma_start3A_1258 = tpu.memref_slice %arg7[%dma_start3A_1256, %dma_start3A_1257] : memref<2x16384xf32, #tpu.memory_space<vmem>> -> memref<2x8192xf32, #tpu.memory_space<vmem>>
    %dma_start3A_1259 = arith.constant 237568 : i32
    %dma_start3A_1260 = tpu.memref_slice %arg2[%mul3A_2, %dma_start3A_1259] : memref<64x250000xf32, #tpu.memory_space<hbm>> -> memref<2x8192xf32, #tpu.memory_space<hbm>>
    %dma_start3A_1261 = arith.constant 0 : i32
    %dma_start3A_1262 = arith.constant 8192 : i32
    %dma_start3A_1263 = tpu.memref_slice %arg7[%dma_start3A_1261, %dma_start3A_1262] : memref<2x16384xf32, #tpu.memory_space<vmem>> -> memref<2x8192xf32, #tpu.memory_space<vmem>>
    %dma_start3A_1264 = arith.constant 237568 : i32
    %dma_start3A_1265 = tpu.memref_slice %arg2[%mul3A_2, %dma_start3A_1264] : memref<64x250000xf32, #tpu.memory_space<hbm>> -> memref<2x8192xf32, #tpu.memory_space<hbm>>
    tpu.enqueue_dma source(%dma_start3A_1265 : memref<2x8192xf32, #tpu.memory_space<hbm>>) target(%dma_start3A_1263 : memref<2x8192xf32, #tpu.memory_space<vmem>>) target_semaphore(%arg14 : memref<!tpu.dma_semaphore, #tpu.memory_space<semaphore_mem>>)
    %eq3A_1266 = arith.constant 13 : i32
    %eq3A_1267 = vector.broadcast %eq3A_1266 : i32 to vector<16xi32>
    %eq3A_1268 = arith.cmpi eq, %iota3A, %eq3A_1267 : vector<16xi32>
    %convert_element_type3A_1269 = arith.extui %eq3A_1268 : vector<16xi1> to vector<16xi32>
    %mul3A_1270 = arith.muli %convert_element_type3A_1269, %get3A_3 : vector<16xi32>
    %reduce_sum3A_1271 = arith.constant true
    %reduce_sum3A_1272 = vector.broadcast %reduce_sum3A_1271 : i1 to vector<16xi1>
    %reduce_sum3A_1273 = tpu.scan <sum>, %mul3A_1270 masked %reduce_sum3A_1272 : vector<16xi32>, vector<16xi1> -> vector<16xi32>
    %reduce_sum3A_1274 = vector.extract %reduce_sum3A_1273[15] : i32 from vector<16xi32>
    %mul3A_1275 = arith.muli %convert_element_type3A_1269, %get3A_5 : vector<16xi32>
    %reduce_sum3A_1276 = arith.constant true
    %reduce_sum3A_1277 = vector.broadcast %reduce_sum3A_1276 : i1 to vector<16xi1>
    %reduce_sum3A_1278 = tpu.scan <sum>, %mul3A_1275 masked %reduce_sum3A_1277 : vector<16xi32>, vector<16xi1> -> vector<16xi32>
    %reduce_sum3A_1279 = vector.extract %reduce_sum3A_1278[15] : i32 from vector<16xi32>
    %shift_right_logical3A_1280 = arith.constant 4 : i32
    %shift_right_logical3A_1281 = arith.shrui %reduce_sum3A_1274, %shift_right_logical3A_1280 : i32
    %add3A_1282 = arith.constant 16 : i32
    %add3A_1283 = arith.addi %reduce_sum3A_1279, %add3A_1282 : i32
    %sub3A_1284 = arith.constant 1 : i32
    %sub3A_1285 = arith.subi %add3A_1283, %sub3A_1284 : i32
    %shift_right_logical3A_1286 = arith.constant 4 : i32
    %shift_right_logical3A_1287 = arith.shrui %sub3A_1285, %shift_right_logical3A_1286 : i32
    %lt3A_1288 = arith.cmpi slt, %shift_right_logical3A_1281, %shift_right_logical3A_1287 : i32
    %convert_element_type3A_1289 = arith.extui %lt3A_1288 : i1 to i32
    %cond3A_1290 = arith.constant 0 : i32
    %cond3A_1291 = arith.cmpi ne, %convert_element_type3A_1289, %cond3A_1290 : i32
    scf.if %cond3A_1291 {
      %mul3A_1539 = arith.constant 16 : i32
      %mul3A_1540 = arith.muli %shift_right_logical3A_1281, %mul3A_1539 : i32
      %get3A_1541 = arith.index_cast %mul3A_1540 : i32 to index
      %get3A_1542 = tpu.vector_load %arg10[%get3A_1541] {strides = array<i32>} : memref<16384xi32, #tpu.memory_space<vmem>>, vector<16xi32>,
      %and3A = arith.constant 16383 : i32
      %and3A_1543 = vector.broadcast %and3A : i32 to vector<16xi32>
      %and3A_1544 = arith.andi %get3A_1542, %and3A_1543 : vector<16xi32>
      %shift_right_logical3A_1545 = arith.constant 14 : i32
      %shift_right_logical3A_1546 = vector.broadcast %shift_right_logical3A_1545 : i32 to vector<16xi32>
      %shift_right_logical3A_1547 = arith.shrui %get3A_1542, %shift_right_logical3A_1546 : vector<16xi32>
      %and3A_1548 = arith.constant 16383 : i32
      %and3A_1549 = vector.broadcast %and3A_1548 : i32 to vector<16xi32>
      %and3A_1550 = arith.andi %shift_right_logical3A_1547, %and3A_1549 : vector<16xi32>
      %gather3A = tpu.vector_load_idx %arg8[%broadcast_in_dim3A_25, %and3A_1544] : memref<2x16384xf32, #tpu.memory_space<vmem>>[vector<16xi32>, vector<16xi32>], vector<16xf32>,
      %gather3A_1551 = tpu.vector_load_idx %arg8[%broadcast_in_dim3A_27, %and3A_1544] : memref<2x16384xf32, #tpu.memory_space<vmem>>[vector<16xi32>, vector<16xi32>], vector<16xf32>,
      %mul3A_1552 = arith.constant 16 : i32
      %mul3A_1553 = arith.muli %shift_right_logical3A_1281, %mul3A_1552 : i32
      %add3A_1554 = vector.broadcast %mul3A_1553 : i32 to vector<16xi32>
      %add3A_1555 = arith.addi %add3A_1554, %iota3A : vector<16xi32>
      %ge3A = vector.broadcast %reduce_sum3A_1274 : i32 to vector<16xi32>
      %ge3A_1556 = arith.cmpi sge, %add3A_1555, %ge3A : vector<16xi32>
      %lt3A_1557 = vector.broadcast %reduce_sum3A_1279 : i32 to vector<16xi32>
      %lt3A_1558 = arith.cmpi slt, %add3A_1555, %lt3A_1557 : vector<16xi32>
      %and3A_1559 = arith.andi %ge3A_1556, %lt3A_1558 : vector<16xi1>
      tpu.vector_store_idx %arg9[%broadcast_in_dim3A_25, %and3A_1550], %gather3A masked %and3A_1559 : memref<2x16384xf32, #tpu.memory_space<vmem>>[vector<16xi32>, vector<16xi32>], vector<16xf32>, vector<16xi1>
      tpu.vector_store_idx %arg9[%broadcast_in_dim3A_27, %and3A_1550], %gather3A_1551 masked %and3A_1559 : memref<2x16384xf32, #tpu.memory_space<vmem>>[vector<16xi32>, vector<16xi32>], vector<16xf32>, vector<16xi1>
    } else {
    }
    %add3A_1292 = arith.constant 1 : i32
    %add3A_1293 = arith.addi %shift_right_logical3A_1281, %add3A_1292 : i32
    %gt3A_1294 = arith.cmpi sgt, %shift_right_logical3A_1287, %add3A_1293 : i32
    %convert_element_type3A_1295 = arith.extui %gt3A_1294 : i1 to i32
    %cond3A_1296 = arith.constant 0 : i32
    %cond3A_1297 = arith.cmpi ne, %convert_element_type3A_1295, %cond3A_1296 : i32
    scf.if %cond3A_1297 {
      %sub3A_1539 = arith.constant 1 : i32
      %sub3A_1540 = arith.subi %shift_right_logical3A_1287, %sub3A_1539 : i32
      %mul3A_1541 = arith.constant 16 : i32
      %mul3A_1542 = arith.muli %sub3A_1540, %mul3A_1541 : i32
      %get3A_1543 = arith.index_cast %mul3A_1542 : i32 to index
      %get3A_1544 = tpu.vector_load %arg10[%get3A_1543] {strides = array<i32>} : memref<16384xi32, #tpu.memory_space<vmem>>, vector<16xi32>,
      %and3A = arith.constant 16383 : i32
      %and3A_1545 = vector.broadcast %and3A : i32 to vector<16xi32>
      %and3A_1546 = arith.andi %get3A_1544, %and3A_1545 : vector<16xi32>
      %shift_right_logical3A_1547 = arith.constant 14 : i32
      %shift_right_logical3A_1548 = vector.broadcast %shift_right_logical3A_1547 : i32 to vector<16xi32>
      %shift_right_logical3A_1549 = arith.shrui %get3A_1544, %shift_right_logical3A_1548 : vector<16xi32>
      %and3A_1550 = arith.constant 16383 : i32
      %and3A_1551 = vector.broadcast %and3A_1550 : i32 to vector<16xi32>
      %and3A_1552 = arith.andi %shift_right_logical3A_1549, %and3A_1551 : vector<16xi32>
      %gather3A = tpu.vector_load_idx %arg8[%broadcast_in_dim3A_25, %and3A_1546] : memref<2x16384xf32, #tpu.memory_space<vmem>>[vector<16xi32>, vector<16xi32>], vector<16xf32>,
      %gather3A_1553 = tpu.vector_load_idx %arg8[%broadcast_in_dim3A_27, %and3A_1546] : memref<2x16384xf32, #tpu.memory_space<vmem>>[vector<16xi32>, vector<16xi32>], vector<16xf32>,
      %mul3A_1554 = arith.constant 16 : i32
      %mul3A_1555 = arith.muli %sub3A_1540, %mul3A_1554 : i32
      %add3A_1556 = vector.broadcast %mul3A_1555 : i32 to vector<16xi32>
      %add3A_1557 = arith.addi %add3A_1556, %iota3A : vector<16xi32>
      %ge3A = vector.broadcast %reduce_sum3A_1274 : i32 to vector<16xi32>
      %ge3A_1558 = arith.cmpi sge, %add3A_1557, %ge3A : vector<16xi32>
      %lt3A_1559 = vector.broadcast %reduce_sum3A_1279 : i32 to vector<16xi32>
      %lt3A_1560 = arith.cmpi slt, %add3A_1557, %lt3A_1559 : vector<16xi32>
      %and3A_1561 = arith.andi %ge3A_1558, %lt3A_1560 : vector<16xi1>
      tpu.vector_store_idx %arg9[%broadcast_in_dim3A_25, %and3A_1552], %gather3A masked %and3A_1561 : memref<2x16384xf32, #tpu.memory_space<vmem>>[vector<16xi32>, vector<16xi32>], vector<16xf32>, vector<16xi1>
      tpu.vector_store_idx %arg9[%broadcast_in_dim3A_27, %and3A_1552], %gather3A_1553 masked %and3A_1561 : memref<2x16384xf32, #tpu.memory_space<vmem>>[vector<16xi32>, vector<16xi32>], vector<16xf32>, vector<16xi1>
    } else {
    }
    %add3A_1298 = arith.constant 1 : i32
    %add3A_1299 = arith.addi %shift_right_logical3A_1281, %add3A_1298 : i32
    %sub3A_1300 = arith.constant 1 : i32
    %sub3A_1301 = arith.subi %shift_right_logical3A_1287, %sub3A_1300 : i32
    %sub3A_1302 = arith.subi %sub3A_1301, %add3A_1299 : i32
    %sub3A_1303 = arith.constant 1 : i32
    %sub3A_1304 = arith.constant 1 : i32
    %sub3A_1305 = arith.subi %sub3A_1303, %sub3A_1304 : i32
    %add3A_1306 = arith.addi %sub3A_1302, %sub3A_1305 : i32
    %div3A_1307 = arith.constant 1 : i32
    %div3A_1308 = arith.divsi %add3A_1306, %div3A_1307 : i32
    %while3A_1309 = arith.constant 1 : i32
    %while3A_1310 = arith.constant 0 : i32
    %while3A_1311 = arith.subi %div3A_1308, %while3A_1310 : i32
    %while3A_1312 = arith.addi %while3A_1310, %while3A_1311 : i32
    %while3A_1313 = arith.constant 1 : i32
    %while3A_1314 = arith.divsi %while3A_1311, %while3A_1313 : i32
    %while3A_1315 = arith.muli %while3A_1314, %while3A_1313 : i32
    %while3A_1316 = arith.addi %while3A_1310, %while3A_1315 : i32
    %while3A_1317 = arith.constant 1 : i32
    scf.for %while3A_1539 = %while3A_1310 to %while3A_1316 step %while3A_1317  : i32 {
      %mul3A_1540 = arith.muli %while3A_1539, %while3A_1309 : i32
      %add3A_1541 = arith.addi %add3A_1299, %mul3A_1540 : i32
      %mul3A_1542 = arith.constant 16 : i32
      %mul3A_1543 = arith.muli %add3A_1541, %mul3A_1542 : i32
      %get3A_1544 = arith.index_cast %mul3A_1543 : i32 to index
      %get3A_1545 = tpu.vector_load %arg10[%get3A_1544] {strides = array<i32>} : memref<16384xi32, #tpu.memory_space<vmem>>, vector<16xi32>,
      %and3A = arith.constant 16383 : i32
      %and3A_1546 = vector.broadcast %and3A : i32 to vector<16xi32>
      %and3A_1547 = arith.andi %get3A_1545, %and3A_1546 : vector<16xi32>
      %shift_right_logical3A_1548 = arith.constant 14 : i32
      %shift_right_logical3A_1549 = vector.broadcast %shift_right_logical3A_1548 : i32 to vector<16xi32>
      %shift_right_logical3A_1550 = arith.shrui %get3A_1545, %shift_right_logical3A_1549 : vector<16xi32>
      %and3A_1551 = arith.constant 16383 : i32
      %and3A_1552 = vector.broadcast %and3A_1551 : i32 to vector<16xi32>
      %and3A_1553 = arith.andi %shift_right_logical3A_1550, %and3A_1552 : vector<16xi32>
      %gather3A = tpu.vector_load_idx %arg8[%broadcast_in_dim3A_25, %and3A_1547] : memref<2x16384xf32, #tpu.memory_space<vmem>>[vector<16xi32>, vector<16xi32>], vector<16xf32>,
      %gather3A_1554 = tpu.vector_load_idx %arg8[%broadcast_in_dim3A_27, %and3A_1547] : memref<2x16384xf32, #tpu.memory_space<vmem>>[vector<16xi32>, vector<16xi32>], vector<16xf32>,
      tpu.vector_store_idx %arg9[%broadcast_in_dim3A_25, %and3A_1553], %gather3A : memref<2x16384xf32, #tpu.memory_space<vmem>>[vector<16xi32>, vector<16xi32>], vector<16xf32>,
      tpu.vector_store_idx %arg9[%broadcast_in_dim3A_27, %and3A_1553], %gather3A_1554 : memref<2x16384xf32, #tpu.memory_space<vmem>>[vector<16xi32>, vector<16xi32>], vector<16xf32>,
    }
    %while3A_1318 = arith.constant 1 : i32
    scf.for %while3A_1539 = %while3A_1316 to %while3A_1312 step %while3A_1318  : i32 {
      %mul3A_1540 = arith.muli %while3A_1539, %while3A_1309 : i32
      %add3A_1541 = arith.addi %add3A_1299, %mul3A_1540 : i32
      %mul3A_1542 = arith.constant 16 : i32
      %mul3A_1543 = arith.muli %add3A_1541, %mul3A_1542 : i32
      %get3A_1544 = arith.index_cast %mul3A_1543 : i32 to index
      %get3A_1545 = tpu.vector_load %arg10[%get3A_1544] {strides = array<i32>} : memref<16384xi32, #tpu.memory_space<vmem>>, vector<16xi32>,
      %and3A = arith.constant 16383 : i32
      %and3A_1546 = vector.broadcast %and3A : i32 to vector<16xi32>
      %and3A_1547 = arith.andi %get3A_1545, %and3A_1546 : vector<16xi32>
      %shift_right_logical3A_1548 = arith.constant 14 : i32
      %shift_right_logical3A_1549 = vector.broadcast %shift_right_logical3A_1548 : i32 to vector<16xi32>
      %shift_right_logical3A_1550 = arith.shrui %get3A_1545, %shift_right_logical3A_1549 : vector<16xi32>
      %and3A_1551 = arith.constant 16383 : i32
      %and3A_1552 = vector.broadcast %and3A_1551 : i32 to vector<16xi32>
      %and3A_1553 = arith.andi %shift_right_logical3A_1550, %and3A_1552 : vector<16xi32>
      %gather3A = tpu.vector_load_idx %arg8[%broadcast_in_dim3A_25, %and3A_1547] : memref<2x16384xf32, #tpu.memory_space<vmem>>[vector<16xi32>, vector<16xi32>], vector<16xf32>,
      %gather3A_1554 = tpu.vector_load_idx %arg8[%broadcast_in_dim3A_27, %and3A_1547] : memref<2x16384xf32, #tpu.memory_space<vmem>>[vector<16xi32>, vector<16xi32>], vector<16xf32>,
      tpu.vector_store_idx %arg9[%broadcast_in_dim3A_25, %and3A_1553], %gather3A : memref<2x16384xf32, #tpu.memory_space<vmem>>[vector<16xi32>, vector<16xi32>], vector<16xf32>,
      tpu.vector_store_idx %arg9[%broadcast_in_dim3A_27, %and3A_1553], %gather3A_1554 : memref<2x16384xf32, #tpu.memory_space<vmem>>[vector<16xi32>, vector<16xi32>], vector<16xf32>,
    }
    %dma_wait3A_1319 = arith.constant 0 : i32
    %dma_wait3A_1320 = arith.constant 0 : i32
    %dma_wait3A_1321 = tpu.memref_slice %arg7[%dma_wait3A_1319, %dma_wait3A_1320] : memref<2x16384xf32, #tpu.memory_space<vmem>> -> memref<2x8192xf32, #tpu.memory_space<vmem>>
    %dma_wait3A_1322 = arith.constant 229376 : i32
    %dma_wait3A_1323 = tpu.memref_slice %arg2[%mul3A_2, %dma_wait3A_1322] : memref<64x250000xf32, #tpu.memory_space<hbm>> -> memref<2x8192xf32, #tpu.memory_space<hbm>>
    %dma_wait3A_1324 = arith.constant 0 : i32
    %dma_wait3A_1325 = arith.constant 0 : i32
    %dma_wait3A_1326 = tpu.memref_slice %arg7[%dma_wait3A_1324, %dma_wait3A_1325] : memref<2x16384xf32, #tpu.memory_space<vmem>> -> memref<2x8192xf32, #tpu.memory_space<vmem>>
    %dma_wait3A_1327 = arith.constant 229376 : i32
    %dma_wait3A_1328 = tpu.memref_slice %arg2[%mul3A_2, %dma_wait3A_1327] : memref<64x250000xf32, #tpu.memory_space<hbm>> -> memref<2x8192xf32, #tpu.memory_space<hbm>>
    tpu.wait_dma2 semaphore(%arg14 : memref<!tpu.dma_semaphore, #tpu.memory_space<semaphore_mem>>) src(%dma_wait3A_1328 : memref<2x8192xf32, #tpu.memory_space<hbm>>) dst(%dma_wait3A_1326 : memref<2x8192xf32, #tpu.memory_space<vmem>>)
    %dma_wait3A_1329 = arith.constant 0 : i32
    %dma_wait3A_1330 = arith.constant 8192 : i32
    %dma_wait3A_1331 = tpu.memref_slice %arg7[%dma_wait3A_1329, %dma_wait3A_1330] : memref<2x16384xf32, #tpu.memory_space<vmem>> -> memref<2x8192xf32, #tpu.memory_space<vmem>>
    %dma_wait3A_1332 = arith.constant 237568 : i32
    %dma_wait3A_1333 = tpu.memref_slice %arg2[%mul3A_2, %dma_wait3A_1332] : memref<64x250000xf32, #tpu.memory_space<hbm>> -> memref<2x8192xf32, #tpu.memory_space<hbm>>
    %dma_wait3A_1334 = arith.constant 0 : i32
    %dma_wait3A_1335 = arith.constant 8192 : i32
    %dma_wait3A_1336 = tpu.memref_slice %arg7[%dma_wait3A_1334, %dma_wait3A_1335] : memref<2x16384xf32, #tpu.memory_space<vmem>> -> memref<2x8192xf32, #tpu.memory_space<vmem>>
    %dma_wait3A_1337 = arith.constant 237568 : i32
    %dma_wait3A_1338 = tpu.memref_slice %arg2[%mul3A_2, %dma_wait3A_1337] : memref<64x250000xf32, #tpu.memory_space<hbm>> -> memref<2x8192xf32, #tpu.memory_space<hbm>>
    tpu.wait_dma2 semaphore(%arg14 : memref<!tpu.dma_semaphore, #tpu.memory_space<semaphore_mem>>) src(%dma_wait3A_1338 : memref<2x8192xf32, #tpu.memory_space<hbm>>) dst(%dma_wait3A_1336 : memref<2x8192xf32, #tpu.memory_space<vmem>>)
    %dma_start3A_1339 = arith.constant 0 : i32
    %dma_start3A_1340 = arith.constant 0 : i32
    %dma_start3A_1341 = tpu.memref_slice %arg8[%dma_start3A_1339, %dma_start3A_1340] : memref<2x16384xf32, #tpu.memory_space<vmem>> -> memref<2x4224xf32, #tpu.memory_space<vmem>>
    %dma_start3A_1342 = arith.constant 245760 : i32
    %dma_start3A_1343 = tpu.memref_slice %arg2[%mul3A_2, %dma_start3A_1342] : memref<64x250000xf32, #tpu.memory_space<hbm>> -> memref<2x4224xf32, #tpu.memory_space<hbm>>
    %dma_start3A_1344 = arith.constant 0 : i32
    %dma_start3A_1345 = arith.constant 0 : i32
    %dma_start3A_1346 = tpu.memref_slice %arg8[%dma_start3A_1344, %dma_start3A_1345] : memref<2x16384xf32, #tpu.memory_space<vmem>> -> memref<2x4224xf32, #tpu.memory_space<vmem>>
    %dma_start3A_1347 = arith.constant 245760 : i32
    %dma_start3A_1348 = tpu.memref_slice %arg2[%mul3A_2, %dma_start3A_1347] : memref<64x250000xf32, #tpu.memory_space<hbm>> -> memref<2x4224xf32, #tpu.memory_space<hbm>>
    tpu.enqueue_dma source(%dma_start3A_1348 : memref<2x4224xf32, #tpu.memory_space<hbm>>) target(%dma_start3A_1346 : memref<2x4224xf32, #tpu.memory_space<vmem>>) target_semaphore(%arg15 : memref<!tpu.dma_semaphore, #tpu.memory_space<semaphore_mem>>)
    %dma_start3A_1349 = arith.constant 0 : i32
    %dma_start3A_1350 = arith.constant 4224 : i32
    %dma_start3A_1351 = tpu.memref_slice %arg8[%dma_start3A_1349, %dma_start3A_1350] : memref<2x16384xf32, #tpu.memory_space<vmem>> -> memref<2x128xf32, #tpu.memory_space<vmem>>
    %dma_start3A_1352 = arith.constant 0 : i32
    %dma_start3A_1353 = tpu.memref_slice %arg3[%mul3A_2, %dma_start3A_1352] : memref<64x128xf32, #tpu.memory_space<hbm>> -> memref<2x128xf32, #tpu.memory_space<hbm>>
    %dma_start3A_1354 = arith.constant 0 : i32
    %dma_start3A_1355 = arith.constant 4224 : i32
    %dma_start3A_1356 = tpu.memref_slice %arg8[%dma_start3A_1354, %dma_start3A_1355] : memref<2x16384xf32, #tpu.memory_space<vmem>> -> memref<2x128xf32, #tpu.memory_space<vmem>>
    %dma_start3A_1357 = arith.constant 0 : i32
    %dma_start3A_1358 = tpu.memref_slice %arg3[%mul3A_2, %dma_start3A_1357] : memref<64x128xf32, #tpu.memory_space<hbm>> -> memref<2x128xf32, #tpu.memory_space<hbm>>
    tpu.enqueue_dma source(%dma_start3A_1358 : memref<2x128xf32, #tpu.memory_space<hbm>>) target(%dma_start3A_1356 : memref<2x128xf32, #tpu.memory_space<vmem>>) target_semaphore(%arg15 : memref<!tpu.dma_semaphore, #tpu.memory_space<semaphore_mem>>)
    %eq3A_1359 = arith.constant 14 : i32
    %eq3A_1360 = vector.broadcast %eq3A_1359 : i32 to vector<16xi32>
    %eq3A_1361 = arith.cmpi eq, %iota3A, %eq3A_1360 : vector<16xi32>
    %convert_element_type3A_1362 = arith.extui %eq3A_1361 : vector<16xi1> to vector<16xi32>
    %mul3A_1363 = arith.muli %convert_element_type3A_1362, %get3A_3 : vector<16xi32>
    %reduce_sum3A_1364 = arith.constant true
    %reduce_sum3A_1365 = vector.broadcast %reduce_sum3A_1364 : i1 to vector<16xi1>
    %reduce_sum3A_1366 = tpu.scan <sum>, %mul3A_1363 masked %reduce_sum3A_1365 : vector<16xi32>, vector<16xi1> -> vector<16xi32>
    %reduce_sum3A_1367 = vector.extract %reduce_sum3A_1366[15] : i32 from vector<16xi32>
    %mul3A_1368 = arith.muli %convert_element_type3A_1362, %get3A_5 : vector<16xi32>
    %reduce_sum3A_1369 = arith.constant true
    %reduce_sum3A_1370 = vector.broadcast %reduce_sum3A_1369 : i1 to vector<16xi1>
    %reduce_sum3A_1371 = tpu.scan <sum>, %mul3A_1368 masked %reduce_sum3A_1370 : vector<16xi32>, vector<16xi1> -> vector<16xi32>
    %reduce_sum3A_1372 = vector.extract %reduce_sum3A_1371[15] : i32 from vector<16xi32>
    %shift_right_logical3A_1373 = arith.constant 4 : i32
    %shift_right_logical3A_1374 = arith.shrui %reduce_sum3A_1367, %shift_right_logical3A_1373 : i32
    %add3A_1375 = arith.constant 16 : i32
    %add3A_1376 = arith.addi %reduce_sum3A_1372, %add3A_1375 : i32
    %sub3A_1377 = arith.constant 1 : i32
    %sub3A_1378 = arith.subi %add3A_1376, %sub3A_1377 : i32
    %shift_right_logical3A_1379 = arith.constant 4 : i32
    %shift_right_logical3A_1380 = arith.shrui %sub3A_1378, %shift_right_logical3A_1379 : i32
    %lt3A_1381 = arith.cmpi slt, %shift_right_logical3A_1374, %shift_right_logical3A_1380 : i32
    %convert_element_type3A_1382 = arith.extui %lt3A_1381 : i1 to i32
    %cond3A_1383 = arith.constant 0 : i32
    %cond3A_1384 = arith.cmpi ne, %convert_element_type3A_1382, %cond3A_1383 : i32
    scf.if %cond3A_1384 {
      %mul3A_1539 = arith.constant 16 : i32
      %mul3A_1540 = arith.muli %shift_right_logical3A_1374, %mul3A_1539 : i32
      %get3A_1541 = arith.index_cast %mul3A_1540 : i32 to index
      %get3A_1542 = tpu.vector_load %arg10[%get3A_1541] {strides = array<i32>} : memref<16384xi32, #tpu.memory_space<vmem>>, vector<16xi32>,
      %and3A = arith.constant 16383 : i32
      %and3A_1543 = vector.broadcast %and3A : i32 to vector<16xi32>
      %and3A_1544 = arith.andi %get3A_1542, %and3A_1543 : vector<16xi32>
      %shift_right_logical3A_1545 = arith.constant 14 : i32
      %shift_right_logical3A_1546 = vector.broadcast %shift_right_logical3A_1545 : i32 to vector<16xi32>
      %shift_right_logical3A_1547 = arith.shrui %get3A_1542, %shift_right_logical3A_1546 : vector<16xi32>
      %and3A_1548 = arith.constant 16383 : i32
      %and3A_1549 = vector.broadcast %and3A_1548 : i32 to vector<16xi32>
      %and3A_1550 = arith.andi %shift_right_logical3A_1547, %and3A_1549 : vector<16xi32>
      %gather3A = tpu.vector_load_idx %arg7[%broadcast_in_dim3A_25, %and3A_1544] : memref<2x16384xf32, #tpu.memory_space<vmem>>[vector<16xi32>, vector<16xi32>], vector<16xf32>,
      %gather3A_1551 = tpu.vector_load_idx %arg7[%broadcast_in_dim3A_27, %and3A_1544] : memref<2x16384xf32, #tpu.memory_space<vmem>>[vector<16xi32>, vector<16xi32>], vector<16xf32>,
      %mul3A_1552 = arith.constant 16 : i32
      %mul3A_1553 = arith.muli %shift_right_logical3A_1374, %mul3A_1552 : i32
      %add3A_1554 = vector.broadcast %mul3A_1553 : i32 to vector<16xi32>
      %add3A_1555 = arith.addi %add3A_1554, %iota3A : vector<16xi32>
      %ge3A = vector.broadcast %reduce_sum3A_1367 : i32 to vector<16xi32>
      %ge3A_1556 = arith.cmpi sge, %add3A_1555, %ge3A : vector<16xi32>
      %lt3A_1557 = vector.broadcast %reduce_sum3A_1372 : i32 to vector<16xi32>
      %lt3A_1558 = arith.cmpi slt, %add3A_1555, %lt3A_1557 : vector<16xi32>
      %and3A_1559 = arith.andi %ge3A_1556, %lt3A_1558 : vector<16xi1>
      tpu.vector_store_idx %arg9[%broadcast_in_dim3A_25, %and3A_1550], %gather3A masked %and3A_1559 : memref<2x16384xf32, #tpu.memory_space<vmem>>[vector<16xi32>, vector<16xi32>], vector<16xf32>, vector<16xi1>
      tpu.vector_store_idx %arg9[%broadcast_in_dim3A_27, %and3A_1550], %gather3A_1551 masked %and3A_1559 : memref<2x16384xf32, #tpu.memory_space<vmem>>[vector<16xi32>, vector<16xi32>], vector<16xf32>, vector<16xi1>
    } else {
    }
    %add3A_1385 = arith.constant 1 : i32
    %add3A_1386 = arith.addi %shift_right_logical3A_1374, %add3A_1385 : i32
    %gt3A_1387 = arith.cmpi sgt, %shift_right_logical3A_1380, %add3A_1386 : i32
    %convert_element_type3A_1388 = arith.extui %gt3A_1387 : i1 to i32
    %cond3A_1389 = arith.constant 0 : i32
    %cond3A_1390 = arith.cmpi ne, %convert_element_type3A_1388, %cond3A_1389 : i32
    scf.if %cond3A_1390 {
      %sub3A_1539 = arith.constant 1 : i32
      %sub3A_1540 = arith.subi %shift_right_logical3A_1380, %sub3A_1539 : i32
      %mul3A_1541 = arith.constant 16 : i32
      %mul3A_1542 = arith.muli %sub3A_1540, %mul3A_1541 : i32
      %get3A_1543 = arith.index_cast %mul3A_1542 : i32 to index
      %get3A_1544 = tpu.vector_load %arg10[%get3A_1543] {strides = array<i32>} : memref<16384xi32, #tpu.memory_space<vmem>>, vector<16xi32>,
      %and3A = arith.constant 16383 : i32
      %and3A_1545 = vector.broadcast %and3A : i32 to vector<16xi32>
      %and3A_1546 = arith.andi %get3A_1544, %and3A_1545 : vector<16xi32>
      %shift_right_logical3A_1547 = arith.constant 14 : i32
      %shift_right_logical3A_1548 = vector.broadcast %shift_right_logical3A_1547 : i32 to vector<16xi32>
      %shift_right_logical3A_1549 = arith.shrui %get3A_1544, %shift_right_logical3A_1548 : vector<16xi32>
      %and3A_1550 = arith.constant 16383 : i32
      %and3A_1551 = vector.broadcast %and3A_1550 : i32 to vector<16xi32>
      %and3A_1552 = arith.andi %shift_right_logical3A_1549, %and3A_1551 : vector<16xi32>
      %gather3A = tpu.vector_load_idx %arg7[%broadcast_in_dim3A_25, %and3A_1546] : memref<2x16384xf32, #tpu.memory_space<vmem>>[vector<16xi32>, vector<16xi32>], vector<16xf32>,
      %gather3A_1553 = tpu.vector_load_idx %arg7[%broadcast_in_dim3A_27, %and3A_1546] : memref<2x16384xf32, #tpu.memory_space<vmem>>[vector<16xi32>, vector<16xi32>], vector<16xf32>,
      %mul3A_1554 = arith.constant 16 : i32
      %mul3A_1555 = arith.muli %sub3A_1540, %mul3A_1554 : i32
      %add3A_1556 = vector.broadcast %mul3A_1555 : i32 to vector<16xi32>
      %add3A_1557 = arith.addi %add3A_1556, %iota3A : vector<16xi32>
      %ge3A = vector.broadcast %reduce_sum3A_1367 : i32 to vector<16xi32>
      %ge3A_1558 = arith.cmpi sge, %add3A_1557, %ge3A : vector<16xi32>
      %lt3A_1559 = vector.broadcast %reduce_sum3A_1372 : i32 to vector<16xi32>
      %lt3A_1560 = arith.cmpi slt, %add3A_1557, %lt3A_1559 : vector<16xi32>
      %and3A_1561 = arith.andi %ge3A_1558, %lt3A_1560 : vector<16xi1>
      tpu.vector_store_idx %arg9[%broadcast_in_dim3A_25, %and3A_1552], %gather3A masked %and3A_1561 : memref<2x16384xf32, #tpu.memory_space<vmem>>[vector<16xi32>, vector<16xi32>], vector<16xf32>, vector<16xi1>
      tpu.vector_store_idx %arg9[%broadcast_in_dim3A_27, %and3A_1552], %gather3A_1553 masked %and3A_1561 : memref<2x16384xf32, #tpu.memory_space<vmem>>[vector<16xi32>, vector<16xi32>], vector<16xf32>, vector<16xi1>
    } else {
    }
    %add3A_1391 = arith.constant 1 : i32
    %add3A_1392 = arith.addi %shift_right_logical3A_1374, %add3A_1391 : i32
    %sub3A_1393 = arith.constant 1 : i32
    %sub3A_1394 = arith.subi %shift_right_logical3A_1380, %sub3A_1393 : i32
    %sub3A_1395 = arith.subi %sub3A_1394, %add3A_1392 : i32
    %sub3A_1396 = arith.constant 1 : i32
    %sub3A_1397 = arith.constant 1 : i32
    %sub3A_1398 = arith.subi %sub3A_1396, %sub3A_1397 : i32
    %add3A_1399 = arith.addi %sub3A_1395, %sub3A_1398 : i32
    %div3A_1400 = arith.constant 1 : i32
    %div3A_1401 = arith.divsi %add3A_1399, %div3A_1400 : i32
    %while3A_1402 = arith.constant 1 : i32
    %while3A_1403 = arith.constant 0 : i32
    %while3A_1404 = arith.subi %div3A_1401, %while3A_1403 : i32
    %while3A_1405 = arith.addi %while3A_1403, %while3A_1404 : i32
    %while3A_1406 = arith.constant 1 : i32
    %while3A_1407 = arith.divsi %while3A_1404, %while3A_1406 : i32
    %while3A_1408 = arith.muli %while3A_1407, %while3A_1406 : i32
    %while3A_1409 = arith.addi %while3A_1403, %while3A_1408 : i32
    %while3A_1410 = arith.constant 1 : i32
    scf.for %while3A_1539 = %while3A_1403 to %while3A_1409 step %while3A_1410  : i32 {
      %mul3A_1540 = arith.muli %while3A_1539, %while3A_1402 : i32
      %add3A_1541 = arith.addi %add3A_1392, %mul3A_1540 : i32
      %mul3A_1542 = arith.constant 16 : i32
      %mul3A_1543 = arith.muli %add3A_1541, %mul3A_1542 : i32
      %get3A_1544 = arith.index_cast %mul3A_1543 : i32 to index
      %get3A_1545 = tpu.vector_load %arg10[%get3A_1544] {strides = array<i32>} : memref<16384xi32, #tpu.memory_space<vmem>>, vector<16xi32>,
      %and3A = arith.constant 16383 : i32
      %and3A_1546 = vector.broadcast %and3A : i32 to vector<16xi32>
      %and3A_1547 = arith.andi %get3A_1545, %and3A_1546 : vector<16xi32>
      %shift_right_logical3A_1548 = arith.constant 14 : i32
      %shift_right_logical3A_1549 = vector.broadcast %shift_right_logical3A_1548 : i32 to vector<16xi32>
      %shift_right_logical3A_1550 = arith.shrui %get3A_1545, %shift_right_logical3A_1549 : vector<16xi32>
      %and3A_1551 = arith.constant 16383 : i32
      %and3A_1552 = vector.broadcast %and3A_1551 : i32 to vector<16xi32>
      %and3A_1553 = arith.andi %shift_right_logical3A_1550, %and3A_1552 : vector<16xi32>
      %gather3A = tpu.vector_load_idx %arg7[%broadcast_in_dim3A_25, %and3A_1547] : memref<2x16384xf32, #tpu.memory_space<vmem>>[vector<16xi32>, vector<16xi32>], vector<16xf32>,
      %gather3A_1554 = tpu.vector_load_idx %arg7[%broadcast_in_dim3A_27, %and3A_1547] : memref<2x16384xf32, #tpu.memory_space<vmem>>[vector<16xi32>, vector<16xi32>], vector<16xf32>,
      tpu.vector_store_idx %arg9[%broadcast_in_dim3A_25, %and3A_1553], %gather3A : memref<2x16384xf32, #tpu.memory_space<vmem>>[vector<16xi32>, vector<16xi32>], vector<16xf32>,
      tpu.vector_store_idx %arg9[%broadcast_in_dim3A_27, %and3A_1553], %gather3A_1554 : memref<2x16384xf32, #tpu.memory_space<vmem>>[vector<16xi32>, vector<16xi32>], vector<16xf32>,
    }
    %while3A_1411 = arith.constant 1 : i32
    scf.for %while3A_1539 = %while3A_1409 to %while3A_1405 step %while3A_1411  : i32 {
      %mul3A_1540 = arith.muli %while3A_1539, %while3A_1402 : i32
      %add3A_1541 = arith.addi %add3A_1392, %mul3A_1540 : i32
      %mul3A_1542 = arith.constant 16 : i32
      %mul3A_1543 = arith.muli %add3A_1541, %mul3A_1542 : i32
      %get3A_1544 = arith.index_cast %mul3A_1543 : i32 to index
      %get3A_1545 = tpu.vector_load %arg10[%get3A_1544] {strides = array<i32>} : memref<16384xi32, #tpu.memory_space<vmem>>, vector<16xi32>,
      %and3A = arith.constant 16383 : i32
      %and3A_1546 = vector.broadcast %and3A : i32 to vector<16xi32>
      %and3A_1547 = arith.andi %get3A_1545, %and3A_1546 : vector<16xi32>
      %shift_right_logical3A_1548 = arith.constant 14 : i32
      %shift_right_logical3A_1549 = vector.broadcast %shift_right_logical3A_1548 : i32 to vector<16xi32>
      %shift_right_logical3A_1550 = arith.shrui %get3A_1545, %shift_right_logical3A_1549 : vector<16xi32>
      %and3A_1551 = arith.constant 16383 : i32
      %and3A_1552 = vector.broadcast %and3A_1551 : i32 to vector<16xi32>
      %and3A_1553 = arith.andi %shift_right_logical3A_1550, %and3A_1552 : vector<16xi32>
      %gather3A = tpu.vector_load_idx %arg7[%broadcast_in_dim3A_25, %and3A_1547] : memref<2x16384xf32, #tpu.memory_space<vmem>>[vector<16xi32>, vector<16xi32>], vector<16xf32>,
      %gather3A_1554 = tpu.vector_load_idx %arg7[%broadcast_in_dim3A_27, %and3A_1547] : memref<2x16384xf32, #tpu.memory_space<vmem>>[vector<16xi32>, vector<16xi32>], vector<16xf32>,
      tpu.vector_store_idx %arg9[%broadcast_in_dim3A_25, %and3A_1553], %gather3A : memref<2x16384xf32, #tpu.memory_space<vmem>>[vector<16xi32>, vector<16xi32>], vector<16xf32>,
      tpu.vector_store_idx %arg9[%broadcast_in_dim3A_27, %and3A_1553], %gather3A_1554 : memref<2x16384xf32, #tpu.memory_space<vmem>>[vector<16xi32>, vector<16xi32>], vector<16xf32>,
    }
    %dma_wait3A_1412 = arith.constant 0 : i32
    %dma_wait3A_1413 = arith.constant 0 : i32
    %dma_wait3A_1414 = tpu.memref_slice %arg8[%dma_wait3A_1412, %dma_wait3A_1413] : memref<2x16384xf32, #tpu.memory_space<vmem>> -> memref<2x4224xf32, #tpu.memory_space<vmem>>
    %dma_wait3A_1415 = arith.constant 245760 : i32
    %dma_wait3A_1416 = tpu.memref_slice %arg2[%mul3A_2, %dma_wait3A_1415] : memref<64x250000xf32, #tpu.memory_space<hbm>> -> memref<2x4224xf32, #tpu.memory_space<hbm>>
    %dma_wait3A_1417 = arith.constant 0 : i32
    %dma_wait3A_1418 = arith.constant 0 : i32
    %dma_wait3A_1419 = tpu.memref_slice %arg8[%dma_wait3A_1417, %dma_wait3A_1418] : memref<2x16384xf32, #tpu.memory_space<vmem>> -> memref<2x4224xf32, #tpu.memory_space<vmem>>
    %dma_wait3A_1420 = arith.constant 245760 : i32
    %dma_wait3A_1421 = tpu.memref_slice %arg2[%mul3A_2, %dma_wait3A_1420] : memref<64x250000xf32, #tpu.memory_space<hbm>> -> memref<2x4224xf32, #tpu.memory_space<hbm>>
    tpu.wait_dma2 semaphore(%arg15 : memref<!tpu.dma_semaphore, #tpu.memory_space<semaphore_mem>>) src(%dma_wait3A_1421 : memref<2x4224xf32, #tpu.memory_space<hbm>>) dst(%dma_wait3A_1419 : memref<2x4224xf32, #tpu.memory_space<vmem>>)
    %dma_wait3A_1422 = arith.constant 0 : i32
    %dma_wait3A_1423 = arith.constant 4224 : i32
    %dma_wait3A_1424 = tpu.memref_slice %arg8[%dma_wait3A_1422, %dma_wait3A_1423] : memref<2x16384xf32, #tpu.memory_space<vmem>> -> memref<2x128xf32, #tpu.memory_space<vmem>>
    %dma_wait3A_1425 = arith.constant 0 : i32
    %dma_wait3A_1426 = tpu.memref_slice %arg3[%mul3A_2, %dma_wait3A_1425] : memref<64x128xf32, #tpu.memory_space<hbm>> -> memref<2x128xf32, #tpu.memory_space<hbm>>
    %dma_wait3A_1427 = arith.constant 0 : i32
    %dma_wait3A_1428 = arith.constant 4224 : i32
    %dma_wait3A_1429 = tpu.memref_slice %arg8[%dma_wait3A_1427, %dma_wait3A_1428] : memref<2x16384xf32, #tpu.memory_space<vmem>> -> memref<2x128xf32, #tpu.memory_space<vmem>>
    %dma_wait3A_1430 = arith.constant 0 : i32
    %dma_wait3A_1431 = tpu.memref_slice %arg3[%mul3A_2, %dma_wait3A_1430] : memref<64x128xf32, #tpu.memory_space<hbm>> -> memref<2x128xf32, #tpu.memory_space<hbm>>
    tpu.wait_dma2 semaphore(%arg15 : memref<!tpu.dma_semaphore, #tpu.memory_space<semaphore_mem>>) src(%dma_wait3A_1431 : memref<2x128xf32, #tpu.memory_space<hbm>>) dst(%dma_wait3A_1429 : memref<2x128xf32, #tpu.memory_space<vmem>>)
    %eq3A_1432 = arith.constant 15 : i32
    %eq3A_1433 = vector.broadcast %eq3A_1432 : i32 to vector<16xi32>
    %eq3A_1434 = arith.cmpi eq, %iota3A, %eq3A_1433 : vector<16xi32>
    %convert_element_type3A_1435 = arith.extui %eq3A_1434 : vector<16xi1> to vector<16xi32>
    %mul3A_1436 = arith.muli %convert_element_type3A_1435, %get3A_3 : vector<16xi32>
    %reduce_sum3A_1437 = arith.constant true
    %reduce_sum3A_1438 = vector.broadcast %reduce_sum3A_1437 : i1 to vector<16xi1>
    %reduce_sum3A_1439 = tpu.scan <sum>, %mul3A_1436 masked %reduce_sum3A_1438 : vector<16xi32>, vector<16xi1> -> vector<16xi32>
    %reduce_sum3A_1440 = vector.extract %reduce_sum3A_1439[15] : i32 from vector<16xi32>
    %mul3A_1441 = arith.muli %convert_element_type3A_1435, %get3A_5 : vector<16xi32>
    %reduce_sum3A_1442 = arith.constant true
    %reduce_sum3A_1443 = vector.broadcast %reduce_sum3A_1442 : i1 to vector<16xi1>
    %reduce_sum3A_1444 = tpu.scan <sum>, %mul3A_1441 masked %reduce_sum3A_1443 : vector<16xi32>, vector<16xi1> -> vector<16xi32>
    %reduce_sum3A_1445 = vector.extract %reduce_sum3A_1444[15] : i32 from vector<16xi32>
    %shift_right_logical3A_1446 = arith.constant 4 : i32
    %shift_right_logical3A_1447 = arith.shrui %reduce_sum3A_1440, %shift_right_logical3A_1446 : i32
    %add3A_1448 = arith.constant 16 : i32
    %add3A_1449 = arith.addi %reduce_sum3A_1445, %add3A_1448 : i32
    %sub3A_1450 = arith.constant 1 : i32
    %sub3A_1451 = arith.subi %add3A_1449, %sub3A_1450 : i32
    %shift_right_logical3A_1452 = arith.constant 4 : i32
    %shift_right_logical3A_1453 = arith.shrui %sub3A_1451, %shift_right_logical3A_1452 : i32
    %lt3A_1454 = arith.cmpi slt, %shift_right_logical3A_1447, %shift_right_logical3A_1453 : i32
    %convert_element_type3A_1455 = arith.extui %lt3A_1454 : i1 to i32
    %cond3A_1456 = arith.constant 0 : i32
    %cond3A_1457 = arith.cmpi ne, %convert_element_type3A_1455, %cond3A_1456 : i32
    scf.if %cond3A_1457 {
      %mul3A_1539 = arith.constant 16 : i32
      %mul3A_1540 = arith.muli %shift_right_logical3A_1447, %mul3A_1539 : i32
      %get3A_1541 = arith.index_cast %mul3A_1540 : i32 to index
      %get3A_1542 = tpu.vector_load %arg10[%get3A_1541] {strides = array<i32>} : memref<16384xi32, #tpu.memory_space<vmem>>, vector<16xi32>,
      %and3A = arith.constant 16383 : i32
      %and3A_1543 = vector.broadcast %and3A : i32 to vector<16xi32>
      %and3A_1544 = arith.andi %get3A_1542, %and3A_1543 : vector<16xi32>
      %shift_right_logical3A_1545 = arith.constant 14 : i32
      %shift_right_logical3A_1546 = vector.broadcast %shift_right_logical3A_1545 : i32 to vector<16xi32>
      %shift_right_logical3A_1547 = arith.shrui %get3A_1542, %shift_right_logical3A_1546 : vector<16xi32>
      %and3A_1548 = arith.constant 16383 : i32
      %and3A_1549 = vector.broadcast %and3A_1548 : i32 to vector<16xi32>
      %and3A_1550 = arith.andi %shift_right_logical3A_1547, %and3A_1549 : vector<16xi32>
      %gather3A = tpu.vector_load_idx %arg8[%broadcast_in_dim3A_25, %and3A_1544] : memref<2x16384xf32, #tpu.memory_space<vmem>>[vector<16xi32>, vector<16xi32>], vector<16xf32>,
      %gather3A_1551 = tpu.vector_load_idx %arg8[%broadcast_in_dim3A_27, %and3A_1544] : memref<2x16384xf32, #tpu.memory_space<vmem>>[vector<16xi32>, vector<16xi32>], vector<16xf32>,
      %mul3A_1552 = arith.constant 16 : i32
      %mul3A_1553 = arith.muli %shift_right_logical3A_1447, %mul3A_1552 : i32
      %add3A_1554 = vector.broadcast %mul3A_1553 : i32 to vector<16xi32>
      %add3A_1555 = arith.addi %add3A_1554, %iota3A : vector<16xi32>
      %ge3A = vector.broadcast %reduce_sum3A_1440 : i32 to vector<16xi32>
      %ge3A_1556 = arith.cmpi sge, %add3A_1555, %ge3A : vector<16xi32>
      %lt3A_1557 = vector.broadcast %reduce_sum3A_1445 : i32 to vector<16xi32>
      %lt3A_1558 = arith.cmpi slt, %add3A_1555, %lt3A_1557 : vector<16xi32>
      %and3A_1559 = arith.andi %ge3A_1556, %lt3A_1558 : vector<16xi1>
      tpu.vector_store_idx %arg9[%broadcast_in_dim3A_25, %and3A_1550], %gather3A masked %and3A_1559 : memref<2x16384xf32, #tpu.memory_space<vmem>>[vector<16xi32>, vector<16xi32>], vector<16xf32>, vector<16xi1>
      tpu.vector_store_idx %arg9[%broadcast_in_dim3A_27, %and3A_1550], %gather3A_1551 masked %and3A_1559 : memref<2x16384xf32, #tpu.memory_space<vmem>>[vector<16xi32>, vector<16xi32>], vector<16xf32>, vector<16xi1>
    } else {
    }
    %add3A_1458 = arith.constant 1 : i32
    %add3A_1459 = arith.addi %shift_right_logical3A_1447, %add3A_1458 : i32
    %gt3A_1460 = arith.cmpi sgt, %shift_right_logical3A_1453, %add3A_1459 : i32
    %convert_element_type3A_1461 = arith.extui %gt3A_1460 : i1 to i32
    %cond3A_1462 = arith.constant 0 : i32
    %cond3A_1463 = arith.cmpi ne, %convert_element_type3A_1461, %cond3A_1462 : i32
    scf.if %cond3A_1463 {
      %sub3A_1539 = arith.constant 1 : i32
      %sub3A_1540 = arith.subi %shift_right_logical3A_1453, %sub3A_1539 : i32
      %mul3A_1541 = arith.constant 16 : i32
      %mul3A_1542 = arith.muli %sub3A_1540, %mul3A_1541 : i32
      %get3A_1543 = arith.index_cast %mul3A_1542 : i32 to index
      %get3A_1544 = tpu.vector_load %arg10[%get3A_1543] {strides = array<i32>} : memref<16384xi32, #tpu.memory_space<vmem>>, vector<16xi32>,
      %and3A = arith.constant 16383 : i32
      %and3A_1545 = vector.broadcast %and3A : i32 to vector<16xi32>
      %and3A_1546 = arith.andi %get3A_1544, %and3A_1545 : vector<16xi32>
      %shift_right_logical3A_1547 = arith.constant 14 : i32
      %shift_right_logical3A_1548 = vector.broadcast %shift_right_logical3A_1547 : i32 to vector<16xi32>
      %shift_right_logical3A_1549 = arith.shrui %get3A_1544, %shift_right_logical3A_1548 : vector<16xi32>
      %and3A_1550 = arith.constant 16383 : i32
      %and3A_1551 = vector.broadcast %and3A_1550 : i32 to vector<16xi32>
      %and3A_1552 = arith.andi %shift_right_logical3A_1549, %and3A_1551 : vector<16xi32>
      %gather3A = tpu.vector_load_idx %arg8[%broadcast_in_dim3A_25, %and3A_1546] : memref<2x16384xf32, #tpu.memory_space<vmem>>[vector<16xi32>, vector<16xi32>], vector<16xf32>,
      %gather3A_1553 = tpu.vector_load_idx %arg8[%broadcast_in_dim3A_27, %and3A_1546] : memref<2x16384xf32, #tpu.memory_space<vmem>>[vector<16xi32>, vector<16xi32>], vector<16xf32>,
      %mul3A_1554 = arith.constant 16 : i32
      %mul3A_1555 = arith.muli %sub3A_1540, %mul3A_1554 : i32
      %add3A_1556 = vector.broadcast %mul3A_1555 : i32 to vector<16xi32>
      %add3A_1557 = arith.addi %add3A_1556, %iota3A : vector<16xi32>
      %ge3A = vector.broadcast %reduce_sum3A_1440 : i32 to vector<16xi32>
      %ge3A_1558 = arith.cmpi sge, %add3A_1557, %ge3A : vector<16xi32>
      %lt3A_1559 = vector.broadcast %reduce_sum3A_1445 : i32 to vector<16xi32>
      %lt3A_1560 = arith.cmpi slt, %add3A_1557, %lt3A_1559 : vector<16xi32>
      %and3A_1561 = arith.andi %ge3A_1558, %lt3A_1560 : vector<16xi1>
      tpu.vector_store_idx %arg9[%broadcast_in_dim3A_25, %and3A_1552], %gather3A masked %and3A_1561 : memref<2x16384xf32, #tpu.memory_space<vmem>>[vector<16xi32>, vector<16xi32>], vector<16xf32>, vector<16xi1>
      tpu.vector_store_idx %arg9[%broadcast_in_dim3A_27, %and3A_1552], %gather3A_1553 masked %and3A_1561 : memref<2x16384xf32, #tpu.memory_space<vmem>>[vector<16xi32>, vector<16xi32>], vector<16xf32>, vector<16xi1>
    } else {
    }
    %add3A_1464 = arith.constant 1 : i32
    %add3A_1465 = arith.addi %shift_right_logical3A_1447, %add3A_1464 : i32
    %sub3A_1466 = arith.constant 1 : i32
    %sub3A_1467 = arith.subi %shift_right_logical3A_1453, %sub3A_1466 : i32
    %sub3A_1468 = arith.subi %sub3A_1467, %add3A_1465 : i32
    %sub3A_1469 = arith.constant 1 : i32
    %sub3A_1470 = arith.constant 1 : i32
    %sub3A_1471 = arith.subi %sub3A_1469, %sub3A_1470 : i32
    %add3A_1472 = arith.addi %sub3A_1468, %sub3A_1471 : i32
    %div3A_1473 = arith.constant 1 : i32
    %div3A_1474 = arith.divsi %add3A_1472, %div3A_1473 : i32
    %while3A_1475 = arith.constant 1 : i32
    %while3A_1476 = arith.constant 0 : i32
    %while3A_1477 = arith.subi %div3A_1474, %while3A_1476 : i32
    %while3A_1478 = arith.addi %while3A_1476, %while3A_1477 : i32
    %while3A_1479 = arith.constant 1 : i32
    %while3A_1480 = arith.divsi %while3A_1477, %while3A_1479 : i32
    %while3A_1481 = arith.muli %while3A_1480, %while3A_1479 : i32
    %while3A_1482 = arith.addi %while3A_1476, %while3A_1481 : i32
    %while3A_1483 = arith.constant 1 : i32
    scf.for %while3A_1539 = %while3A_1476 to %while3A_1482 step %while3A_1483  : i32 {
      %mul3A_1540 = arith.muli %while3A_1539, %while3A_1475 : i32
      %add3A_1541 = arith.addi %add3A_1465, %mul3A_1540 : i32
      %mul3A_1542 = arith.constant 16 : i32
      %mul3A_1543 = arith.muli %add3A_1541, %mul3A_1542 : i32
      %get3A_1544 = arith.index_cast %mul3A_1543 : i32 to index
      %get3A_1545 = tpu.vector_load %arg10[%get3A_1544] {strides = array<i32>} : memref<16384xi32, #tpu.memory_space<vmem>>, vector<16xi32>,
      %and3A = arith.constant 16383 : i32
      %and3A_1546 = vector.broadcast %and3A : i32 to vector<16xi32>
      %and3A_1547 = arith.andi %get3A_1545, %and3A_1546 : vector<16xi32>
      %shift_right_logical3A_1548 = arith.constant 14 : i32
      %shift_right_logical3A_1549 = vector.broadcast %shift_right_logical3A_1548 : i32 to vector<16xi32>
      %shift_right_logical3A_1550 = arith.shrui %get3A_1545, %shift_right_logical3A_1549 : vector<16xi32>
      %and3A_1551 = arith.constant 16383 : i32
      %and3A_1552 = vector.broadcast %and3A_1551 : i32 to vector<16xi32>
      %and3A_1553 = arith.andi %shift_right_logical3A_1550, %and3A_1552 : vector<16xi32>
      %gather3A = tpu.vector_load_idx %arg8[%broadcast_in_dim3A_25, %and3A_1547] : memref<2x16384xf32, #tpu.memory_space<vmem>>[vector<16xi32>, vector<16xi32>], vector<16xf32>,
      %gather3A_1554 = tpu.vector_load_idx %arg8[%broadcast_in_dim3A_27, %and3A_1547] : memref<2x16384xf32, #tpu.memory_space<vmem>>[vector<16xi32>, vector<16xi32>], vector<16xf32>,
      tpu.vector_store_idx %arg9[%broadcast_in_dim3A_25, %and3A_1553], %gather3A : memref<2x16384xf32, #tpu.memory_space<vmem>>[vector<16xi32>, vector<16xi32>], vector<16xf32>,
      tpu.vector_store_idx %arg9[%broadcast_in_dim3A_27, %and3A_1553], %gather3A_1554 : memref<2x16384xf32, #tpu.memory_space<vmem>>[vector<16xi32>, vector<16xi32>], vector<16xf32>,
    }
    %while3A_1484 = arith.constant 1 : i32
    scf.for %while3A_1539 = %while3A_1482 to %while3A_1478 step %while3A_1484  : i32 {
      %mul3A_1540 = arith.muli %while3A_1539, %while3A_1475 : i32
      %add3A_1541 = arith.addi %add3A_1465, %mul3A_1540 : i32
      %mul3A_1542 = arith.constant 16 : i32
      %mul3A_1543 = arith.muli %add3A_1541, %mul3A_1542 : i32
      %get3A_1544 = arith.index_cast %mul3A_1543 : i32 to index
      %get3A_1545 = tpu.vector_load %arg10[%get3A_1544] {strides = array<i32>} : memref<16384xi32, #tpu.memory_space<vmem>>, vector<16xi32>,
      %and3A = arith.constant 16383 : i32
      %and3A_1546 = vector.broadcast %and3A : i32 to vector<16xi32>
      %and3A_1547 = arith.andi %get3A_1545, %and3A_1546 : vector<16xi32>
      %shift_right_logical3A_1548 = arith.constant 14 : i32
      %shift_right_logical3A_1549 = vector.broadcast %shift_right_logical3A_1548 : i32 to vector<16xi32>
      %shift_right_logical3A_1550 = arith.shrui %get3A_1545, %shift_right_logical3A_1549 : vector<16xi32>
      %and3A_1551 = arith.constant 16383 : i32
      %and3A_1552 = vector.broadcast %and3A_1551 : i32 to vector<16xi32>
      %and3A_1553 = arith.andi %shift_right_logical3A_1550, %and3A_1552 : vector<16xi32>
      %gather3A = tpu.vector_load_idx %arg8[%broadcast_in_dim3A_25, %and3A_1547] : memref<2x16384xf32, #tpu.memory_space<vmem>>[vector<16xi32>, vector<16xi32>], vector<16xf32>,
      %gather3A_1554 = tpu.vector_load_idx %arg8[%broadcast_in_dim3A_27, %and3A_1547] : memref<2x16384xf32, #tpu.memory_space<vmem>>[vector<16xi32>, vector<16xi32>], vector<16xf32>,
      tpu.vector_store_idx %arg9[%broadcast_in_dim3A_25, %and3A_1553], %gather3A : memref<2x16384xf32, #tpu.memory_space<vmem>>[vector<16xi32>, vector<16xi32>], vector<16xf32>,
      tpu.vector_store_idx %arg9[%broadcast_in_dim3A_27, %and3A_1553], %gather3A_1554 : memref<2x16384xf32, #tpu.memory_space<vmem>>[vector<16xi32>, vector<16xi32>], vector<16xf32>,
    }
    %dma_start3A_1485 = arith.constant 0 : i32
    %dma_start3A_1486 = arith.constant 0 : i32
    %dma_start3A_1487 = tpu.memref_slice %arg9[%dma_start3A_1485, %dma_start3A_1486] : memref<2x16384xf32, #tpu.memory_space<vmem>> -> memref<1x16384xf32, #tpu.memory_space<vmem>>
    %dma_start3A_1488 = tpu.memref_squeeze %dma_start3A_1487 : memref<1x16384xf32, #tpu.memory_space<vmem>> -> memref<16384xf32, #tpu.memory_space<vmem>>
    %dma_start3A_1489 = arith.constant 0 : i32
    %dma_start3A_1490 = tpu.memref_slice %arg6[%mul3A_2, %dma_start3A_1489] : memref<64x16384xf32, #tpu.memory_space<hbm>> -> memref<1x16384xf32, #tpu.memory_space<hbm>>
    %dma_start3A_1491 = tpu.memref_squeeze %dma_start3A_1490 : memref<1x16384xf32, #tpu.memory_space<hbm>> -> memref<16384xf32, #tpu.memory_space<hbm>>
    %dma_start3A_1492 = arith.constant 0 : i32
    %dma_start3A_1493 = tpu.memref_slice %arg6[%mul3A_2, %dma_start3A_1492] : memref<64x16384xf32, #tpu.memory_space<hbm>> -> memref<1x16384xf32, #tpu.memory_space<hbm>>
    %dma_start3A_1494 = tpu.memref_squeeze %dma_start3A_1493 : memref<1x16384xf32, #tpu.memory_space<hbm>> -> memref<16384xf32, #tpu.memory_space<hbm>>
    %dma_start3A_1495 = arith.constant 0 : i32
    %dma_start3A_1496 = tpu.memref_slice %arg9[%dma_start3A_1485, %dma_start3A_1495] : memref<2x16384xf32, #tpu.memory_space<vmem>> -> memref<1x16384xf32, #tpu.memory_space<vmem>>
    %dma_start3A_1497 = tpu.memref_squeeze %dma_start3A_1496 : memref<1x16384xf32, #tpu.memory_space<vmem>> -> memref<16384xf32, #tpu.memory_space<vmem>>
    tpu.enqueue_dma source(%dma_start3A_1497 : memref<16384xf32, #tpu.memory_space<vmem>>) target(%dma_start3A_1494 : memref<16384xf32, #tpu.memory_space<hbm>>) target_semaphore(%arg14 : memref<!tpu.dma_semaphore, #tpu.memory_space<semaphore_mem>>)
    %add3A_1498 = arith.constant 1 : i32
    %add3A_1499 = arith.addi %mul3A_2, %add3A_1498 : i32
    %dma_start3A_1500 = arith.constant 1 : i32
    %dma_start3A_1501 = arith.constant 0 : i32
    %dma_start3A_1502 = tpu.memref_slice %arg9[%dma_start3A_1500, %dma_start3A_1501] : memref<2x16384xf32, #tpu.memory_space<vmem>> -> memref<1x16384xf32, #tpu.memory_space<vmem>>
    %dma_start3A_1503 = tpu.memref_squeeze %dma_start3A_1502 : memref<1x16384xf32, #tpu.memory_space<vmem>> -> memref<16384xf32, #tpu.memory_space<vmem>>
    %dma_start3A_1504 = arith.constant 0 : i32
    %dma_start3A_1505 = tpu.memref_slice %arg6[%add3A_1499, %dma_start3A_1504] : memref<64x16384xf32, #tpu.memory_space<hbm>> -> memref<1x16384xf32, #tpu.memory_space<hbm>>
    %dma_start3A_1506 = tpu.memref_squeeze %dma_start3A_1505 : memref<1x16384xf32, #tpu.memory_space<hbm>> -> memref<16384xf32, #tpu.memory_space<hbm>>
    %dma_start3A_1507 = arith.constant 0 : i32
    %dma_start3A_1508 = tpu.memref_slice %arg6[%add3A_1499, %dma_start3A_1507] : memref<64x16384xf32, #tpu.memory_space<hbm>> -> memref<1x16384xf32, #tpu.memory_space<hbm>>
    %dma_start3A_1509 = tpu.memref_squeeze %dma_start3A_1508 : memref<1x16384xf32, #tpu.memory_space<hbm>> -> memref<16384xf32, #tpu.memory_space<hbm>>
    %dma_start3A_1510 = arith.constant 0 : i32
    %dma_start3A_1511 = tpu.memref_slice %arg9[%dma_start3A_1500, %dma_start3A_1510] : memref<2x16384xf32, #tpu.memory_space<vmem>> -> memref<1x16384xf32, #tpu.memory_space<vmem>>
    %dma_start3A_1512 = tpu.memref_squeeze %dma_start3A_1511 : memref<1x16384xf32, #tpu.memory_space<vmem>> -> memref<16384xf32, #tpu.memory_space<vmem>>
    tpu.enqueue_dma source(%dma_start3A_1512 : memref<16384xf32, #tpu.memory_space<vmem>>) target(%dma_start3A_1509 : memref<16384xf32, #tpu.memory_space<hbm>>) target_semaphore(%arg15 : memref<!tpu.dma_semaphore, #tpu.memory_space<semaphore_mem>>)
    %dma_wait3A_1513 = arith.constant 0 : i32
    %dma_wait3A_1514 = arith.constant 0 : i32
    %dma_wait3A_1515 = tpu.memref_slice %arg9[%dma_wait3A_1513, %dma_wait3A_1514] : memref<2x16384xf32, #tpu.memory_space<vmem>> -> memref<1x16384xf32, #tpu.memory_space<vmem>>
    %dma_wait3A_1516 = tpu.memref_squeeze %dma_wait3A_1515 : memref<1x16384xf32, #tpu.memory_space<vmem>> -> memref<16384xf32, #tpu.memory_space<vmem>>
    %dma_wait3A_1517 = arith.constant 0 : i32
    %dma_wait3A_1518 = tpu.memref_slice %arg6[%mul3A_2, %dma_wait3A_1517] : memref<64x16384xf32, #tpu.memory_space<hbm>> -> memref<1x16384xf32, #tpu.memory_space<hbm>>
    %dma_wait3A_1519 = tpu.memref_squeeze %dma_wait3A_1518 : memref<1x16384xf32, #tpu.memory_space<hbm>> -> memref<16384xf32, #tpu.memory_space<hbm>>
    %dma_wait3A_1520 = arith.constant 0 : i32
    %dma_wait3A_1521 = tpu.memref_slice %arg6[%mul3A_2, %dma_wait3A_1520] : memref<64x16384xf32, #tpu.memory_space<hbm>> -> memref<1x16384xf32, #tpu.memory_space<hbm>>
    %dma_wait3A_1522 = tpu.memref_squeeze %dma_wait3A_1521 : memref<1x16384xf32, #tpu.memory_space<hbm>> -> memref<16384xf32, #tpu.memory_space<hbm>>
    %dma_wait3A_1523 = arith.constant 0 : i32
    %dma_wait3A_1524 = tpu.memref_slice %arg9[%dma_wait3A_1513, %dma_wait3A_1523] : memref<2x16384xf32, #tpu.memory_space<vmem>> -> memref<1x16384xf32, #tpu.memory_space<vmem>>
    %dma_wait3A_1525 = tpu.memref_squeeze %dma_wait3A_1524 : memref<1x16384xf32, #tpu.memory_space<vmem>> -> memref<16384xf32, #tpu.memory_space<vmem>>
    tpu.wait_dma2 semaphore(%arg14 : memref<!tpu.dma_semaphore, #tpu.memory_space<semaphore_mem>>) src(%dma_wait3A_1525 : memref<16384xf32, #tpu.memory_space<vmem>>) dst(%dma_wait3A_1522 : memref<16384xf32, #tpu.memory_space<hbm>>)
    %dma_wait3A_1526 = arith.constant 1 : i32
    %dma_wait3A_1527 = arith.constant 0 : i32
    %dma_wait3A_1528 = tpu.memref_slice %arg9[%dma_wait3A_1526, %dma_wait3A_1527] : memref<2x16384xf32, #tpu.memory_space<vmem>> -> memref<1x16384xf32, #tpu.memory_space<vmem>>
    %dma_wait3A_1529 = tpu.memref_squeeze %dma_wait3A_1528 : memref<1x16384xf32, #tpu.memory_space<vmem>> -> memref<16384xf32, #tpu.memory_space<vmem>>
    %dma_wait3A_1530 = arith.constant 0 : i32
    %dma_wait3A_1531 = tpu.memref_slice %arg6[%add3A_1499, %dma_wait3A_1530] : memref<64x16384xf32, #tpu.memory_space<hbm>> -> memref<1x16384xf32, #tpu.memory_space<hbm>>
    %dma_wait3A_1532 = tpu.memref_squeeze %dma_wait3A_1531 : memref<1x16384xf32, #tpu.memory_space<hbm>> -> memref<16384xf32, #tpu.memory_space<hbm>>
    %dma_wait3A_1533 = arith.constant 0 : i32
    %dma_wait3A_1534 = tpu.memref_slice %arg6[%add3A_1499, %dma_wait3A_1533] : memref<64x16384xf32, #tpu.memory_space<hbm>> -> memref<1x16384xf32, #tpu.memory_space<hbm>>
    %dma_wait3A_1535 = tpu.memref_squeeze %dma_wait3A_1534 : memref<1x16384xf32, #tpu.memory_space<hbm>> -> memref<16384xf32, #tpu.memory_space<hbm>>
    %dma_wait3A_1536 = arith.constant 0 : i32
    %dma_wait3A_1537 = tpu.memref_slice %arg9[%dma_wait3A_1526, %dma_wait3A_1536] : memref<2x16384xf32, #tpu.memory_space<vmem>> -> memref<1x16384xf32, #tpu.memory_space<vmem>>
    %dma_wait3A_1538 = tpu.memref_squeeze %dma_wait3A_1537 : memref<1x16384xf32, #tpu.memory_space<vmem>> -> memref<16384xf32, #tpu.memory_space<vmem>>
    tpu.wait_dma2 semaphore(%arg15 : memref<!tpu.dma_semaphore, #tpu.memory_space<semaphore_mem>>) src(%dma_wait3A_1538 : memref<16384xf32, #tpu.memory_space<vmem>>) dst(%dma_wait3A_1535 : memref<16384xf32, #tpu.memory_space<hbm>>)
    return
  }
}

</mosaic_0001>

<sc_bundles>
// kernel: kernel.3.cloned.1.call-start
scs
__scs_entry_jumppad:
0x0: {  	(pc) =	sbr.rel $0x88, $3  }
0x1: {  	(tag) =	ssettag $0x0;
	lr =	simm.s32 $0x1  }
0x2: {  	[smem:$0x3F9F] =	sst lr;
	_ =	strace $0xD0000000  }
0x3: {  	_ = 	snop  }
0x4: {  	_ = 	snop  }
0x5: {  	_ = 	snop  }
0x6: {  	_ = 	snop  }
0x7: {  	_ = 	snop  }
__scs_overlays_trampoline_lowered:
0x8: {  	[smem:$0x3FAE] =	sst s0  }
0x9: {  	[smem:$0x3FAF] =	sst s1  }
0xa: {  	[smem:$0x3FB0] =	sst s2  }
0xb: {  	[smem:$0x3FB1] =	sst s3  }
0xc: {  	[smem:$0x3FB2] =	sst s4  }
0xd: {  	[smem:$0x3FB3] =	sst s5  }
0xe: {  	[smem:$0x3FB4] =	sst s6  }
0xf: {  	[smem:$0x3FB5] =	sst s7  }
0x10: {  	[smem:$0x3FB6] =	sst s8  }
0x11: {  	[smem:$0x3FB7] =	sst s9;
	s0 =	simm.s32 @!p0 $0x0  }
0x12: {  	s1 =	sld [smem:$0x3F9D];
	s0 =	simm.s32 @p0 $0x1  }
0x13: {  	[smem:$0x3FB8] =	sst s0;
	s0 =	simm.s32 @!p1 $0x0  }
0x14: {  	s2 =	sld [smem:$0x3F9C];
	s0 =	simm.s32 @p1 $0x1  }
0x15: {  	[smem:$0x3FB9] =	sst s0;
	s0 =	simm.s32 @!p2 $0x0  }
0x16: {  	s3 =	sld [smem:$0x3FDB];
	s0 =	simm.s32 @p2 $0x1  }
0x17: {  	s4 =	simm.s32 $0x1BF5;
	[smem:$0x3FBB] =	sst s0  }
0x18: {  	s0 =	sld [smem:$0x3F9E];
	_ =	swait.ge [sflag:s4], $0x0  }
0x19: {  	s7 =	sld [smem:$0x3F9F]  }
0x1a: {  	s8 =	sadd.s32 $0xFFFFE003, lr  }
0x1b: {  	s9 =	sadd.s32 $0xFFFFFEF7, lr;
	s5 =	simm.s32 $0xFFFFFFFF;
	p2 =	slt.u32 s8, $0xFFFFF086  }
0x1c: {  	p1 =	slt.u32 s9, $0xF7A;
	s5 =	simm.s32 @!p2 $0x0  }
0x1d: {  	s5 =	simm.s32 @p1 $0x1;
	p0 =	seq.s32 s7, s2  }
0x1e: {  	s7 =	smul.u32 @!p0 $0xF7A, s2;
	p2 =	seq.s32 @!p0 s5, $0x0  }
0x1f: {  	s9 =	smul.u32 $0xF7A, s1;
	s8 =	simm.s32 @!p0 $0x1BF5;
	p2 =	por !p2, p0  }
0x20: {  	[sflag:s8] =	ssyncset.s32 @!p0 $0xFFFFF086;
	s6 =	sadd.s32 @!p0 s3, s7;
	s7 =	simm.s32 @!p0 $0x108  }
0x21: {  	s3 =	sadd.s32 s3, s9;
	s6 =	sadd.s32 @!p0 $0x88, s6;
	s7 =	simm.s32 @p2 $0x1082  }
0x22: {  	[simem:s7], [sflag:s8] =	dma.local @!p0 [hbm:s6], $0xF7A  }
0x23: {  	s9 =	sor.u32 $0xD0000000, s2;
	s6 =	simm.s32 $0x108;
	_ =	swait.ge @!p0 [sflag:s8], $0x0  }
0x24: {  	s3 =	sadd.s32 $0x88, s3;
	s6 =	simm.s32 @!p1 $0x1082;
	[sflag:s4] =	ssyncset.s32 $0xFFFFF086  }
0x25: {  	[simem:s6], [sflag:s4] =	dma.local [hbm:s3], $0xF7A  }
0x26: {  	[smem:$0x3F9F] =	sst s1;
	(tag) =	ssettag s2;
	_ =	strace s9  }
0x27: {  	s1 =	sld [smem:$0x3FAF]  }
0x28: {  	s2 =	sld [smem:$0x3FB0]  }
0x29: {  	s4 =	sld [smem:$0x3FB2]  }
0x2a: {  	p0 =	seq.s32 s5, $0x0;
	s5 =	sld [smem:$0x3FB3]  }
0x2b: {  	s6 =	sld [smem:$0x3FB4]  }
0x2c: {  	s7 =	sld [smem:$0x3FB5]  }
0x2d: {  	s3 =	simm.s32 $0x108;
	s8 =	sld [smem:$0x3FB6]  }
0x2e: {  	s3 =	simm.s32 @!p0 $0x1082;
	s9 =	sld [smem:$0x3FB7]  }
0x2f: {  	lr =	sadd.s32 s0, s3;
	s0 =	sld [smem:$0x3FAE]  }
0x30: {  	s3 =	sld [smem:$0x3FB1]  }
0x31: {  	[smem:$0x3FBA] =	sst s10  }
0x32: {  	s10 =	sld [smem:$0x3FB8];
	_ =	sdelay $0x3  }
0x33: {  	p0 =	seq.s32 s10, $0x1;
	s10 =	sld [smem:$0x3FBA];
	_ =	sdelay $0x3  }
0x34: {  	[smem:$0x3FBA] =	sst s10  }
0x35: {  	s10 =	sld [smem:$0x3FB9];
	_ =	sdelay $0x3  }
0x36: {  	p1 =	seq.s32 s10, $0x1;
	s10 =	sld [smem:$0x3FBA];
	_ =	sdelay $0x3  }
0x37: {  	[smem:$0x3FBA] =	sst s10  }
0x38: {  	s10 =	sld [smem:$0x3FBB]  }
0x39: {  	_ = 	snop;
	(pc) =	sbr.ind lr, $3  }
0x3a: {  	_ = 	snop  }
0x3b: {  	_ = 	snop  }
0x3c: {  	p2 =	seq.s32 s10, $0x1;
	s10 =	sld [smem:$0x3FBA]  }
0x3d: {  	_ =	shalt  }
0x3e: {  	_ =	shalt  }
0x3f: {  	_ =	shalt  }
0x40: {  	_ =	shalt  }
0x41: {  	_ =	shalt  }
0x42: {  	_ =	shalt  }
0x43: {  	_ =	shalt  }
0x44: {  	_ =	shalt  }
0x45: {  	_ =	shalt  }
0x46: {  	_ =	shalt  }
0x47: {  	_ =	shalt  }
0x48: {  	_ =	shalt  }
0x49: {  	_ =	shalt  }
0x4a: {  	_ =	shalt  }
0x4b: {  	_ =	shalt  }
0x4c: {  	_ =	shalt  }
0x4d: {  	_ =	shalt  }
0x4e: {  	_ =	shalt  }
0x4f: {  	_ =	shalt  }
0x50: {  	_ =	shalt  }
0x51: {  	_ =	shalt  }
0x52: {  	_ =	shalt  }
0x53: {  	_ =	shalt  }
0x54: {  	_ =	shalt  }
0x55: {  	_ =	shalt  }
0x56: {  	_ =	shalt  }
0x57: {  	_ =	shalt  }
0x58: {  	_ =	shalt  }
0x59: {  	_ =	shalt  }
0x5a: {  	_ =	shalt  }
0x5b: {  	_ =	shalt  }
0x5c: {  	_ =	shalt  }
0x5d: {  	_ =	shalt  }
0x5e: {  	_ =	shalt  }
0x5f: {  	_ =	shalt  }
0x60: {  	_ =	shalt  }
0x61: {  	_ =	shalt  }
0x62: {  	_ =	shalt  }
0x63: {  	_ =	shalt  }
0x64: {  	_ =	shalt  }
0x65: {  	_ =	shalt  }
0x66: {  	_ =	shalt  }
0x67: {  	_ =	shalt  }
0x68: {  	_ =	shalt  }
0x69: {  	_ =	shalt  }
0x6a: {  	_ =	shalt  }
0x6b: {  	_ =	shalt  }
0x6c: {  	_ =	shalt  }
0x6d: {  	_ =	shalt  }
0x6e: {  	_ =	shalt  }
0x6f: {  	_ =	shalt  }
0x70: {  	_ =	shalt  }
0x71: {  	_ =	shalt  }
0x72: {  	_ =	shalt  }
0x73: {  	_ =	shalt  }
0x74: {  	_ =	shalt  }
0x75: {  	_ =	shalt  }
0x76: {  	_ =	shalt  }
0x77: {  	_ =	shalt  }
0x78: {  	_ =	shalt  }
0x79: {  	_ =	shalt  }
0x7a: {  	_ =	shalt  }
0x7b: {  	_ =	shalt  }
0x7c: {  	_ =	shalt  }
0x7d: {  	_ =	shalt  }
0x7e: {  	_ =	shalt  }
0x7f: {  	_ =	shalt  }
0x80: {  	_ =	shalt  }
0x81: {  	_ =	shalt  }
0x82: {  	_ =	shalt  }
0x83: {  	_ =	shalt  }
0x84: {  	_ =	shalt  }
0x85: {  	_ =	shalt  }
0x86: {  	_ =	shalt  }
0x87: {  	_ =	shalt  }
.Lfunc_end0:
.L_simem_size_0:
called_computation_lowered:
.L_overlay_start_0:
0x88: {  	s2 =	sld [smem:$0x3FD9]  }
0x89: {  	s3 =	sld [smem:$0x3FFE];
	_ =	sdelay $0x1  }
0x8a: {  	s1 =	srdreg.scid  }
0x8b: {  	s0 =	sand.u32 $0x1, s1  }
0x8c: {  	s17 =	sshll.u32 s0, $0xA;
	s2 =	sadd.s32 s3, s2  }
0x8d: {  	s2 =	sadd.s32 s2, s17  }
0x8e: {  	[smem:$0x3FC6] =	sst s2  }
0x8f: {  	_ = 	snop  }
0x90: {  	s2 =	sld [smem:$0x3FC8]  }
0x91: {  	s18 =	sld [smem:$0x3FD0];
	(tm) =	ssettm $0x1  }
0x92: {  	s4 =	sld [smem:$0x3FFB];
	_ =	sdelay $0x3  }
0x93: {  	_ =	strace s4  }
0x94: {  	s4 =	sld [smem:$0x3FFC];
	_ =	sdelay $0x3  }
0x95: {  	_ =	strace s4  }
0x96: {  	s4 =	sld [smem:$0x3FFD];
	_ =	sdelay $0x3  }
0x97: {  	_ =	strace s4  }
0x98: {  	_ =	strace $0x8FFFFFFF  }
0x99: {  	s19 =	sld [smem:$0x3FDB];
	_ =	sdelay $0x1  }
0x9a: {  	s5 =	simm.s32 $_scs_section_size  }
0x9b: {  	s6 =	simm.s32 $_size__tile_overlayer_lowered;
	s7 =	simm.s32 $_tile_overlayer_lowered  }
0x9c: {  	s22 =	simm.s32 $0x1BFF;
	s21 =	sshll.u32 s7, $0x1;
	s4 =	sadd.s32 s5, s19  }
0x9d: {  	s8 =	simm.s32 $0x0;
	s20 =	sshll.u32 s6, $0x1;
	s6 =	sadd.s32 s21, s4  }
0x9e: {  	[timem:s8], [sflag:s22] =	dma.local [hbm:s6], s20  }
0x9f: {  	_ =	swait.ge [sflag:s22], s20  }
0xa0: {  	s5 =	ssub.s32 $0x0, s20;
	[sflag:s22] =	ssyncset.done $0x0  }
0xa1: {  	[sflag:s22] =	ssyncadd.s32 s5;
	_ =	sdelay $0x1  }
0xa2: {  	s23 =	simm.s32 $0x1B8B  }
0xa3: {  	_ =	swait.ge [sflag:s23], $0x1  }
0xa4: {  	[sflag:s23] =	ssyncset.done $0x0  }
0xa5: {  	s25 =	simm.s32 $0x1B8E;
	s24 =	sld [smem:$0x3FFE];
	[sflag:s23] =	ssyncadd.s32 $0xFFFFFFFF  }
0xa6: {  	s26 =	simm.s32 $execute0_lowered;
	[smem:$0x3FD2] =	sst s25  }
0xa7: {  	s6 =	sshll.u32 s26, $0x1;
	_ =	strace $0x80000046;
	[dreg:$0x1] =	wrdreg $0xFFFFFFFF  }
0xa8: {  	s28 =	simm.s32 $_size_execute0_lowered;
	s4 =	sadd.s32 s4, s6;
	[dreg:$0x0] =	wrdreg $0x0  }
0xa9: {  	s6 =	sshll.u32 s28, $0x1;
	[dreg:$0x2] =	wrdreg s4  }
0xaa: {  	[dreg:$0x3] =	wrdreg s6  }
0xab: {  	[dreg:$0x4] =	wrdreg $0xC0  }
0xac: {  	_ =	task [dreg:s8], $0x5FFFF  }
0xad: {  	[dreg:$0x1] =	wrdreg $0xFFFFFFFF  }
0xae: {  	[dreg:$0x0] =	wrdreg $0x60  }
0xaf: {  	[dreg:$0x2] =	wrdreg s2  }
0xb0: {  	[dreg:$0x3] =	wrdreg s24  }
0xb1: {  	[dreg:$0x4] =	wrdreg s18  }
0xb2: {  	[dreg:$0x5] =	wrdreg $0x9  }
0xb3: {  	_ =	task.clear_ibuf [dreg:s8], $0x6FFFF;
	_ =	strace $0x90000046  }
0xb4: {  	s29 =	simm.s32 $0x9;
	_ =	strace $0x80000048  }
0xb5: {  	_ =	swait.ge [sflag:s29], $0x1  }
0xb6: {  	[sflag:s29] =	ssyncadd.s32 $0xFFFFFFFF  }
0xb7: {  	_ =	strace $0x90000048  }
0xb8: {  	_ =	sfence  }
0xb9: {  	s30 =	sld [smem:$0x0];
	_ =	sdelay $0x2  }
0xba: {  	s31 =	sshll.u32 s1, $0xD;
	s1 =	sshrl.u32 s1, $0x2  }
0xbb: {  	s3 =	sand.u32 $0x4000, s31;
	s1 =	sadd.s32 s1, s30  }
0xbc: {  	s0 =	sor.u32 s3, s0;
	s1 =	sshll.u32 s1, $0x11  }
0xbd: {  	s0 =	sor.u32 s1, s0  }
0xbe: {  	s0 =	sadd.s32 $0x8F2B, s0  }
0xbf: {  	[sflag:s0] =	ssyncadd.remote.s32 $0x1  }
0xc0: {  	_ =	sfence.sel $0xFFFF  }
0xc1: {  	[dreg:$0x0] =	wrdreg $0xFFFFFFFF;
	(pc) =	sbr.abs _section_cstart, $3  }
0xc2: {  	[dreg:$0x1] =	wrdreg $0xFFFFFFFF  }
0xc3: {  	_ =	task.clear_ibuf [dreg:s8], $0x2FFFF;
	_ =	strace $0x9FFFFFFF  }
0xc4: {  	(tm) =	ssettm $0x7FFFFFFF  }
0xc5: {  	_ =	shalt  }
tec
execute0_lowered:
.L_overlay_start_1:
0x0: {  	(tag) =	ssettag $0x1  }
0x1: {  	s0 =	srdreg.scid  }
0x2: {  	s8 =	stileid.u32;
	s0 =	sand.u32 $0x1, s0  }
0x3: {  	s2 =	sshrl.u32 s8, $0x1;
	s1 =	sshll.u32 s8, $0x9;
	s3 =	sshll.u32 s0, $0x8  }
0x4: {  	s1 =	sand.u32 $0x200, s1;
	s4 =	smul.u32 $0x1E8800, s2;
	s5 =	ssub.s32 $0x2, s0  }
0x5: {  	s3 =	sor.u32 s3, s1;
	s17 =	sshrl.u32 s5, $0x1  }
0x6: {  	s0 =	rddreg [dreg:$0x0];
	s1 =	sor.u32 s4, s3;
	s5 =	ssub.s32 s5, s17  }
0x7: {  	s6 =	sshrl.u32 s1, $0x3;
	s19 =	sadd.s32 $0x10000, s1;
	s20 =	sadd.s32 $0x20000, s1  }
0x8: {  	s7 =	sadd.s32 $0x30000, s1;
	s24 =	sadd.s32 $0x40000, s1;
	s25 =	sadd.s32 $0x50000, s1  }
0x9: {  	s26 =	sadd.s32 $0x60000, s1;
	s12 =	sadd.s32 $0x70000, s1;
	s13 =	sadd.s32 $0x80000, s1  }
0xa: {  	s14 =	sadd.s32 $0x90000, s1;
	s5 =	smax.u32 s5, $0x1;
	s18 =	sadd.s32 s0, s6  }
0xb: {  	s4 =	sshrl.u32 s19, $0x3;
	s21 =	sshrl.u32 s20, $0x3;
	s22 =	sshrl.u32 s7, $0x3  }
0xc: {  	s9 =	sshrl.u32 s25, $0x3;
	s10 =	sshrl.u32 s26, $0x3;
	s15 =	sshrl.u32 s13, $0x3  }
0xd: {  	s16 =	sshrl.u32 s14, $0x3;
	s19 =	sadd.s32 $0xB0000, s1;
	s20 =	sadd.s32 $0xC0000, s1  }
0xe: {  	s25 =	sadd.s32 $0xE0000, s1;
	s26 =	sadd.s32 $0xF0000, s1;
	s13 =	sadd.s32 $0x110000, s1  }
0xf: {  	s14 =	sadd.s32 $0x120000, s1;
	s7 =	simm.s32 $0x4;
	[dreg:$0x4] =	wrdreg s18  }
0x10: {  	s4 =	sadd.s32 s0, s4;
	s23 =	sadd.s32 s0, s22;
	s11 =	sadd.s32 s0, s10  }
0x11: {  	s17 =	sadd.s32 s0, s16;
	s18 =	sadd.s32 $0xA0000, s1;
	[dreg:$0x5] =	wrdreg s4  }
0x12: {  	s22 =	sshrl.u32 s20, $0x3;
	s10 =	sshrl.u32 s26, $0x3;
	[dreg:$0x7] =	wrdreg s23  }
0x13: {  	s16 =	sshrl.u32 s14, $0x3;
	s20 =	sadd.s32 $0x150000, s1;
	[dreg:$0xa] =	wrdreg s11  }
0x14: {  	s26 =	sadd.s32 $0x180000, s1;
	s4 =	sadd.s32 s0, s21;
	[dreg:$0xd] =	wrdreg s17  }
0x15: {  	s23 =	sadd.s32 s0, s22;
	s22 =	sshrl.u32 s20, $0x3;
	s20 =	rddreg [dreg:$0x1]  }
0x16: {  	s21 =	sshrl.u32 s19, $0x3;
	s11 =	sadd.s32 s0, s10;
	[dreg:$0x6] =	wrdreg s4  }
0x17: {  	s17 =	sadd.s32 s0, s16;
	s19 =	sadd.s32 $0x140000, s1;
	[dreg:$0x10] =	wrdreg s23  }
0x18: {  	s10 =	sadd.s32 $0x190000, s1;
	s16 =	sadd.s32 $0x1D0000, s1;
	[dreg:$0x13] =	wrdreg s11  }
0x19: {  	s4 =	sshrl.u32 s24, $0x3;
	s24 =	sadd.s32 $0xD0000, s1;
	[dreg:$0x16] =	wrdreg s17  }
0x1a: {  	s23 =	sadd.s32 s0, s22;
	s11 =	sadd.s32 $0x1A0000, s1;
	s17 =	sshrl.u32 s16, $0x3  }
0x1b: {  	s16 =	simm.s32 $0x3;
	s4 =	sadd.s32 s0, s4;
	[dreg:$0x19] =	wrdreg s23  }
0x1c: {  	s31 =	sadd.s32 s0, s17;
	[dreg:$0x8] =	wrdreg s4;
	s4 =	sadd.s32 s0, s9  }
0x1d: {  	s17 =	simm.s32 $0x0;
	[dreg:$0x9] =	wrdreg s4;
	s4 =	sshrl.u32 s12, $0x3  }
0x1e: {  	s9 =	sshrl.u32 s25, $0x3;
	s25 =	sadd.s32 $0x170000, s1;
	s4 =	sadd.s32 s0, s4  }
0x1f: {  	s12 =	sadd.s32 $0x100000, s1;
	s6 =	sshrl.u32 s25, $0x3;
	[dreg:$0xb] =	wrdreg s4  }
0x20: {  	s4 =	sadd.s32 s0, s15;
	s15 =	sshrl.u32 s13, $0x3;
	s13 =	sshrl.u32 s11, $0x3  }
0x21: {  	s11 =	simm.s32 $0x1;
	[dreg:$0xc] =	wrdreg s4;
	s4 =	sshrl.u32 s18, $0x3  }
0x22: {  	s18 =	sadd.s32 $0x130000, s1;
	s28 =	sadd.s32 s0, s13;
	s4 =	sadd.s32 s0, s4  }
0x23: {  	s13 =	simm.s32 $0x8000;
	[dreg:$0xe] =	wrdreg s4;
	s4 =	sadd.s32 s0, s21  }
0x24: {  	s21 =	sshrl.u32 s19, $0x3;
	[dreg:$0xf] =	wrdreg s4;
	s4 =	sshrl.u32 s24, $0x3  }
0x25: {  	s19 =	sshll.u32 s8, $0x10;
	s8 =	simm.s32 $0x100;
	s4 =	sadd.s32 s0, s4  }
0x26: {  	s24 =	sadd.s32 $0x160000, s1;
	[dreg:$0x11] =	wrdreg s4;
	s4 =	sadd.s32 s0, s9  }
0x27: {  	s9 =	sshrl.u32 s26, $0x3;
	[dreg:$0x12] =	wrdreg s4;
	s4 =	sshrl.u32 s12, $0x3  }
0x28: {  	s25 =	sadd.s32 s0, s9;
	s12 =	sadd.s32 $0x1B0000, s1;
	s9 =	simm.s32 $0x400  }
0x29: {  	s4 =	sadd.s32 s0, s4;
	s14 =	sshrl.u32 s12, $0x3;
	s12 =	simm.s32 $0x2  }
0x2a: {  	[dreg:$0x14] =	wrdreg s4;
	s4 =	sadd.s32 s0, s15;
	s29 =	sadd.s32 s0, s14  }
0x2b: {  	s15 =	sadd.s32 $0x1C0000, s1;
	[dreg:$0x15] =	wrdreg s4;
	s4 =	sshrl.u32 s18, $0x3  }
0x2c: {  	s1 =	sadd.s32 $0x1E0000, s1;
	s14 =	simm.s32 $0xC000;
	s4 =	sadd.s32 s0, s4  }
0x2d: {  	s18 =	sshll.u32 s2, $0xA;
	s2 =	sshll.u32 s2, $0x11;
	[dreg:$0x17] =	wrdreg s4  }
0x2e: {  	s2 =	sor.u32 s2, s3;
	s4 =	sadd.s32 s0, s21;
	s21 =	rddreg [dreg:$0x2]  }
0x2f: {  	s1 =	sshrl.u32 s1, $0x3;
	s2 =	sshrl.u32 s2, $0x3;
	[dreg:$0x18] =	wrdreg s4  }
0x30: {  	vm0 =	vcmask $0x300;
	v0 =	vimm.s32 $0x0;
	s4 =	sshrl.u32 s24, $0x3;
	s24 =	sadd.s32 s0, s6;
	s6 =	sand.u32 $0xE0000, s19  }
0x31: {  	vm1 =	vcmask $0xB08;
	vm2 =	vcmask $0x1B18;
	vm3 =	vcmask $0x1F1C;
	s2 =	sadd.s32 s21, s2;
	s23 =	sadd.s32 s0, s4;
	s4 =	sshrl.u32 s10, $0x3  }
0x32: {  	vm4 =	vcmask $0x2320;
	vm5 =	vcmask $0x2724;
	vm6 =	vcmask $0x2B28;
	s10 =	simm.s32 $0x4000;
	s26 =	sadd.s32 s0, s4;
	s4 =	sshrl.u32 s15, $0x3  }
0x33: {  	vm7 =	vcmask $0x2F2C;
	vm8 =	vcmask $0x3330;
	vm11 =	vcmask $0x3B00;
	s15 =	simm.s32 $0x10000;
	s30 =	sadd.s32 s0, s4;
	s0 =	sadd.s32 s0, s1  }
0x34: {  	v5 =	vimm.s32 $0xFFFFFFFF;
	vm9 =	vcmask $0x3734;
	vm10 =	vcmask $0x3B38;
	s1 =	simm.s32 $0x0;
	s4 =	sor.u32 s18, s3;
	s3 =	sor.u32 s3, s6  }
0x35: {  	v1 =	vsel vm0, $0xFFFFFFFF, v0;
	vm0 =	vcmask $0x704;
	v3 =	vsel vm1, $0xFFFFFFFF, v0;
	[smem:$0x7FF] =	sst s1;
	s4 =	sshrl.u32 s4, $0x3;
	s3 =	sshrl.u32 s3, $0x3  }
0x36: {  	vm1 =	vcmask $0x1714;
	v2 =	vsel vm0, $0xFFFFFFFF, v0;
	vm0 =	vcmask $0xF0C;
	s6 =	sadd.s32 s3, s21;
	_ =	strace $0x80000047;
	s22 =	sadd.s32 s4, s20  }
0x37: {  	v5 =	vsel vm11, $0x0, v5;
	v4 =	vsel vm0, $0xFFFFFFFF, v0;
	vm0 =	vcmask $0x1310;
	s3 =	sadd.s32 $0xA00, s22;
	s4 =	sadd.s32 $0x10, s6;
	s6 =	sadd.s32 $0x200, s20  }
.LBB2_1:
0x38: {  	s18 =	simm.s32 $0x18000  }
0x39: {  	[tilespmem:s18], [sflag:$0x1] =	stream.linear.gather [hbm4b:s6+s1], $0x4000, $0x38;
	[tilespmem:$0x1C080] =	vst v63  }
0x3a: {  	s21 =	rddreg [dreg:$0x1];
	s19 =	simm.s32 $0x1C000  }
0x3b: {  	[tilespmem:s19], [sflag:$0x4] =	stream.linear.gather [hbm4b:s21+s1], $0x80, $0x38;
	[tilespmem:$0x1C080] =	vst v63  }
0x3c: {  	_ =	swait.ge [sflag:s7], $0x80  }
0x3d: {  	[sflag:s7] =	ssyncset.done $0x0  }
0x3e: {  	[sflag:s7] =	ssyncadd.s32 $0xFFFFFF80  }
0x3f: {  	s22 =	rddreg [dreg:$0x4];
	v7 =	vld [tilespmem:$0x1C000]  }
0x40: {  	v6 =	vld [tilespmem:$0x1C010];
	[tilespmem:s1], [sflag:$0x2] =	stream.strided.gather [hbm4b:s22+s8], $0x4000, s9, s8, $0x38  }
0x41: {  	s19 =	rddreg [dreg:$0x5]  }
0x42: {  	[tilespmem:s10], [sflag:$0x2] =	stream.strided.gather [hbm4b:s19+s8], $0x4000, s9, s8, $0x38;
	[tilespmem:$0x1C080] =	vst v63  }
0x43: {  	_ =	swait.ge [sflag:s11], $0x4000  }
0x44: {  	[sflag:s11] =	ssyncset.done $0x0  }
0x45: {  	[sflag:s11] =	ssyncadd.s32 $0xFFFFC000  }
0x46: {  	_ =	swait.ge [sflag:s12], $0x4000  }
0x47: {  	[sflag:s12] =	ssyncset.done $0x0  }
0x48: {  	[sflag:s12] =	ssyncadd.s32 $0xFFFFC000  }
0x49: {  	v8 =	vand.u32 v1, v7;
	_ =	swait.ge [sflag:s12], $0x4000  }
0x4a: {  	(xrf0) =	vadd.scan.msk.s32 $0xffff, v8;
	v8 =	vand.u32 v1, v6  }
0x4b: {  	(xrf0) =	vadd.scan.msk.s32 $0xffff, v8;
	_ =	sdelay $0x4  }
0x4c: {  	v8, _, _ =	vpop (xrf0)  }
0x4d: {  	(v2sf) =	vpush v8, $0xF;
	v9, _, _ =	vpop (xrf0)  }
0x4e: {  	(v2sf) =	vpush v9, $0xF;
	_ =	sdelay $0x8  }
0x4f: {  	[sflag:s12] =	ssyncset.done $0x0  }
0x50: {  	s20 =	rddreg [dreg:$0x6];
	[sflag:s12] =	ssyncadd.s32 $0xFFFFC000  }
0x51: {  	[tilespmem:s13], [sflag:$0x3] =	stream.strided.gather [hbm4b:s20+s8], $0x4000, s9, s8, $0x38;
	[tilespmem:$0x1C080] =	vst v63  }
0x52: {  	s21 =	rddreg [dreg:$0x7]  }
0x53: {  	[tilespmem:s14], [sflag:$0x3] =	stream.strided.gather [hbm4b:s21+s8], $0x4000, s9, s8, $0x38;
	[tilespmem:$0x1C080] =	vst v63  }
0x54: {  	s19 =	spop (v2sf)  }
0x55: {  	s22 =	spop (v2sf)  }
0x56: {  	s20 =	sadd.s32 $0xF, s22  }
0x57: {  	s18 =	sshrl.u32 s19, $0x4;
	s21 =	sshrl.u32 s20, $0x4  }
0x58: {  	p1 =	sle.u32 s21, s18  }
0x59: {  	s19 =	sand.u32 @!p1 $0xFFFFFFF0, s19  }
0x5a: {  	v10 =	vld @!p1 [tilespmem:s19+$0x18000];
	_ =	sdelay $0x4  }
0x5b: {  	v11 =	vshll.u32 @!p1 v10, $0x1  }
0x5c: {  	v12 =	vand.u32 @!p1 $0x7F, v10;
	v11 =	vand.u32 @!p1 $0x7F00, v11  }
0x5d: {  	v13 =	vbroadcast @!p1 v8, $0xF;
	v11 =	vor.u32 @!p1 v12, v11;
	v12 =	vlaneseq.u32 @!p1  }
0x5e: {  	v15 =	vbroadcast @!p1 v9, $0xF;
	v14 =	vor.u32 @!p1 $0x80, v11;
	v12 =	vor.u32 @!p1 s19, v12  }
0x5f: {  	vm11 =	vge.s32 @!p1 v12, v13  }
0x60: {  	v13 =	vshrl.u32 @!p1 v10, $0xE;
	vm12 =	vlt.s32 @!p1 v12, v15;
	v10 =	vshrl.u32 @!p1 v10, $0xD  }
0x61: {  	s19 =	simm.s32 @!p1 $0x0;
	vm11 =	vmand @!p1 vm11, vm12;
	v12 =	vand.u32 @!p1 $0x7F, v13;
	v10 =	vand.u32 @!p1 $0x7F00, v10  }
0x62: {  	v10 =	vor.u32 @!p1 v12, v10;
	v11 =	vld.idx.msk @!p1 [tilespmem:v11+s19+$0x0], $0xffff  }
0x63: {  	v13 =	vor.u32 @!p1 $0x80, v10;
	v12 =	vld.idx.msk @!p1 [tilespmem:v14+s19+$0x0], $0xffff;
	_ =	sdelay $0x2  }
0x64: {  	s22 =	sadd.s32 $0x1, s18;
	s19 =	simm.s32 @!p1 $0x10000  }
0x65: {  	p0 =	sle.u32 s21, s22;
	[tilespmem:v10+s19+$0x0] =	vst.idx.msk @!p1 vm11, v11  }
0x66: {  	[tilespmem:v13+s19+$0x0] =	vst.idx.msk @!p1 vm11, v12;
	s19 =	sand.u32 @!p0 $0xFFFFFFF0, s20  }
0x67: {  	v10 =	vld @!p0 [tilespmem:s19+$0x17FF0];
	_ =	sdelay $0x4  }
0x68: {  	v11 =	vshll.u32 @!p0 v10, $0x1  }
0x69: {  	v12 =	vand.u32 @!p0 $0x7F, v10;
	v11 =	vand.u32 @!p0 $0x7F00, v11  }
0x6a: {  	v11 =	vor.u32 @!p0 v12, v11  }
0x6b: {  	v8 =	vbroadcast @!p0 v8, $0xF;
	v13 =	vlaneseq.u32 @!p0;
	s19 =	sadd.s32 @!p0 $0xFFFFFFF0, s19;
	v12 =	vor.u32 @!p0 $0x80, v11  }
0x6c: {  	v9 =	vbroadcast @!p0 v9, $0xF;
	v13 =	vor.u32 @!p0 s19, v13  }
0x6d: {  	vm11 =	vge.s32 @!p0 v13, v8  }
0x6e: {  	s19 =	simm.s32 @!p0 $0x0;
	vm12 =	vlt.s32 @!p0 v13, v9;
	v14 =	vshrl.u32 @!p0 v10, $0xE;
	v8 =	vshrl.u32 @!p0 v10, $0xD  }
0x6f: {  	vm11 =	vmand @!p0 vm11, vm12;
	v9 =	vand.u32 @!p0 $0x7F, v14;
	v8 =	vand.u32 @!p0 $0x7F00, v8;
	v10 =	vld.idx.msk @!p0 [tilespmem:v11+s19+$0x0], $0xffff  }
0x70: {  	v8 =	vor.u32 @!p0 v9, v8;
	v9 =	vld.idx.msk @!p0 [tilespmem:v12+s19+$0x0], $0xffff;
	s19 =	ssub.s32 s21, s18  }
0x71: {  	v11 =	vor.u32 @!p0 $0x80, v8;
	p1 =	slt.s32 s19, $0x3  }
.Ltmp0:
0x72: {  	_ = 	snop;
	(pc) =	sbr.rel @p1 .LBB2_5-.Ltmp0, $4  }
0x73: {  	_ = 	snop  }
0x74: {  	s20 =	simm.s32 @!p0 $0x10000  }
0x75: {  	[tilespmem:v8+s20+$0x0] =	vst.idx.msk @!p0 vm11, v10  }
0x76: {  	[tilespmem:v11+s20+$0x0] =	vst.idx.msk @!p0 vm11, v9  }
0x77: {  	s19 =	sadd.s32 $0xFFFFFFFE, s19  }
0x78: {  	p0 =	sne.s32 s19, $0x1  }
.Ltmp1:
0x79: {  	_ = 	snop;
	(pc) =	sbr.rel @!p0 .LBB2_4-.Ltmp1, $4  }
0x7a: {  	s18 =	sshll.u32 s18, $0x6  }
0x7b: {  	s18 =	sshra.s32 s18, $0x2  }
0x7c: {  	s18 =	sadd.s32 $0x18010, s18  }
0x7d: {  	s19 =	sadd.s32 $0xFFFFFFFF, s19;
	v8 =	vld [tilespmem:s18+$0x0]  }
.LBB2_3:
0x7e: {  	p0 =	sne.s32 s19, $0x1;
	_ =	sdelay $0x3  }
0x7f: {  	v9 =	vshll.u32 v8, $0x1  }
0x80: {  	v10 =	vand.u32 $0x7F, v8;
	v9 =	vand.u32 $0x7F00, v9  }
0x81: {  	v9 =	vor.u32 v10, v9  }
0x82: {  	v10 =	vor.u32 $0x80, v9;
	_ =	sdelay $0x2  }
0x83: {  	v11 =	vshrl.u32 v8, $0xE;
	v8 =	vshrl.u32 v8, $0xD  }
0x84: {  	v11 =	vand.u32 $0x7F, v11;
	v8 =	vand.u32 $0x7F00, v8;
	v9 =	vld.idx.msk [tilespmem:v9+s1+$0x0], $0xffff  }
0x85: {  	v8 =	vor.u32 v11, v8;
	v10 =	vld.idx.msk [tilespmem:v10+s1+$0x0], $0xffff  }
0x86: {  	v11 =	vor.u32 $0x80, v8;
	_ =	sdelay $0x1  }
.Ltmp2:
0x87: {  	(pc) =	sbr.rel @p0 .LBB2_3-.Ltmp2, $4  }
0x88: {  	_ = 	snop  }
0x89: {  	[tilespmem:v8+s15+$0x0] =	vst.idx.msk $0xffff, v9  }
0x8a: {  	s18 =	sadd.s32 $0x10, s18;
	[tilespmem:v11+s15+$0x0] =	vst.idx.msk $0xffff, v10  }
0x8b: {  	s19 =	sadd.s32 $0xFFFFFFFF, s19;
	v8 =	vld [tilespmem:s18+$0x0]  }
.LBB2_4:
0x8c: {  	_ =	sdelay $0x3  }
0x8d: {  	v9 =	vshll.u32 v8, $0x1  }
0x8e: {  	v10 =	vand.u32 $0x7F, v8;
	v9 =	vand.u32 $0x7F00, v9  }
0x8f: {  	v9 =	vor.u32 v10, v9  }
0x90: {  	v10 =	vor.u32 $0x80, v9;
	_ =	sdelay $0x1  }
0x91: {  	v11 =	vshrl.u32 v8, $0xE;
	v8 =	vshrl.u32 v8, $0xD  }
0x92: {  	v11 =	vand.u32 $0x7F, v11;
	v8 =	vand.u32 $0x7F00, v8  }
0x93: {  	v8 =	vor.u32 v11, v8;
	v9 =	vld.idx.msk [tilespmem:v9+s1+$0x0], $0xffff  }
0x94: {  	v11 =	vor.u32 $0x80, v8;
	v10 =	vld.idx.msk [tilespmem:v10+s1+$0x0], $0xffff;
	_ =	sdelay $0x3  }
0x95: {  	[tilespmem:v8+s15+$0x0] =	vst.idx.msk $0xffff, v9  }
0x96: {  	[tilespmem:v11+s15+$0x0] =	vst.idx.msk $0xffff, v10  }
.LBB2_5:
0x97: {  	_ =	swait.ge [sflag:s16], $0x4000  }
0x98: {  	[sflag:s16] =	ssyncset.done $0x0  }
0x99: {  	[sflag:s16] =	ssyncadd.s32 $0xFFFFC000  }
0x9a: {  	v8 =	vand.u32 v2, v7;
	_ =	swait.ge [sflag:s16], $0x4000  }
0x9b: {  	(xrf0) =	vadd.scan.msk.s32 $0xffff, v8;
	v8 =	vand.u32 v2, v6  }
0x9c: {  	(xrf0) =	vadd.scan.msk.s32 $0xffff, v8;
	_ =	sdelay $0x4  }
0x9d: {  	v8, _, _ =	vpop (xrf0)  }
0x9e: {  	(v2sf) =	vpush v8, $0xF;
	v9, _, _ =	vpop (xrf0)  }
0x9f: {  	(v2sf) =	vpush v9, $0xF;
	_ =	sdelay $0x8  }
0xa0: {  	[sflag:s16] =	ssyncset.done $0x0  }
0xa1: {  	s18 =	rddreg [dreg:$0x8];
	[sflag:s16] =	ssyncadd.s32 $0xFFFFC000  }
0xa2: {  	[tilespmem:s1], [sflag:$0x2] =	stream.strided.gather [hbm4b:s18+s8], $0x4000, s9, s8, $0x38;
	[tilespmem:$0x1C080] =	vst v63  }
0xa3: {  	s21 =	rddreg [dreg:$0x9]  }
0xa4: {  	[tilespmem:s10], [sflag:$0x2] =	stream.strided.gather [hbm4b:s21+s8], $0x4000, s9, s8, $0x38;
	[tilespmem:$0x1C080] =	vst v63  }
0xa5: {  	s19 =	spop (v2sf)  }
0xa6: {  	s22 =	spop (v2sf)  }
0xa7: {  	s20 =	sadd.s32 $0xF, s22  }
0xa8: {  	s18 =	sshrl.u32 s19, $0x4;
	s21 =	sshrl.u32 s20, $0x4  }
0xa9: {  	p1 =	sle.u32 s21, s18  }
0xaa: {  	s19 =	sand.u32 @!p1 $0xFFFFFFF0, s19  }
0xab: {  	v10 =	vld @!p1 [tilespmem:s19+$0x18000];
	_ =	sdelay $0x4  }
0xac: {  	v11 =	vshll.u32 @!p1 v10, $0x1  }
0xad: {  	v12 =	vand.u32 @!p1 $0x7F, v10;
	v11 =	vand.u32 @!p1 $0x7F00, v11  }
0xae: {  	v13 =	vbroadcast @!p1 v8, $0xF;
	v11 =	vor.u32 @!p1 v12, v11;
	v12 =	vlaneseq.u32 @!p1  }
0xaf: {  	v15 =	vbroadcast @!p1 v9, $0xF;
	v14 =	vor.u32 @!p1 $0x80, v11;
	v12 =	vor.u32 @!p1 s19, v12  }
0xb0: {  	vm11 =	vge.s32 @!p1 v12, v13  }
0xb1: {  	v13 =	vshrl.u32 @!p1 v10, $0xE;
	vm12 =	vlt.s32 @!p1 v12, v15;
	v10 =	vshrl.u32 @!p1 v10, $0xD  }
0xb2: {  	s19 =	simm.s32 @!p1 $0x8000;
	vm11 =	vmand @!p1 vm11, vm12;
	v12 =	vand.u32 @!p1 $0x7F, v13;
	v10 =	vand.u32 @!p1 $0x7F00, v10  }
0xb3: {  	v10 =	vor.u32 @!p1 v12, v10;
	v11 =	vld.idx.msk @!p1 [tilespmem:v11+s19+$0x0], $0xffff  }
0xb4: {  	v13 =	vor.u32 @!p1 $0x80, v10;
	v12 =	vld.idx.msk @!p1 [tilespmem:v14+s19+$0x0], $0xffff;
	_ =	sdelay $0x2  }
0xb5: {  	s22 =	sadd.s32 $0x1, s18;
	s19 =	simm.s32 @!p1 $0x10000  }
0xb6: {  	p0 =	sle.u32 s21, s22;
	[tilespmem:v10+s19+$0x0] =	vst.idx.msk @!p1 vm11, v11  }
0xb7: {  	[tilespmem:v13+s19+$0x0] =	vst.idx.msk @!p1 vm11, v12;
	s19 =	sand.u32 @!p0 $0xFFFFFFF0, s20  }
0xb8: {  	v10 =	vld @!p0 [tilespmem:s19+$0x17FF0];
	_ =	sdelay $0x4  }
0xb9: {  	v11 =	vshll.u32 @!p0 v10, $0x1  }
0xba: {  	v12 =	vand.u32 @!p0 $0x7F, v10;
	v11 =	vand.u32 @!p0 $0x7F00, v11  }
0xbb: {  	v11 =	vor.u32 @!p0 v12, v11  }
0xbc: {  	v8 =	vbroadcast @!p0 v8, $0xF;
	v13 =	vlaneseq.u32 @!p0;
	s19 =	sadd.s32 @!p0 $0xFFFFFFF0, s19;
	v12 =	vor.u32 @!p0 $0x80, v11  }
0xbd: {  	v9 =	vbroadcast @!p0 v9, $0xF;
	v13 =	vor.u32 @!p0 s19, v13  }
0xbe: {  	vm11 =	vge.s32 @!p0 v13, v8  }
0xbf: {  	s19 =	simm.s32 @!p0 $0x8000;
	vm12 =	vlt.s32 @!p0 v13, v9;
	v14 =	vshrl.u32 @!p0 v10, $0xE;
	v8 =	vshrl.u32 @!p0 v10, $0xD  }
0xc0: {  	vm11 =	vmand @!p0 vm11, vm12;
	v9 =	vand.u32 @!p0 $0x7F, v14;
	v8 =	vand.u32 @!p0 $0x7F00, v8;
	v10 =	vld.idx.msk @!p0 [tilespmem:v11+s19+$0x0], $0xffff  }
0xc1: {  	v8 =	vor.u32 @!p0 v9, v8;
	v9 =	vld.idx.msk @!p0 [tilespmem:v12+s19+$0x0], $0xffff;
	s19 =	ssub.s32 s21, s18  }
0xc2: {  	v11 =	vor.u32 @!p0 $0x80, v8;
	p1 =	slt.s32 s19, $0x3  }
.Ltmp3:
0xc3: {  	_ = 	snop;
	(pc) =	sbr.rel @p1 .LBB2_9-.Ltmp3, $4  }
0xc4: {  	_ = 	snop  }
0xc5: {  	s20 =	simm.s32 @!p0 $0x10000  }
0xc6: {  	[tilespmem:v8+s20+$0x0] =	vst.idx.msk @!p0 vm11, v10  }
0xc7: {  	[tilespmem:v11+s20+$0x0] =	vst.idx.msk @!p0 vm11, v9  }
0xc8: {  	s19 =	sadd.s32 $0xFFFFFFFE, s19  }
0xc9: {  	p0 =	sne.s32 s19, $0x1  }
.Ltmp4:
0xca: {  	_ = 	snop;
	(pc) =	sbr.rel @!p0 .LBB2_8-.Ltmp4, $4  }
0xcb: {  	s18 =	sshll.u32 s18, $0x6  }
0xcc: {  	s18 =	sshra.s32 s18, $0x2  }
0xcd: {  	s18 =	sadd.s32 $0x18010, s18  }
0xce: {  	s19 =	sadd.s32 $0xFFFFFFFF, s19;
	v8 =	vld [tilespmem:s18+$0x0]  }
.LBB2_7:
0xcf: {  	p0 =	sne.s32 s19, $0x1;
	_ =	sdelay $0x3  }
0xd0: {  	v9 =	vshll.u32 v8, $0x1  }
0xd1: {  	v10 =	vand.u32 $0x7F, v8;
	v9 =	vand.u32 $0x7F00, v9  }
0xd2: {  	v9 =	vor.u32 v10, v9  }
0xd3: {  	v10 =	vor.u32 $0x80, v9;
	_ =	sdelay $0x2  }
0xd4: {  	v11 =	vshrl.u32 v8, $0xE;
	v8 =	vshrl.u32 v8, $0xD  }
0xd5: {  	v11 =	vand.u32 $0x7F, v11;
	v8 =	vand.u32 $0x7F00, v8;
	v9 =	vld.idx.msk [tilespmem:v9+s13+$0x0], $0xffff  }
0xd6: {  	v8 =	vor.u32 v11, v8;
	v10 =	vld.idx.msk [tilespmem:v10+s13+$0x0], $0xffff  }
0xd7: {  	v11 =	vor.u32 $0x80, v8;
	_ =	sdelay $0x1  }
.Ltmp5:
0xd8: {  	(pc) =	sbr.rel @p0 .LBB2_7-.Ltmp5, $4  }
0xd9: {  	_ = 	snop  }
0xda: {  	[tilespmem:v8+s15+$0x0] =	vst.idx.msk $0xffff, v9  }
0xdb: {  	s18 =	sadd.s32 $0x10, s18;
	[tilespmem:v11+s15+$0x0] =	vst.idx.msk $0xffff, v10  }
0xdc: {  	s19 =	sadd.s32 $0xFFFFFFFF, s19;
	v8 =	vld [tilespmem:s18+$0x0]  }
.LBB2_8:
0xdd: {  	_ =	sdelay $0x3  }
0xde: {  	v9 =	vshll.u32 v8, $0x1  }
0xdf: {  	v10 =	vand.u32 $0x7F, v8;
	v9 =	vand.u32 $0x7F00, v9  }
0xe0: {  	v9 =	vor.u32 v10, v9  }
0xe1: {  	v10 =	vor.u32 $0x80, v9;
	_ =	sdelay $0x1  }
0xe2: {  	v11 =	vshrl.u32 v8, $0xE;
	v8 =	vshrl.u32 v8, $0xD  }
0xe3: {  	v11 =	vand.u32 $0x7F, v11;
	v8 =	vand.u32 $0x7F00, v8  }
0xe4: {  	v8 =	vor.u32 v11, v8;
	v9 =	vld.idx.msk [tilespmem:v9+s13+$0x0], $0xffff  }
0xe5: {  	v11 =	vor.u32 $0x80, v8;
	v10 =	vld.idx.msk [tilespmem:v10+s13+$0x0], $0xffff;
	_ =	sdelay $0x3  }
0xe6: {  	[tilespmem:v8+s15+$0x0] =	vst.idx.msk $0xffff, v9  }
0xe7: {  	[tilespmem:v11+s15+$0x0] =	vst.idx.msk $0xffff, v10  }
.LBB2_9:
0xe8: {  	_ =	swait.ge [sflag:s12], $0x4000  }
0xe9: {  	[sflag:s12] =	ssyncset.done $0x0  }
0xea: {  	[sflag:s12] =	ssyncadd.s32 $0xFFFFC000  }
0xeb: {  	v8 =	vand.u32 v3, v7;
	_ =	swait.ge [sflag:s12], $0x4000  }
0xec: {  	(xrf0) =	vadd.scan.msk.s32 $0xffff, v8;
	v8 =	vand.u32 v3, v6  }
0xed: {  	(xrf0) =	vadd.scan.msk.s32 $0xffff, v8;
	_ =	sdelay $0x4  }
0xee: {  	v8, _, _ =	vpop (xrf0)  }
0xef: {  	(v2sf) =	vpush v8, $0xF;
	v9, _, _ =	vpop (xrf0)  }
0xf0: {  	(v2sf) =	vpush v9, $0xF;
	_ =	sdelay $0x8  }
0xf1: {  	[sflag:s12] =	ssyncset.done $0x0  }
0xf2: {  	s18 =	rddreg [dreg:$0xa];
	[sflag:s12] =	ssyncadd.s32 $0xFFFFC000  }
0xf3: {  	[tilespmem:s13], [sflag:$0x3] =	stream.strided.gather [hbm4b:s18+s8], $0x4000, s9, s8, $0x38;
	[tilespmem:$0x1C080] =	vst v63  }
0xf4: {  	s21 =	rddreg [dreg:$0xb]  }
0xf5: {  	[tilespmem:s14], [sflag:$0x3] =	stream.strided.gather [hbm4b:s21+s8], $0x4000, s9, s8, $0x38;
	[tilespmem:$0x1C080] =	vst v63  }
0xf6: {  	s19 =	spop (v2sf)  }
0xf7: {  	s22 =	spop (v2sf)  }
0xf8: {  	s20 =	sadd.s32 $0xF, s22  }
0xf9: {  	s18 =	sshrl.u32 s19, $0x4;
	s21 =	sshrl.u32 s20, $0x4  }
0xfa: {  	p1 =	sle.u32 s21, s18  }
0xfb: {  	s19 =	sand.u32 @!p1 $0xFFFFFFF0, s19  }
0xfc: {  	v10 =	vld @!p1 [tilespmem:s19+$0x18000];
	_ =	sdelay $0x4  }
0xfd: {  	v11 =	vshll.u32 @!p1 v10, $0x1  }
0xfe: {  	v12 =	vand.u32 @!p1 $0x7F, v10;
	v11 =	vand.u32 @!p1 $0x7F00, v11  }
0xff: {  	v13 =	vbroadcast @!p1 v8, $0xF;
	v11 =	vor.u32 @!p1 v12, v11;
	v12 =	vlaneseq.u32 @!p1  }
0x100: {  	v15 =	vbroadcast @!p1 v9, $0xF;
	v14 =	vor.u32 @!p1 $0x80, v11;
	v12 =	vor.u32 @!p1 s19, v12  }
0x101: {  	vm11 =	vge.s32 @!p1 v12, v13  }
0x102: {  	v13 =	vshrl.u32 @!p1 v10, $0xE;
	vm12 =	vlt.s32 @!p1 v12, v15;
	v10 =	vshrl.u32 @!p1 v10, $0xD  }
0x103: {  	s19 =	simm.s32 @!p1 $0x0;
	vm11 =	vmand @!p1 vm11, vm12;
	v12 =	vand.u32 @!p1 $0x7F, v13;
	v10 =	vand.u32 @!p1 $0x7F00, v10  }
0x104: {  	v10 =	vor.u32 @!p1 v12, v10;
	v11 =	vld.idx.msk @!p1 [tilespmem:v11+s19+$0x0], $0xffff  }
0x105: {  	v13 =	vor.u32 @!p1 $0x80, v10;
	v12 =	vld.idx.msk @!p1 [tilespmem:v14+s19+$0x0], $0xffff;
	_ =	sdelay $0x2  }
0x106: {  	s22 =	sadd.s32 $0x1, s18;
	s19 =	simm.s32 @!p1 $0x10000  }
0x107: {  	p0 =	sle.u32 s21, s22;
	[tilespmem:v10+s19+$0x0] =	vst.idx.msk @!p1 vm11, v11  }
0x108: {  	[tilespmem:v13+s19+$0x0] =	vst.idx.msk @!p1 vm11, v12;
	s19 =	sand.u32 @!p0 $0xFFFFFFF0, s20  }
0x109: {  	v10 =	vld @!p0 [tilespmem:s19+$0x17FF0];
	_ =	sdelay $0x4  }
0x10a: {  	v11 =	vshll.u32 @!p0 v10, $0x1  }
0x10b: {  	v12 =	vand.u32 @!p0 $0x7F, v10;
	v11 =	vand.u32 @!p0 $0x7F00, v11  }
0x10c: {  	v11 =	vor.u32 @!p0 v12, v11  }
0x10d: {  	v8 =	vbroadcast @!p0 v8, $0xF;
	v13 =	vlaneseq.u32 @!p0;
	s19 =	sadd.s32 @!p0 $0xFFFFFFF0, s19;
	v12 =	vor.u32 @!p0 $0x80, v11  }
0x10e: {  	v9 =	vbroadcast @!p0 v9, $0xF;
	v13 =	vor.u32 @!p0 s19, v13  }
0x10f: {  	vm11 =	vge.s32 @!p0 v13, v8  }
0x110: {  	s19 =	simm.s32 @!p0 $0x0;
	vm12 =	vlt.s32 @!p0 v13, v9;
	v14 =	vshrl.u32 @!p0 v10, $0xE;
	v8 =	vshrl.u32 @!p0 v10, $0xD  }
0x111: {  	vm11 =	vmand @!p0 vm11, vm12;
	v9 =	vand.u32 @!p0 $0x7F, v14;
	v8 =	vand.u32 @!p0 $0x7F00, v8;
	v10 =	vld.idx.msk @!p0 [tilespmem:v11+s19+$0x0], $0xffff  }
0x112: {  	v8 =	vor.u32 @!p0 v9, v8;
	v9 =	vld.idx.msk @!p0 [tilespmem:v12+s19+$0x0], $0xffff;
	s19 =	ssub.s32 s21, s18  }
0x113: {  	v11 =	vor.u32 @!p0 $0x80, v8;
	p1 =	slt.s32 s19, $0x3  }
.Ltmp6:
0x114: {  	_ = 	snop;
	(pc) =	sbr.rel @p1 .LBB2_13-.Ltmp6, $4  }
0x115: {  	_ = 	snop  }
0x116: {  	s20 =	simm.s32 @!p0 $0x10000  }
0x117: {  	[tilespmem:v8+s20+$0x0] =	vst.idx.msk @!p0 vm11, v10  }
0x118: {  	[tilespmem:v11+s20+$0x0] =	vst.idx.msk @!p0 vm11, v9  }
0x119: {  	s19 =	sadd.s32 $0xFFFFFFFE, s19  }
0x11a: {  	p0 =	sne.s32 s19, $0x1  }
.Ltmp7:
0x11b: {  	_ = 	snop;
	(pc) =	sbr.rel @!p0 .LBB2_12-.Ltmp7, $4  }
0x11c: {  	s18 =	sshll.u32 s18, $0x6  }
0x11d: {  	s18 =	sshra.s32 s18, $0x2  }
0x11e: {  	s18 =	sadd.s32 $0x18010, s18  }
0x11f: {  	s19 =	sadd.s32 $0xFFFFFFFF, s19;
	v8 =	vld [tilespmem:s18+$0x0]  }
.LBB2_11:
0x120: {  	p0 =	sne.s32 s19, $0x1;
	_ =	sdelay $0x3  }
0x121: {  	v9 =	vshll.u32 v8, $0x1  }
0x122: {  	v10 =	vand.u32 $0x7F, v8;
	v9 =	vand.u32 $0x7F00, v9  }
0x123: {  	v9 =	vor.u32 v10, v9  }
0x124: {  	v10 =	vor.u32 $0x80, v9;
	_ =	sdelay $0x2  }
0x125: {  	v11 =	vshrl.u32 v8, $0xE;
	v8 =	vshrl.u32 v8, $0xD  }
0x126: {  	v11 =	vand.u32 $0x7F, v11;
	v8 =	vand.u32 $0x7F00, v8;
	v9 =	vld.idx.msk [tilespmem:v9+s1+$0x0], $0xffff  }
0x127: {  	v8 =	vor.u32 v11, v8;
	v10 =	vld.idx.msk [tilespmem:v10+s1+$0x0], $0xffff  }
0x128: {  	v11 =	vor.u32 $0x80, v8;
	_ =	sdelay $0x1  }
.Ltmp8:
0x129: {  	(pc) =	sbr.rel @p0 .LBB2_11-.Ltmp8, $4  }
0x12a: {  	_ = 	snop  }
0x12b: {  	[tilespmem:v8+s15+$0x0] =	vst.idx.msk $0xffff, v9  }
0x12c: {  	s18 =	sadd.s32 $0x10, s18;
	[tilespmem:v11+s15+$0x0] =	vst.idx.msk $0xffff, v10  }
0x12d: {  	s19 =	sadd.s32 $0xFFFFFFFF, s19;
	v8 =	vld [tilespmem:s18+$0x0]  }
.LBB2_12:
0x12e: {  	_ =	sdelay $0x3  }
0x12f: {  	v9 =	vshll.u32 v8, $0x1  }
0x130: {  	v10 =	vand.u32 $0x7F, v8;
	v9 =	vand.u32 $0x7F00, v9  }
0x131: {  	v9 =	vor.u32 v10, v9  }
0x132: {  	v10 =	vor.u32 $0x80, v9;
	_ =	sdelay $0x1  }
0x133: {  	v11 =	vshrl.u32 v8, $0xE;
	v8 =	vshrl.u32 v8, $0xD  }
0x134: {  	v11 =	vand.u32 $0x7F, v11;
	v8 =	vand.u32 $0x7F00, v8  }
0x135: {  	v8 =	vor.u32 v11, v8;
	v9 =	vld.idx.msk [tilespmem:v9+s1+$0x0], $0xffff  }
0x136: {  	v11 =	vor.u32 $0x80, v8;
	v10 =	vld.idx.msk [tilespmem:v10+s1+$0x0], $0xffff;
	_ =	sdelay $0x3  }
0x137: {  	[tilespmem:v8+s15+$0x0] =	vst.idx.msk $0xffff, v9  }
0x138: {  	[tilespmem:v11+s15+$0x0] =	vst.idx.msk $0xffff, v10  }
.LBB2_13:
0x139: {  	_ =	swait.ge [sflag:s16], $0x4000  }
0x13a: {  	[sflag:s16] =	ssyncset.done $0x0  }
0x13b: {  	[sflag:s16] =	ssyncadd.s32 $0xFFFFC000  }
0x13c: {  	v8 =	vand.u32 v4, v7;
	_ =	swait.ge [sflag:s16], $0x4000  }
0x13d: {  	(xrf0) =	vadd.scan.msk.s32 $0xffff, v8;
	v8 =	vand.u32 v4, v6  }
0x13e: {  	(xrf0) =	vadd.scan.msk.s32 $0xffff, v8;
	_ =	sdelay $0x4  }
0x13f: {  	v8, _, _ =	vpop (xrf0)  }
0x140: {  	(v2sf) =	vpush v8, $0xF;
	v9, _, _ =	vpop (xrf0)  }
0x141: {  	(v2sf) =	vpush v9, $0xF;
	_ =	sdelay $0x8  }
0x142: {  	[sflag:s16] =	ssyncset.done $0x0  }
0x143: {  	s18 =	rddreg [dreg:$0xc];
	[sflag:s16] =	ssyncadd.s32 $0xFFFFC000  }
0x144: {  	[tilespmem:s1], [sflag:$0x2] =	stream.strided.gather [hbm4b:s18+s8], $0x4000, s9, s8, $0x38;
	[tilespmem:$0x1C080] =	vst v63  }
0x145: {  	s21 =	rddreg [dreg:$0xd]  }
0x146: {  	[tilespmem:s10], [sflag:$0x2] =	stream.strided.gather [hbm4b:s21+s8], $0x4000, s9, s8, $0x38;
	[tilespmem:$0x1C080] =	vst v63  }
0x147: {  	s19 =	spop (v2sf)  }
0x148: {  	s22 =	spop (v2sf)  }
0x149: {  	s20 =	sadd.s32 $0xF, s22  }
0x14a: {  	s18 =	sshrl.u32 s19, $0x4;
	s21 =	sshrl.u32 s20, $0x4  }
0x14b: {  	p1 =	sle.u32 s21, s18  }
0x14c: {  	s19 =	sand.u32 @!p1 $0xFFFFFFF0, s19  }
0x14d: {  	v10 =	vld @!p1 [tilespmem:s19+$0x18000];
	_ =	sdelay $0x4  }
0x14e: {  	v11 =	vshll.u32 @!p1 v10, $0x1  }
0x14f: {  	v12 =	vand.u32 @!p1 $0x7F, v10;
	v11 =	vand.u32 @!p1 $0x7F00, v11  }
0x150: {  	v13 =	vbroadcast @!p1 v8, $0xF;
	v11 =	vor.u32 @!p1 v12, v11;
	v12 =	vlaneseq.u32 @!p1  }
0x151: {  	v15 =	vbroadcast @!p1 v9, $0xF;
	v14 =	vor.u32 @!p1 $0x80, v11;
	v12 =	vor.u32 @!p1 s19, v12  }
0x152: {  	vm11 =	vge.s32 @!p1 v12, v13  }
0x153: {  	v13 =	vshrl.u32 @!p1 v10, $0xE;
	vm12 =	vlt.s32 @!p1 v12, v15;
	v10 =	vshrl.u32 @!p1 v10, $0xD  }
0x154: {  	s19 =	simm.s32 @!p1 $0x8000;
	vm11 =	vmand @!p1 vm11, vm12;
	v12 =	vand.u32 @!p1 $0x7F, v13;
	v10 =	vand.u32 @!p1 $0x7F00, v10  }
0x155: {  	v10 =	vor.u32 @!p1 v12, v10;
	v11 =	vld.idx.msk @!p1 [tilespmem:v11+s19+$0x0], $0xffff  }
0x156: {  	v13 =	vor.u32 @!p1 $0x80, v10;
	v12 =	vld.idx.msk @!p1 [tilespmem:v14+s19+$0x0], $0xffff;
	_ =	sdelay $0x2  }
0x157: {  	s22 =	sadd.s32 $0x1, s18;
	s19 =	simm.s32 @!p1 $0x10000  }
0x158: {  	p0 =	sle.u32 s21, s22;
	[tilespmem:v10+s19+$0x0] =	vst.idx.msk @!p1 vm11, v11  }
0x159: {  	[tilespmem:v13+s19+$0x0] =	vst.idx.msk @!p1 vm11, v12;
	s19 =	sand.u32 @!p0 $0xFFFFFFF0, s20  }
0x15a: {  	v10 =	vld @!p0 [tilespmem:s19+$0x17FF0];
	_ =	sdelay $0x4  }
0x15b: {  	v11 =	vshll.u32 @!p0 v10, $0x1  }
0x15c: {  	v12 =	vand.u32 @!p0 $0x7F, v10;
	v11 =	vand.u32 @!p0 $0x7F00, v11  }
0x15d: {  	v11 =	vor.u32 @!p0 v12, v11  }
0x15e: {  	v8 =	vbroadcast @!p0 v8, $0xF;
	v13 =	vlaneseq.u32 @!p0;
	s19 =	sadd.s32 @!p0 $0xFFFFFFF0, s19;
	v12 =	vor.u32 @!p0 $0x80, v11  }
0x15f: {  	v9 =	vbroadcast @!p0 v9, $0xF;
	v13 =	vor.u32 @!p0 s19, v13  }
0x160: {  	vm11 =	vge.s32 @!p0 v13, v8  }
0x161: {  	s19 =	simm.s32 @!p0 $0x8000;
	vm12 =	vlt.s32 @!p0 v13, v9;
	v14 =	vshrl.u32 @!p0 v10, $0xE;
	v8 =	vshrl.u32 @!p0 v10, $0xD  }
0x162: {  	vm11 =	vmand @!p0 vm11, vm12;
	v9 =	vand.u32 @!p0 $0x7F, v14;
	v8 =	vand.u32 @!p0 $0x7F00, v8;
	v10 =	vld.idx.msk @!p0 [tilespmem:v11+s19+$0x0], $0xffff  }
0x163: {  	v8 =	vor.u32 @!p0 v9, v8;
	v9 =	vld.idx.msk @!p0 [tilespmem:v12+s19+$0x0], $0xffff;
	s19 =	ssub.s32 s21, s18  }
0x164: {  	v11 =	vor.u32 @!p0 $0x80, v8;
	p1 =	slt.s32 s19, $0x3  }
.Ltmp9:
0x165: {  	_ = 	snop;
	(pc) =	sbr.rel @p1 .LBB2_17-.Ltmp9, $4  }
0x166: {  	_ = 	snop  }
0x167: {  	s20 =	simm.s32 @!p0 $0x10000  }
0x168: {  	[tilespmem:v8+s20+$0x0] =	vst.idx.msk @!p0 vm11, v10  }
0x169: {  	[tilespmem:v11+s20+$0x0] =	vst.idx.msk @!p0 vm11, v9  }
0x16a: {  	s19 =	sadd.s32 $0xFFFFFFFE, s19  }
0x16b: {  	p0 =	sne.s32 s19, $0x1  }
.Ltmp10:
0x16c: {  	_ = 	snop;
	(pc) =	sbr.rel @!p0 .LBB2_16-.Ltmp10, $4  }
0x16d: {  	s18 =	sshll.u32 s18, $0x6  }
0x16e: {  	s18 =	sshra.s32 s18, $0x2  }
0x16f: {  	s18 =	sadd.s32 $0x18010, s18  }
0x170: {  	s19 =	sadd.s32 $0xFFFFFFFF, s19;
	v8 =	vld [tilespmem:s18+$0x0]  }
.LBB2_15:
0x171: {  	p0 =	sne.s32 s19, $0x1;
	_ =	sdelay $0x3  }
0x172: {  	v9 =	vshll.u32 v8, $0x1  }
0x173: {  	v10 =	vand.u32 $0x7F, v8;
	v9 =	vand.u32 $0x7F00, v9  }
0x174: {  	v9 =	vor.u32 v10, v9  }
0x175: {  	v10 =	vor.u32 $0x80, v9;
	_ =	sdelay $0x2  }
0x176: {  	v11 =	vshrl.u32 v8, $0xE;
	v8 =	vshrl.u32 v8, $0xD  }
0x177: {  	v11 =	vand.u32 $0x7F, v11;
	v8 =	vand.u32 $0x7F00, v8;
	v9 =	vld.idx.msk [tilespmem:v9+s13+$0x0], $0xffff  }
0x178: {  	v8 =	vor.u32 v11, v8;
	v10 =	vld.idx.msk [tilespmem:v10+s13+$0x0], $0xffff  }
0x179: {  	v11 =	vor.u32 $0x80, v8;
	_ =	sdelay $0x1  }
.Ltmp11:
0x17a: {  	(pc) =	sbr.rel @p0 .LBB2_15-.Ltmp11, $4  }
0x17b: {  	_ = 	snop  }
0x17c: {  	[tilespmem:v8+s15+$0x0] =	vst.idx.msk $0xffff, v9  }
0x17d: {  	s18 =	sadd.s32 $0x10, s18;
	[tilespmem:v11+s15+$0x0] =	vst.idx.msk $0xffff, v10  }
0x17e: {  	s19 =	sadd.s32 $0xFFFFFFFF, s19;
	v8 =	vld [tilespmem:s18+$0x0]  }
.LBB2_16:
0x17f: {  	_ =	sdelay $0x3  }
0x180: {  	v9 =	vshll.u32 v8, $0x1  }
0x181: {  	v10 =	vand.u32 $0x7F, v8;
	v9 =	vand.u32 $0x7F00, v9  }
0x182: {  	v9 =	vor.u32 v10, v9  }
0x183: {  	v10 =	vor.u32 $0x80, v9;
	_ =	sdelay $0x1  }
0x184: {  	v11 =	vshrl.u32 v8, $0xE;
	v8 =	vshrl.u32 v8, $0xD  }
0x185: {  	v11 =	vand.u32 $0x7F, v11;
	v8 =	vand.u32 $0x7F00, v8  }
0x186: {  	v8 =	vor.u32 v11, v8;
	v9 =	vld.idx.msk [tilespmem:v9+s13+$0x0], $0xffff  }
0x187: {  	v11 =	vor.u32 $0x80, v8;
	v10 =	vld.idx.msk [tilespmem:v10+s13+$0x0], $0xffff;
	_ =	sdelay $0x3  }
0x188: {  	[tilespmem:v8+s15+$0x0] =	vst.idx.msk $0xffff, v9  }
0x189: {  	[tilespmem:v11+s15+$0x0] =	vst.idx.msk $0xffff, v10  }
.LBB2_17:
0x18a: {  	_ =	swait.ge [sflag:s12], $0x4000  }
0x18b: {  	[sflag:s12] =	ssyncset.done $0x0  }
0x18c: {  	v8 =	vsel vm0, $0xFFFFFFFF, v0;
	[sflag:s12] =	ssyncadd.s32 $0xFFFFC000  }
0x18d: {  	v9 =	vand.u32 v8, v7;
	_ =	swait.ge [sflag:s12], $0x4000  }
0x18e: {  	v8 =	vand.u32 v8, v6;
	(xrf0) =	vadd.scan.msk.s32 $0xffff, v9  }
0x18f: {  	(xrf0) =	vadd.scan.msk.s32 $0xffff, v8;
	_ =	sdelay $0x4  }
0x190: {  	v8, _, _ =	vpop (xrf0)  }
0x191: {  	(v2sf) =	vpush v8, $0xF;
	v9, _, _ =	vpop (xrf0)  }
0x192: {  	(v2sf) =	vpush v9, $0xF;
	_ =	sdelay $0x8  }
0x193: {  	[sflag:s12] =	ssyncset.done $0x0  }
0x194: {  	s18 =	rddreg [dreg:$0xe];
	[sflag:s12] =	ssyncadd.s32 $0xFFFFC000  }
0x195: {  	[tilespmem:s13], [sflag:$0x3] =	stream.strided.gather [hbm4b:s18+s8], $0x4000, s9, s8, $0x38;
	[tilespmem:$0x1C080] =	vst v63  }
0x196: {  	s21 =	rddreg [dreg:$0xf]  }
0x197: {  	[tilespmem:s14], [sflag:$0x3] =	stream.strided.gather [hbm4b:s21+s8], $0x4000, s9, s8, $0x38;
	[tilespmem:$0x1C080] =	vst v63  }
0x198: {  	s19 =	spop (v2sf)  }
0x199: {  	s22 =	spop (v2sf)  }
0x19a: {  	s20 =	sadd.s32 $0xF, s22  }
0x19b: {  	s18 =	sshrl.u32 s19, $0x4;
	s21 =	sshrl.u32 s20, $0x4  }
0x19c: {  	p1 =	sle.u32 s21, s18  }
0x19d: {  	s19 =	sand.u32 @!p1 $0xFFFFFFF0, s19  }
0x19e: {  	v10 =	vld @!p1 [tilespmem:s19+$0x18000];
	_ =	sdelay $0x4  }
0x19f: {  	v11 =	vshll.u32 @!p1 v10, $0x1  }
0x1a0: {  	v12 =	vand.u32 @!p1 $0x7F, v10;
	v11 =	vand.u32 @!p1 $0x7F00, v11  }
0x1a1: {  	v13 =	vbroadcast @!p1 v8, $0xF;
	v11 =	vor.u32 @!p1 v12, v11;
	v12 =	vlaneseq.u32 @!p1  }
0x1a2: {  	v15 =	vbroadcast @!p1 v9, $0xF;
	v14 =	vor.u32 @!p1 $0x80, v11;
	v12 =	vor.u32 @!p1 s19, v12  }
0x1a3: {  	vm11 =	vge.s32 @!p1 v12, v13  }
0x1a4: {  	v13 =	vshrl.u32 @!p1 v10, $0xE;
	vm12 =	vlt.s32 @!p1 v12, v15;
	v10 =	vshrl.u32 @!p1 v10, $0xD  }
0x1a5: {  	s19 =	simm.s32 @!p1 $0x0;
	vm11 =	vmand @!p1 vm11, vm12;
	v12 =	vand.u32 @!p1 $0x7F, v13;
	v10 =	vand.u32 @!p1 $0x7F00, v10  }
0x1a6: {  	v10 =	vor.u32 @!p1 v12, v10;
	v11 =	vld.idx.msk @!p1 [tilespmem:v11+s19+$0x0], $0xffff  }
0x1a7: {  	v13 =	vor.u32 @!p1 $0x80, v10;
	v12 =	vld.idx.msk @!p1 [tilespmem:v14+s19+$0x0], $0xffff;
	_ =	sdelay $0x2  }
0x1a8: {  	s22 =	sadd.s32 $0x1, s18;
	s19 =	simm.s32 @!p1 $0x10000  }
0x1a9: {  	p0 =	sle.u32 s21, s22;
	[tilespmem:v10+s19+$0x0] =	vst.idx.msk @!p1 vm11, v11  }
0x1aa: {  	[tilespmem:v13+s19+$0x0] =	vst.idx.msk @!p1 vm11, v12;
	s19 =	sand.u32 @!p0 $0xFFFFFFF0, s20  }
0x1ab: {  	v10 =	vld @!p0 [tilespmem:s19+$0x17FF0];
	_ =	sdelay $0x4  }
0x1ac: {  	v11 =	vshll.u32 @!p0 v10, $0x1  }
0x1ad: {  	v12 =	vand.u32 @!p0 $0x7F, v10;
	v11 =	vand.u32 @!p0 $0x7F00, v11  }
0x1ae: {  	v11 =	vor.u32 @!p0 v12, v11  }
0x1af: {  	v8 =	vbroadcast @!p0 v8, $0xF;
	v13 =	vlaneseq.u32 @!p0;
	s19 =	sadd.s32 @!p0 $0xFFFFFFF0, s19;
	v12 =	vor.u32 @!p0 $0x80, v11  }
0x1b0: {  	v9 =	vbroadcast @!p0 v9, $0xF;
	v13 =	vor.u32 @!p0 s19, v13  }
0x1b1: {  	vm11 =	vge.s32 @!p0 v13, v8  }
0x1b2: {  	s19 =	simm.s32 @!p0 $0x0;
	vm12 =	vlt.s32 @!p0 v13, v9;
	v14 =	vshrl.u32 @!p0 v10, $0xE;
	v8 =	vshrl.u32 @!p0 v10, $0xD  }
0x1b3: {  	vm11 =	vmand @!p0 vm11, vm12;
	v9 =	vand.u32 @!p0 $0x7F, v14;
	v8 =	vand.u32 @!p0 $0x7F00, v8;
	v10 =	vld.idx.msk @!p0 [tilespmem:v11+s19+$0x0], $0xffff  }
0x1b4: {  	v8 =	vor.u32 @!p0 v9, v8;
	v9 =	vld.idx.msk @!p0 [tilespmem:v12+s19+$0x0], $0xffff;
	s19 =	ssub.s32 s21, s18  }
0x1b5: {  	v11 =	vor.u32 @!p0 $0x80, v8;
	p1 =	slt.s32 s19, $0x3  }
.Ltmp12:
0x1b6: {  	_ = 	snop;
	(pc) =	sbr.rel @p1 .LBB2_21-.Ltmp12, $4  }
0x1b7: {  	_ = 	snop  }
0x1b8: {  	s20 =	simm.s32 @!p0 $0x10000  }
0x1b9: {  	[tilespmem:v8+s20+$0x0] =	vst.idx.msk @!p0 vm11, v10  }
0x1ba: {  	[tilespmem:v11+s20+$0x0] =	vst.idx.msk @!p0 vm11, v9  }
0x1bb: {  	s19 =	sadd.s32 $0xFFFFFFFE, s19  }
0x1bc: {  	p0 =	sne.s32 s19, $0x1  }
.Ltmp13:
0x1bd: {  	_ = 	snop;
	(pc) =	sbr.rel @!p0 .LBB2_20-.Ltmp13, $4  }
0x1be: {  	s18 =	sshll.u32 s18, $0x6  }
0x1bf: {  	s18 =	sshra.s32 s18, $0x2  }
0x1c0: {  	s18 =	sadd.s32 $0x18010, s18  }
0x1c1: {  	s19 =	sadd.s32 $0xFFFFFFFF, s19;
	v8 =	vld [tilespmem:s18+$0x0]  }
.LBB2_19:
0x1c2: {  	p0 =	sne.s32 s19, $0x1;
	_ =	sdelay $0x3  }
0x1c3: {  	v9 =	vshll.u32 v8, $0x1  }
0x1c4: {  	v10 =	vand.u32 $0x7F, v8;
	v9 =	vand.u32 $0x7F00, v9  }
0x1c5: {  	v9 =	vor.u32 v10, v9  }
0x1c6: {  	v10 =	vor.u32 $0x80, v9;
	_ =	sdelay $0x2  }
0x1c7: {  	v11 =	vshrl.u32 v8, $0xE;
	v8 =	vshrl.u32 v8, $0xD  }
0x1c8: {  	v11 =	vand.u32 $0x7F, v11;
	v8 =	vand.u32 $0x7F00, v8;
	v9 =	vld.idx.msk [tilespmem:v9+s1+$0x0], $0xffff  }
0x1c9: {  	v8 =	vor.u32 v11, v8;
	v10 =	vld.idx.msk [tilespmem:v10+s1+$0x0], $0xffff  }
0x1ca: {  	v11 =	vor.u32 $0x80, v8;
	_ =	sdelay $0x1  }
.Ltmp14:
0x1cb: {  	(pc) =	sbr.rel @p0 .LBB2_19-.Ltmp14, $4  }
0x1cc: {  	_ = 	snop  }
0x1cd: {  	[tilespmem:v8+s15+$0x0] =	vst.idx.msk $0xffff, v9  }
0x1ce: {  	s18 =	sadd.s32 $0x10, s18;
	[tilespmem:v11+s15+$0x0] =	vst.idx.msk $0xffff, v10  }
0x1cf: {  	s19 =	sadd.s32 $0xFFFFFFFF, s19;
	v8 =	vld [tilespmem:s18+$0x0]  }
.LBB2_20:
0x1d0: {  	_ =	sdelay $0x3  }
0x1d1: {  	v9 =	vshll.u32 v8, $0x1  }
0x1d2: {  	v10 =	vand.u32 $0x7F, v8;
	v9 =	vand.u32 $0x7F00, v9  }
0x1d3: {  	v9 =	vor.u32 v10, v9  }
0x1d4: {  	v10 =	vor.u32 $0x80, v9;
	_ =	sdelay $0x1  }
0x1d5: {  	v11 =	vshrl.u32 v8, $0xE;
	v8 =	vshrl.u32 v8, $0xD  }
0x1d6: {  	v11 =	vand.u32 $0x7F, v11;
	v8 =	vand.u32 $0x7F00, v8  }
0x1d7: {  	v8 =	vor.u32 v11, v8;
	v9 =	vld.idx.msk [tilespmem:v9+s1+$0x0], $0xffff  }
0x1d8: {  	v11 =	vor.u32 $0x80, v8;
	v10 =	vld.idx.msk [tilespmem:v10+s1+$0x0], $0xffff;
	_ =	sdelay $0x3  }
0x1d9: {  	[tilespmem:v8+s15+$0x0] =	vst.idx.msk $0xffff, v9  }
0x1da: {  	[tilespmem:v11+s15+$0x0] =	vst.idx.msk $0xffff, v10  }
.LBB2_21:
0x1db: {  	_ =	swait.ge [sflag:s16], $0x4000  }
0x1dc: {  	[sflag:s16] =	ssyncset.done $0x0  }
0x1dd: {  	v8 =	vsel vm1, $0xFFFFFFFF, v0;
	[sflag:s16] =	ssyncadd.s32 $0xFFFFC000  }
0x1de: {  	v9 =	vand.u32 v8, v7;
	_ =	swait.ge [sflag:s16], $0x4000  }
0x1df: {  	v8 =	vand.u32 v8, v6;
	(xrf0) =	vadd.scan.msk.s32 $0xffff, v9  }
0x1e0: {  	(xrf0) =	vadd.scan.msk.s32 $0xffff, v8;
	_ =	sdelay $0x4  }
0x1e1: {  	v8, _, _ =	vpop (xrf0)  }
0x1e2: {  	(v2sf) =	vpush v8, $0xF;
	v9, _, _ =	vpop (xrf0)  }
0x1e3: {  	(v2sf) =	vpush v9, $0xF;
	_ =	sdelay $0x8  }
0x1e4: {  	[sflag:s16] =	ssyncset.done $0x0  }
0x1e5: {  	s18 =	rddreg [dreg:$0x10];
	[sflag:s16] =	ssyncadd.s32 $0xFFFFC000  }
0x1e6: {  	[tilespmem:s1], [sflag:$0x2] =	stream.strided.gather [hbm4b:s18+s8], $0x4000, s9, s8, $0x38;
	[tilespmem:$0x1C080] =	vst v63  }
0x1e7: {  	s21 =	rddreg [dreg:$0x11]  }
0x1e8: {  	[tilespmem:s10], [sflag:$0x2] =	stream.strided.gather [hbm4b:s21+s8], $0x4000, s9, s8, $0x38;
	[tilespmem:$0x1C080] =	vst v63  }
0x1e9: {  	s19 =	spop (v2sf)  }
0x1ea: {  	s22 =	spop (v2sf)  }
0x1eb: {  	s20 =	sadd.s32 $0xF, s22  }
0x1ec: {  	s18 =	sshrl.u32 s19, $0x4;
	s21 =	sshrl.u32 s20, $0x4  }
0x1ed: {  	p1 =	sle.u32 s21, s18  }
0x1ee: {  	s19 =	sand.u32 @!p1 $0xFFFFFFF0, s19  }
0x1ef: {  	v10 =	vld @!p1 [tilespmem:s19+$0x18000];
	_ =	sdelay $0x4  }
0x1f0: {  	v11 =	vshll.u32 @!p1 v10, $0x1  }
0x1f1: {  	v12 =	vand.u32 @!p1 $0x7F, v10;
	v11 =	vand.u32 @!p1 $0x7F00, v11  }
0x1f2: {  	v13 =	vbroadcast @!p1 v8, $0xF;
	v11 =	vor.u32 @!p1 v12, v11;
	v12 =	vlaneseq.u32 @!p1  }
0x1f3: {  	v15 =	vbroadcast @!p1 v9, $0xF;
	v14 =	vor.u32 @!p1 $0x80, v11;
	v12 =	vor.u32 @!p1 s19, v12  }
0x1f4: {  	vm11 =	vge.s32 @!p1 v12, v13  }
0x1f5: {  	v13 =	vshrl.u32 @!p1 v10, $0xE;
	vm12 =	vlt.s32 @!p1 v12, v15;
	v10 =	vshrl.u32 @!p1 v10, $0xD  }
0x1f6: {  	s19 =	simm.s32 @!p1 $0x8000;
	vm11 =	vmand @!p1 vm11, vm12;
	v12 =	vand.u32 @!p1 $0x7F, v13;
	v10 =	vand.u32 @!p1 $0x7F00, v10  }
0x1f7: {  	v10 =	vor.u32 @!p1 v12, v10;
	v11 =	vld.idx.msk @!p1 [tilespmem:v11+s19+$0x0], $0xffff  }
0x1f8: {  	v13 =	vor.u32 @!p1 $0x80, v10;
	v12 =	vld.idx.msk @!p1 [tilespmem:v14+s19+$0x0], $0xffff;
	_ =	sdelay $0x2  }
0x1f9: {  	s22 =	sadd.s32 $0x1, s18;
	s19 =	simm.s32 @!p1 $0x10000  }
0x1fa: {  	p0 =	sle.u32 s21, s22;
	[tilespmem:v10+s19+$0x0] =	vst.idx.msk @!p1 vm11, v11  }
0x1fb: {  	[tilespmem:v13+s19+$0x0] =	vst.idx.msk @!p1 vm11, v12;
	s19 =	sand.u32 @!p0 $0xFFFFFFF0, s20  }
0x1fc: {  	v10 =	vld @!p0 [tilespmem:s19+$0x17FF0];
	_ =	sdelay $0x4  }
0x1fd: {  	v11 =	vshll.u32 @!p0 v10, $0x1  }
0x1fe: {  	v12 =	vand.u32 @!p0 $0x7F, v10;
	v11 =	vand.u32 @!p0 $0x7F00, v11  }
0x1ff: {  	v11 =	vor.u32 @!p0 v12, v11  }
0x200: {  	v8 =	vbroadcast @!p0 v8, $0xF;
	v13 =	vlaneseq.u32 @!p0;
	s19 =	sadd.s32 @!p0 $0xFFFFFFF0, s19;
	v12 =	vor.u32 @!p0 $0x80, v11  }
0x201: {  	v9 =	vbroadcast @!p0 v9, $0xF;
	v13 =	vor.u32 @!p0 s19, v13  }
0x202: {  	vm11 =	vge.s32 @!p0 v13, v8  }
0x203: {  	s19 =	simm.s32 @!p0 $0x8000;
	vm12 =	vlt.s32 @!p0 v13, v9;
	v14 =	vshrl.u32 @!p0 v10, $0xE;
	v8 =	vshrl.u32 @!p0 v10, $0xD  }
0x204: {  	vm11 =	vmand @!p0 vm11, vm12;
	v9 =	vand.u32 @!p0 $0x7F, v14;
	v8 =	vand.u32 @!p0 $0x7F00, v8;
	v10 =	vld.idx.msk @!p0 [tilespmem:v11+s19+$0x0], $0xffff  }
0x205: {  	v8 =	vor.u32 @!p0 v9, v8;
	v9 =	vld.idx.msk @!p0 [tilespmem:v12+s19+$0x0], $0xffff;
	s19 =	ssub.s32 s21, s18  }
0x206: {  	v11 =	vor.u32 @!p0 $0x80, v8;
	p1 =	slt.s32 s19, $0x3  }
.Ltmp15:
0x207: {  	_ = 	snop;
	(pc) =	sbr.rel @p1 .LBB2_25-.Ltmp15, $4  }
0x208: {  	_ = 	snop  }
0x209: {  	s20 =	simm.s32 @!p0 $0x10000  }
0x20a: {  	[tilespmem:v8+s20+$0x0] =	vst.idx.msk @!p0 vm11, v10  }
0x20b: {  	[tilespmem:v11+s20+$0x0] =	vst.idx.msk @!p0 vm11, v9  }
0x20c: {  	s19 =	sadd.s32 $0xFFFFFFFE, s19  }
0x20d: {  	p0 =	sne.s32 s19, $0x1  }
.Ltmp16:
0x20e: {  	_ = 	snop;
	(pc) =	sbr.rel @!p0 .LBB2_24-.Ltmp16, $4  }
0x20f: {  	s18 =	sshll.u32 s18, $0x6  }
0x210: {  	s18 =	sshra.s32 s18, $0x2  }
0x211: {  	s18 =	sadd.s32 $0x18010, s18  }
0x212: {  	s19 =	sadd.s32 $0xFFFFFFFF, s19;
	v8 =	vld [tilespmem:s18+$0x0]  }
.LBB2_23:
0x213: {  	p0 =	sne.s32 s19, $0x1;
	_ =	sdelay $0x3  }
0x214: {  	v9 =	vshll.u32 v8, $0x1  }
0x215: {  	v10 =	vand.u32 $0x7F, v8;
	v9 =	vand.u32 $0x7F00, v9  }
0x216: {  	v9 =	vor.u32 v10, v9  }
0x217: {  	v10 =	vor.u32 $0x80, v9;
	_ =	sdelay $0x2  }
0x218: {  	v11 =	vshrl.u32 v8, $0xE;
	v8 =	vshrl.u32 v8, $0xD  }
0x219: {  	v11 =	vand.u32 $0x7F, v11;
	v8 =	vand.u32 $0x7F00, v8;
	v9 =	vld.idx.msk [tilespmem:v9+s13+$0x0], $0xffff  }
0x21a: {  	v8 =	vor.u32 v11, v8;
	v10 =	vld.idx.msk [tilespmem:v10+s13+$0x0], $0xffff  }
0x21b: {  	v11 =	vor.u32 $0x80, v8;
	_ =	sdelay $0x1  }
.Ltmp17:
0x21c: {  	(pc) =	sbr.rel @p0 .LBB2_23-.Ltmp17, $4  }
0x21d: {  	_ = 	snop  }
0x21e: {  	[tilespmem:v8+s15+$0x0] =	vst.idx.msk $0xffff, v9  }
0x21f: {  	s18 =	sadd.s32 $0x10, s18;
	[tilespmem:v11+s15+$0x0] =	vst.idx.msk $0xffff, v10  }
0x220: {  	s19 =	sadd.s32 $0xFFFFFFFF, s19;
	v8 =	vld [tilespmem:s18+$0x0]  }
.LBB2_24:
0x221: {  	_ =	sdelay $0x3  }
0x222: {  	v9 =	vshll.u32 v8, $0x1  }
0x223: {  	v10 =	vand.u32 $0x7F, v8;
	v9 =	vand.u32 $0x7F00, v9  }
0x224: {  	v9 =	vor.u32 v10, v9  }
0x225: {  	v10 =	vor.u32 $0x80, v9;
	_ =	sdelay $0x1  }
0x226: {  	v11 =	vshrl.u32 v8, $0xE;
	v8 =	vshrl.u32 v8, $0xD  }
0x227: {  	v11 =	vand.u32 $0x7F, v11;
	v8 =	vand.u32 $0x7F00, v8  }
0x228: {  	v8 =	vor.u32 v11, v8;
	v9 =	vld.idx.msk [tilespmem:v9+s13+$0x0], $0xffff  }
0x229: {  	v11 =	vor.u32 $0x80, v8;
	v10 =	vld.idx.msk [tilespmem:v10+s13+$0x0], $0xffff;
	_ =	sdelay $0x3  }
0x22a: {  	[tilespmem:v8+s15+$0x0] =	vst.idx.msk $0xffff, v9  }
0x22b: {  	[tilespmem:v11+s15+$0x0] =	vst.idx.msk $0xffff, v10  }
.LBB2_25:
0x22c: {  	_ =	swait.ge [sflag:s12], $0x4000  }
0x22d: {  	[sflag:s12] =	ssyncset.done $0x0  }
0x22e: {  	v8 =	vsel vm2, $0xFFFFFFFF, v0;
	[sflag:s12] =	ssyncadd.s32 $0xFFFFC000  }
0x22f: {  	v9 =	vand.u32 v8, v7;
	_ =	swait.ge [sflag:s12], $0x4000  }
0x230: {  	v8 =	vand.u32 v8, v6;
	(xrf0) =	vadd.scan.msk.s32 $0xffff, v9  }
0x231: {  	(xrf0) =	vadd.scan.msk.s32 $0xffff, v8;
	_ =	sdelay $0x4  }
0x232: {  	v8, _, _ =	vpop (xrf0)  }
0x233: {  	(v2sf) =	vpush v8, $0xF;
	v9, _, _ =	vpop (xrf0)  }
0x234: {  	(v2sf) =	vpush v9, $0xF;
	_ =	sdelay $0x8  }
0x235: {  	[sflag:s12] =	ssyncset.done $0x0  }
0x236: {  	s18 =	rddreg [dreg:$0x12];
	[sflag:s12] =	ssyncadd.s32 $0xFFFFC000  }
0x237: {  	[tilespmem:s13], [sflag:$0x3] =	stream.strided.gather [hbm4b:s18+s8], $0x4000, s9, s8, $0x38;
	[tilespmem:$0x1C080] =	vst v63  }
0x238: {  	s21 =	rddreg [dreg:$0x13]  }
0x239: {  	[tilespmem:s14], [sflag:$0x3] =	stream.strided.gather [hbm4b:s21+s8], $0x4000, s9, s8, $0x38;
	[tilespmem:$0x1C080] =	vst v63  }
0x23a: {  	s19 =	spop (v2sf)  }
0x23b: {  	s22 =	spop (v2sf)  }
0x23c: {  	s20 =	sadd.s32 $0xF, s22  }
0x23d: {  	s18 =	sshrl.u32 s19, $0x4;
	s21 =	sshrl.u32 s20, $0x4  }
0x23e: {  	p1 =	sle.u32 s21, s18  }
0x23f: {  	s19 =	sand.u32 @!p1 $0xFFFFFFF0, s19  }
0x240: {  	v10 =	vld @!p1 [tilespmem:s19+$0x18000];
	_ =	sdelay $0x4  }
0x241: {  	v11 =	vshll.u32 @!p1 v10, $0x1  }
0x242: {  	v12 =	vand.u32 @!p1 $0x7F, v10;
	v11 =	vand.u32 @!p1 $0x7F00, v11  }
0x243: {  	v13 =	vbroadcast @!p1 v8, $0xF;
	v11 =	vor.u32 @!p1 v12, v11;
	v12 =	vlaneseq.u32 @!p1  }
0x244: {  	v15 =	vbroadcast @!p1 v9, $0xF;
	v14 =	vor.u32 @!p1 $0x80, v11;
	v12 =	vor.u32 @!p1 s19, v12  }
0x245: {  	vm11 =	vge.s32 @!p1 v12, v13  }
0x246: {  	v13 =	vshrl.u32 @!p1 v10, $0xE;
	vm12 =	vlt.s32 @!p1 v12, v15;
	v10 =	vshrl.u32 @!p1 v10, $0xD  }
0x247: {  	s19 =	simm.s32 @!p1 $0x0;
	vm11 =	vmand @!p1 vm11, vm12;
	v12 =	vand.u32 @!p1 $0x7F, v13;
	v10 =	vand.u32 @!p1 $0x7F00, v10  }
0x248: {  	v10 =	vor.u32 @!p1 v12, v10;
	v11 =	vld.idx.msk @!p1 [tilespmem:v11+s19+$0x0], $0xffff  }
0x249: {  	v13 =	vor.u32 @!p1 $0x80, v10;
	v12 =	vld.idx.msk @!p1 [tilespmem:v14+s19+$0x0], $0xffff;
	_ =	sdelay $0x2  }
0x24a: {  	s22 =	sadd.s32 $0x1, s18;
	s19 =	simm.s32 @!p1 $0x10000  }
0x24b: {  	p0 =	sle.u32 s21, s22;
	[tilespmem:v10+s19+$0x0] =	vst.idx.msk @!p1 vm11, v11  }
0x24c: {  	[tilespmem:v13+s19+$0x0] =	vst.idx.msk @!p1 vm11, v12;
	s19 =	sand.u32 @!p0 $0xFFFFFFF0, s20  }
0x24d: {  	v10 =	vld @!p0 [tilespmem:s19+$0x17FF0];
	_ =	sdelay $0x4  }
0x24e: {  	v11 =	vshll.u32 @!p0 v10, $0x1  }
0x24f: {  	v12 =	vand.u32 @!p0 $0x7F, v10;
	v11 =	vand.u32 @!p0 $0x7F00, v11  }
0x250: {  	v11 =	vor.u32 @!p0 v12, v11  }
0x251: {  	v8 =	vbroadcast @!p0 v8, $0xF;
	v13 =	vlaneseq.u32 @!p0;
	s19 =	sadd.s32 @!p0 $0xFFFFFFF0, s19;
	v12 =	vor.u32 @!p0 $0x80, v11  }
0x252: {  	v9 =	vbroadcast @!p0 v9, $0xF;
	v13 =	vor.u32 @!p0 s19, v13  }
0x253: {  	vm11 =	vge.s32 @!p0 v13, v8  }
0x254: {  	s19 =	simm.s32 @!p0 $0x0;
	vm12 =	vlt.s32 @!p0 v13, v9;
	v14 =	vshrl.u32 @!p0 v10, $0xE;
	v8 =	vshrl.u32 @!p0 v10, $0xD  }
0x255: {  	vm11 =	vmand @!p0 vm11, vm12;
	v9 =	vand.u32 @!p0 $0x7F, v14;
	v8 =	vand.u32 @!p0 $0x7F00, v8;
	v10 =	vld.idx.msk @!p0 [tilespmem:v11+s19+$0x0], $0xffff  }
0x256: {  	v8 =	vor.u32 @!p0 v9, v8;
	v9 =	vld.idx.msk @!p0 [tilespmem:v12+s19+$0x0], $0xffff;
	s19 =	ssub.s32 s21, s18  }
0x257: {  	v11 =	vor.u32 @!p0 $0x80, v8;
	p1 =	slt.s32 s19, $0x3  }
.Ltmp18:
0x258: {  	_ = 	snop;
	(pc) =	sbr.rel @p1 .LBB2_29-.Ltmp18, $4  }
0x259: {  	_ = 	snop  }
0x25a: {  	s20 =	simm.s32 @!p0 $0x10000  }
0x25b: {  	[tilespmem:v8+s20+$0x0] =	vst.idx.msk @!p0 vm11, v10  }
0x25c: {  	[tilespmem:v11+s20+$0x0] =	vst.idx.msk @!p0 vm11, v9  }
0x25d: {  	s19 =	sadd.s32 $0xFFFFFFFE, s19  }
0x25e: {  	p0 =	sne.s32 s19, $0x1  }
.Ltmp19:
0x25f: {  	_ = 	snop;
	(pc) =	sbr.rel @!p0 .LBB2_28-.Ltmp19, $4  }
0x260: {  	s18 =	sshll.u32 s18, $0x6  }
0x261: {  	s18 =	sshra.s32 s18, $0x2  }
0x262: {  	s18 =	sadd.s32 $0x18010, s18  }
0x263: {  	s19 =	sadd.s32 $0xFFFFFFFF, s19;
	v8 =	vld [tilespmem:s18+$0x0]  }
.LBB2_27:
0x264: {  	p0 =	sne.s32 s19, $0x1;
	_ =	sdelay $0x3  }
0x265: {  	v9 =	vshll.u32 v8, $0x1  }
0x266: {  	v10 =	vand.u32 $0x7F, v8;
	v9 =	vand.u32 $0x7F00, v9  }
0x267: {  	v9 =	vor.u32 v10, v9  }
0x268: {  	v10 =	vor.u32 $0x80, v9;
	_ =	sdelay $0x2  }
0x269: {  	v11 =	vshrl.u32 v8, $0xE;
	v8 =	vshrl.u32 v8, $0xD  }
0x26a: {  	v11 =	vand.u32 $0x7F, v11;
	v8 =	vand.u32 $0x7F00, v8;
	v9 =	vld.idx.msk [tilespmem:v9+s1+$0x0], $0xffff  }
0x26b: {  	v8 =	vor.u32 v11, v8;
	v10 =	vld.idx.msk [tilespmem:v10+s1+$0x0], $0xffff  }
0x26c: {  	v11 =	vor.u32 $0x80, v8;
	_ =	sdelay $0x1  }
.Ltmp20:
0x26d: {  	(pc) =	sbr.rel @p0 .LBB2_27-.Ltmp20, $4  }
0x26e: {  	_ = 	snop  }
0x26f: {  	[tilespmem:v8+s15+$0x0] =	vst.idx.msk $0xffff, v9  }
0x270: {  	s18 =	sadd.s32 $0x10, s18;
	[tilespmem:v11+s15+$0x0] =	vst.idx.msk $0xffff, v10  }
0x271: {  	s19 =	sadd.s32 $0xFFFFFFFF, s19;
	v8 =	vld [tilespmem:s18+$0x0]  }
.LBB2_28:
0x272: {  	_ =	sdelay $0x3  }
0x273: {  	v9 =	vshll.u32 v8, $0x1  }
0x274: {  	v10 =	vand.u32 $0x7F, v8;
	v9 =	vand.u32 $0x7F00, v9  }
0x275: {  	v9 =	vor.u32 v10, v9  }
0x276: {  	v10 =	vor.u32 $0x80, v9;
	_ =	sdelay $0x1  }
0x277: {  	v11 =	vshrl.u32 v8, $0xE;
	v8 =	vshrl.u32 v8, $0xD  }
0x278: {  	v11 =	vand.u32 $0x7F, v11;
	v8 =	vand.u32 $0x7F00, v8  }
0x279: {  	v8 =	vor.u32 v11, v8;
	v9 =	vld.idx.msk [tilespmem:v9+s1+$0x0], $0xffff  }
0x27a: {  	v11 =	vor.u32 $0x80, v8;
	v10 =	vld.idx.msk [tilespmem:v10+s1+$0x0], $0xffff;
	_ =	sdelay $0x3  }
0x27b: {  	[tilespmem:v8+s15+$0x0] =	vst.idx.msk $0xffff, v9  }
0x27c: {  	[tilespmem:v11+s15+$0x0] =	vst.idx.msk $0xffff, v10  }
.LBB2_29:
0x27d: {  	_ =	swait.ge [sflag:s16], $0x4000  }
0x27e: {  	[sflag:s16] =	ssyncset.done $0x0  }
0x27f: {  	v8 =	vsel vm3, $0xFFFFFFFF, v0;
	[sflag:s16] =	ssyncadd.s32 $0xFFFFC000  }
0x280: {  	v9 =	vand.u32 v8, v7;
	_ =	swait.ge [sflag:s16], $0x4000  }
0x281: {  	v8 =	vand.u32 v8, v6;
	(xrf0) =	vadd.scan.msk.s32 $0xffff, v9  }
0x282: {  	(xrf0) =	vadd.scan.msk.s32 $0xffff, v8;
	_ =	sdelay $0x4  }
0x283: {  	v8, _, _ =	vpop (xrf0)  }
0x284: {  	(v2sf) =	vpush v8, $0xF;
	v9, _, _ =	vpop (xrf0)  }
0x285: {  	(v2sf) =	vpush v9, $0xF;
	_ =	sdelay $0x8  }
0x286: {  	[sflag:s16] =	ssyncset.done $0x0  }
0x287: {  	s18 =	rddreg [dreg:$0x14];
	[sflag:s16] =	ssyncadd.s32 $0xFFFFC000  }
0x288: {  	[tilespmem:s1], [sflag:$0x2] =	stream.strided.gather [hbm4b:s18+s8], $0x4000, s9, s8, $0x38;
	[tilespmem:$0x1C080] =	vst v63  }
0x289: {  	s21 =	rddreg [dreg:$0x15]  }
0x28a: {  	[tilespmem:s10], [sflag:$0x2] =	stream.strided.gather [hbm4b:s21+s8], $0x4000, s9, s8, $0x38;
	[tilespmem:$0x1C080] =	vst v63  }
0x28b: {  	s19 =	spop (v2sf)  }
0x28c: {  	s22 =	spop (v2sf)  }
0x28d: {  	s20 =	sadd.s32 $0xF, s22  }
0x28e: {  	s18 =	sshrl.u32 s19, $0x4;
	s21 =	sshrl.u32 s20, $0x4  }
0x28f: {  	p1 =	sle.u32 s21, s18  }
0x290: {  	s19 =	sand.u32 @!p1 $0xFFFFFFF0, s19  }
0x291: {  	v10 =	vld @!p1 [tilespmem:s19+$0x18000];
	_ =	sdelay $0x4  }
0x292: {  	v11 =	vshll.u32 @!p1 v10, $0x1  }
0x293: {  	v12 =	vand.u32 @!p1 $0x7F, v10;
	v11 =	vand.u32 @!p1 $0x7F00, v11  }
0x294: {  	v13 =	vbroadcast @!p1 v8, $0xF;
	v11 =	vor.u32 @!p1 v12, v11;
	v12 =	vlaneseq.u32 @!p1  }
0x295: {  	v15 =	vbroadcast @!p1 v9, $0xF;
	v14 =	vor.u32 @!p1 $0x80, v11;
	v12 =	vor.u32 @!p1 s19, v12  }
0x296: {  	vm11 =	vge.s32 @!p1 v12, v13  }
0x297: {  	v13 =	vshrl.u32 @!p1 v10, $0xE;
	vm12 =	vlt.s32 @!p1 v12, v15;
	v10 =	vshrl.u32 @!p1 v10, $0xD  }
0x298: {  	s19 =	simm.s32 @!p1 $0x8000;
	vm11 =	vmand @!p1 vm11, vm12;
	v12 =	vand.u32 @!p1 $0x7F, v13;
	v10 =	vand.u32 @!p1 $0x7F00, v10  }
0x299: {  	v10 =	vor.u32 @!p1 v12, v10;
	v11 =	vld.idx.msk @!p1 [tilespmem:v11+s19+$0x0], $0xffff  }
0x29a: {  	v13 =	vor.u32 @!p1 $0x80, v10;
	v12 =	vld.idx.msk @!p1 [tilespmem:v14+s19+$0x0], $0xffff;
	_ =	sdelay $0x2  }
0x29b: {  	s22 =	sadd.s32 $0x1, s18;
	s19 =	simm.s32 @!p1 $0x10000  }
0x29c: {  	p0 =	sle.u32 s21, s22;
	[tilespmem:v10+s19+$0x0] =	vst.idx.msk @!p1 vm11, v11  }
0x29d: {  	[tilespmem:v13+s19+$0x0] =	vst.idx.msk @!p1 vm11, v12;
	s19 =	sand.u32 @!p0 $0xFFFFFFF0, s20  }
0x29e: {  	v10 =	vld @!p0 [tilespmem:s19+$0x17FF0];
	_ =	sdelay $0x4  }
0x29f: {  	v11 =	vshll.u32 @!p0 v10, $0x1  }
0x2a0: {  	v12 =	vand.u32 @!p0 $0x7F, v10;
	v11 =	vand.u32 @!p0 $0x7F00, v11  }
0x2a1: {  	v11 =	vor.u32 @!p0 v12, v11  }
0x2a2: {  	v8 =	vbroadcast @!p0 v8, $0xF;
	v13 =	vlaneseq.u32 @!p0;
	s19 =	sadd.s32 @!p0 $0xFFFFFFF0, s19;
	v12 =	vor.u32 @!p0 $0x80, v11  }
0x2a3: {  	v9 =	vbroadcast @!p0 v9, $0xF;
	v13 =	vor.u32 @!p0 s19, v13  }
0x2a4: {  	vm11 =	vge.s32 @!p0 v13, v8  }
0x2a5: {  	s19 =	simm.s32 @!p0 $0x8000;
	vm12 =	vlt.s32 @!p0 v13, v9;
	v14 =	vshrl.u32 @!p0 v10, $0xE;
	v8 =	vshrl.u32 @!p0 v10, $0xD  }
0x2a6: {  	vm11 =	vmand @!p0 vm11, vm12;
	v9 =	vand.u32 @!p0 $0x7F, v14;
	v8 =	vand.u32 @!p0 $0x7F00, v8;
	v10 =	vld.idx.msk @!p0 [tilespmem:v11+s19+$0x0], $0xffff  }
0x2a7: {  	v8 =	vor.u32 @!p0 v9, v8;
	v9 =	vld.idx.msk @!p0 [tilespmem:v12+s19+$0x0], $0xffff;
	s19 =	ssub.s32 s21, s18  }
0x2a8: {  	v11 =	vor.u32 @!p0 $0x80, v8;
	p1 =	slt.s32 s19, $0x3  }
.Ltmp21:
0x2a9: {  	_ = 	snop;
	(pc) =	sbr.rel @p1 .LBB2_33-.Ltmp21, $4  }
0x2aa: {  	_ = 	snop  }
0x2ab: {  	s20 =	simm.s32 @!p0 $0x10000  }
0x2ac: {  	[tilespmem:v8+s20+$0x0] =	vst.idx.msk @!p0 vm11, v10  }
0x2ad: {  	[tilespmem:v11+s20+$0x0] =	vst.idx.msk @!p0 vm11, v9  }
0x2ae: {  	s19 =	sadd.s32 $0xFFFFFFFE, s19  }
0x2af: {  	p0 =	sne.s32 s19, $0x1  }
.Ltmp22:
0x2b0: {  	_ = 	snop;
	(pc) =	sbr.rel @!p0 .LBB2_32-.Ltmp22, $4  }
0x2b1: {  	s18 =	sshll.u32 s18, $0x6  }
0x2b2: {  	s18 =	sshra.s32 s18, $0x2  }
0x2b3: {  	s18 =	sadd.s32 $0x18010, s18  }
0x2b4: {  	s19 =	sadd.s32 $0xFFFFFFFF, s19;
	v8 =	vld [tilespmem:s18+$0x0]  }
.LBB2_31:
0x2b5: {  	p0 =	sne.s32 s19, $0x1;
	_ =	sdelay $0x3  }
0x2b6: {  	v9 =	vshll.u32 v8, $0x1  }
0x2b7: {  	v10 =	vand.u32 $0x7F, v8;
	v9 =	vand.u32 $0x7F00, v9  }
0x2b8: {  	v9 =	vor.u32 v10, v9  }
0x2b9: {  	v10 =	vor.u32 $0x80, v9;
	_ =	sdelay $0x2  }
0x2ba: {  	v11 =	vshrl.u32 v8, $0xE;
	v8 =	vshrl.u32 v8, $0xD  }
0x2bb: {  	v11 =	vand.u32 $0x7F, v11;
	v8 =	vand.u32 $0x7F00, v8;
	v9 =	vld.idx.msk [tilespmem:v9+s13+$0x0], $0xffff  }
0x2bc: {  	v8 =	vor.u32 v11, v8;
	v10 =	vld.idx.msk [tilespmem:v10+s13+$0x0], $0xffff  }
0x2bd: {  	v11 =	vor.u32 $0x80, v8;
	_ =	sdelay $0x1  }
.Ltmp23:
0x2be: {  	(pc) =	sbr.rel @p0 .LBB2_31-.Ltmp23, $4  }
0x2bf: {  	_ = 	snop  }
0x2c0: {  	[tilespmem:v8+s15+$0x0] =	vst.idx.msk $0xffff, v9  }
0x2c1: {  	s18 =	sadd.s32 $0x10, s18;
	[tilespmem:v11+s15+$0x0] =	vst.idx.msk $0xffff, v10  }
0x2c2: {  	s19 =	sadd.s32 $0xFFFFFFFF, s19;
	v8 =	vld [tilespmem:s18+$0x0]  }
.LBB2_32:
0x2c3: {  	_ =	sdelay $0x3  }
0x2c4: {  	v9 =	vshll.u32 v8, $0x1  }
0x2c5: {  	v10 =	vand.u32 $0x7F, v8;
	v9 =	vand.u32 $0x7F00, v9  }
0x2c6: {  	v9 =	vor.u32 v10, v9  }
0x2c7: {  	v10 =	vor.u32 $0x80, v9;
	_ =	sdelay $0x1  }
0x2c8: {  	v11 =	vshrl.u32 v8, $0xE;
	v8 =	vshrl.u32 v8, $0xD  }
0x2c9: {  	v11 =	vand.u32 $0x7F, v11;
	v8 =	vand.u32 $0x7F00, v8  }
0x2ca: {  	v8 =	vor.u32 v11, v8;
	v9 =	vld.idx.msk [tilespmem:v9+s13+$0x0], $0xffff  }
0x2cb: {  	v11 =	vor.u32 $0x80, v8;
	v10 =	vld.idx.msk [tilespmem:v10+s13+$0x0], $0xffff;
	_ =	sdelay $0x3  }
0x2cc: {  	[tilespmem:v8+s15+$0x0] =	vst.idx.msk $0xffff, v9  }
0x2cd: {  	[tilespmem:v11+s15+$0x0] =	vst.idx.msk $0xffff, v10  }
.LBB2_33:
0x2ce: {  	_ =	swait.ge [sflag:s12], $0x4000  }
0x2cf: {  	[sflag:s12] =	ssyncset.done $0x0  }
0x2d0: {  	v8 =	vsel vm4, $0xFFFFFFFF, v0;
	[sflag:s12] =	ssyncadd.s32 $0xFFFFC000  }
0x2d1: {  	v9 =	vand.u32 v8, v7;
	_ =	swait.ge [sflag:s12], $0x4000  }
0x2d2: {  	v8 =	vand.u32 v8, v6;
	(xrf0) =	vadd.scan.msk.s32 $0xffff, v9  }
0x2d3: {  	(xrf0) =	vadd.scan.msk.s32 $0xffff, v8;
	_ =	sdelay $0x4  }
0x2d4: {  	v8, _, _ =	vpop (xrf0)  }
0x2d5: {  	(v2sf) =	vpush v8, $0xF;
	v9, _, _ =	vpop (xrf0)  }
0x2d6: {  	(v2sf) =	vpush v9, $0xF;
	_ =	sdelay $0x8  }
0x2d7: {  	[sflag:s12] =	ssyncset.done $0x0  }
0x2d8: {  	s18 =	rddreg [dreg:$0x16];
	[sflag:s12] =	ssyncadd.s32 $0xFFFFC000  }
0x2d9: {  	[tilespmem:s13], [sflag:$0x3] =	stream.strided.gather [hbm4b:s18+s8], $0x4000, s9, s8, $0x38;
	[tilespmem:$0x1C080] =	vst v63  }
0x2da: {  	s21 =	rddreg [dreg:$0x17]  }
0x2db: {  	[tilespmem:s14], [sflag:$0x3] =	stream.strided.gather [hbm4b:s21+s8], $0x4000, s9, s8, $0x38;
	[tilespmem:$0x1C080] =	vst v63  }
0x2dc: {  	s19 =	spop (v2sf)  }
0x2dd: {  	s22 =	spop (v2sf)  }
0x2de: {  	s20 =	sadd.s32 $0xF, s22  }
0x2df: {  	s18 =	sshrl.u32 s19, $0x4;
	s21 =	sshrl.u32 s20, $0x4  }
0x2e0: {  	p1 =	sle.u32 s21, s18  }
0x2e1: {  	s19 =	sand.u32 @!p1 $0xFFFFFFF0, s19  }
0x2e2: {  	v10 =	vld @!p1 [tilespmem:s19+$0x18000];
	_ =	sdelay $0x4  }
0x2e3: {  	v11 =	vshll.u32 @!p1 v10, $0x1  }
0x2e4: {  	v12 =	vand.u32 @!p1 $0x7F, v10;
	v11 =	vand.u32 @!p1 $0x7F00, v11  }
0x2e5: {  	v13 =	vbroadcast @!p1 v8, $0xF;
	v11 =	vor.u32 @!p1 v12, v11;
	v12 =	vlaneseq.u32 @!p1  }
0x2e6: {  	v15 =	vbroadcast @!p1 v9, $0xF;
	v14 =	vor.u32 @!p1 $0x80, v11;
	v12 =	vor.u32 @!p1 s19, v12  }
0x2e7: {  	vm11 =	vge.s32 @!p1 v12, v13  }
0x2e8: {  	v13 =	vshrl.u32 @!p1 v10, $0xE;
	vm12 =	vlt.s32 @!p1 v12, v15;
	v10 =	vshrl.u32 @!p1 v10, $0xD  }
0x2e9: {  	s19 =	simm.s32 @!p1 $0x0;
	vm11 =	vmand @!p1 vm11, vm12;
	v12 =	vand.u32 @!p1 $0x7F, v13;
	v10 =	vand.u32 @!p1 $0x7F00, v10  }
0x2ea: {  	v10 =	vor.u32 @!p1 v12, v10;
	v11 =	vld.idx.msk @!p1 [tilespmem:v11+s19+$0x0], $0xffff  }
0x2eb: {  	v13 =	vor.u32 @!p1 $0x80, v10;
	v12 =	vld.idx.msk @!p1 [tilespmem:v14+s19+$0x0], $0xffff;
	_ =	sdelay $0x2  }
0x2ec: {  	s22 =	sadd.s32 $0x1, s18;
	s19 =	simm.s32 @!p1 $0x10000  }
0x2ed: {  	p0 =	sle.u32 s21, s22;
	[tilespmem:v10+s19+$0x0] =	vst.idx.msk @!p1 vm11, v11  }
0x2ee: {  	[tilespmem:v13+s19+$0x0] =	vst.idx.msk @!p1 vm11, v12;
	s19 =	sand.u32 @!p0 $0xFFFFFFF0, s20  }
0x2ef: {  	v10 =	vld @!p0 [tilespmem:s19+$0x17FF0];
	_ =	sdelay $0x4  }
0x2f0: {  	v11 =	vshll.u32 @!p0 v10, $0x1  }
0x2f1: {  	v12 =	vand.u32 @!p0 $0x7F, v10;
	v11 =	vand.u32 @!p0 $0x7F00, v11  }
0x2f2: {  	v11 =	vor.u32 @!p0 v12, v11  }
0x2f3: {  	v8 =	vbroadcast @!p0 v8, $0xF;
	v13 =	vlaneseq.u32 @!p0;
	s19 =	sadd.s32 @!p0 $0xFFFFFFF0, s19;
	v12 =	vor.u32 @!p0 $0x80, v11  }
0x2f4: {  	v9 =	vbroadcast @!p0 v9, $0xF;
	v13 =	vor.u32 @!p0 s19, v13  }
0x2f5: {  	vm11 =	vge.s32 @!p0 v13, v8  }
0x2f6: {  	s19 =	simm.s32 @!p0 $0x0;
	vm12 =	vlt.s32 @!p0 v13, v9;
	v14 =	vshrl.u32 @!p0 v10, $0xE;
	v8 =	vshrl.u32 @!p0 v10, $0xD  }
0x2f7: {  	vm11 =	vmand @!p0 vm11, vm12;
	v9 =	vand.u32 @!p0 $0x7F, v14;
	v8 =	vand.u32 @!p0 $0x7F00, v8;
	v10 =	vld.idx.msk @!p0 [tilespmem:v11+s19+$0x0], $0xffff  }
0x2f8: {  	v8 =	vor.u32 @!p0 v9, v8;
	v9 =	vld.idx.msk @!p0 [tilespmem:v12+s19+$0x0], $0xffff;
	s19 =	ssub.s32 s21, s18  }
0x2f9: {  	v11 =	vor.u32 @!p0 $0x80, v8;
	p1 =	slt.s32 s19, $0x3  }
.Ltmp24:
0x2fa: {  	_ = 	snop;
	(pc) =	sbr.rel @p1 .LBB2_37-.Ltmp24, $4  }
0x2fb: {  	_ = 	snop  }
0x2fc: {  	s20 =	simm.s32 @!p0 $0x10000  }
0x2fd: {  	[tilespmem:v8+s20+$0x0] =	vst.idx.msk @!p0 vm11, v10  }
0x2fe: {  	[tilespmem:v11+s20+$0x0] =	vst.idx.msk @!p0 vm11, v9  }
0x2ff: {  	s19 =	sadd.s32 $0xFFFFFFFE, s19  }
0x300: {  	p0 =	sne.s32 s19, $0x1  }
.Ltmp25:
0x301: {  	_ = 	snop;
	(pc) =	sbr.rel @!p0 .LBB2_36-.Ltmp25, $4  }
0x302: {  	s18 =	sshll.u32 s18, $0x6  }
0x303: {  	s18 =	sshra.s32 s18, $0x2  }
0x304: {  	s18 =	sadd.s32 $0x18010, s18  }
0x305: {  	s19 =	sadd.s32 $0xFFFFFFFF, s19;
	v8 =	vld [tilespmem:s18+$0x0]  }
.LBB2_35:
0x306: {  	p0 =	sne.s32 s19, $0x1;
	_ =	sdelay $0x3  }
0x307: {  	v9 =	vshll.u32 v8, $0x1  }
0x308: {  	v10 =	vand.u32 $0x7F, v8;
	v9 =	vand.u32 $0x7F00, v9  }
0x309: {  	v9 =	vor.u32 v10, v9  }
0x30a: {  	v10 =	vor.u32 $0x80, v9;
	_ =	sdelay $0x2  }
0x30b: {  	v11 =	vshrl.u32 v8, $0xE;
	v8 =	vshrl.u32 v8, $0xD  }
0x30c: {  	v11 =	vand.u32 $0x7F, v11;
	v8 =	vand.u32 $0x7F00, v8;
	v9 =	vld.idx.msk [tilespmem:v9+s1+$0x0], $0xffff  }
0x30d: {  	v8 =	vor.u32 v11, v8;
	v10 =	vld.idx.msk [tilespmem:v10+s1+$0x0], $0xffff  }
0x30e: {  	v11 =	vor.u32 $0x80, v8;
	_ =	sdelay $0x1  }
.Ltmp26:
0x30f: {  	(pc) =	sbr.rel @p0 .LBB2_35-.Ltmp26, $4  }
0x310: {  	_ = 	snop  }
0x311: {  	[tilespmem:v8+s15+$0x0] =	vst.idx.msk $0xffff, v9  }
0x312: {  	s18 =	sadd.s32 $0x10, s18;
	[tilespmem:v11+s15+$0x0] =	vst.idx.msk $0xffff, v10  }
0x313: {  	s19 =	sadd.s32 $0xFFFFFFFF, s19;
	v8 =	vld [tilespmem:s18+$0x0]  }
.LBB2_36:
0x314: {  	_ =	sdelay $0x3  }
0x315: {  	v9 =	vshll.u32 v8, $0x1  }
0x316: {  	v10 =	vand.u32 $0x7F, v8;
	v9 =	vand.u32 $0x7F00, v9  }
0x317: {  	v9 =	vor.u32 v10, v9  }
0x318: {  	v10 =	vor.u32 $0x80, v9;
	_ =	sdelay $0x1  }
0x319: {  	v11 =	vshrl.u32 v8, $0xE;
	v8 =	vshrl.u32 v8, $0xD  }
0x31a: {  	v11 =	vand.u32 $0x7F, v11;
	v8 =	vand.u32 $0x7F00, v8  }
0x31b: {  	v8 =	vor.u32 v11, v8;
	v9 =	vld.idx.msk [tilespmem:v9+s1+$0x0], $0xffff  }
0x31c: {  	v11 =	vor.u32 $0x80, v8;
	v10 =	vld.idx.msk [tilespmem:v10+s1+$0x0], $0xffff;
	_ =	sdelay $0x3  }
0x31d: {  	[tilespmem:v8+s15+$0x0] =	vst.idx.msk $0xffff, v9  }
0x31e: {  	[tilespmem:v11+s15+$0x0] =	vst.idx.msk $0xffff, v10  }
.LBB2_37:
0x31f: {  	_ =	swait.ge [sflag:s16], $0x4000  }
0x320: {  	[sflag:s16] =	ssyncset.done $0x0  }
0x321: {  	v8 =	vsel vm5, $0xFFFFFFFF, v0;
	[sflag:s16] =	ssyncadd.s32 $0xFFFFC000  }
0x322: {  	v9 =	vand.u32 v8, v7;
	_ =	swait.ge [sflag:s16], $0x4000  }
0x323: {  	v8 =	vand.u32 v8, v6;
	(xrf0) =	vadd.scan.msk.s32 $0xffff, v9  }
0x324: {  	(xrf0) =	vadd.scan.msk.s32 $0xffff, v8;
	_ =	sdelay $0x4  }
0x325: {  	v8, _, _ =	vpop (xrf0)  }
0x326: {  	(v2sf) =	vpush v8, $0xF;
	v9, _, _ =	vpop (xrf0)  }
0x327: {  	(v2sf) =	vpush v9, $0xF;
	_ =	sdelay $0x8  }
0x328: {  	[sflag:s16] =	ssyncset.done $0x0  }
0x329: {  	s18 =	rddreg [dreg:$0x18];
	[sflag:s16] =	ssyncadd.s32 $0xFFFFC000  }
0x32a: {  	[tilespmem:s1], [sflag:$0x2] =	stream.strided.gather [hbm4b:s18+s8], $0x4000, s9, s8, $0x38;
	[tilespmem:$0x1C080] =	vst v63  }
0x32b: {  	s21 =	rddreg [dreg:$0x19]  }
0x32c: {  	[tilespmem:s10], [sflag:$0x2] =	stream.strided.gather [hbm4b:s21+s8], $0x4000, s9, s8, $0x38;
	[tilespmem:$0x1C080] =	vst v63  }
0x32d: {  	s19 =	spop (v2sf)  }
0x32e: {  	s22 =	spop (v2sf)  }
0x32f: {  	s20 =	sadd.s32 $0xF, s22  }
0x330: {  	s18 =	sshrl.u32 s19, $0x4;
	s21 =	sshrl.u32 s20, $0x4  }
0x331: {  	p1 =	sle.u32 s21, s18  }
0x332: {  	s19 =	sand.u32 @!p1 $0xFFFFFFF0, s19  }
0x333: {  	v10 =	vld @!p1 [tilespmem:s19+$0x18000];
	_ =	sdelay $0x4  }
0x334: {  	v11 =	vshll.u32 @!p1 v10, $0x1  }
0x335: {  	v12 =	vand.u32 @!p1 $0x7F, v10;
	v11 =	vand.u32 @!p1 $0x7F00, v11  }
0x336: {  	v13 =	vbroadcast @!p1 v8, $0xF;
	v11 =	vor.u32 @!p1 v12, v11;
	v12 =	vlaneseq.u32 @!p1  }
0x337: {  	v15 =	vbroadcast @!p1 v9, $0xF;
	v14 =	vor.u32 @!p1 $0x80, v11;
	v12 =	vor.u32 @!p1 s19, v12  }
0x338: {  	vm11 =	vge.s32 @!p1 v12, v13  }
0x339: {  	v13 =	vshrl.u32 @!p1 v10, $0xE;
	vm12 =	vlt.s32 @!p1 v12, v15;
	v10 =	vshrl.u32 @!p1 v10, $0xD  }
0x33a: {  	s19 =	simm.s32 @!p1 $0x8000;
	vm11 =	vmand @!p1 vm11, vm12;
	v12 =	vand.u32 @!p1 $0x7F, v13;
	v10 =	vand.u32 @!p1 $0x7F00, v10  }
0x33b: {  	v10 =	vor.u32 @!p1 v12, v10;
	v11 =	vld.idx.msk @!p1 [tilespmem:v11+s19+$0x0], $0xffff  }
0x33c: {  	v13 =	vor.u32 @!p1 $0x80, v10;
	v12 =	vld.idx.msk @!p1 [tilespmem:v14+s19+$0x0], $0xffff;
	_ =	sdelay $0x2  }
0x33d: {  	s22 =	sadd.s32 $0x1, s18;
	s19 =	simm.s32 @!p1 $0x10000  }
0x33e: {  	p0 =	sle.u32 s21, s22;
	[tilespmem:v10+s19+$0x0] =	vst.idx.msk @!p1 vm11, v11  }
0x33f: {  	[tilespmem:v13+s19+$0x0] =	vst.idx.msk @!p1 vm11, v12;
	s19 =	sand.u32 @!p0 $0xFFFFFFF0, s20  }
0x340: {  	v10 =	vld @!p0 [tilespmem:s19+$0x17FF0];
	_ =	sdelay $0x4  }
0x341: {  	v11 =	vshll.u32 @!p0 v10, $0x1  }
0x342: {  	v12 =	vand.u32 @!p0 $0x7F, v10;
	v11 =	vand.u32 @!p0 $0x7F00, v11  }
0x343: {  	v11 =	vor.u32 @!p0 v12, v11  }
0x344: {  	v8 =	vbroadcast @!p0 v8, $0xF;
	v13 =	vlaneseq.u32 @!p0;
	s19 =	sadd.s32 @!p0 $0xFFFFFFF0, s19;
	v12 =	vor.u32 @!p0 $0x80, v11  }
0x345: {  	v9 =	vbroadcast @!p0 v9, $0xF;
	v13 =	vor.u32 @!p0 s19, v13  }
0x346: {  	vm11 =	vge.s32 @!p0 v13, v8  }
0x347: {  	s19 =	simm.s32 @!p0 $0x8000;
	vm12 =	vlt.s32 @!p0 v13, v9;
	v14 =	vshrl.u32 @!p0 v10, $0xE;
	v8 =	vshrl.u32 @!p0 v10, $0xD  }
0x348: {  	vm11 =	vmand @!p0 vm11, vm12;
	v9 =	vand.u32 @!p0 $0x7F, v14;
	v8 =	vand.u32 @!p0 $0x7F00, v8;
	v10 =	vld.idx.msk @!p0 [tilespmem:v11+s19+$0x0], $0xffff  }
0x349: {  	v8 =	vor.u32 @!p0 v9, v8;
	v9 =	vld.idx.msk @!p0 [tilespmem:v12+s19+$0x0], $0xffff;
	s19 =	ssub.s32 s21, s18  }
0x34a: {  	v11 =	vor.u32 @!p0 $0x80, v8;
	p1 =	slt.s32 s19, $0x3  }
.Ltmp27:
0x34b: {  	_ = 	snop;
	(pc) =	sbr.rel @p1 .LBB2_41-.Ltmp27, $4  }
0x34c: {  	_ = 	snop  }
0x34d: {  	s20 =	simm.s32 @!p0 $0x10000  }
0x34e: {  	[tilespmem:v8+s20+$0x0] =	vst.idx.msk @!p0 vm11, v10  }
0x34f: {  	[tilespmem:v11+s20+$0x0] =	vst.idx.msk @!p0 vm11, v9  }
0x350: {  	s19 =	sadd.s32 $0xFFFFFFFE, s19  }
0x351: {  	p0 =	sne.s32 s19, $0x1  }
.Ltmp28:
0x352: {  	_ = 	snop;
	(pc) =	sbr.rel @!p0 .LBB2_40-.Ltmp28, $4  }
0x353: {  	s18 =	sshll.u32 s18, $0x6  }
0x354: {  	s18 =	sshra.s32 s18, $0x2  }
0x355: {  	s18 =	sadd.s32 $0x18010, s18  }
0x356: {  	s19 =	sadd.s32 $0xFFFFFFFF, s19;
	v8 =	vld [tilespmem:s18+$0x0]  }
.LBB2_39:
0x357: {  	p0 =	sne.s32 s19, $0x1;
	_ =	sdelay $0x3  }
0x358: {  	v9 =	vshll.u32 v8, $0x1  }
0x359: {  	v10 =	vand.u32 $0x7F, v8;
	v9 =	vand.u32 $0x7F00, v9  }
0x35a: {  	v9 =	vor.u32 v10, v9  }
0x35b: {  	v10 =	vor.u32 $0x80, v9;
	_ =	sdelay $0x2  }
0x35c: {  	v11 =	vshrl.u32 v8, $0xE;
	v8 =	vshrl.u32 v8, $0xD  }
0x35d: {  	v11 =	vand.u32 $0x7F, v11;
	v8 =	vand.u32 $0x7F00, v8;
	v9 =	vld.idx.msk [tilespmem:v9+s13+$0x0], $0xffff  }
0x35e: {  	v8 =	vor.u32 v11, v8;
	v10 =	vld.idx.msk [tilespmem:v10+s13+$0x0], $0xffff  }
0x35f: {  	v11 =	vor.u32 $0x80, v8;
	_ =	sdelay $0x1  }
.Ltmp29:
0x360: {  	(pc) =	sbr.rel @p0 .LBB2_39-.Ltmp29, $4  }
0x361: {  	_ = 	snop  }
0x362: {  	[tilespmem:v8+s15+$0x0] =	vst.idx.msk $0xffff, v9  }
0x363: {  	s18 =	sadd.s32 $0x10, s18;
	[tilespmem:v11+s15+$0x0] =	vst.idx.msk $0xffff, v10  }
0x364: {  	s19 =	sadd.s32 $0xFFFFFFFF, s19;
	v8 =	vld [tilespmem:s18+$0x0]  }
.LBB2_40:
0x365: {  	_ =	sdelay $0x3  }
0x366: {  	v9 =	vshll.u32 v8, $0x1  }
0x367: {  	v10 =	vand.u32 $0x7F, v8;
	v9 =	vand.u32 $0x7F00, v9  }
0x368: {  	v9 =	vor.u32 v10, v9  }
0x369: {  	v10 =	vor.u32 $0x80, v9;
	_ =	sdelay $0x1  }
0x36a: {  	v11 =	vshrl.u32 v8, $0xE;
	v8 =	vshrl.u32 v8, $0xD  }
0x36b: {  	v11 =	vand.u32 $0x7F, v11;
	v8 =	vand.u32 $0x7F00, v8  }
0x36c: {  	v8 =	vor.u32 v11, v8;
	v9 =	vld.idx.msk [tilespmem:v9+s13+$0x0], $0xffff  }
0x36d: {  	v11 =	vor.u32 $0x80, v8;
	v10 =	vld.idx.msk [tilespmem:v10+s13+$0x0], $0xffff;
	_ =	sdelay $0x3  }
0x36e: {  	[tilespmem:v8+s15+$0x0] =	vst.idx.msk $0xffff, v9  }
0x36f: {  	[tilespmem:v11+s15+$0x0] =	vst.idx.msk $0xffff, v10  }
.LBB2_41:
0x370: {  	_ =	swait.ge [sflag:s12], $0x4000  }
0x371: {  	[sflag:s12] =	ssyncset.done $0x0  }
0x372: {  	v8 =	vsel vm6, $0xFFFFFFFF, v0;
	[sflag:s12] =	ssyncadd.s32 $0xFFFFC000  }
0x373: {  	v9 =	vand.u32 v8, v7;
	_ =	swait.ge [sflag:s12], $0x4000  }
0x374: {  	v8 =	vand.u32 v8, v6;
	(xrf0) =	vadd.scan.msk.s32 $0xffff, v9  }
0x375: {  	(xrf0) =	vadd.scan.msk.s32 $0xffff, v8;
	_ =	sdelay $0x4  }
0x376: {  	v8, _, _ =	vpop (xrf0)  }
0x377: {  	(v2sf) =	vpush v8, $0xF;
	v9, _, _ =	vpop (xrf0)  }
0x378: {  	(v2sf) =	vpush v9, $0xF;
	_ =	sdelay $0x8  }
0x379: {  	[sflag:s12] =	ssyncset.done $0x0  }
0x37a: {  	[sflag:s12] =	ssyncadd.s32 $0xFFFFC000  }
0x37b: {  	[tilespmem:s13], [sflag:$0x3] =	stream.strided.gather [hbm4b:s23+s8], $0x4000, s9, s8, $0x38;
	[tilespmem:$0x1C080] =	vst v63  }
0x37c: {  	_ = 	snop  }
0x37d: {  	[tilespmem:s14], [sflag:$0x3] =	stream.strided.gather [hbm4b:s24+s8], $0x4000, s9, s8, $0x38;
	[tilespmem:$0x1C080] =	vst v63  }
0x37e: {  	s19 =	spop (v2sf)  }
0x37f: {  	s18 =	spop (v2sf)  }
0x380: {  	s20 =	sadd.s32 $0xF, s18  }
0x381: {  	s18 =	sshrl.u32 s19, $0x4;
	s21 =	sshrl.u32 s20, $0x4  }
0x382: {  	p1 =	sle.u32 s21, s18  }
0x383: {  	s19 =	sand.u32 @!p1 $0xFFFFFFF0, s19  }
0x384: {  	v10 =	vld @!p1 [tilespmem:s19+$0x18000];
	_ =	sdelay $0x4  }
0x385: {  	v11 =	vshll.u32 @!p1 v10, $0x1  }
0x386: {  	v12 =	vand.u32 @!p1 $0x7F, v10;
	v11 =	vand.u32 @!p1 $0x7F00, v11  }
0x387: {  	v13 =	vbroadcast @!p1 v8, $0xF;
	v11 =	vor.u32 @!p1 v12, v11;
	v12 =	vlaneseq.u32 @!p1  }
0x388: {  	v15 =	vbroadcast @!p1 v9, $0xF;
	v14 =	vor.u32 @!p1 $0x80, v11;
	v12 =	vor.u32 @!p1 s19, v12  }
0x389: {  	vm11 =	vge.s32 @!p1 v12, v13  }
0x38a: {  	v13 =	vshrl.u32 @!p1 v10, $0xE;
	vm12 =	vlt.s32 @!p1 v12, v15;
	v10 =	vshrl.u32 @!p1 v10, $0xD  }
0x38b: {  	s19 =	simm.s32 @!p1 $0x0;
	vm11 =	vmand @!p1 vm11, vm12;
	v12 =	vand.u32 @!p1 $0x7F, v13;
	v10 =	vand.u32 @!p1 $0x7F00, v10  }
0x38c: {  	v10 =	vor.u32 @!p1 v12, v10;
	v11 =	vld.idx.msk @!p1 [tilespmem:v11+s19+$0x0], $0xffff  }
0x38d: {  	v13 =	vor.u32 @!p1 $0x80, v10;
	v12 =	vld.idx.msk @!p1 [tilespmem:v14+s19+$0x0], $0xffff;
	_ =	sdelay $0x2  }
0x38e: {  	s22 =	sadd.s32 $0x1, s18;
	s19 =	simm.s32 @!p1 $0x10000  }
0x38f: {  	p0 =	sle.u32 s21, s22;
	[tilespmem:v10+s19+$0x0] =	vst.idx.msk @!p1 vm11, v11  }
0x390: {  	[tilespmem:v13+s19+$0x0] =	vst.idx.msk @!p1 vm11, v12;
	s19 =	sand.u32 @!p0 $0xFFFFFFF0, s20  }
0x391: {  	v10 =	vld @!p0 [tilespmem:s19+$0x17FF0];
	_ =	sdelay $0x4  }
0x392: {  	v11 =	vshll.u32 @!p0 v10, $0x1  }
0x393: {  	v12 =	vand.u32 @!p0 $0x7F, v10;
	v11 =	vand.u32 @!p0 $0x7F00, v11  }
0x394: {  	v11 =	vor.u32 @!p0 v12, v11  }
0x395: {  	v8 =	vbroadcast @!p0 v8, $0xF;
	v13 =	vlaneseq.u32 @!p0;
	s19 =	sadd.s32 @!p0 $0xFFFFFFF0, s19;
	v12 =	vor.u32 @!p0 $0x80, v11  }
0x396: {  	v9 =	vbroadcast @!p0 v9, $0xF;
	v13 =	vor.u32 @!p0 s19, v13  }
0x397: {  	vm11 =	vge.s32 @!p0 v13, v8  }
0x398: {  	s19 =	simm.s32 @!p0 $0x0;
	vm12 =	vlt.s32 @!p0 v13, v9;
	v14 =	vshrl.u32 @!p0 v10, $0xE;
	v8 =	vshrl.u32 @!p0 v10, $0xD  }
0x399: {  	vm11 =	vmand @!p0 vm11, vm12;
	v9 =	vand.u32 @!p0 $0x7F, v14;
	v8 =	vand.u32 @!p0 $0x7F00, v8;
	v10 =	vld.idx.msk @!p0 [tilespmem:v11+s19+$0x0], $0xffff  }
0x39a: {  	v8 =	vor.u32 @!p0 v9, v8;
	v9 =	vld.idx.msk @!p0 [tilespmem:v12+s19+$0x0], $0xffff;
	s19 =	ssub.s32 s21, s18  }
0x39b: {  	v11 =	vor.u32 @!p0 $0x80, v8;
	p1 =	slt.s32 s19, $0x3  }
.Ltmp30:
0x39c: {  	_ = 	snop;
	(pc) =	sbr.rel @p1 .LBB2_45-.Ltmp30, $4  }
0x39d: {  	_ = 	snop  }
0x39e: {  	s20 =	simm.s32 @!p0 $0x10000  }
0x39f: {  	[tilespmem:v8+s20+$0x0] =	vst.idx.msk @!p0 vm11, v10  }
0x3a0: {  	[tilespmem:v11+s20+$0x0] =	vst.idx.msk @!p0 vm11, v9  }
0x3a1: {  	s19 =	sadd.s32 $0xFFFFFFFE, s19  }
0x3a2: {  	p0 =	sne.s32 s19, $0x1  }
.Ltmp31:
0x3a3: {  	_ = 	snop;
	(pc) =	sbr.rel @!p0 .LBB2_44-.Ltmp31, $4  }
0x3a4: {  	s18 =	sshll.u32 s18, $0x6  }
0x3a5: {  	s18 =	sshra.s32 s18, $0x2  }
0x3a6: {  	s18 =	sadd.s32 $0x18010, s18  }
0x3a7: {  	s19 =	sadd.s32 $0xFFFFFFFF, s19;
	v8 =	vld [tilespmem:s18+$0x0]  }
.LBB2_43:
0x3a8: {  	p0 =	sne.s32 s19, $0x1;
	_ =	sdelay $0x3  }
0x3a9: {  	v9 =	vshll.u32 v8, $0x1  }
0x3aa: {  	v10 =	vand.u32 $0x7F, v8;
	v9 =	vand.u32 $0x7F00, v9  }
0x3ab: {  	v9 =	vor.u32 v10, v9  }
0x3ac: {  	v10 =	vor.u32 $0x80, v9;
	_ =	sdelay $0x2  }
0x3ad: {  	v11 =	vshrl.u32 v8, $0xE;
	v8 =	vshrl.u32 v8, $0xD  }
0x3ae: {  	v11 =	vand.u32 $0x7F, v11;
	v8 =	vand.u32 $0x7F00, v8;
	v9 =	vld.idx.msk [tilespmem:v9+s1+$0x0], $0xffff  }
0x3af: {  	v8 =	vor.u32 v11, v8;
	v10 =	vld.idx.msk [tilespmem:v10+s1+$0x0], $0xffff  }
0x3b0: {  	v11 =	vor.u32 $0x80, v8;
	_ =	sdelay $0x1  }
.Ltmp32:
0x3b1: {  	(pc) =	sbr.rel @p0 .LBB2_43-.Ltmp32, $4  }
0x3b2: {  	_ = 	snop  }
0x3b3: {  	[tilespmem:v8+s15+$0x0] =	vst.idx.msk $0xffff, v9  }
0x3b4: {  	s18 =	sadd.s32 $0x10, s18;
	[tilespmem:v11+s15+$0x0] =	vst.idx.msk $0xffff, v10  }
0x3b5: {  	s19 =	sadd.s32 $0xFFFFFFFF, s19;
	v8 =	vld [tilespmem:s18+$0x0]  }
.LBB2_44:
0x3b6: {  	_ =	sdelay $0x3  }
0x3b7: {  	v9 =	vshll.u32 v8, $0x1  }
0x3b8: {  	v10 =	vand.u32 $0x7F, v8;
	v9 =	vand.u32 $0x7F00, v9  }
0x3b9: {  	v9 =	vor.u32 v10, v9  }
0x3ba: {  	v10 =	vor.u32 $0x80, v9;
	_ =	sdelay $0x1  }
0x3bb: {  	v11 =	vshrl.u32 v8, $0xE;
	v8 =	vshrl.u32 v8, $0xD  }
0x3bc: {  	v11 =	vand.u32 $0x7F, v11;
	v8 =	vand.u32 $0x7F00, v8  }
0x3bd: {  	v8 =	vor.u32 v11, v8;
	v9 =	vld.idx.msk [tilespmem:v9+s1+$0x0], $0xffff  }
0x3be: {  	v11 =	vor.u32 $0x80, v8;
	v10 =	vld.idx.msk [tilespmem:v10+s1+$0x0], $0xffff;
	_ =	sdelay $0x3  }
0x3bf: {  	[tilespmem:v8+s15+$0x0] =	vst.idx.msk $0xffff, v9  }
0x3c0: {  	[tilespmem:v11+s15+$0x0] =	vst.idx.msk $0xffff, v10  }
.LBB2_45:
0x3c1: {  	_ =	swait.ge [sflag:s16], $0x4000  }
0x3c2: {  	[sflag:s16] =	ssyncset.done $0x0  }
0x3c3: {  	v8 =	vsel vm7, $0xFFFFFFFF, v0;
	[sflag:s16] =	ssyncadd.s32 $0xFFFFC000  }
0x3c4: {  	v9 =	vand.u32 v8, v7;
	_ =	swait.ge [sflag:s16], $0x4000  }
0x3c5: {  	v8 =	vand.u32 v8, v6;
	(xrf0) =	vadd.scan.msk.s32 $0xffff, v9  }
0x3c6: {  	(xrf0) =	vadd.scan.msk.s32 $0xffff, v8;
	_ =	sdelay $0x4  }
0x3c7: {  	v8, _, _ =	vpop (xrf0)  }
0x3c8: {  	(v2sf) =	vpush v8, $0xF;
	v9, _, _ =	vpop (xrf0)  }
0x3c9: {  	(v2sf) =	vpush v9, $0xF;
	_ =	sdelay $0x8  }
0x3ca: {  	[sflag:s16] =	ssyncset.done $0x0  }
0x3cb: {  	[sflag:s16] =	ssyncadd.s32 $0xFFFFC000  }
0x3cc: {  	[tilespmem:s1], [sflag:$0x2] =	stream.strided.gather [hbm4b:s25+s8], $0x4000, s9, s8, $0x38;
	[tilespmem:$0x1C080] =	vst v63  }
0x3cd: {  	_ = 	snop  }
0x3ce: {  	[tilespmem:s10], [sflag:$0x2] =	stream.strided.gather [hbm4b:s26+s8], $0x4000, s9, s8, $0x38;
	[tilespmem:$0x1C080] =	vst v63  }
0x3cf: {  	s19 =	spop (v2sf)  }
0x3d0: {  	s18 =	spop (v2sf)  }
0x3d1: {  	s20 =	sadd.s32 $0xF, s18  }
0x3d2: {  	s18 =	sshrl.u32 s19, $0x4;
	s21 =	sshrl.u32 s20, $0x4  }
0x3d3: {  	p1 =	sle.u32 s21, s18  }
0x3d4: {  	s19 =	sand.u32 @!p1 $0xFFFFFFF0, s19  }
0x3d5: {  	v10 =	vld @!p1 [tilespmem:s19+$0x18000];
	_ =	sdelay $0x4  }
0x3d6: {  	v11 =	vshll.u32 @!p1 v10, $0x1  }
0x3d7: {  	v12 =	vand.u32 @!p1 $0x7F, v10;
	v11 =	vand.u32 @!p1 $0x7F00, v11  }
0x3d8: {  	v13 =	vbroadcast @!p1 v8, $0xF;
	v11 =	vor.u32 @!p1 v12, v11;
	v12 =	vlaneseq.u32 @!p1  }
0x3d9: {  	v15 =	vbroadcast @!p1 v9, $0xF;
	v14 =	vor.u32 @!p1 $0x80, v11;
	v12 =	vor.u32 @!p1 s19, v12  }
0x3da: {  	vm11 =	vge.s32 @!p1 v12, v13  }
0x3db: {  	v13 =	vshrl.u32 @!p1 v10, $0xE;
	vm12 =	vlt.s32 @!p1 v12, v15;
	v10 =	vshrl.u32 @!p1 v10, $0xD  }
0x3dc: {  	s19 =	simm.s32 @!p1 $0x8000;
	vm11 =	vmand @!p1 vm11, vm12;
	v12 =	vand.u32 @!p1 $0x7F, v13;
	v10 =	vand.u32 @!p1 $0x7F00, v10  }
0x3dd: {  	v10 =	vor.u32 @!p1 v12, v10;
	v11 =	vld.idx.msk @!p1 [tilespmem:v11+s19+$0x0], $0xffff  }
0x3de: {  	v13 =	vor.u32 @!p1 $0x80, v10;
	v12 =	vld.idx.msk @!p1 [tilespmem:v14+s19+$0x0], $0xffff;
	_ =	sdelay $0x2  }
0x3df: {  	s22 =	sadd.s32 $0x1, s18;
	s19 =	simm.s32 @!p1 $0x10000  }
0x3e0: {  	p0 =	sle.u32 s21, s22;
	[tilespmem:v10+s19+$0x0] =	vst.idx.msk @!p1 vm11, v11  }
0x3e1: {  	[tilespmem:v13+s19+$0x0] =	vst.idx.msk @!p1 vm11, v12;
	s19 =	sand.u32 @!p0 $0xFFFFFFF0, s20  }
0x3e2: {  	v10 =	vld @!p0 [tilespmem:s19+$0x17FF0];
	_ =	sdelay $0x4  }
0x3e3: {  	v11 =	vshll.u32 @!p0 v10, $0x1  }
0x3e4: {  	v12 =	vand.u32 @!p0 $0x7F, v10;
	v11 =	vand.u32 @!p0 $0x7F00, v11  }
0x3e5: {  	v11 =	vor.u32 @!p0 v12, v11  }
0x3e6: {  	v8 =	vbroadcast @!p0 v8, $0xF;
	v13 =	vlaneseq.u32 @!p0;
	s19 =	sadd.s32 @!p0 $0xFFFFFFF0, s19;
	v12 =	vor.u32 @!p0 $0x80, v11  }
0x3e7: {  	v9 =	vbroadcast @!p0 v9, $0xF;
	v13 =	vor.u32 @!p0 s19, v13  }
0x3e8: {  	vm11 =	vge.s32 @!p0 v13, v8  }
0x3e9: {  	s19 =	simm.s32 @!p0 $0x8000;
	vm12 =	vlt.s32 @!p0 v13, v9;
	v14 =	vshrl.u32 @!p0 v10, $0xE;
	v8 =	vshrl.u32 @!p0 v10, $0xD  }
0x3ea: {  	vm11 =	vmand @!p0 vm11, vm12;
	v9 =	vand.u32 @!p0 $0x7F, v14;
	v8 =	vand.u32 @!p0 $0x7F00, v8;
	v10 =	vld.idx.msk @!p0 [tilespmem:v11+s19+$0x0], $0xffff  }
0x3eb: {  	v8 =	vor.u32 @!p0 v9, v8;
	v9 =	vld.idx.msk @!p0 [tilespmem:v12+s19+$0x0], $0xffff;
	s19 =	ssub.s32 s21, s18  }
0x3ec: {  	v11 =	vor.u32 @!p0 $0x80, v8;
	p1 =	slt.s32 s19, $0x3  }
.Ltmp33:
0x3ed: {  	_ = 	snop;
	(pc) =	sbr.rel @p1 .LBB2_49-.Ltmp33, $4  }
0x3ee: {  	_ = 	snop  }
0x3ef: {  	s20 =	simm.s32 @!p0 $0x10000  }
0x3f0: {  	[tilespmem:v8+s20+$0x0] =	vst.idx.msk @!p0 vm11, v10  }
0x3f1: {  	[tilespmem:v11+s20+$0x0] =	vst.idx.msk @!p0 vm11, v9  }
0x3f2: {  	s19 =	sadd.s32 $0xFFFFFFFE, s19  }
0x3f3: {  	p0 =	sne.s32 s19, $0x1  }
.Ltmp34:
0x3f4: {  	_ = 	snop;
	(pc) =	sbr.rel @!p0 .LBB2_48-.Ltmp34, $4  }
0x3f5: {  	s18 =	sshll.u32 s18, $0x6  }
0x3f6: {  	s18 =	sshra.s32 s18, $0x2  }
0x3f7: {  	s18 =	sadd.s32 $0x18010, s18  }
0x3f8: {  	s19 =	sadd.s32 $0xFFFFFFFF, s19;
	v8 =	vld [tilespmem:s18+$0x0]  }
.LBB2_47:
0x3f9: {  	p0 =	sne.s32 s19, $0x1;
	_ =	sdelay $0x3  }
0x3fa: {  	v9 =	vshll.u32 v8, $0x1  }
0x3fb: {  	v10 =	vand.u32 $0x7F, v8;
	v9 =	vand.u32 $0x7F00, v9  }
0x3fc: {  	v9 =	vor.u32 v10, v9  }
0x3fd: {  	v10 =	vor.u32 $0x80, v9;
	_ =	sdelay $0x2  }
0x3fe: {  	v11 =	vshrl.u32 v8, $0xE;
	v8 =	vshrl.u32 v8, $0xD  }
0x3ff: {  	v11 =	vand.u32 $0x7F, v11;
	v8 =	vand.u32 $0x7F00, v8;
	v9 =	vld.idx.msk [tilespmem:v9+s13+$0x0], $0xffff  }
0x400: {  	v8 =	vor.u32 v11, v8;
	v10 =	vld.idx.msk [tilespmem:v10+s13+$0x0], $0xffff  }
0x401: {  	v11 =	vor.u32 $0x80, v8;
	_ =	sdelay $0x1  }
.Ltmp35:
0x402: {  	(pc) =	sbr.rel @p0 .LBB2_47-.Ltmp35, $4  }
0x403: {  	_ = 	snop  }
0x404: {  	[tilespmem:v8+s15+$0x0] =	vst.idx.msk $0xffff, v9  }
0x405: {  	s18 =	sadd.s32 $0x10, s18;
	[tilespmem:v11+s15+$0x0] =	vst.idx.msk $0xffff, v10  }
0x406: {  	s19 =	sadd.s32 $0xFFFFFFFF, s19;
	v8 =	vld [tilespmem:s18+$0x0]  }
.LBB2_48:
0x407: {  	_ =	sdelay $0x3  }
0x408: {  	v9 =	vshll.u32 v8, $0x1  }
0x409: {  	v10 =	vand.u32 $0x7F, v8;
	v9 =	vand.u32 $0x7F00, v9  }
0x40a: {  	v9 =	vor.u32 v10, v9  }
0x40b: {  	v10 =	vor.u32 $0x80, v9;
	_ =	sdelay $0x1  }
0x40c: {  	v11 =	vshrl.u32 v8, $0xE;
	v8 =	vshrl.u32 v8, $0xD  }
0x40d: {  	v11 =	vand.u32 $0x7F, v11;
	v8 =	vand.u32 $0x7F00, v8  }
0x40e: {  	v8 =	vor.u32 v11, v8;
	v9 =	vld.idx.msk [tilespmem:v9+s13+$0x0], $0xffff  }
0x40f: {  	v11 =	vor.u32 $0x80, v8;
	v10 =	vld.idx.msk [tilespmem:v10+s13+$0x0], $0xffff;
	_ =	sdelay $0x3  }
0x410: {  	[tilespmem:v8+s15+$0x0] =	vst.idx.msk $0xffff, v9  }
0x411: {  	[tilespmem:v11+s15+$0x0] =	vst.idx.msk $0xffff, v10  }
.LBB2_49:
0x412: {  	_ =	swait.ge [sflag:s12], $0x4000  }
0x413: {  	[sflag:s12] =	ssyncset.done $0x0  }
0x414: {  	v8 =	vsel vm8, $0xFFFFFFFF, v0;
	[sflag:s12] =	ssyncadd.s32 $0xFFFFC000  }
0x415: {  	v9 =	vand.u32 v8, v7;
	_ =	swait.ge [sflag:s12], $0x4000  }
0x416: {  	v8 =	vand.u32 v8, v6;
	(xrf0) =	vadd.scan.msk.s32 $0xffff, v9  }
0x417: {  	(xrf0) =	vadd.scan.msk.s32 $0xffff, v8;
	_ =	sdelay $0x4  }
0x418: {  	v8, _, _ =	vpop (xrf0)  }
0x419: {  	(v2sf) =	vpush v8, $0xF;
	v9, _, _ =	vpop (xrf0)  }
0x41a: {  	(v2sf) =	vpush v9, $0xF;
	_ =	sdelay $0x8  }
0x41b: {  	[sflag:s12] =	ssyncset.done $0x0  }
0x41c: {  	[sflag:s12] =	ssyncadd.s32 $0xFFFFC000  }
0x41d: {  	[tilespmem:s13], [sflag:$0x3] =	stream.strided.gather [hbm4b:s28+s8], $0x4000, s9, s8, $0x38;
	[tilespmem:$0x1C080] =	vst v63  }
0x41e: {  	_ = 	snop  }
0x41f: {  	[tilespmem:s14], [sflag:$0x3] =	stream.strided.gather [hbm4b:s29+s8], $0x4000, s9, s8, $0x38;
	[tilespmem:$0x1C080] =	vst v63  }
0x420: {  	s19 =	spop (v2sf)  }
0x421: {  	s18 =	spop (v2sf)  }
0x422: {  	s20 =	sadd.s32 $0xF, s18  }
0x423: {  	s18 =	sshrl.u32 s19, $0x4;
	s21 =	sshrl.u32 s20, $0x4  }
0x424: {  	p1 =	sle.u32 s21, s18  }
0x425: {  	s19 =	sand.u32 @!p1 $0xFFFFFFF0, s19  }
0x426: {  	v10 =	vld @!p1 [tilespmem:s19+$0x18000];
	_ =	sdelay $0x4  }
0x427: {  	v11 =	vshll.u32 @!p1 v10, $0x1  }
0x428: {  	v12 =	vand.u32 @!p1 $0x7F, v10;
	v11 =	vand.u32 @!p1 $0x7F00, v11  }
0x429: {  	v13 =	vbroadcast @!p1 v8, $0xF;
	v11 =	vor.u32 @!p1 v12, v11;
	v12 =	vlaneseq.u32 @!p1  }
0x42a: {  	v15 =	vbroadcast @!p1 v9, $0xF;
	v14 =	vor.u32 @!p1 $0x80, v11;
	v12 =	vor.u32 @!p1 s19, v12  }
0x42b: {  	vm11 =	vge.s32 @!p1 v12, v13  }
0x42c: {  	v13 =	vshrl.u32 @!p1 v10, $0xE;
	vm12 =	vlt.s32 @!p1 v12, v15;
	v10 =	vshrl.u32 @!p1 v10, $0xD  }
0x42d: {  	s19 =	simm.s32 @!p1 $0x0;
	vm11 =	vmand @!p1 vm11, vm12;
	v12 =	vand.u32 @!p1 $0x7F, v13;
	v10 =	vand.u32 @!p1 $0x7F00, v10  }
0x42e: {  	v10 =	vor.u32 @!p1 v12, v10;
	v11 =	vld.idx.msk @!p1 [tilespmem:v11+s19+$0x0], $0xffff  }
0x42f: {  	v13 =	vor.u32 @!p1 $0x80, v10;
	v12 =	vld.idx.msk @!p1 [tilespmem:v14+s19+$0x0], $0xffff;
	_ =	sdelay $0x2  }
0x430: {  	s22 =	sadd.s32 $0x1, s18;
	s19 =	simm.s32 @!p1 $0x10000  }
0x431: {  	p0 =	sle.u32 s21, s22;
	[tilespmem:v10+s19+$0x0] =	vst.idx.msk @!p1 vm11, v11  }
0x432: {  	[tilespmem:v13+s19+$0x0] =	vst.idx.msk @!p1 vm11, v12;
	s19 =	sand.u32 @!p0 $0xFFFFFFF0, s20  }
0x433: {  	v10 =	vld @!p0 [tilespmem:s19+$0x17FF0];
	_ =	sdelay $0x4  }
0x434: {  	v11 =	vshll.u32 @!p0 v10, $0x1  }
0x435: {  	v12 =	vand.u32 @!p0 $0x7F, v10;
	v11 =	vand.u32 @!p0 $0x7F00, v11  }
0x436: {  	v11 =	vor.u32 @!p0 v12, v11  }
0x437: {  	v8 =	vbroadcast @!p0 v8, $0xF;
	v13 =	vlaneseq.u32 @!p0;
	s19 =	sadd.s32 @!p0 $0xFFFFFFF0, s19;
	v12 =	vor.u32 @!p0 $0x80, v11  }
0x438: {  	v9 =	vbroadcast @!p0 v9, $0xF;
	v13 =	vor.u32 @!p0 s19, v13  }
0x439: {  	vm11 =	vge.s32 @!p0 v13, v8  }
0x43a: {  	s19 =	simm.s32 @!p0 $0x0;
	vm12 =	vlt.s32 @!p0 v13, v9;
	v14 =	vshrl.u32 @!p0 v10, $0xE;
	v8 =	vshrl.u32 @!p0 v10, $0xD  }
0x43b: {  	vm11 =	vmand @!p0 vm11, vm12;
	v9 =	vand.u32 @!p0 $0x7F, v14;
	v8 =	vand.u32 @!p0 $0x7F00, v8;
	v10 =	vld.idx.msk @!p0 [tilespmem:v11+s19+$0x0], $0xffff  }
0x43c: {  	v8 =	vor.u32 @!p0 v9, v8;
	v9 =	vld.idx.msk @!p0 [tilespmem:v12+s19+$0x0], $0xffff;
	s19 =	ssub.s32 s21, s18  }
0x43d: {  	v11 =	vor.u32 @!p0 $0x80, v8;
	p1 =	slt.s32 s19, $0x3  }
.Ltmp36:
0x43e: {  	_ = 	snop;
	(pc) =	sbr.rel @p1 .LBB2_53-.Ltmp36, $4  }
0x43f: {  	_ = 	snop  }
0x440: {  	s20 =	simm.s32 @!p0 $0x10000  }
0x441: {  	[tilespmem:v8+s20+$0x0] =	vst.idx.msk @!p0 vm11, v10  }
0x442: {  	[tilespmem:v11+s20+$0x0] =	vst.idx.msk @!p0 vm11, v9  }
0x443: {  	s19 =	sadd.s32 $0xFFFFFFFE, s19  }
0x444: {  	p0 =	sne.s32 s19, $0x1  }
.Ltmp37:
0x445: {  	_ = 	snop;
	(pc) =	sbr.rel @!p0 .LBB2_52-.Ltmp37, $4  }
0x446: {  	s18 =	sshll.u32 s18, $0x6  }
0x447: {  	s18 =	sshra.s32 s18, $0x2  }
0x448: {  	s18 =	sadd.s32 $0x18010, s18  }
0x449: {  	s19 =	sadd.s32 $0xFFFFFFFF, s19;
	v8 =	vld [tilespmem:s18+$0x0]  }
.LBB2_51:
0x44a: {  	p0 =	sne.s32 s19, $0x1;
	_ =	sdelay $0x3  }
0x44b: {  	v9 =	vshll.u32 v8, $0x1  }
0x44c: {  	v10 =	vand.u32 $0x7F, v8;
	v9 =	vand.u32 $0x7F00, v9  }
0x44d: {  	v9 =	vor.u32 v10, v9  }
0x44e: {  	v10 =	vor.u32 $0x80, v9;
	_ =	sdelay $0x2  }
0x44f: {  	v11 =	vshrl.u32 v8, $0xE;
	v8 =	vshrl.u32 v8, $0xD  }
0x450: {  	v11 =	vand.u32 $0x7F, v11;
	v8 =	vand.u32 $0x7F00, v8;
	v9 =	vld.idx.msk [tilespmem:v9+s1+$0x0], $0xffff  }
0x451: {  	v8 =	vor.u32 v11, v8;
	v10 =	vld.idx.msk [tilespmem:v10+s1+$0x0], $0xffff  }
0x452: {  	v11 =	vor.u32 $0x80, v8;
	_ =	sdelay $0x1  }
.Ltmp38:
0x453: {  	(pc) =	sbr.rel @p0 .LBB2_51-.Ltmp38, $4  }
0x454: {  	_ = 	snop  }
0x455: {  	[tilespmem:v8+s15+$0x0] =	vst.idx.msk $0xffff, v9  }
0x456: {  	s18 =	sadd.s32 $0x10, s18;
	[tilespmem:v11+s15+$0x0] =	vst.idx.msk $0xffff, v10  }
0x457: {  	s19 =	sadd.s32 $0xFFFFFFFF, s19;
	v8 =	vld [tilespmem:s18+$0x0]  }
.LBB2_52:
0x458: {  	_ =	sdelay $0x3  }
0x459: {  	v9 =	vshll.u32 v8, $0x1  }
0x45a: {  	v10 =	vand.u32 $0x7F, v8;
	v9 =	vand.u32 $0x7F00, v9  }
0x45b: {  	v9 =	vor.u32 v10, v9  }
0x45c: {  	v10 =	vor.u32 $0x80, v9;
	_ =	sdelay $0x1  }
0x45d: {  	v11 =	vshrl.u32 v8, $0xE;
	v8 =	vshrl.u32 v8, $0xD  }
0x45e: {  	v11 =	vand.u32 $0x7F, v11;
	v8 =	vand.u32 $0x7F00, v8  }
0x45f: {  	v8 =	vor.u32 v11, v8;
	v9 =	vld.idx.msk [tilespmem:v9+s1+$0x0], $0xffff  }
0x460: {  	v11 =	vor.u32 $0x80, v8;
	v10 =	vld.idx.msk [tilespmem:v10+s1+$0x0], $0xffff;
	_ =	sdelay $0x3  }
0x461: {  	[tilespmem:v8+s15+$0x0] =	vst.idx.msk $0xffff, v9  }
0x462: {  	[tilespmem:v11+s15+$0x0] =	vst.idx.msk $0xffff, v10  }
.LBB2_53:
0x463: {  	_ =	swait.ge [sflag:s16], $0x4000  }
0x464: {  	[sflag:s16] =	ssyncset.done $0x0  }
0x465: {  	v8 =	vsel vm9, $0xFFFFFFFF, v0;
	[sflag:s16] =	ssyncadd.s32 $0xFFFFC000  }
0x466: {  	v9 =	vand.u32 v8, v7;
	_ =	swait.ge [sflag:s16], $0x4000  }
0x467: {  	v8 =	vand.u32 v8, v6;
	(xrf0) =	vadd.scan.msk.s32 $0xffff, v9  }
0x468: {  	(xrf0) =	vadd.scan.msk.s32 $0xffff, v8;
	_ =	sdelay $0x4  }
0x469: {  	v8, _, _ =	vpop (xrf0)  }
0x46a: {  	(v2sf) =	vpush v8, $0xF;
	v9, _, _ =	vpop (xrf0)  }
0x46b: {  	(v2sf) =	vpush v9, $0xF;
	_ =	sdelay $0x8  }
0x46c: {  	[sflag:s16] =	ssyncset.done $0x0  }
0x46d: {  	[sflag:s16] =	ssyncadd.s32 $0xFFFFC000  }
0x46e: {  	[tilespmem:s1], [sflag:$0x2] =	stream.strided.gather [hbm4b:s30+s8], $0x4000, s9, s8, $0x38;
	[tilespmem:$0x1C080] =	vst v63  }
0x46f: {  	_ = 	snop  }
0x470: {  	[tilespmem:s10], [sflag:$0x2] =	stream.strided.gather [hbm4b:s31+s8], $0x4000, s9, s8, $0x38;
	[tilespmem:$0x1C080] =	vst v63  }
0x471: {  	s19 =	spop (v2sf)  }
0x472: {  	s18 =	spop (v2sf)  }
0x473: {  	s20 =	sadd.s32 $0xF, s18  }
0x474: {  	s18 =	sshrl.u32 s19, $0x4;
	s21 =	sshrl.u32 s20, $0x4  }
0x475: {  	p1 =	sle.u32 s21, s18  }
0x476: {  	s19 =	sand.u32 @!p1 $0xFFFFFFF0, s19  }
0x477: {  	v10 =	vld @!p1 [tilespmem:s19+$0x18000];
	_ =	sdelay $0x4  }
0x478: {  	v11 =	vshll.u32 @!p1 v10, $0x1  }
0x479: {  	v12 =	vand.u32 @!p1 $0x7F, v10;
	v11 =	vand.u32 @!p1 $0x7F00, v11  }
0x47a: {  	v13 =	vbroadcast @!p1 v8, $0xF;
	v11 =	vor.u32 @!p1 v12, v11;
	v12 =	vlaneseq.u32 @!p1  }
0x47b: {  	v15 =	vbroadcast @!p1 v9, $0xF;
	v14 =	vor.u32 @!p1 $0x80, v11;
	v12 =	vor.u32 @!p1 s19, v12  }
0x47c: {  	vm11 =	vge.s32 @!p1 v12, v13  }
0x47d: {  	v13 =	vshrl.u32 @!p1 v10, $0xE;
	vm12 =	vlt.s32 @!p1 v12, v15;
	v10 =	vshrl.u32 @!p1 v10, $0xD  }
0x47e: {  	s19 =	simm.s32 @!p1 $0x8000;
	vm11 =	vmand @!p1 vm11, vm12;
	v12 =	vand.u32 @!p1 $0x7F, v13;
	v10 =	vand.u32 @!p1 $0x7F00, v10  }
0x47f: {  	v10 =	vor.u32 @!p1 v12, v10;
	v11 =	vld.idx.msk @!p1 [tilespmem:v11+s19+$0x0], $0xffff  }
0x480: {  	v13 =	vor.u32 @!p1 $0x80, v10;
	v12 =	vld.idx.msk @!p1 [tilespmem:v14+s19+$0x0], $0xffff;
	_ =	sdelay $0x2  }
0x481: {  	s22 =	sadd.s32 $0x1, s18;
	s19 =	simm.s32 @!p1 $0x10000  }
0x482: {  	p0 =	sle.u32 s21, s22;
	[tilespmem:v10+s19+$0x0] =	vst.idx.msk @!p1 vm11, v11  }
0x483: {  	[tilespmem:v13+s19+$0x0] =	vst.idx.msk @!p1 vm11, v12;
	s19 =	sand.u32 @!p0 $0xFFFFFFF0, s20  }
0x484: {  	v10 =	vld @!p0 [tilespmem:s19+$0x17FF0];
	_ =	sdelay $0x4  }
0x485: {  	v11 =	vshll.u32 @!p0 v10, $0x1  }
0x486: {  	v12 =	vand.u32 @!p0 $0x7F, v10;
	v11 =	vand.u32 @!p0 $0x7F00, v11  }
0x487: {  	v11 =	vor.u32 @!p0 v12, v11  }
0x488: {  	v8 =	vbroadcast @!p0 v8, $0xF;
	v13 =	vlaneseq.u32 @!p0;
	s19 =	sadd.s32 @!p0 $0xFFFFFFF0, s19;
	v12 =	vor.u32 @!p0 $0x80, v11  }
0x489: {  	v9 =	vbroadcast @!p0 v9, $0xF;
	v13 =	vor.u32 @!p0 s19, v13  }
0x48a: {  	vm11 =	vge.s32 @!p0 v13, v8  }
0x48b: {  	s19 =	simm.s32 @!p0 $0x8000;
	vm12 =	vlt.s32 @!p0 v13, v9;
	v14 =	vshrl.u32 @!p0 v10, $0xE;
	v8 =	vshrl.u32 @!p0 v10, $0xD  }
0x48c: {  	vm11 =	vmand @!p0 vm11, vm12;
	v9 =	vand.u32 @!p0 $0x7F, v14;
	v8 =	vand.u32 @!p0 $0x7F00, v8;
	v10 =	vld.idx.msk @!p0 [tilespmem:v11+s19+$0x0], $0xffff  }
0x48d: {  	v8 =	vor.u32 @!p0 v9, v8;
	v9 =	vld.idx.msk @!p0 [tilespmem:v12+s19+$0x0], $0xffff;
	s19 =	ssub.s32 s21, s18  }
0x48e: {  	v11 =	vor.u32 @!p0 $0x80, v8;
	p1 =	slt.s32 s19, $0x3  }
.Ltmp39:
0x48f: {  	_ = 	snop;
	(pc) =	sbr.rel @p1 .LBB2_57-.Ltmp39, $4  }
0x490: {  	_ = 	snop  }
0x491: {  	s20 =	simm.s32 @!p0 $0x10000  }
0x492: {  	[tilespmem:v8+s20+$0x0] =	vst.idx.msk @!p0 vm11, v10  }
0x493: {  	[tilespmem:v11+s20+$0x0] =	vst.idx.msk @!p0 vm11, v9  }
0x494: {  	s19 =	sadd.s32 $0xFFFFFFFE, s19  }
0x495: {  	p0 =	sne.s32 s19, $0x1  }
.Ltmp40:
0x496: {  	_ = 	snop;
	(pc) =	sbr.rel @!p0 .LBB2_56-.Ltmp40, $4  }
0x497: {  	s18 =	sshll.u32 s18, $0x6  }
0x498: {  	s18 =	sshra.s32 s18, $0x2  }
0x499: {  	s18 =	sadd.s32 $0x18010, s18  }
0x49a: {  	s19 =	sadd.s32 $0xFFFFFFFF, s19;
	v8 =	vld [tilespmem:s18+$0x0]  }
.LBB2_55:
0x49b: {  	p0 =	sne.s32 s19, $0x1;
	_ =	sdelay $0x3  }
0x49c: {  	v9 =	vshll.u32 v8, $0x1  }
0x49d: {  	v10 =	vand.u32 $0x7F, v8;
	v9 =	vand.u32 $0x7F00, v9  }
0x49e: {  	v9 =	vor.u32 v10, v9  }
0x49f: {  	v10 =	vor.u32 $0x80, v9;
	_ =	sdelay $0x2  }
0x4a0: {  	v11 =	vshrl.u32 v8, $0xE;
	v8 =	vshrl.u32 v8, $0xD  }
0x4a1: {  	v11 =	vand.u32 $0x7F, v11;
	v8 =	vand.u32 $0x7F00, v8;
	v9 =	vld.idx.msk [tilespmem:v9+s13+$0x0], $0xffff  }
0x4a2: {  	v8 =	vor.u32 v11, v8;
	v10 =	vld.idx.msk [tilespmem:v10+s13+$0x0], $0xffff  }
0x4a3: {  	v11 =	vor.u32 $0x80, v8;
	_ =	sdelay $0x1  }
.Ltmp41:
0x4a4: {  	(pc) =	sbr.rel @p0 .LBB2_55-.Ltmp41, $4  }
0x4a5: {  	_ = 	snop  }
0x4a6: {  	[tilespmem:v8+s15+$0x0] =	vst.idx.msk $0xffff, v9  }
0x4a7: {  	s18 =	sadd.s32 $0x10, s18;
	[tilespmem:v11+s15+$0x0] =	vst.idx.msk $0xffff, v10  }
0x4a8: {  	s19 =	sadd.s32 $0xFFFFFFFF, s19;
	v8 =	vld [tilespmem:s18+$0x0]  }
.LBB2_56:
0x4a9: {  	_ =	sdelay $0x3  }
0x4aa: {  	v9 =	vshll.u32 v8, $0x1  }
0x4ab: {  	v10 =	vand.u32 $0x7F, v8;
	v9 =	vand.u32 $0x7F00, v9  }
0x4ac: {  	v9 =	vor.u32 v10, v9  }
0x4ad: {  	v10 =	vor.u32 $0x80, v9;
	_ =	sdelay $0x1  }
0x4ae: {  	v11 =	vshrl.u32 v8, $0xE;
	v8 =	vshrl.u32 v8, $0xD  }
0x4af: {  	v11 =	vand.u32 $0x7F, v11;
	v8 =	vand.u32 $0x7F00, v8  }
0x4b0: {  	v8 =	vor.u32 v11, v8;
	v9 =	vld.idx.msk [tilespmem:v9+s13+$0x0], $0xffff  }
0x4b1: {  	v11 =	vor.u32 $0x80, v8;
	v10 =	vld.idx.msk [tilespmem:v10+s13+$0x0], $0xffff;
	_ =	sdelay $0x3  }
0x4b2: {  	[tilespmem:v8+s15+$0x0] =	vst.idx.msk $0xffff, v9  }
0x4b3: {  	[tilespmem:v11+s15+$0x0] =	vst.idx.msk $0xffff, v10  }
.LBB2_57:
0x4b4: {  	_ =	swait.ge [sflag:s12], $0x4000  }
0x4b5: {  	[sflag:s12] =	ssyncset.done $0x0  }
0x4b6: {  	v8 =	vsel vm10, $0xFFFFFFFF, v0;
	[sflag:s12] =	ssyncadd.s32 $0xFFFFC000  }
0x4b7: {  	v9 =	vand.u32 v8, v7;
	_ =	swait.ge [sflag:s12], $0x4000  }
0x4b8: {  	v8 =	vand.u32 v8, v6;
	(xrf0) =	vadd.scan.msk.s32 $0xffff, v9  }
0x4b9: {  	(xrf0) =	vadd.scan.msk.s32 $0xffff, v8;
	_ =	sdelay $0x4  }
0x4ba: {  	v8, _, _ =	vpop (xrf0)  }
0x4bb: {  	(v2sf) =	vpush v8, $0xF;
	v9, _, _ =	vpop (xrf0)  }
0x4bc: {  	(v2sf) =	vpush v9, $0xF;
	_ =	sdelay $0x8  }
0x4bd: {  	[sflag:s12] =	ssyncset.done $0x0  }
0x4be: {  	[sflag:s12] =	ssyncadd.s32 $0xFFFFC000  }
0x4bf: {  	[tilespmem:s13], [sflag:$0x3] =	stream.strided.gather [hbm4b:s0+s8], $0x2100, s9, s8, $0x38;
	[tilespmem:$0x1C080] =	vst v63  }
0x4c0: {  	s18 =	simm.s32 $0xA100  }
0x4c1: {  	[tilespmem:s18], [sflag:$0x3] =	stream.linear.gather [hbm4b:s3+s1], $0x100, $0x38;
	[tilespmem:$0x1C080] =	vst v63  }
0x4c2: {  	s19 =	spop (v2sf)  }
0x4c3: {  	s22 =	spop (v2sf)  }
0x4c4: {  	s20 =	sadd.s32 $0xF, s22  }
0x4c5: {  	s18 =	sshrl.u32 s19, $0x4;
	s21 =	sshrl.u32 s20, $0x4  }
0x4c6: {  	p1 =	sle.u32 s21, s18  }
0x4c7: {  	s19 =	sand.u32 @!p1 $0xFFFFFFF0, s19  }
0x4c8: {  	v10 =	vld @!p1 [tilespmem:s19+$0x18000];
	_ =	sdelay $0x4  }
0x4c9: {  	v11 =	vshll.u32 @!p1 v10, $0x1  }
0x4ca: {  	v12 =	vand.u32 @!p1 $0x7F, v10;
	v11 =	vand.u32 @!p1 $0x7F00, v11  }
0x4cb: {  	v13 =	vbroadcast @!p1 v8, $0xF;
	v11 =	vor.u32 @!p1 v12, v11;
	v12 =	vlaneseq.u32 @!p1  }
0x4cc: {  	v15 =	vbroadcast @!p1 v9, $0xF;
	v14 =	vor.u32 @!p1 $0x80, v11;
	v12 =	vor.u32 @!p1 s19, v12  }
0x4cd: {  	vm11 =	vge.s32 @!p1 v12, v13  }
0x4ce: {  	v13 =	vshrl.u32 @!p1 v10, $0xE;
	vm12 =	vlt.s32 @!p1 v12, v15;
	v10 =	vshrl.u32 @!p1 v10, $0xD  }
0x4cf: {  	s19 =	simm.s32 @!p1 $0x0;
	vm11 =	vmand @!p1 vm11, vm12;
	v12 =	vand.u32 @!p1 $0x7F, v13;
	v10 =	vand.u32 @!p1 $0x7F00, v10  }
0x4d0: {  	v10 =	vor.u32 @!p1 v12, v10;
	v11 =	vld.idx.msk @!p1 [tilespmem:v11+s19+$0x0], $0xffff  }
0x4d1: {  	v13 =	vor.u32 @!p1 $0x80, v10;
	v12 =	vld.idx.msk @!p1 [tilespmem:v14+s19+$0x0], $0xffff;
	_ =	sdelay $0x2  }
0x4d2: {  	s22 =	sadd.s32 $0x1, s18;
	s19 =	simm.s32 @!p1 $0x10000  }
0x4d3: {  	p0 =	sle.u32 s21, s22;
	[tilespmem:v10+s19+$0x0] =	vst.idx.msk @!p1 vm11, v11  }
0x4d4: {  	[tilespmem:v13+s19+$0x0] =	vst.idx.msk @!p1 vm11, v12;
	s19 =	sand.u32 @!p0 $0xFFFFFFF0, s20  }
0x4d5: {  	v10 =	vld @!p0 [tilespmem:s19+$0x17FF0];
	_ =	sdelay $0x4  }
0x4d6: {  	v11 =	vshll.u32 @!p0 v10, $0x1  }
0x4d7: {  	v12 =	vand.u32 @!p0 $0x7F, v10;
	v11 =	vand.u32 @!p0 $0x7F00, v11  }
0x4d8: {  	v11 =	vor.u32 @!p0 v12, v11  }
0x4d9: {  	v8 =	vbroadcast @!p0 v8, $0xF;
	v13 =	vlaneseq.u32 @!p0;
	s19 =	sadd.s32 @!p0 $0xFFFFFFF0, s19;
	v12 =	vor.u32 @!p0 $0x80, v11  }
0x4da: {  	v9 =	vbroadcast @!p0 v9, $0xF;
	v13 =	vor.u32 @!p0 s19, v13  }
0x4db: {  	vm11 =	vge.s32 @!p0 v13, v8  }
0x4dc: {  	s19 =	simm.s32 @!p0 $0x0;
	vm12 =	vlt.s32 @!p0 v13, v9;
	v14 =	vshrl.u32 @!p0 v10, $0xE;
	v8 =	vshrl.u32 @!p0 v10, $0xD  }
0x4dd: {  	vm11 =	vmand @!p0 vm11, vm12;
	v9 =	vand.u32 @!p0 $0x7F, v14;
	v8 =	vand.u32 @!p0 $0x7F00, v8;
	v10 =	vld.idx.msk @!p0 [tilespmem:v11+s19+$0x0], $0xffff  }
0x4de: {  	v8 =	vor.u32 @!p0 v9, v8;
	v9 =	vld.idx.msk @!p0 [tilespmem:v12+s19+$0x0], $0xffff;
	s19 =	ssub.s32 s21, s18  }
0x4df: {  	v11 =	vor.u32 @!p0 $0x80, v8;
	p1 =	slt.s32 s19, $0x3  }
.Ltmp42:
0x4e0: {  	_ = 	snop;
	(pc) =	sbr.rel @p1 .LBB2_61-.Ltmp42, $4  }
0x4e1: {  	_ = 	snop  }
0x4e2: {  	s20 =	simm.s32 @!p0 $0x10000  }
0x4e3: {  	[tilespmem:v8+s20+$0x0] =	vst.idx.msk @!p0 vm11, v10  }
0x4e4: {  	[tilespmem:v11+s20+$0x0] =	vst.idx.msk @!p0 vm11, v9  }
0x4e5: {  	s19 =	sadd.s32 $0xFFFFFFFE, s19  }
0x4e6: {  	p0 =	sne.s32 s19, $0x1  }
.Ltmp43:
0x4e7: {  	_ = 	snop;
	(pc) =	sbr.rel @!p0 .LBB2_60-.Ltmp43, $4  }
0x4e8: {  	s18 =	sshll.u32 s18, $0x6  }
0x4e9: {  	s18 =	sshra.s32 s18, $0x2  }
0x4ea: {  	s18 =	sadd.s32 $0x18010, s18  }
0x4eb: {  	s19 =	sadd.s32 $0xFFFFFFFF, s19;
	v8 =	vld [tilespmem:s18+$0x0]  }
.LBB2_59:
0x4ec: {  	p0 =	sne.s32 s19, $0x1;
	_ =	sdelay $0x3  }
0x4ed: {  	v9 =	vshll.u32 v8, $0x1  }
0x4ee: {  	v10 =	vand.u32 $0x7F, v8;
	v9 =	vand.u32 $0x7F00, v9  }
0x4ef: {  	v9 =	vor.u32 v10, v9  }
0x4f0: {  	v10 =	vor.u32 $0x80, v9;
	_ =	sdelay $0x2  }
0x4f1: {  	v11 =	vshrl.u32 v8, $0xE;
	v8 =	vshrl.u32 v8, $0xD  }
0x4f2: {  	v11 =	vand.u32 $0x7F, v11;
	v8 =	vand.u32 $0x7F00, v8;
	v9 =	vld.idx.msk [tilespmem:v9+s1+$0x0], $0xffff  }
0x4f3: {  	v8 =	vor.u32 v11, v8;
	v10 =	vld.idx.msk [tilespmem:v10+s1+$0x0], $0xffff  }
0x4f4: {  	v11 =	vor.u32 $0x80, v8;
	_ =	sdelay $0x1  }
.Ltmp44:
0x4f5: {  	(pc) =	sbr.rel @p0 .LBB2_59-.Ltmp44, $4  }
0x4f6: {  	_ = 	snop  }
0x4f7: {  	[tilespmem:v8+s15+$0x0] =	vst.idx.msk $0xffff, v9  }
0x4f8: {  	s18 =	sadd.s32 $0x10, s18;
	[tilespmem:v11+s15+$0x0] =	vst.idx.msk $0xffff, v10  }
0x4f9: {  	s19 =	sadd.s32 $0xFFFFFFFF, s19;
	v8 =	vld [tilespmem:s18+$0x0]  }
.LBB2_60:
0x4fa: {  	_ =	sdelay $0x3  }
0x4fb: {  	v9 =	vshll.u32 v8, $0x1  }
0x4fc: {  	v10 =	vand.u32 $0x7F, v8;
	v9 =	vand.u32 $0x7F00, v9  }
0x4fd: {  	v9 =	vor.u32 v10, v9  }
0x4fe: {  	v10 =	vor.u32 $0x80, v9;
	_ =	sdelay $0x1  }
0x4ff: {  	v11 =	vshrl.u32 v8, $0xE;
	v8 =	vshrl.u32 v8, $0xD  }
0x500: {  	v11 =	vand.u32 $0x7F, v11;
	v8 =	vand.u32 $0x7F00, v8  }
0x501: {  	v8 =	vor.u32 v11, v8;
	v9 =	vld.idx.msk [tilespmem:v9+s1+$0x0], $0xffff  }
0x502: {  	v11 =	vor.u32 $0x80, v8;
	v10 =	vld.idx.msk [tilespmem:v10+s1+$0x0], $0xffff;
	_ =	sdelay $0x3  }
0x503: {  	[tilespmem:v8+s15+$0x0] =	vst.idx.msk $0xffff, v9  }
0x504: {  	[tilespmem:v11+s15+$0x0] =	vst.idx.msk $0xffff, v10  }
.LBB2_61:
0x505: {  	_ =	swait.ge [sflag:s16], $0x2100  }
0x506: {  	[sflag:s16] =	ssyncset.done $0x0  }
0x507: {  	[sflag:s16] =	ssyncadd.s32 $0xFFFFDF00  }
0x508: {  	v7 =	vand.u32 v5, v7;
	_ =	swait.ge [sflag:s16], $0x100  }
0x509: {  	v6 =	vand.u32 v5, v6;
	(xrf0) =	vadd.scan.msk.s32 $0xffff, v7  }
0x50a: {  	(xrf0) =	vadd.scan.msk.s32 $0xffff, v6;
	_ =	sdelay $0x4  }
0x50b: {  	v6, _, _ =	vpop (xrf0)  }
0x50c: {  	(v2sf) =	vpush v6, $0xF;
	v7, _, _ =	vpop (xrf0)  }
0x50d: {  	(v2sf) =	vpush v7, $0xF;
	_ =	sdelay $0xd  }
0x50e: {  	s19 =	spop (v2sf)  }
0x50f: {  	s18 =	spop (v2sf)  }
0x510: {  	s20 =	sadd.s32 $0xF, s18  }
0x511: {  	s18 =	sshrl.u32 s19, $0x4;
	s21 =	sshrl.u32 s20, $0x4  }
0x512: {  	[sflag:s16] =	ssyncset.done $0x0;
	p1 =	sle.u32 s21, s18  }
0x513: {  	[sflag:s16] =	ssyncadd.s32 $0xFFFFFF00;
	s19 =	sand.u32 @!p1 $0xFFFFFFF0, s19  }
0x514: {  	v8 =	vld @!p1 [tilespmem:s19+$0x18000];
	_ =	sdelay $0x4  }
0x515: {  	v9 =	vshll.u32 @!p1 v8, $0x1  }
0x516: {  	v10 =	vand.u32 @!p1 $0x7F, v8;
	v9 =	vand.u32 @!p1 $0x7F00, v9  }
0x517: {  	v11 =	vbroadcast @!p1 v6, $0xF;
	v9 =	vor.u32 @!p1 v10, v9;
	v10 =	vlaneseq.u32 @!p1  }
0x518: {  	v13 =	vbroadcast @!p1 v7, $0xF;
	v12 =	vor.u32 @!p1 $0x80, v9;
	v10 =	vor.u32 @!p1 s19, v10  }
0x519: {  	vm11 =	vge.s32 @!p1 v10, v11  }
0x51a: {  	v11 =	vshrl.u32 @!p1 v8, $0xE;
	vm12 =	vlt.s32 @!p1 v10, v13;
	v8 =	vshrl.u32 @!p1 v8, $0xD  }
0x51b: {  	s19 =	simm.s32 @!p1 $0x8000;
	vm11 =	vmand @!p1 vm11, vm12;
	v10 =	vand.u32 @!p1 $0x7F, v11;
	v8 =	vand.u32 @!p1 $0x7F00, v8  }
0x51c: {  	v8 =	vor.u32 @!p1 v10, v8;
	v9 =	vld.idx.msk @!p1 [tilespmem:v9+s19+$0x0], $0xffff  }
0x51d: {  	v11 =	vor.u32 @!p1 $0x80, v8;
	v10 =	vld.idx.msk @!p1 [tilespmem:v12+s19+$0x0], $0xffff;
	_ =	sdelay $0x2  }
0x51e: {  	s22 =	sadd.s32 $0x1, s18;
	s19 =	simm.s32 @!p1 $0x10000  }
0x51f: {  	p0 =	sle.u32 s21, s22;
	[tilespmem:v8+s19+$0x0] =	vst.idx.msk @!p1 vm11, v9  }
0x520: {  	[tilespmem:v11+s19+$0x0] =	vst.idx.msk @!p1 vm11, v10;
	s19 =	sand.u32 @!p0 $0xFFFFFFF0, s20  }
0x521: {  	v8 =	vld @!p0 [tilespmem:s19+$0x17FF0];
	_ =	sdelay $0x4  }
0x522: {  	v9 =	vshll.u32 @!p0 v8, $0x1  }
0x523: {  	v10 =	vand.u32 @!p0 $0x7F, v8;
	v9 =	vand.u32 @!p0 $0x7F00, v9  }
0x524: {  	v9 =	vor.u32 @!p0 v10, v9  }
0x525: {  	v6 =	vbroadcast @!p0 v6, $0xF;
	v11 =	vlaneseq.u32 @!p0;
	s19 =	sadd.s32 @!p0 $0xFFFFFFF0, s19;
	v10 =	vor.u32 @!p0 $0x80, v9  }
0x526: {  	v7 =	vbroadcast @!p0 v7, $0xF;
	v11 =	vor.u32 @!p0 s19, v11  }
0x527: {  	vm11 =	vge.s32 @!p0 v11, v6  }
0x528: {  	s19 =	simm.s32 @!p0 $0x8000;
	vm12 =	vlt.s32 @!p0 v11, v7;
	v12 =	vshrl.u32 @!p0 v8, $0xE;
	v6 =	vshrl.u32 @!p0 v8, $0xD  }
0x529: {  	vm11 =	vmand @!p0 vm11, vm12;
	v7 =	vand.u32 @!p0 $0x7F, v12;
	v6 =	vand.u32 @!p0 $0x7F00, v6;
	v8 =	vld.idx.msk @!p0 [tilespmem:v9+s19+$0x0], $0xffff  }
0x52a: {  	v6 =	vor.u32 @!p0 v7, v6;
	v7 =	vld.idx.msk @!p0 [tilespmem:v10+s19+$0x0], $0xffff;
	s19 =	ssub.s32 s21, s18  }
0x52b: {  	v9 =	vor.u32 @!p0 $0x80, v6;
	p1 =	slt.s32 s19, $0x3  }
.Ltmp45:
0x52c: {  	_ = 	snop;
	(pc) =	sbr.rel @p1 .LBB2_65-.Ltmp45, $4  }
0x52d: {  	_ = 	snop  }
0x52e: {  	s20 =	simm.s32 @!p0 $0x10000  }
0x52f: {  	[tilespmem:v6+s20+$0x0] =	vst.idx.msk @!p0 vm11, v8  }
0x530: {  	[tilespmem:v9+s20+$0x0] =	vst.idx.msk @!p0 vm11, v7  }
0x531: {  	s19 =	sadd.s32 $0xFFFFFFFE, s19  }
0x532: {  	p0 =	sne.s32 s19, $0x1  }
.Ltmp46:
0x533: {  	_ = 	snop;
	(pc) =	sbr.rel @!p0 .LBB2_64-.Ltmp46, $4  }
0x534: {  	s18 =	sshll.u32 s18, $0x6  }
0x535: {  	s18 =	sshra.s32 s18, $0x2  }
0x536: {  	s18 =	sadd.s32 $0x18010, s18  }
0x537: {  	s19 =	sadd.s32 $0xFFFFFFFF, s19;
	v6 =	vld [tilespmem:s18+$0x0]  }
.LBB2_63:
0x538: {  	p0 =	sne.s32 s19, $0x1;
	_ =	sdelay $0x3  }
0x539: {  	v7 =	vshll.u32 v6, $0x1  }
0x53a: {  	v8 =	vand.u32 $0x7F, v6;
	v7 =	vand.u32 $0x7F00, v7  }
0x53b: {  	v7 =	vor.u32 v8, v7  }
0x53c: {  	v8 =	vor.u32 $0x80, v7;
	_ =	sdelay $0x2  }
0x53d: {  	v9 =	vshrl.u32 v6, $0xE;
	v6 =	vshrl.u32 v6, $0xD  }
0x53e: {  	v9 =	vand.u32 $0x7F, v9;
	v6 =	vand.u32 $0x7F00, v6;
	v7 =	vld.idx.msk [tilespmem:v7+s13+$0x0], $0xffff  }
0x53f: {  	v6 =	vor.u32 v9, v6;
	v8 =	vld.idx.msk [tilespmem:v8+s13+$0x0], $0xffff  }
0x540: {  	v9 =	vor.u32 $0x80, v6;
	_ =	sdelay $0x1  }
.Ltmp47:
0x541: {  	(pc) =	sbr.rel @p0 .LBB2_63-.Ltmp47, $4  }
0x542: {  	_ = 	snop  }
0x543: {  	[tilespmem:v6+s15+$0x0] =	vst.idx.msk $0xffff, v7  }
0x544: {  	s18 =	sadd.s32 $0x10, s18;
	[tilespmem:v9+s15+$0x0] =	vst.idx.msk $0xffff, v8  }
0x545: {  	s19 =	sadd.s32 $0xFFFFFFFF, s19;
	v6 =	vld [tilespmem:s18+$0x0]  }
.LBB2_64:
0x546: {  	_ =	sdelay $0x3  }
0x547: {  	v7 =	vshll.u32 v6, $0x1  }
0x548: {  	v8 =	vand.u32 $0x7F, v6;
	v7 =	vand.u32 $0x7F00, v7  }
0x549: {  	v7 =	vor.u32 v8, v7  }
0x54a: {  	v8 =	vor.u32 $0x80, v7;
	_ =	sdelay $0x1  }
0x54b: {  	v9 =	vshrl.u32 v6, $0xE;
	v6 =	vshrl.u32 v6, $0xD  }
0x54c: {  	v9 =	vand.u32 $0x7F, v9;
	v6 =	vand.u32 $0x7F00, v6  }
0x54d: {  	v6 =	vor.u32 v9, v6;
	v7 =	vld.idx.msk [tilespmem:v7+s13+$0x0], $0xffff  }
0x54e: {  	v9 =	vor.u32 $0x80, v6;
	v8 =	vld.idx.msk [tilespmem:v8+s13+$0x0], $0xffff;
	_ =	sdelay $0x3  }
0x54f: {  	[tilespmem:v6+s15+$0x0] =	vst.idx.msk $0xffff, v7  }
0x550: {  	[tilespmem:v9+s15+$0x0] =	vst.idx.msk $0xffff, v8  }
.LBB2_65:
0x551: {  	s18 =	simm.s32 $0x10000  }
0x552: {  	s19 =	simm.s32 $0x80;
	s21 =	sadd.s32 $0x0, s2;
	s20 =	simm.s32 $0x10100  }
.LBB2_66:
0x553: {  	[hbm4b:s21+s1] =	stream.linear.scatter [tilespmem:s18], [sflag:$0x2], $0x80, $0x38;
	[tilespmem:$0x1C080] =	vst v63  }
0x554: {  	s21 =	smov.u32 s19;
	s18 =	smov.u32 s20;
	p0 =	sne.s32 s19, $0x3F80  }
.Ltmp48:
0x555: {  	s19 =	sadd.s32 $0x80, s19;
	(pc) =	sbr.rel @p0 .LBB2_66-.Ltmp48, $2  }
0x556: {  	_ =	sdelay $0x2  }
0x557: {  	s20 =	sadd.s32 $0x100, s20;
	s21 =	sadd.s32 s21, s2  }
0x558: {  	[hbm4b:s21+s1] =	stream.linear.scatter [tilespmem:s18], [sflag:$0x2], $0x80, $0x38;
	[tilespmem:$0x1C080] =	vst v63  }
0x559: {  	s18 =	simm.s32 $0x10080  }
0x55a: {  	s19 =	simm.s32 $0x80;
	s21 =	sadd.s32 $0x0, s4;
	s20 =	simm.s32 $0x10180  }
.LBB2_68:
0x55b: {  	[hbm4b:s21+s1] =	stream.linear.scatter [tilespmem:s18], [sflag:$0x3], $0x80, $0x38;
	[tilespmem:$0x1C080] =	vst v63  }
0x55c: {  	s21 =	smov.u32 s19;
	s18 =	smov.u32 s20;
	p0 =	sne.s32 s19, $0x3F80  }
.Ltmp49:
0x55d: {  	s19 =	sadd.s32 $0x80, s19;
	(pc) =	sbr.rel @p0 .LBB2_68-.Ltmp49, $2  }
0x55e: {  	_ =	sdelay $0x2  }
0x55f: {  	s20 =	sadd.s32 $0x100, s20;
	s21 =	sadd.s32 s21, s4  }
0x560: {  	[hbm4b:s21+s1] =	stream.linear.scatter [tilespmem:s18], [sflag:$0x3], $0x80, $0x38;
	[tilespmem:$0x1C080] =	vst v63  }
0x561: {  	s17 =	sadd.s32 $0x1, s17  }
0x562: {  	_ =	swait.ge [sflag:s12], $0x4000;
	p0 =	sne.s32 s17, s5  }
.Ltmp50:
0x563: {  	[sflag:s12] =	ssyncset.done $0x0;
	(pc) =	sbr.rel @p0 .LBB2_1-.Ltmp50, $4  }
0x564: {  	[sflag:s12] =	ssyncadd.s32 $0xFFFFC000  }
0x565: {  	_ =	swait.ge [sflag:s16], $0x4000  }
0x566: {  	[sflag:s16] =	ssyncset.done $0x0  }
0x567: {  	[sflag:s16] =	ssyncadd.s32 $0xFFFFC000  }
0x568: {  	_ =	sfence.sel $0x180000  }
0x569: {  	[bflag:$0x0] =	sbarrier.arrive $0xFFFF  }
0x56a: {  	_ =	strace $0x90000047  }
0x56b: {  	s0 =	stileid.u32;
	[bflag:$0x2] =	sbarrier.arrive $0xFFFF  }
0x56c: {  	p0 =	sne.s32 s0, $0x0;
	s0 =	rddreg [dreg:$0x3]  }
0x56d: {  	s0 =	sadd.s32 @!p0 $0x100000, s0  }
0x56e: {  	[sflag:s0] =	ssyncadd.tile.s32 @!p0 $0x1;
	_ =	shalt  }
.Lfunc_end2:
_tile_overlayer_lowered:
.L_overlay_start_2:
0x56f: {  	(tag) =	ssettag $0x2  }
0x570: {  	s0 =	rddreg [dreg:$0x0];
	s2 =	stileid.u32  }
0x571: {  	s1 =	rddreg [dreg:$0x1];
	p0 =	sne.s32 s2, $0x0  }
0x572: {  	s3 =	rddreg [dreg:$0x2];
	[bflag:$0x3] =	sbarrier.arrive $0xFFFF;
	s2 =	simm.s32 @!p0 $0x1C04  }
0x573: {  	[timem:s3], [sflag:s2] =	dma.local @!p0 [hbm:s0], s1  }
0x574: {  	s0 =	simm.s32 @!p0 $0x4  }
0x575: {  	_ =	swait.ge @!p0 [sflag:s0], s1  }
0x576: {  	s1 =	ssub.s32 @!p0 $0x0, s1;
	[sflag:s0] =	ssyncset.done @!p0 $0x0  }
0x577: {  	[sflag:s0] =	ssyncadd.s32 @!p0 s1  }
0x578: {  	[bflag:$0x3] =	sbarrier.arrive $0xFFFF  }
0x579: {  	_ =	shalt  }

</sc_bundles>
